<compile_context>
chip_gen: v7x
topology: tpu7x:2x2x1
jax: 0.10.2.dev20260603
libtpu: 0.0.44.dev20260713+nightly
codegen_flags: <defaults>
</compile_context>

<pallas_src>
import jax
import jax.numpy as jnp
from jax import lax
from jax.experimental import pallas as pl
from jax.experimental.pallas import tpu as pltpu
from jax.experimental.pallas import tpu_sc as plsc

N = 50000
D = 128
M = 256
B = 8192
MID = 256

NC = 2
NS = 16
NW = NC * NS
BPW = B // NW
CH = 128
NCH = BPW // CH

BLK = 256
NBLK = B // BLK

_f32 = jnp.float32
_i32 = jnp.int32

_sc_mesh = plsc.VectorSubcoreMesh(
    core_axis_name="c", subcore_axis_name="s", num_cores=NC, num_subcores=NS)


def _sc_gather_body(feat_hbm, img_hbm, kg_hbm, nid_hbm, pid_hbm,
                    out_ch, out_ci, out_ck, out_pi, out_pk,
                    nid_v, pid_v, fbuf, mb0, mb1, mb2,
                    fg, fw, g0, g1, g2, w0, w1, w2):
  wid = lax.axis_index("s") * NC + lax.axis_index("c")
  base = wid * BPW
  pltpu.sync_copy(nid_hbm.at[pl.ds(wid * NCH, NCH)], nid_v)
  pltpu.sync_copy(pid_hbm.at[pl.ds(wid * NCH, NCH)], pid_v)

  mbufs = (mb0, mb1, mb2)
  gsems = (g0, g1, g2)
  wsems = (w0, w1, w2)
  tasks = []
  for j in range(NCH):
    o = base + j * CH
    tasks += [(img_hbm, nid_v, j, out_ci, o),
              (kg_hbm, nid_v, j, out_ck, o),
              (img_hbm, pid_v, j, out_pi, o),
              (kg_hbm, pid_v, j, out_pk, o)]
  nt = len(tasks)
  gcp = [None] * nt
  wcp = [None] * nt

  def fire(t):
    b = t % 3
    if t >= 3:
      wcp[t - 3].wait()
    src, idxr, j, _, _ = tasks[t]
    gcp[t] = pltpu.async_copy(src.at[idxr.at[j]], mbufs[b], gsems[b])

  fg0 = pltpu.async_copy(feat_hbm.at[nid_v.at[0]], fbuf, fg)
  fire(0)
  fire(1)
  fire(2)
  fg0.wait()
  fw_cp = pltpu.async_copy(fbuf, out_ch.at[pl.ds(base, CH)], fw)
  fg1 = None
  for t in range(nt):
    b = t % 3
    gcp[t].wait()
    _, _, _, dst, o = tasks[t]
    wcp[t] = pltpu.async_copy(mbufs[b], dst.at[pl.ds(o, CH)], wsems[b])
    if t == 2:
      fw_cp.wait()
      fg1 = pltpu.async_copy(feat_hbm.at[nid_v.at[1]], fbuf, fg)
    if t + 3 < nt:
      fire(t + 3)
  fg1.wait()
  fw_cp = pltpu.async_copy(fbuf, out_ch.at[pl.ds(base + CH, CH)], fw)
  for t in range(nt - 3, nt):
    wcp[t].wait()
  fw_cp.wait()


_sc_gather = pl.kernel(
    _sc_gather_body,
    out_type=[
        jax.ShapeDtypeStruct((B, D), _f32),
        jax.ShapeDtypeStruct((B, M), _f32),
        jax.ShapeDtypeStruct((B, M), _f32),
        jax.ShapeDtypeStruct((B, M), _f32),
        jax.ShapeDtypeStruct((B, M), _f32),
    ],
    mesh=_sc_mesh,
    scratch_types=[
        pltpu.VMEM((NCH, CH), _i32),
        pltpu.VMEM((NCH, CH), _i32),
        pltpu.VMEM((CH, D), _f32),
        pltpu.VMEM((CH, M), _f32),
        pltpu.VMEM((CH, M), _f32),
        pltpu.VMEM((CH, M), _f32),
        pltpu.SemaphoreType.DMA,
        pltpu.SemaphoreType.DMA,
        pltpu.SemaphoreType.DMA,
        pltpu.SemaphoreType.DMA,
        pltpu.SemaphoreType.DMA,
        pltpu.SemaphoreType.DMA,
        pltpu.SemaphoreType.DMA,
        pltpu.SemaphoreType.DMA,
    ],
)


def _dense_body(nid_row3_ref, nid_colb_ref, ch_ref, ci_ref, ck_ref,
                pi_ref, pk_ref, w1_ref, b1_ref, w2_ref, b2_ref,
                if_ref, kf_ref,
                ni_ref, nk_ref, na_ref, nf_ref, win_ref):
  hp = dict(preferred_element_type=_f32, precision=lax.Precision.HIGHEST)
  h = jnp.maximum(jnp.dot(ch_ref[...], w1_ref[...], **hp) + b1_ref[...], 0.0)
  glin = jnp.sum(h * w2_ref[...], axis=1, keepdims=True) + b2_ref[0:1, 0:1]
  g = 1.0 / (1.0 + jnp.exp(-glin))
  ni = ci_ref[...] * g + (1.0 - g) * pi_ref[...]
  nk = ck_ref[...] * g + (1.0 - g) * pk_ref[...]
  m = jnp.maximum(jnp.max(ni, axis=1, keepdims=True),
                  jnp.max(nk, axis=1, keepdims=True))
  ei = jnp.exp(ni - m)
  ek = jnp.exp(nk - m)
  s = jnp.sum(ei, axis=1, keepdims=True) + jnp.sum(ek, axis=1, keepdims=True)
  ai = ei / s
  ak = ek / s
  ni_ref[...] = ni
  nk_ref[...] = nk
  na_ref[...] = jnp.concatenate([ai, ak], axis=1)
  nf_ref[...] = (jnp.dot(ai, if_ref[...], **hp) +
                 jnp.dot(ak, kf_ref[...], **hp))
  ids_mine = nid_row3_ref[0]
  winr = jnp.full((1, BLK), -1, _i32)
  for t in range(B // BLK):
    colc = nid_colb_ref[t * BLK:(t + 1) * BLK, 0:1]
    eq = colc == ids_mine
    jcol = lax.broadcasted_iota(_i32, (BLK, BLK), 0) + t * BLK
    winr = jnp.maximum(
        winr, jnp.max(jnp.where(eq, jcol, -1), axis=0, keepdims=True))
  win_ref[0] = winr


_dense = pl.pallas_call(
    _dense_body,
    grid=(NBLK,),
    in_specs=[
        pl.BlockSpec((1, 1, BLK), lambda i: (i, 0, 0)),
        pl.BlockSpec((B, 128), lambda i: (0, 0)),
        pl.BlockSpec((BLK, D), lambda i: (i, 0)),
        pl.BlockSpec((BLK, M), lambda i: (i, 0)),
        pl.BlockSpec((BLK, M), lambda i: (i, 0)),
        pl.BlockSpec((BLK, M), lambda i: (i, 0)),
        pl.BlockSpec((BLK, M), lambda i: (i, 0)),
        pl.BlockSpec((D, MID), lambda i: (0, 0)),
        pl.BlockSpec((1, MID), lambda i: (0, 0)),
        pl.BlockSpec((1, MID), lambda i: (0, 0)),
        pl.BlockSpec((1, 128), lambda i: (0, 0)),
        pl.BlockSpec((M, D), lambda i: (0, 0)),
        pl.BlockSpec((M, D), lambda i: (0, 0)),
    ],
    out_specs=[
        pl.BlockSpec((BLK, M), lambda i: (i, 0)),
        pl.BlockSpec((BLK, M), lambda i: (i, 0)),
        pl.BlockSpec((BLK, 2 * M), lambda i: (i, 0)),
        pl.BlockSpec((BLK, D), lambda i: (i, 0)),
        pl.BlockSpec((1, 1, BLK), lambda i: (i, 0, 0)),
    ],
    out_shape=[
        jax.ShapeDtypeStruct((B, M), _f32),
        jax.ShapeDtypeStruct((B, M), _f32),
        jax.ShapeDtypeStruct((B, 2 * M), _f32),
        jax.ShapeDtypeStruct((B, D), _f32),
        jax.ShapeDtypeStruct((NBLK, 1, BLK), _i32),
    ],
)


CROWS = 1000
CGRID = N // CROWS


def _copy_body(f_in, i_in, k_in, a_in, f_out, i_out, k_out, a_out):
  f_out[...] = f_in[...]
  i_out[...] = i_in[...]
  k_out[...] = k_in[...]
  a_out[...] = a_in[...]


_copy = pl.pallas_call(
    _copy_body,
    grid=(CGRID,),
    in_specs=[
        pl.BlockSpec((CROWS, D), lambda i: (i, 0)),
        pl.BlockSpec((CROWS, M), lambda i: (i, 0)),
        pl.BlockSpec((CROWS, M), lambda i: (i, 0)),
        pl.BlockSpec((CROWS, 2 * M), lambda i: (i, 0)),
    ],
    out_specs=[
        pl.BlockSpec((CROWS, D), lambda i: (i, 0)),
        pl.BlockSpec((CROWS, M), lambda i: (i, 0)),
        pl.BlockSpec((CROWS, M), lambda i: (i, 0)),
        pl.BlockSpec((CROWS, 2 * M), lambda i: (i, 0)),
    ],
    out_shape=[
        jax.ShapeDtypeStruct((N, D), _f32),
        jax.ShapeDtypeStruct((N, M), _f32),
        jax.ShapeDtypeStruct((N, M), _f32),
        jax.ShapeDtypeStruct((N, 2 * M), _f32),
    ],
)


CHS = 64
NCHS = BPW // CHS


def _sc_scatter_body(nf_hbm, ni_hbm, nk_hbm, na_hbm, nid_hbm, win_hbm,
                     of_ref, oi_ref, ok_ref, oa_ref,
                     nid_v, win_v, fbuf, mb0, mb1, ab0, ab1,
                     sf, si, sk, sa0, sa1, gf, gi, gk, ga0, ga1):
  wid = lax.axis_index("s") * NC + lax.axis_index("c")
  pltpu.sync_copy(nid_hbm.at[pl.ds(wid * NCHS, NCHS)], nid_v)
  pltpu.sync_copy(win_hbm.at[pl.ds(wid * NCHS, NCHS)], win_v)
  pairs = [
      (nf_hbm, of_ref, (fbuf,), (gf,), (sf,)),
      (ni_hbm, oi_ref, (mb0,), (gi,), (si,)),
      (nk_hbm, ok_ref, (mb1,), (gk,), (sk,)),
      (na_hbm, oa_ref, (ab0, ab1), (ga0, ga1), (sa0, sa1)),
  ]
  gcp = {}
  scp = {}
  for j in range(NCHS):
    for k, (src, dst, bufs, gsems, ssems) in enumerate(pairs):
      nb = len(bufs)
      b = j % nb
      if j >= nb:
        scp[(k, (j - nb) % nb)].wait()
      gcp[k] = pltpu.async_copy(src.at[win_v.at[j]], bufs[b], gsems[b])
    for k, (src, dst, bufs, gsems, ssems) in enumerate(pairs):
      nb = len(bufs)
      b = j % nb
      gcp[k].wait()
      scp[(k, b)] = pltpu.async_copy(bufs[b], dst.at[nid_v.at[j]], ssems[b])
  scp[(0, 0)].wait()
  scp[(1, 0)].wait()
  scp[(2, 0)].wait()
  scp[(3, (NCHS - 1) % 2)].wait()
  if NCHS >= 2:
    scp[(3, (NCHS - 2) % 2)].wait()


_sc_scatter = pl.kernel(
    _sc_scatter_body,
    out_type=(),
    mesh=_sc_mesh,
    scratch_types=[
        pltpu.VMEM((NCHS, CHS), _i32),
        pltpu.VMEM((NCHS, CHS), _i32),
        pltpu.VMEM((CHS, D), _f32),
        pltpu.VMEM((CHS, M), _f32),
        pltpu.VMEM((CHS, M), _f32),
        pltpu.VMEM((CHS, 2 * M), _f32),
        pltpu.VMEM((CHS, 2 * M), _f32),
        pltpu.SemaphoreType.DMA,
        pltpu.SemaphoreType.DMA,
        pltpu.SemaphoreType.DMA,
        pltpu.SemaphoreType.DMA,
        pltpu.SemaphoreType.DMA,
        pltpu.SemaphoreType.DMA,
        pltpu.SemaphoreType.DMA,
        pltpu.SemaphoreType.DMA,
        pltpu.SemaphoreType.DMA,
        pltpu.SemaphoreType.DMA,
    ],
)


def kernel(feat, img_map, kg_map, all_map, node_id, pre_node_id,
           img_feat, kg_feat, W1, b1, W2, b2):
  nid = node_id.astype(_i32)
  pid = pre_node_id.astype(_i32)
  nid2g = nid.reshape(NW * NCH, CH)
  pid2g = pid.reshape(NW * NCH, CH)

  cur_h, cur_img, cur_kg, pre_img, pre_kg = _sc_gather(
      feat, img_map, kg_map, nid2g, pid2g)

  nid_row3 = nid.reshape(NBLK, 1, BLK)
  nid_colb = jnp.broadcast_to(nid.reshape(B, 1), (B, 128))
  b1r = b1.reshape(1, MID)
  w2r = W2.reshape(1, MID)
  b2r = jnp.broadcast_to(b2.reshape(1, 1), (1, 128))

  new_img, new_kg, new_all, new_feat, win = _dense(
      nid_row3, nid_colb, cur_h, cur_img, cur_kg, pre_img, pre_kg,
      W1, b1r, w2r, b2r, img_feat, kg_feat)

  out_feat, out_img, out_kg, out_all = _copy(feat, img_map, kg_map, all_map)

  of_r = jax.new_ref(out_feat)
  oi_r = jax.new_ref(out_img)
  ok_r = jax.new_ref(out_kg)
  oa_r = jax.new_ref(out_all)
  nid2s = nid.reshape(NW * NCHS, CHS)
  win2s = win.reshape(NW * NCHS, CHS)
  _sc_scatter(new_feat, new_img, new_kg, new_all, nid2s, win2s,
              of_r, oi_r, ok_r, oa_r)
  return of_r[...], oi_r[...], ok_r[...], oa_r[...]

# --- scband reference (transcript-rebuilt; emitter-appended) ---
"""Pipeline reference for scband-node-trans-38482906972443 (READ-ONLY COPY).

The authoritative reference and input builder live on the scoring server;
editing this copy changes nothing except your own understanding.
"""

import jax, jax.numpy as jnp
import numpy as np

N = 50000
D = 128
M = 256
B = 8192
MID = 256

def setup_inputs(seed: int = 0) -> dict:
    key = jax.random.key(seed)
    ks = jax.random.split(key, 12)
    feat = jax.random.normal(ks[0], (N, D), dtype=jnp.float32)
    img_map = jax.random.uniform(ks[1], (N, M), dtype=jnp.float32)
    kg_map = jax.random.uniform(ks[2], (N, M), dtype=jnp.float32)
    all_map = jax.random.uniform(ks[3], (N, 2 * M), dtype=jnp.float32)
    node_id = jax.random.randint(ks[4], (B,), 0, N, dtype=jnp.int64)
    pre_node_id = jax.random.randint(ks[5], (B,), 0, N, dtype=jnp.int64)
    img_feat = jax.random.normal(ks[6], (M, D), dtype=jnp.float32)
    kg_feat = jax.random.normal(ks[7], (M, D), dtype=jnp.float32)
    W1 = jax.random.normal(ks[8], (D, MID), dtype=jnp.float32) * (1.0 / np.sqrt(D))
    b1 = jnp.zeros((MID,), dtype=jnp.float32)
    W2 = jax.random.normal(ks[9], (MID, 1), dtype=jnp.float32) * (1.0 / np.sqrt(MID))
    b2 = jnp.zeros((1,), dtype=jnp.float32)
    return {"feat": feat, "img_map": img_map, "kg_map": kg_map, "all_map": all_map,
            "node_id": node_id, "pre_node_id": pre_node_id,
            "img_feat": img_feat, "kg_feat": kg_feat,
            "W1": W1, "b1": b1, "W2": W2, "b2": b2}

def reference(feat, img_map, kg_map, all_map, node_id, pre_node_id, img_feat, kg_feat, W1, b1, W2, b2):
    # gather current / previous node state
    current_hidden = feat[node_id]                      # [B, D]
    current_img_map = img_map[node_id]                  # [B, M]
    current_kg_map = kg_map[node_id]                    # [B, M]
    pre_img_map = img_map[pre_node_id]                  # [B, M]
    pre_kg_map = kg_map[pre_node_id]                    # [B, M]
    # MLP gate: Linear(D, MID) -> ReLU -> Linear(MID, 1), sigmoid
    h = jax.nn.relu(current_hidden @ W1 + b1)
    gate = jax.nn.sigmoid(h @ W2 + b2)                  # [B, 1]
    new_img_map = current_img_map * gate + (1.0 - gate) * pre_img_map
    new_kg_map = current_kg_map * gate + (1.0 - gate) * pre_kg_map
    new_all_map = jax.nn.softmax(jnp.concatenate([new_img_map, new_kg_map], axis=1), axis=1)  # [B, 2M]
    # scatter-overwrite back into graph memory
    img_map = img_map.at[node_id].set(new_img_map)
    kg_map = kg_map.at[node_id].set(new_kg_map)
    all_map = all_map.at[node_id].set(new_all_map)
    all_node = jnp.concatenate([img_feat, kg_feat], axis=0)   # [2M, D]
    new_feat = new_all_map @ all_node                          # [B, D]
    feat = feat.at[node_id].set(new_feat)
    return (feat, img_map, kg_map, all_map)

if __name__ == "__main__":
    import jax
    _d = setup_inputs()
    print(jax.jit(kernel)(*tuple(_d.values())))

</pallas_src>

<mosaic_0001>
#map = affine_map<(d0, d1) -> (0, 0)>
module attributes {stable_mosaic.version = 14 : i64} {
  func.func @_sc_gather_body(%arg0: i32, %arg1: i32, %arg2: memref<50000x128xf32, #tpu.memory_space<hbm>>, %arg3: memref<50000x256xf32, #tpu.memory_space<hbm>>, %arg4: memref<50000x256xf32, #tpu.memory_space<hbm>>, %arg5: memref<64x128xi32, #tpu.memory_space<hbm>>, %arg6: memref<64x128xi32, #tpu.memory_space<hbm>>, %arg7: memref<8192x128xf32, #tpu.memory_space<hbm>>, %arg8: memref<8192x256xf32, #tpu.memory_space<hbm>>, %arg9: memref<8192x256xf32, #tpu.memory_space<hbm>>, %arg10: memref<8192x256xf32, #tpu.memory_space<hbm>>, %arg11: memref<8192x256xf32, #tpu.memory_space<hbm>>, %arg12: memref<2x128xi32, #tpu.memory_space<vmem>>, %arg13: memref<2x128xi32, #tpu.memory_space<vmem>>, %arg14: memref<128x128xf32, #tpu.memory_space<vmem>>, %arg15: memref<128x256xf32, #tpu.memory_space<vmem>>, %arg16: memref<128x256xf32, #tpu.memory_space<vmem>>, %arg17: memref<128x256xf32, #tpu.memory_space<vmem>>, %arg18: memref<!tpu.dma_semaphore, #tpu.memory_space<semaphore_mem>>, %arg19: memref<!tpu.dma_semaphore, #tpu.memory_space<semaphore_mem>>, %arg20: memref<!tpu.dma_semaphore, #tpu.memory_space<semaphore_mem>>, %arg21: memref<!tpu.dma_semaphore, #tpu.memory_space<semaphore_mem>>, %arg22: memref<!tpu.dma_semaphore, #tpu.memory_space<semaphore_mem>>, %arg23: memref<!tpu.dma_semaphore, #tpu.memory_space<semaphore_mem>>, %arg24: memref<!tpu.dma_semaphore, #tpu.memory_space<semaphore_mem>>, %arg25: memref<!tpu.dma_semaphore, #tpu.memory_space<semaphore_mem>>) attributes {dimension_semantics = [#tpu.dimension_semantics<core_parallel>, #tpu.dimension_semantics<subcore_parallel>], iteration_bounds = array<i64: 2, 16>, scalar_prefetch = 0 : i64, scratch_operands = 14 : i64, tpu.core_type = #tpu.core_type<sc_vector_subcore>, window_params = [{transform_indices = #map}, {transform_indices = #map}, {transform_indices = #map}, {transform_indices = #map}, {transform_indices = #map}, {transform_indices = #map}, {transform_indices = #map}, {transform_indices = #map}, {transform_indices = #map}, {transform_indices = #map}]} {
    %mul3A = arith.constant 2 : i32
    %mul3A_0 = arith.muli %arg1, %mul3A : i32
    %add3A = arith.addi %mul3A_0, %arg0 : i32
    %mul3A_1 = arith.constant 256 : i32
    %mul3A_2 = arith.muli %add3A, %mul3A_1 : i32
    %mul3A_3 = arith.constant 2 : i32
    %mul3A_4 = arith.muli %add3A, %mul3A_3 : i32
    "tpu.region"() ({
      %run_scoped3A = tpu.sem_alloc : memref<!tpu.dma_semaphore, #tpu.memory_space<semaphore_mem>>
      %dma_start3A_231 = arith.constant 0 : i32
      %dma_start3A_232 = tpu.memref_slice %arg5[%mul3A_4, %dma_start3A_231] : memref<64x128xi32, #tpu.memory_space<hbm>> -> memref<2x128xi32, #tpu.memory_space<hbm>>
      %dma_start3A_233 = arith.constant 0 : i32
      %dma_start3A_234 = tpu.memref_slice %arg5[%mul3A_4, %dma_start3A_233] : memref<64x128xi32, #tpu.memory_space<hbm>> -> memref<2x128xi32, #tpu.memory_space<hbm>>
      tpu.enqueue_dma source(%dma_start3A_234 : memref<2x128xi32, #tpu.memory_space<hbm>>) target(%arg12 : memref<2x128xi32, #tpu.memory_space<vmem>>) target_semaphore(%run_scoped3A : memref<!tpu.dma_semaphore, #tpu.memory_space<semaphore_mem>>)
      %dma_wait3A_235 = arith.constant 0 : i32
      %dma_wait3A_236 = tpu.memref_slice %arg5[%mul3A_4, %dma_wait3A_235] : memref<64x128xi32, #tpu.memory_space<hbm>> -> memref<2x128xi32, #tpu.memory_space<hbm>>
      %dma_wait3A_237 = arith.constant 0 : i32
      %dma_wait3A_238 = tpu.memref_slice %arg5[%mul3A_4, %dma_wait3A_237] : memref<64x128xi32, #tpu.memory_space<hbm>> -> memref<2x128xi32, #tpu.memory_space<hbm>>
      tpu.wait_dma2 semaphore(%run_scoped3A : memref<!tpu.dma_semaphore, #tpu.memory_space<semaphore_mem>>) src(%dma_wait3A_238 : memref<2x128xi32, #tpu.memory_space<hbm>>) dst(%arg12 : memref<2x128xi32, #tpu.memory_space<vmem>>)
      tpu.yield
    }) : () -> ()
    %mul3A_5 = arith.constant 2 : i32
    %mul3A_6 = arith.muli %add3A, %mul3A_5 : i32
    "tpu.region"() ({
      %run_scoped3A = tpu.sem_alloc : memref<!tpu.dma_semaphore, #tpu.memory_space<semaphore_mem>>
      %dma_start3A_231 = arith.constant 0 : i32
      %dma_start3A_232 = tpu.memref_slice %arg6[%mul3A_6, %dma_start3A_231] : memref<64x128xi32, #tpu.memory_space<hbm>> -> memref<2x128xi32, #tpu.memory_space<hbm>>
      %dma_start3A_233 = arith.constant 0 : i32
      %dma_start3A_234 = tpu.memref_slice %arg6[%mul3A_6, %dma_start3A_233] : memref<64x128xi32, #tpu.memory_space<hbm>> -> memref<2x128xi32, #tpu.memory_space<hbm>>
      tpu.enqueue_dma source(%dma_start3A_234 : memref<2x128xi32, #tpu.memory_space<hbm>>) target(%arg13 : memref<2x128xi32, #tpu.memory_space<vmem>>) target_semaphore(%run_scoped3A : memref<!tpu.dma_semaphore, #tpu.memory_space<semaphore_mem>>)
      %dma_wait3A_235 = arith.constant 0 : i32
      %dma_wait3A_236 = tpu.memref_slice %arg6[%mul3A_6, %dma_wait3A_235] : memref<64x128xi32, #tpu.memory_space<hbm>> -> memref<2x128xi32, #tpu.memory_space<hbm>>
      %dma_wait3A_237 = arith.constant 0 : i32
      %dma_wait3A_238 = tpu.memref_slice %arg6[%mul3A_6, %dma_wait3A_237] : memref<64x128xi32, #tpu.memory_space<hbm>> -> memref<2x128xi32, #tpu.memory_space<hbm>>
      tpu.wait_dma2 semaphore(%run_scoped3A : memref<!tpu.dma_semaphore, #tpu.memory_space<semaphore_mem>>) src(%dma_wait3A_238 : memref<2x128xi32, #tpu.memory_space<hbm>>) dst(%arg13 : memref<2x128xi32, #tpu.memory_space<vmem>>)
      tpu.yield
    }) : () -> ()
    %add3A_7 = arith.constant 0 : i32
    %add3A_8 = arith.addi %mul3A_2, %add3A_7 : i32
    %add3A_9 = arith.constant 128 : i32
    %add3A_10 = arith.addi %mul3A_2, %add3A_9 : i32
    %dma_start3A = arith.constant 0 : i32
    %dma_start3A_11 = arith.constant 0 : i32
    %dma_start3A_12 = tpu.memref_slice %arg12[%dma_start3A, %dma_start3A_11] : memref<2x128xi32, #tpu.memory_space<vmem>> -> memref<1x128xi32, #tpu.memory_space<vmem>>
    %dma_start3A_13 = tpu.memref_squeeze %dma_start3A_12 : memref<1x128xi32, #tpu.memory_space<vmem>> -> memref<128xi32, #tpu.memory_space<vmem>>
    %dma_start3A_14 = arith.constant 0 : i32
    %dma_start3A_15 = arith.constant 0 : i32
    %dma_start3A_16 = tpu.memref_slice %arg2[%dma_start3A_14, %dma_start3A_15] : memref<50000x128xf32, #tpu.memory_space<hbm>> -> memref<50000x128xf32, #tpu.memory_space<hbm>>
    tpu.enqueue_indirect_dma source(%dma_start3A_16 : memref<50000x128xf32, #tpu.memory_space<hbm>>) target(%arg14 : memref<128x128xf32, #tpu.memory_space<vmem>>) offsets(%dma_start3A_13 : memref<128xi32, #tpu.memory_space<vmem>>) semaphore(%arg18 : memref<!tpu.dma_semaphore, #tpu.memory_space<semaphore_mem>>)
    %dma_start3A_17 = arith.constant 0 : i32
    %dma_start3A_18 = arith.constant 0 : i32
    %dma_start3A_19 = tpu.memref_slice %arg12[%dma_start3A_17, %dma_start3A_18] : memref<2x128xi32, #tpu.memory_space<vmem>> -> memref<1x128xi32, #tpu.memory_space<vmem>>
    %dma_start3A_20 = tpu.memref_squeeze %dma_start3A_19 : memref<1x128xi32, #tpu.memory_space<vmem>> -> memref<128xi32, #tpu.memory_space<vmem>>
    %dma_start3A_21 = arith.constant 0 : i32
    %dma_start3A_22 = arith.constant 0 : i32
    %dma_start3A_23 = tpu.memref_slice %arg3[%dma_start3A_21, %dma_start3A_22] : memref<50000x256xf32, #tpu.memory_space<hbm>> -> memref<50000x256xf32, #tpu.memory_space<hbm>>
    tpu.enqueue_indirect_dma source(%dma_start3A_23 : memref<50000x256xf32, #tpu.memory_space<hbm>>) target(%arg15 : memref<128x256xf32, #tpu.memory_space<vmem>>) offsets(%dma_start3A_20 : memref<128xi32, #tpu.memory_space<vmem>>) semaphore(%arg20 : memref<!tpu.dma_semaphore, #tpu.memory_space<semaphore_mem>>)
    %dma_start3A_24 = arith.constant 0 : i32
    %dma_start3A_25 = arith.constant 0 : i32
    %dma_start3A_26 = tpu.memref_slice %arg12[%dma_start3A_24, %dma_start3A_25] : memref<2x128xi32, #tpu.memory_space<vmem>> -> memref<1x128xi32, #tpu.memory_space<vmem>>
    %dma_start3A_27 = tpu.memref_squeeze %dma_start3A_26 : memref<1x128xi32, #tpu.memory_space<vmem>> -> memref<128xi32, #tpu.memory_space<vmem>>
    %dma_start3A_28 = arith.constant 0 : i32
    %dma_start3A_29 = arith.constant 0 : i32
    %dma_start3A_30 = tpu.memref_slice %arg4[%dma_start3A_28, %dma_start3A_29] : memref<50000x256xf32, #tpu.memory_space<hbm>> -> memref<50000x256xf32, #tpu.memory_space<hbm>>
    tpu.enqueue_indirect_dma source(%dma_start3A_30 : memref<50000x256xf32, #tpu.memory_space<hbm>>) target(%arg16 : memref<128x256xf32, #tpu.memory_space<vmem>>) offsets(%dma_start3A_27 : memref<128xi32, #tpu.memory_space<vmem>>) semaphore(%arg21 : memref<!tpu.dma_semaphore, #tpu.memory_space<semaphore_mem>>)
    %dma_start3A_31 = arith.constant 0 : i32
    %dma_start3A_32 = arith.constant 0 : i32
    %dma_start3A_33 = tpu.memref_slice %arg13[%dma_start3A_31, %dma_start3A_32] : memref<2x128xi32, #tpu.memory_space<vmem>> -> memref<1x128xi32, #tpu.memory_space<vmem>>
    %dma_start3A_34 = tpu.memref_squeeze %dma_start3A_33 : memref<1x128xi32, #tpu.memory_space<vmem>> -> memref<128xi32, #tpu.memory_space<vmem>>
    %dma_start3A_35 = arith.constant 0 : i32
    %dma_start3A_36 = arith.constant 0 : i32
    %dma_start3A_37 = tpu.memref_slice %arg3[%dma_start3A_35, %dma_start3A_36] : memref<50000x256xf32, #tpu.memory_space<hbm>> -> memref<50000x256xf32, #tpu.memory_space<hbm>>
    tpu.enqueue_indirect_dma source(%dma_start3A_37 : memref<50000x256xf32, #tpu.memory_space<hbm>>) target(%arg17 : memref<128x256xf32, #tpu.memory_space<vmem>>) offsets(%dma_start3A_34 : memref<128xi32, #tpu.memory_space<vmem>>) semaphore(%arg22 : memref<!tpu.dma_semaphore, #tpu.memory_space<semaphore_mem>>)
    %dma_wait3A = arith.constant 0 : i32
    %dma_wait3A_38 = arith.constant 0 : i32
    %dma_wait3A_39 = tpu.memref_slice %arg12[%dma_wait3A, %dma_wait3A_38] : memref<2x128xi32, #tpu.memory_space<vmem>> -> memref<1x128xi32, #tpu.memory_space<vmem>>
    %dma_wait3A_40 = tpu.memref_squeeze %dma_wait3A_39 : memref<1x128xi32, #tpu.memory_space<vmem>> -> memref<128xi32, #tpu.memory_space<vmem>>
    %dma_wait3A_41 = arith.constant 0 : i32
    %dma_wait3A_42 = arith.constant 0 : i32
    %dma_wait3A_43 = tpu.memref_slice %arg2[%dma_wait3A_41, %dma_wait3A_42] : memref<50000x128xf32, #tpu.memory_space<hbm>> -> memref<50000x128xf32, #tpu.memory_space<hbm>>
    tpu.wait_indirect_dma semaphore(%arg18 : memref<!tpu.dma_semaphore, #tpu.memory_space<semaphore_mem>>) src(%dma_wait3A_43 : memref<50000x128xf32, #tpu.memory_space<hbm>>) dst(%arg14 : memref<128x128xf32, #tpu.memory_space<vmem>>)
    %dma_start3A_44 = arith.constant 0 : i32
    %dma_start3A_45 = tpu.memref_slice %arg7[%mul3A_2, %dma_start3A_44] : memref<8192x128xf32, #tpu.memory_space<hbm>> -> memref<128x128xf32, #tpu.memory_space<hbm>>
    %dma_start3A_46 = arith.constant 0 : i32
    %dma_start3A_47 = tpu.memref_slice %arg7[%mul3A_2, %dma_start3A_46] : memref<8192x128xf32, #tpu.memory_space<hbm>> -> memref<128x128xf32, #tpu.memory_space<hbm>>
    tpu.enqueue_dma source(%arg14 : memref<128x128xf32, #tpu.memory_space<vmem>>) target(%dma_start3A_47 : memref<128x128xf32, #tpu.memory_space<hbm>>) target_semaphore(%arg19 : memref<!tpu.dma_semaphore, #tpu.memory_space<semaphore_mem>>)
    %dma_wait3A_48 = arith.constant 0 : i32
    %dma_wait3A_49 = arith.constant 0 : i32
    %dma_wait3A_50 = tpu.memref_slice %arg12[%dma_wait3A_48, %dma_wait3A_49] : memref<2x128xi32, #tpu.memory_space<vmem>> -> memref<1x128xi32, #tpu.memory_space<vmem>>
    %dma_wait3A_51 = tpu.memref_squeeze %dma_wait3A_50 : memref<1x128xi32, #tpu.memory_space<vmem>> -> memref<128xi32, #tpu.memory_space<vmem>>
    %dma_wait3A_52 = arith.constant 0 : i32
    %dma_wait3A_53 = arith.constant 0 : i32
    %dma_wait3A_54 = tpu.memref_slice %arg3[%dma_wait3A_52, %dma_wait3A_53] : memref<50000x256xf32, #tpu.memory_space<hbm>> -> memref<50000x256xf32, #tpu.memory_space<hbm>>
    tpu.wait_indirect_dma semaphore(%arg20 : memref<!tpu.dma_semaphore, #tpu.memory_space<semaphore_mem>>) src(%dma_wait3A_54 : memref<50000x256xf32, #tpu.memory_space<hbm>>) dst(%arg15 : memref<128x256xf32, #tpu.memory_space<vmem>>)
    %dma_start3A_55 = arith.constant 0 : i32
    %dma_start3A_56 = tpu.memref_slice %arg8[%add3A_8, %dma_start3A_55] : memref<8192x256xf32, #tpu.memory_space<hbm>> -> memref<128x256xf32, #tpu.memory_space<hbm>>
    %dma_start3A_57 = arith.constant 0 : i32
    %dma_start3A_58 = tpu.memref_slice %arg8[%add3A_8, %dma_start3A_57] : memref<8192x256xf32, #tpu.memory_space<hbm>> -> memref<128x256xf32, #tpu.memory_space<hbm>>
    tpu.enqueue_dma source(%arg15 : memref<128x256xf32, #tpu.memory_space<vmem>>) target(%dma_start3A_58 : memref<128x256xf32, #tpu.memory_space<hbm>>) target_semaphore(%arg23 : memref<!tpu.dma_semaphore, #tpu.memory_space<semaphore_mem>>)
    %dma_wait3A_59 = arith.constant 0 : i32
    %dma_wait3A_60 = tpu.memref_slice %arg8[%add3A_8, %dma_wait3A_59] : memref<8192x256xf32, #tpu.memory_space<hbm>> -> memref<128x256xf32, #tpu.memory_space<hbm>>
    %dma_wait3A_61 = arith.constant 0 : i32
    %dma_wait3A_62 = tpu.memref_slice %arg8[%add3A_8, %dma_wait3A_61] : memref<8192x256xf32, #tpu.memory_space<hbm>> -> memref<128x256xf32, #tpu.memory_space<hbm>>
    tpu.wait_dma2 semaphore(%arg23 : memref<!tpu.dma_semaphore, #tpu.memory_space<semaphore_mem>>) src(%arg15 : memref<128x256xf32, #tpu.memory_space<vmem>>) dst(%dma_wait3A_62 : memref<128x256xf32, #tpu.memory_space<hbm>>)
    %dma_start3A_63 = arith.constant 0 : i32
    %dma_start3A_64 = arith.constant 0 : i32
    %dma_start3A_65 = tpu.memref_slice %arg13[%dma_start3A_63, %dma_start3A_64] : memref<2x128xi32, #tpu.memory_space<vmem>> -> memref<1x128xi32, #tpu.memory_space<vmem>>
    %dma_start3A_66 = tpu.memref_squeeze %dma_start3A_65 : memref<1x128xi32, #tpu.memory_space<vmem>> -> memref<128xi32, #tpu.memory_space<vmem>>
    %dma_start3A_67 = arith.constant 0 : i32
    %dma_start3A_68 = arith.constant 0 : i32
    %dma_start3A_69 = tpu.memref_slice %arg4[%dma_start3A_67, %dma_start3A_68] : memref<50000x256xf32, #tpu.memory_space<hbm>> -> memref<50000x256xf32, #tpu.memory_space<hbm>>
    tpu.enqueue_indirect_dma source(%dma_start3A_69 : memref<50000x256xf32, #tpu.memory_space<hbm>>) target(%arg15 : memref<128x256xf32, #tpu.memory_space<vmem>>) offsets(%dma_start3A_66 : memref<128xi32, #tpu.memory_space<vmem>>) semaphore(%arg20 : memref<!tpu.dma_semaphore, #tpu.memory_space<semaphore_mem>>)
    %dma_wait3A_70 = arith.constant 0 : i32
    %dma_wait3A_71 = arith.constant 0 : i32
    %dma_wait3A_72 = tpu.memref_slice %arg12[%dma_wait3A_70, %dma_wait3A_71] : memref<2x128xi32, #tpu.memory_space<vmem>> -> memref<1x128xi32, #tpu.memory_space<vmem>>
    %dma_wait3A_73 = tpu.memref_squeeze %dma_wait3A_72 : memref<1x128xi32, #tpu.memory_space<vmem>> -> memref<128xi32, #tpu.memory_space<vmem>>
    %dma_wait3A_74 = arith.constant 0 : i32
    %dma_wait3A_75 = arith.constant 0 : i32
    %dma_wait3A_76 = tpu.memref_slice %arg4[%dma_wait3A_74, %dma_wait3A_75] : memref<50000x256xf32, #tpu.memory_space<hbm>> -> memref<50000x256xf32, #tpu.memory_space<hbm>>
    tpu.wait_indirect_dma semaphore(%arg21 : memref<!tpu.dma_semaphore, #tpu.memory_space<semaphore_mem>>) src(%dma_wait3A_76 : memref<50000x256xf32, #tpu.memory_space<hbm>>) dst(%arg16 : memref<128x256xf32, #tpu.memory_space<vmem>>)
    %dma_start3A_77 = arith.constant 0 : i32
    %dma_start3A_78 = tpu.memref_slice %arg9[%add3A_8, %dma_start3A_77] : memref<8192x256xf32, #tpu.memory_space<hbm>> -> memref<128x256xf32, #tpu.memory_space<hbm>>
    %dma_start3A_79 = arith.constant 0 : i32
    %dma_start3A_80 = tpu.memref_slice %arg9[%add3A_8, %dma_start3A_79] : memref<8192x256xf32, #tpu.memory_space<hbm>> -> memref<128x256xf32, #tpu.memory_space<hbm>>
    tpu.enqueue_dma source(%arg16 : memref<128x256xf32, #tpu.memory_space<vmem>>) target(%dma_start3A_80 : memref<128x256xf32, #tpu.memory_space<hbm>>) target_semaphore(%arg24 : memref<!tpu.dma_semaphore, #tpu.memory_space<semaphore_mem>>)
    %dma_wait3A_81 = arith.constant 0 : i32
    %dma_wait3A_82 = tpu.memref_slice %arg9[%add3A_8, %dma_wait3A_81] : memref<8192x256xf32, #tpu.memory_space<hbm>> -> memref<128x256xf32, #tpu.memory_space<hbm>>
    %dma_wait3A_83 = arith.constant 0 : i32
    %dma_wait3A_84 = tpu.memref_slice %arg9[%add3A_8, %dma_wait3A_83] : memref<8192x256xf32, #tpu.memory_space<hbm>> -> memref<128x256xf32, #tpu.memory_space<hbm>>
    tpu.wait_dma2 semaphore(%arg24 : memref<!tpu.dma_semaphore, #tpu.memory_space<semaphore_mem>>) src(%arg16 : memref<128x256xf32, #tpu.memory_space<vmem>>) dst(%dma_wait3A_84 : memref<128x256xf32, #tpu.memory_space<hbm>>)
    %dma_start3A_85 = arith.constant 1 : i32
    %dma_start3A_86 = arith.constant 0 : i32
    %dma_start3A_87 = tpu.memref_slice %arg12[%dma_start3A_85, %dma_start3A_86] : memref<2x128xi32, #tpu.memory_space<vmem>> -> memref<1x128xi32, #tpu.memory_space<vmem>>
    %dma_start3A_88 = tpu.memref_squeeze %dma_start3A_87 : memref<1x128xi32, #tpu.memory_space<vmem>> -> memref<128xi32, #tpu.memory_space<vmem>>
    %dma_start3A_89 = arith.constant 0 : i32
    %dma_start3A_90 = arith.constant 0 : i32
    %dma_start3A_91 = tpu.memref_slice %arg3[%dma_start3A_89, %dma_start3A_90] : memref<50000x256xf32, #tpu.memory_space<hbm>> -> memref<50000x256xf32, #tpu.memory_space<hbm>>
    tpu.enqueue_indirect_dma source(%dma_start3A_91 : memref<50000x256xf32, #tpu.memory_space<hbm>>) target(%arg16 : memref<128x256xf32, #tpu.memory_space<vmem>>) offsets(%dma_start3A_88 : memref<128xi32, #tpu.memory_space<vmem>>) semaphore(%arg21 : memref<!tpu.dma_semaphore, #tpu.memory_space<semaphore_mem>>)
    %dma_wait3A_92 = arith.constant 0 : i32
    %dma_wait3A_93 = arith.constant 0 : i32
    %dma_wait3A_94 = tpu.memref_slice %arg13[%dma_wait3A_92, %dma_wait3A_93] : memref<2x128xi32, #tpu.memory_space<vmem>> -> memref<1x128xi32, #tpu.memory_space<vmem>>
    %dma_wait3A_95 = tpu.memref_squeeze %dma_wait3A_94 : memref<1x128xi32, #tpu.memory_space<vmem>> -> memref<128xi32, #tpu.memory_space<vmem>>
    %dma_wait3A_96 = arith.constant 0 : i32
    %dma_wait3A_97 = arith.constant 0 : i32
    %dma_wait3A_98 = tpu.memref_slice %arg3[%dma_wait3A_96, %dma_wait3A_97] : memref<50000x256xf32, #tpu.memory_space<hbm>> -> memref<50000x256xf32, #tpu.memory_space<hbm>>
    tpu.wait_indirect_dma semaphore(%arg22 : memref<!tpu.dma_semaphore, #tpu.memory_space<semaphore_mem>>) src(%dma_wait3A_98 : memref<50000x256xf32, #tpu.memory_space<hbm>>) dst(%arg17 : memref<128x256xf32, #tpu.memory_space<vmem>>)
    %dma_start3A_99 = arith.constant 0 : i32
    %dma_start3A_100 = tpu.memref_slice %arg10[%add3A_8, %dma_start3A_99] : memref<8192x256xf32, #tpu.memory_space<hbm>> -> memref<128x256xf32, #tpu.memory_space<hbm>>
    %dma_start3A_101 = arith.constant 0 : i32
    %dma_start3A_102 = tpu.memref_slice %arg10[%add3A_8, %dma_start3A_101] : memref<8192x256xf32, #tpu.memory_space<hbm>> -> memref<128x256xf32, #tpu.memory_space<hbm>>
    tpu.enqueue_dma source(%arg17 : memref<128x256xf32, #tpu.memory_space<vmem>>) target(%dma_start3A_102 : memref<128x256xf32, #tpu.memory_space<hbm>>) target_semaphore(%arg25 : memref<!tpu.dma_semaphore, #tpu.memory_space<semaphore_mem>>)
    %dma_wait3A_103 = arith.constant 0 : i32
    %dma_wait3A_104 = tpu.memref_slice %arg7[%mul3A_2, %dma_wait3A_103] : memref<8192x128xf32, #tpu.memory_space<hbm>> -> memref<128x128xf32, #tpu.memory_space<hbm>>
    %dma_wait3A_105 = arith.constant 0 : i32
    %dma_wait3A_106 = tpu.memref_slice %arg7[%mul3A_2, %dma_wait3A_105] : memref<8192x128xf32, #tpu.memory_space<hbm>> -> memref<128x128xf32, #tpu.memory_space<hbm>>
    tpu.wait_dma2 semaphore(%arg19 : memref<!tpu.dma_semaphore, #tpu.memory_space<semaphore_mem>>) src(%arg14 : memref<128x128xf32, #tpu.memory_space<vmem>>) dst(%dma_wait3A_106 : memref<128x128xf32, #tpu.memory_space<hbm>>)
    %dma_start3A_107 = arith.constant 1 : i32
    %dma_start3A_108 = arith.constant 0 : i32
    %dma_start3A_109 = tpu.memref_slice %arg12[%dma_start3A_107, %dma_start3A_108] : memref<2x128xi32, #tpu.memory_space<vmem>> -> memref<1x128xi32, #tpu.memory_space<vmem>>
    %dma_start3A_110 = tpu.memref_squeeze %dma_start3A_109 : memref<1x128xi32, #tpu.memory_space<vmem>> -> memref<128xi32, #tpu.memory_space<vmem>>
    %dma_start3A_111 = arith.constant 0 : i32
    %dma_start3A_112 = arith.constant 0 : i32
    %dma_start3A_113 = tpu.memref_slice %arg2[%dma_start3A_111, %dma_start3A_112] : memref<50000x128xf32, #tpu.memory_space<hbm>> -> memref<50000x128xf32, #tpu.memory_space<hbm>>
    tpu.enqueue_indirect_dma source(%dma_start3A_113 : memref<50000x128xf32, #tpu.memory_space<hbm>>) target(%arg14 : memref<128x128xf32, #tpu.memory_space<vmem>>) offsets(%dma_start3A_110 : memref<128xi32, #tpu.memory_space<vmem>>) semaphore(%arg18 : memref<!tpu.dma_semaphore, #tpu.memory_space<semaphore_mem>>)
    %dma_wait3A_114 = arith.constant 0 : i32
    %dma_wait3A_115 = tpu.memref_slice %arg10[%add3A_8, %dma_wait3A_114] : memref<8192x256xf32, #tpu.memory_space<hbm>> -> memref<128x256xf32, #tpu.memory_space<hbm>>
    %dma_wait3A_116 = arith.constant 0 : i32
    %dma_wait3A_117 = tpu.memref_slice %arg10[%add3A_8, %dma_wait3A_116] : memref<8192x256xf32, #tpu.memory_space<hbm>> -> memref<128x256xf32, #tpu.memory_space<hbm>>
    tpu.wait_dma2 semaphore(%arg25 : memref<!tpu.dma_semaphore, #tpu.memory_space<semaphore_mem>>) src(%arg17 : memref<128x256xf32, #tpu.memory_space<vmem>>) dst(%dma_wait3A_117 : memref<128x256xf32, #tpu.memory_space<hbm>>)
    %dma_start3A_118 = arith.constant 1 : i32
    %dma_start3A_119 = arith.constant 0 : i32
    %dma_start3A_120 = tpu.memref_slice %arg12[%dma_start3A_118, %dma_start3A_119] : memref<2x128xi32, #tpu.memory_space<vmem>> -> memref<1x128xi32, #tpu.memory_space<vmem>>
    %dma_start3A_121 = tpu.memref_squeeze %dma_start3A_120 : memref<1x128xi32, #tpu.memory_space<vmem>> -> memref<128xi32, #tpu.memory_space<vmem>>
    %dma_start3A_122 = arith.constant 0 : i32
    %dma_start3A_123 = arith.constant 0 : i32
    %dma_start3A_124 = tpu.memref_slice %arg4[%dma_start3A_122, %dma_start3A_123] : memref<50000x256xf32, #tpu.memory_space<hbm>> -> memref<50000x256xf32, #tpu.memory_space<hbm>>
    tpu.enqueue_indirect_dma source(%dma_start3A_124 : memref<50000x256xf32, #tpu.memory_space<hbm>>) target(%arg17 : memref<128x256xf32, #tpu.memory_space<vmem>>) offsets(%dma_start3A_121 : memref<128xi32, #tpu.memory_space<vmem>>) semaphore(%arg22 : memref<!tpu.dma_semaphore, #tpu.memory_space<semaphore_mem>>)
    %dma_wait3A_125 = arith.constant 0 : i32
    %dma_wait3A_126 = arith.constant 0 : i32
    %dma_wait3A_127 = tpu.memref_slice %arg13[%dma_wait3A_125, %dma_wait3A_126] : memref<2x128xi32, #tpu.memory_space<vmem>> -> memref<1x128xi32, #tpu.memory_space<vmem>>
    %dma_wait3A_128 = tpu.memref_squeeze %dma_wait3A_127 : memref<1x128xi32, #tpu.memory_space<vmem>> -> memref<128xi32, #tpu.memory_space<vmem>>
    %dma_wait3A_129 = arith.constant 0 : i32
    %dma_wait3A_130 = arith.constant 0 : i32
    %dma_wait3A_131 = tpu.memref_slice %arg4[%dma_wait3A_129, %dma_wait3A_130] : memref<50000x256xf32, #tpu.memory_space<hbm>> -> memref<50000x256xf32, #tpu.memory_space<hbm>>
    tpu.wait_indirect_dma semaphore(%arg20 : memref<!tpu.dma_semaphore, #tpu.memory_space<semaphore_mem>>) src(%dma_wait3A_131 : memref<50000x256xf32, #tpu.memory_space<hbm>>) dst(%arg15 : memref<128x256xf32, #tpu.memory_space<vmem>>)
    %dma_start3A_132 = arith.constant 0 : i32
    %dma_start3A_133 = tpu.memref_slice %arg11[%add3A_8, %dma_start3A_132] : memref<8192x256xf32, #tpu.memory_space<hbm>> -> memref<128x256xf32, #tpu.memory_space<hbm>>
    %dma_start3A_134 = arith.constant 0 : i32
    %dma_start3A_135 = tpu.memref_slice %arg11[%add3A_8, %dma_start3A_134] : memref<8192x256xf32, #tpu.memory_space<hbm>> -> memref<128x256xf32, #tpu.memory_space<hbm>>
    tpu.enqueue_dma source(%arg15 : memref<128x256xf32, #tpu.memory_space<vmem>>) target(%dma_start3A_135 : memref<128x256xf32, #tpu.memory_space<hbm>>) target_semaphore(%arg23 : memref<!tpu.dma_semaphore, #tpu.memory_space<semaphore_mem>>)
    %dma_wait3A_136 = arith.constant 0 : i32
    %dma_wait3A_137 = tpu.memref_slice %arg11[%add3A_8, %dma_wait3A_136] : memref<8192x256xf32, #tpu.memory_space<hbm>> -> memref<128x256xf32, #tpu.memory_space<hbm>>
    %dma_wait3A_138 = arith.constant 0 : i32
    %dma_wait3A_139 = tpu.memref_slice %arg11[%add3A_8, %dma_wait3A_138] : memref<8192x256xf32, #tpu.memory_space<hbm>> -> memref<128x256xf32, #tpu.memory_space<hbm>>
    tpu.wait_dma2 semaphore(%arg23 : memref<!tpu.dma_semaphore, #tpu.memory_space<semaphore_mem>>) src(%arg15 : memref<128x256xf32, #tpu.memory_space<vmem>>) dst(%dma_wait3A_139 : memref<128x256xf32, #tpu.memory_space<hbm>>)
    %dma_start3A_140 = arith.constant 1 : i32
    %dma_start3A_141 = arith.constant 0 : i32
    %dma_start3A_142 = tpu.memref_slice %arg13[%dma_start3A_140, %dma_start3A_141] : memref<2x128xi32, #tpu.memory_space<vmem>> -> memref<1x128xi32, #tpu.memory_space<vmem>>
    %dma_start3A_143 = tpu.memref_squeeze %dma_start3A_142 : memref<1x128xi32, #tpu.memory_space<vmem>> -> memref<128xi32, #tpu.memory_space<vmem>>
    %dma_start3A_144 = arith.constant 0 : i32
    %dma_start3A_145 = arith.constant 0 : i32
    %dma_start3A_146 = tpu.memref_slice %arg3[%dma_start3A_144, %dma_start3A_145] : memref<50000x256xf32, #tpu.memory_space<hbm>> -> memref<50000x256xf32, #tpu.memory_space<hbm>>
    tpu.enqueue_indirect_dma source(%dma_start3A_146 : memref<50000x256xf32, #tpu.memory_space<hbm>>) target(%arg15 : memref<128x256xf32, #tpu.memory_space<vmem>>) offsets(%dma_start3A_143 : memref<128xi32, #tpu.memory_space<vmem>>) semaphore(%arg20 : memref<!tpu.dma_semaphore, #tpu.memory_space<semaphore_mem>>)
    %dma_wait3A_147 = arith.constant 1 : i32
    %dma_wait3A_148 = arith.constant 0 : i32
    %dma_wait3A_149 = tpu.memref_slice %arg12[%dma_wait3A_147, %dma_wait3A_148] : memref<2x128xi32, #tpu.memory_space<vmem>> -> memref<1x128xi32, #tpu.memory_space<vmem>>
    %dma_wait3A_150 = tpu.memref_squeeze %dma_wait3A_149 : memref<1x128xi32, #tpu.memory_space<vmem>> -> memref<128xi32, #tpu.memory_space<vmem>>
    %dma_wait3A_151 = arith.constant 0 : i32
    %dma_wait3A_152 = arith.constant 0 : i32
    %dma_wait3A_153 = tpu.memref_slice %arg3[%dma_wait3A_151, %dma_wait3A_152] : memref<50000x256xf32, #tpu.memory_space<hbm>> -> memref<50000x256xf32, #tpu.memory_space<hbm>>
    tpu.wait_indirect_dma semaphore(%arg21 : memref<!tpu.dma_semaphore, #tpu.memory_space<semaphore_mem>>) src(%dma_wait3A_153 : memref<50000x256xf32, #tpu.memory_space<hbm>>) dst(%arg16 : memref<128x256xf32, #tpu.memory_space<vmem>>)
    %dma_start3A_154 = arith.constant 0 : i32
    %dma_start3A_155 = tpu.memref_slice %arg8[%add3A_10, %dma_start3A_154] : memref<8192x256xf32, #tpu.memory_space<hbm>> -> memref<128x256xf32, #tpu.memory_space<hbm>>
    %dma_start3A_156 = arith.constant 0 : i32
    %dma_start3A_157 = tpu.memref_slice %arg8[%add3A_10, %dma_start3A_156] : memref<8192x256xf32, #tpu.memory_space<hbm>> -> memref<128x256xf32, #tpu.memory_space<hbm>>
    tpu.enqueue_dma source(%arg16 : memref<128x256xf32, #tpu.memory_space<vmem>>) target(%dma_start3A_157 : memref<128x256xf32, #tpu.memory_space<hbm>>) target_semaphore(%arg24 : memref<!tpu.dma_semaphore, #tpu.memory_space<semaphore_mem>>)
    %dma_wait3A_158 = arith.constant 0 : i32
    %dma_wait3A_159 = tpu.memref_slice %arg8[%add3A_10, %dma_wait3A_158] : memref<8192x256xf32, #tpu.memory_space<hbm>> -> memref<128x256xf32, #tpu.memory_space<hbm>>
    %dma_wait3A_160 = arith.constant 0 : i32
    %dma_wait3A_161 = tpu.memref_slice %arg8[%add3A_10, %dma_wait3A_160] : memref<8192x256xf32, #tpu.memory_space<hbm>> -> memref<128x256xf32, #tpu.memory_space<hbm>>
    tpu.wait_dma2 semaphore(%arg24 : memref<!tpu.dma_semaphore, #tpu.memory_space<semaphore_mem>>) src(%arg16 : memref<128x256xf32, #tpu.memory_space<vmem>>) dst(%dma_wait3A_161 : memref<128x256xf32, #tpu.memory_space<hbm>>)
    %dma_start3A_162 = arith.constant 1 : i32
    %dma_start3A_163 = arith.constant 0 : i32
    %dma_start3A_164 = tpu.memref_slice %arg13[%dma_start3A_162, %dma_start3A_163] : memref<2x128xi32, #tpu.memory_space<vmem>> -> memref<1x128xi32, #tpu.memory_space<vmem>>
    %dma_start3A_165 = tpu.memref_squeeze %dma_start3A_164 : memref<1x128xi32, #tpu.memory_space<vmem>> -> memref<128xi32, #tpu.memory_space<vmem>>
    %dma_start3A_166 = arith.constant 0 : i32
    %dma_start3A_167 = arith.constant 0 : i32
    %dma_start3A_168 = tpu.memref_slice %arg4[%dma_start3A_166, %dma_start3A_167] : memref<50000x256xf32, #tpu.memory_space<hbm>> -> memref<50000x256xf32, #tpu.memory_space<hbm>>
    tpu.enqueue_indirect_dma source(%dma_start3A_168 : memref<50000x256xf32, #tpu.memory_space<hbm>>) target(%arg16 : memref<128x256xf32, #tpu.memory_space<vmem>>) offsets(%dma_start3A_165 : memref<128xi32, #tpu.memory_space<vmem>>) semaphore(%arg21 : memref<!tpu.dma_semaphore, #tpu.memory_space<semaphore_mem>>)
    %dma_wait3A_169 = arith.constant 1 : i32
    %dma_wait3A_170 = arith.constant 0 : i32
    %dma_wait3A_171 = tpu.memref_slice %arg12[%dma_wait3A_169, %dma_wait3A_170] : memref<2x128xi32, #tpu.memory_space<vmem>> -> memref<1x128xi32, #tpu.memory_space<vmem>>
    %dma_wait3A_172 = tpu.memref_squeeze %dma_wait3A_171 : memref<1x128xi32, #tpu.memory_space<vmem>> -> memref<128xi32, #tpu.memory_space<vmem>>
    %dma_wait3A_173 = arith.constant 0 : i32
    %dma_wait3A_174 = arith.constant 0 : i32
    %dma_wait3A_175 = tpu.memref_slice %arg4[%dma_wait3A_173, %dma_wait3A_174] : memref<50000x256xf32, #tpu.memory_space<hbm>> -> memref<50000x256xf32, #tpu.memory_space<hbm>>
    tpu.wait_indirect_dma semaphore(%arg22 : memref<!tpu.dma_semaphore, #tpu.memory_space<semaphore_mem>>) src(%dma_wait3A_175 : memref<50000x256xf32, #tpu.memory_space<hbm>>) dst(%arg17 : memref<128x256xf32, #tpu.memory_space<vmem>>)
    %dma_start3A_176 = arith.constant 0 : i32
    %dma_start3A_177 = tpu.memref_slice %arg9[%add3A_10, %dma_start3A_176] : memref<8192x256xf32, #tpu.memory_space<hbm>> -> memref<128x256xf32, #tpu.memory_space<hbm>>
    %dma_start3A_178 = arith.constant 0 : i32
    %dma_start3A_179 = tpu.memref_slice %arg9[%add3A_10, %dma_start3A_178] : memref<8192x256xf32, #tpu.memory_space<hbm>> -> memref<128x256xf32, #tpu.memory_space<hbm>>
    tpu.enqueue_dma source(%arg17 : memref<128x256xf32, #tpu.memory_space<vmem>>) target(%dma_start3A_179 : memref<128x256xf32, #tpu.memory_space<hbm>>) target_semaphore(%arg25 : memref<!tpu.dma_semaphore, #tpu.memory_space<semaphore_mem>>)
    %dma_wait3A_180 = arith.constant 1 : i32
    %dma_wait3A_181 = arith.constant 0 : i32
    %dma_wait3A_182 = tpu.memref_slice %arg13[%dma_wait3A_180, %dma_wait3A_181] : memref<2x128xi32, #tpu.memory_space<vmem>> -> memref<1x128xi32, #tpu.memory_space<vmem>>
    %dma_wait3A_183 = tpu.memref_squeeze %dma_wait3A_182 : memref<1x128xi32, #tpu.memory_space<vmem>> -> memref<128xi32, #tpu.memory_space<vmem>>
    %dma_wait3A_184 = arith.constant 0 : i32
    %dma_wait3A_185 = arith.constant 0 : i32
    %dma_wait3A_186 = tpu.memref_slice %arg3[%dma_wait3A_184, %dma_wait3A_185] : memref<50000x256xf32, #tpu.memory_space<hbm>> -> memref<50000x256xf32, #tpu.memory_space<hbm>>
    tpu.wait_indirect_dma semaphore(%arg20 : memref<!tpu.dma_semaphore, #tpu.memory_space<semaphore_mem>>) src(%dma_wait3A_186 : memref<50000x256xf32, #tpu.memory_space<hbm>>) dst(%arg15 : memref<128x256xf32, #tpu.memory_space<vmem>>)
    %dma_start3A_187 = arith.constant 0 : i32
    %dma_start3A_188 = tpu.memref_slice %arg10[%add3A_10, %dma_start3A_187] : memref<8192x256xf32, #tpu.memory_space<hbm>> -> memref<128x256xf32, #tpu.memory_space<hbm>>
    %dma_start3A_189 = arith.constant 0 : i32
    %dma_start3A_190 = tpu.memref_slice %arg10[%add3A_10, %dma_start3A_189] : memref<8192x256xf32, #tpu.memory_space<hbm>> -> memref<128x256xf32, #tpu.memory_space<hbm>>
    tpu.enqueue_dma source(%arg15 : memref<128x256xf32, #tpu.memory_space<vmem>>) target(%dma_start3A_190 : memref<128x256xf32, #tpu.memory_space<hbm>>) target_semaphore(%arg23 : memref<!tpu.dma_semaphore, #tpu.memory_space<semaphore_mem>>)
    %dma_wait3A_191 = arith.constant 1 : i32
    %dma_wait3A_192 = arith.constant 0 : i32
    %dma_wait3A_193 = tpu.memref_slice %arg13[%dma_wait3A_191, %dma_wait3A_192] : memref<2x128xi32, #tpu.memory_space<vmem>> -> memref<1x128xi32, #tpu.memory_space<vmem>>
    %dma_wait3A_194 = tpu.memref_squeeze %dma_wait3A_193 : memref<1x128xi32, #tpu.memory_space<vmem>> -> memref<128xi32, #tpu.memory_space<vmem>>
    %dma_wait3A_195 = arith.constant 0 : i32
    %dma_wait3A_196 = arith.constant 0 : i32
    %dma_wait3A_197 = tpu.memref_slice %arg4[%dma_wait3A_195, %dma_wait3A_196] : memref<50000x256xf32, #tpu.memory_space<hbm>> -> memref<50000x256xf32, #tpu.memory_space<hbm>>
    tpu.wait_indirect_dma semaphore(%arg21 : memref<!tpu.dma_semaphore, #tpu.memory_space<semaphore_mem>>) src(%dma_wait3A_197 : memref<50000x256xf32, #tpu.memory_space<hbm>>) dst(%arg16 : memref<128x256xf32, #tpu.memory_space<vmem>>)
    %dma_start3A_198 = arith.constant 0 : i32
    %dma_start3A_199 = tpu.memref_slice %arg11[%add3A_10, %dma_start3A_198] : memref<8192x256xf32, #tpu.memory_space<hbm>> -> memref<128x256xf32, #tpu.memory_space<hbm>>
    %dma_start3A_200 = arith.constant 0 : i32
    %dma_start3A_201 = tpu.memref_slice %arg11[%add3A_10, %dma_start3A_200] : memref<8192x256xf32, #tpu.memory_space<hbm>> -> memref<128x256xf32, #tpu.memory_space<hbm>>
    tpu.enqueue_dma source(%arg16 : memref<128x256xf32, #tpu.memory_space<vmem>>) target(%dma_start3A_201 : memref<128x256xf32, #tpu.memory_space<hbm>>) target_semaphore(%arg24 : memref<!tpu.dma_semaphore, #tpu.memory_space<semaphore_mem>>)
    %dma_wait3A_202 = arith.constant 1 : i32
    %dma_wait3A_203 = arith.constant 0 : i32
    %dma_wait3A_204 = tpu.memref_slice %arg12[%dma_wait3A_202, %dma_wait3A_203] : memref<2x128xi32, #tpu.memory_space<vmem>> -> memref<1x128xi32, #tpu.memory_space<vmem>>
    %dma_wait3A_205 = tpu.memref_squeeze %dma_wait3A_204 : memref<1x128xi32, #tpu.memory_space<vmem>> -> memref<128xi32, #tpu.memory_space<vmem>>
    %dma_wait3A_206 = arith.constant 0 : i32
    %dma_wait3A_207 = arith.constant 0 : i32
    %dma_wait3A_208 = tpu.memref_slice %arg2[%dma_wait3A_206, %dma_wait3A_207] : memref<50000x128xf32, #tpu.memory_space<hbm>> -> memref<50000x128xf32, #tpu.memory_space<hbm>>
    tpu.wait_indirect_dma semaphore(%arg18 : memref<!tpu.dma_semaphore, #tpu.memory_space<semaphore_mem>>) src(%dma_wait3A_208 : memref<50000x128xf32, #tpu.memory_space<hbm>>) dst(%arg14 : memref<128x128xf32, #tpu.memory_space<vmem>>)
    %add3A_209 = arith.constant 128 : i32
    %add3A_210 = arith.addi %mul3A_2, %add3A_209 : i32
    %dma_start3A_211 = arith.constant 0 : i32
    %dma_start3A_212 = tpu.memref_slice %arg7[%add3A_210, %dma_start3A_211] : memref<8192x128xf32, #tpu.memory_space<hbm>> -> memref<128x128xf32, #tpu.memory_space<hbm>>
    %dma_start3A_213 = arith.constant 0 : i32
    %dma_start3A_214 = tpu.memref_slice %arg7[%add3A_210, %dma_start3A_213] : memref<8192x128xf32, #tpu.memory_space<hbm>> -> memref<128x128xf32, #tpu.memory_space<hbm>>
    tpu.enqueue_dma source(%arg14 : memref<128x128xf32, #tpu.memory_space<vmem>>) target(%dma_start3A_214 : memref<128x128xf32, #tpu.memory_space<hbm>>) target_semaphore(%arg19 : memref<!tpu.dma_semaphore, #tpu.memory_space<semaphore_mem>>)
    %dma_wait3A_215 = arith.constant 0 : i32
    %dma_wait3A_216 = tpu.memref_slice %arg9[%add3A_10, %dma_wait3A_215] : memref<8192x256xf32, #tpu.memory_space<hbm>> -> memref<128x256xf32, #tpu.memory_space<hbm>>
    %dma_wait3A_217 = arith.constant 0 : i32
    %dma_wait3A_218 = tpu.memref_slice %arg9[%add3A_10, %dma_wait3A_217] : memref<8192x256xf32, #tpu.memory_space<hbm>> -> memref<128x256xf32, #tpu.memory_space<hbm>>
    tpu.wait_dma2 semaphore(%arg25 : memref<!tpu.dma_semaphore, #tpu.memory_space<semaphore_mem>>) src(%arg17 : memref<128x256xf32, #tpu.memory_space<vmem>>) dst(%dma_wait3A_218 : memref<128x256xf32, #tpu.memory_space<hbm>>)
    %dma_wait3A_219 = arith.constant 0 : i32
    %dma_wait3A_220 = tpu.memref_slice %arg10[%add3A_10, %dma_wait3A_219] : memref<8192x256xf32, #tpu.memory_space<hbm>> -> memref<128x256xf32, #tpu.memory_space<hbm>>
    %dma_wait3A_221 = arith.constant 0 : i32
    %dma_wait3A_222 = tpu.memref_slice %arg10[%add3A_10, %dma_wait3A_221] : memref<8192x256xf32, #tpu.memory_space<hbm>> -> memref<128x256xf32, #tpu.memory_space<hbm>>
    tpu.wait_dma2 semaphore(%arg23 : memref<!tpu.dma_semaphore, #tpu.memory_space<semaphore_mem>>) src(%arg15 : memref<128x256xf32, #tpu.memory_space<vmem>>) dst(%dma_wait3A_222 : memref<128x256xf32, #tpu.memory_space<hbm>>)
    %dma_wait3A_223 = arith.constant 0 : i32
    %dma_wait3A_224 = tpu.memref_slice %arg11[%add3A_10, %dma_wait3A_223] : memref<8192x256xf32, #tpu.memory_space<hbm>> -> memref<128x256xf32, #tpu.memory_space<hbm>>
    %dma_wait3A_225 = arith.constant 0 : i32
    %dma_wait3A_226 = tpu.memref_slice %arg11[%add3A_10, %dma_wait3A_225] : memref<8192x256xf32, #tpu.memory_space<hbm>> -> memref<128x256xf32, #tpu.memory_space<hbm>>
    tpu.wait_dma2 semaphore(%arg24 : memref<!tpu.dma_semaphore, #tpu.memory_space<semaphore_mem>>) src(%arg16 : memref<128x256xf32, #tpu.memory_space<vmem>>) dst(%dma_wait3A_226 : memref<128x256xf32, #tpu.memory_space<hbm>>)
    %dma_wait3A_227 = arith.constant 0 : i32
    %dma_wait3A_228 = tpu.memref_slice %arg7[%add3A_210, %dma_wait3A_227] : memref<8192x128xf32, #tpu.memory_space<hbm>> -> memref<128x128xf32, #tpu.memory_space<hbm>>
    %dma_wait3A_229 = arith.constant 0 : i32
    %dma_wait3A_230 = tpu.memref_slice %arg7[%add3A_210, %dma_wait3A_229] : memref<8192x128xf32, #tpu.memory_space<hbm>> -> memref<128x128xf32, #tpu.memory_space<hbm>>
    tpu.wait_dma2 semaphore(%arg19 : memref<!tpu.dma_semaphore, #tpu.memory_space<semaphore_mem>>) src(%arg14 : memref<128x128xf32, #tpu.memory_space<vmem>>) dst(%dma_wait3A_230 : memref<128x128xf32, #tpu.memory_space<hbm>>)
    return
  }
}

#map = affine_map<(d0, d1) -> (0, 0)>
module attributes {stable_mosaic.version = 14 : i64} {
  func.func @new_body(%arg0: i32, %arg1: i32, %arg2: memref<8192x128xf32, #tpu.memory_space<hbm>>, %arg3: memref<8192x256xf32, #tpu.memory_space<hbm>>, %arg4: memref<8192x256xf32, #tpu.memory_space<hbm>>, %arg5: memref<8192x512xf32, #tpu.memory_space<hbm>>, %arg6: memref<128x64xi32, #tpu.memory_space<hbm>>, %arg7: memref<128x64xi32, #tpu.memory_space<hbm>>, %arg8: memref<50000x128xf32, #tpu.memory_space<hbm>>, %arg9: memref<50000x256xf32, #tpu.memory_space<hbm>>, %arg10: memref<50000x256xf32, #tpu.memory_space<hbm>>, %arg11: memref<50000x512xf32, #tpu.memory_space<hbm>>, %arg12: memref<50000x128xf32, #tpu.memory_space<hbm>>, %arg13: memref<50000x256xf32, #tpu.memory_space<hbm>>, %arg14: memref<50000x256xf32, #tpu.memory_space<hbm>>, %arg15: memref<50000x512xf32, #tpu.memory_space<hbm>>, %arg16: memref<4x64xi32, #tpu.memory_space<vmem>>, %arg17: memref<4x64xi32, #tpu.memory_space<vmem>>, %arg18: memref<64x128xf32, #tpu.memory_space<vmem>>, %arg19: memref<64x256xf32, #tpu.memory_space<vmem>>, %arg20: memref<64x256xf32, #tpu.memory_space<vmem>>, %arg21: memref<64x512xf32, #tpu.memory_space<vmem>>, %arg22: memref<64x512xf32, #tpu.memory_space<vmem>>, %arg23: memref<!tpu.dma_semaphore, #tpu.memory_space<semaphore_mem>>, %arg24: memref<!tpu.dma_semaphore, #tpu.memory_space<semaphore_mem>>, %arg25: memref<!tpu.dma_semaphore, #tpu.memory_space<semaphore_mem>>, %arg26: memref<!tpu.dma_semaphore, #tpu.memory_space<semaphore_mem>>, %arg27: memref<!tpu.dma_semaphore, #tpu.memory_space<semaphore_mem>>, %arg28: memref<!tpu.dma_semaphore, #tpu.memory_space<semaphore_mem>>, %arg29: memref<!tpu.dma_semaphore, #tpu.memory_space<semaphore_mem>>, %arg30: memref<!tpu.dma_semaphore, #tpu.memory_space<semaphore_mem>>, %arg31: memref<!tpu.dma_semaphore, #tpu.memory_space<semaphore_mem>>, %arg32: memref<!tpu.dma_semaphore, #tpu.memory_space<semaphore_mem>>) attributes {dimension_semantics = [#tpu.dimension_semantics<core_parallel>, #tpu.dimension_semantics<subcore_parallel>], iteration_bounds = array<i64: 2, 16>, scalar_prefetch = 0 : i64, scratch_operands = 17 : i64, tpu.core_type = #tpu.core_type<sc_vector_subcore>, window_params = [{transform_indices = #map}, {transform_indices = #map}, {transform_indices = #map}, {transform_indices = #map}, {transform_indices = #map}, {transform_indices = #map}, {transform_indices = #map}, {transform_indices = #map}, {transform_indices = #map}, {transform_indices = #map}, {transform_indices = #map}, {transform_indices = #map}, {transform_indices = #map}, {transform_indices = #map}]} {
    %mul3A = arith.constant 2 : i32
    %mul3A_0 = arith.muli %arg1, %mul3A : i32
    %add3A = arith.addi %mul3A_0, %arg0 : i32
    %mul3A_1 = arith.constant 4 : i32
    %mul3A_2 = arith.muli %add3A, %mul3A_1 : i32
    "tpu.region"() ({
      %run_scoped3A = tpu.sem_alloc : memref<!tpu.dma_semaphore, #tpu.memory_space<semaphore_mem>>
      %dma_start3A_451 = arith.constant 0 : i32
      %dma_start3A_452 = tpu.memref_slice %arg6[%mul3A_2, %dma_start3A_451] : memref<128x64xi32, #tpu.memory_space<hbm>> -> memref<4x64xi32, #tpu.memory_space<hbm>>
      %dma_start3A_453 = arith.constant 0 : i32
      %dma_start3A_454 = tpu.memref_slice %arg6[%mul3A_2, %dma_start3A_453] : memref<128x64xi32, #tpu.memory_space<hbm>> -> memref<4x64xi32, #tpu.memory_space<hbm>>
      tpu.enqueue_dma source(%dma_start3A_454 : memref<4x64xi32, #tpu.memory_space<hbm>>) target(%arg16 : memref<4x64xi32, #tpu.memory_space<vmem>>) target_semaphore(%run_scoped3A : memref<!tpu.dma_semaphore, #tpu.memory_space<semaphore_mem>>)
      %dma_wait3A_455 = arith.constant 0 : i32
      %dma_wait3A_456 = tpu.memref_slice %arg6[%mul3A_2, %dma_wait3A_455] : memref<128x64xi32, #tpu.memory_space<hbm>> -> memref<4x64xi32, #tpu.memory_space<hbm>>
      %dma_wait3A_457 = arith.constant 0 : i32
      %dma_wait3A_458 = tpu.memref_slice %arg6[%mul3A_2, %dma_wait3A_457] : memref<128x64xi32, #tpu.memory_space<hbm>> -> memref<4x64xi32, #tpu.memory_space<hbm>>
      tpu.wait_dma2 semaphore(%run_scoped3A : memref<!tpu.dma_semaphore, #tpu.memory_space<semaphore_mem>>) src(%dma_wait3A_458 : memref<4x64xi32, #tpu.memory_space<hbm>>) dst(%arg16 : memref<4x64xi32, #tpu.memory_space<vmem>>)
      tpu.yield
    }) : () -> ()
    %mul3A_3 = arith.constant 4 : i32
    %mul3A_4 = arith.muli %add3A, %mul3A_3 : i32
    "tpu.region"() ({
      %run_scoped3A = tpu.sem_alloc : memref<!tpu.dma_semaphore, #tpu.memory_space<semaphore_mem>>
      %dma_start3A_451 = arith.constant 0 : i32
      %dma_start3A_452 = tpu.memref_slice %arg7[%mul3A_4, %dma_start3A_451] : memref<128x64xi32, #tpu.memory_space<hbm>> -> memref<4x64xi32, #tpu.memory_space<hbm>>
      %dma_start3A_453 = arith.constant 0 : i32
      %dma_start3A_454 = tpu.memref_slice %arg7[%mul3A_4, %dma_start3A_453] : memref<128x64xi32, #tpu.memory_space<hbm>> -> memref<4x64xi32, #tpu.memory_space<hbm>>
      tpu.enqueue_dma source(%dma_start3A_454 : memref<4x64xi32, #tpu.memory_space<hbm>>) target(%arg17 : memref<4x64xi32, #tpu.memory_space<vmem>>) target_semaphore(%run_scoped3A : memref<!tpu.dma_semaphore, #tpu.memory_space<semaphore_mem>>)
      %dma_wait3A_455 = arith.constant 0 : i32
      %dma_wait3A_456 = tpu.memref_slice %arg7[%mul3A_4, %dma_wait3A_455] : memref<128x64xi32, #tpu.memory_space<hbm>> -> memref<4x64xi32, #tpu.memory_space<hbm>>
      %dma_wait3A_457 = arith.constant 0 : i32
      %dma_wait3A_458 = tpu.memref_slice %arg7[%mul3A_4, %dma_wait3A_457] : memref<128x64xi32, #tpu.memory_space<hbm>> -> memref<4x64xi32, #tpu.memory_space<hbm>>
      tpu.wait_dma2 semaphore(%run_scoped3A : memref<!tpu.dma_semaphore, #tpu.memory_space<semaphore_mem>>) src(%dma_wait3A_458 : memref<4x64xi32, #tpu.memory_space<hbm>>) dst(%arg17 : memref<4x64xi32, #tpu.memory_space<vmem>>)
      tpu.yield
    }) : () -> ()
    %dma_start3A = arith.constant 0 : i32
    %dma_start3A_5 = arith.constant 0 : i32
    %dma_start3A_6 = tpu.memref_slice %arg17[%dma_start3A, %dma_start3A_5] : memref<4x64xi32, #tpu.memory_space<vmem>> -> memref<1x64xi32, #tpu.memory_space<vmem>>
    %dma_start3A_7 = tpu.memref_squeeze %dma_start3A_6 : memref<1x64xi32, #tpu.memory_space<vmem>> -> memref<64xi32, #tpu.memory_space<vmem>>
    %dma_start3A_8 = arith.constant 0 : i32
    %dma_start3A_9 = arith.constant 0 : i32
    %dma_start3A_10 = tpu.memref_slice %arg2[%dma_start3A_8, %dma_start3A_9] : memref<8192x128xf32, #tpu.memory_space<hbm>> -> memref<8192x128xf32, #tpu.memory_space<hbm>>
    tpu.enqueue_indirect_dma source(%dma_start3A_10 : memref<8192x128xf32, #tpu.memory_space<hbm>>) target(%arg18 : memref<64x128xf32, #tpu.memory_space<vmem>>) offsets(%dma_start3A_7 : memref<64xi32, #tpu.memory_space<vmem>>) semaphore(%arg28 : memref<!tpu.dma_semaphore, #tpu.memory_space<semaphore_mem>>)
    %dma_start3A_11 = arith.constant 0 : i32
    %dma_start3A_12 = arith.constant 0 : i32
    %dma_start3A_13 = tpu.memref_slice %arg17[%dma_start3A_11, %dma_start3A_12] : memref<4x64xi32, #tpu.memory_space<vmem>> -> memref<1x64xi32, #tpu.memory_space<vmem>>
    %dma_start3A_14 = tpu.memref_squeeze %dma_start3A_13 : memref<1x64xi32, #tpu.memory_space<vmem>> -> memref<64xi32, #tpu.memory_space<vmem>>
    %dma_start3A_15 = arith.constant 0 : i32
    %dma_start3A_16 = arith.constant 0 : i32
    %dma_start3A_17 = tpu.memref_slice %arg3[%dma_start3A_15, %dma_start3A_16] : memref<8192x256xf32, #tpu.memory_space<hbm>> -> memref<8192x256xf32, #tpu.memory_space<hbm>>
    tpu.enqueue_indirect_dma source(%dma_start3A_17 : memref<8192x256xf32, #tpu.memory_space<hbm>>) target(%arg19 : memref<64x256xf32, #tpu.memory_space<vmem>>) offsets(%dma_start3A_14 : memref<64xi32, #tpu.memory_space<vmem>>) semaphore(%arg29 : memref<!tpu.dma_semaphore, #tpu.memory_space<semaphore_mem>>)
    %dma_start3A_18 = arith.constant 0 : i32
    %dma_start3A_19 = arith.constant 0 : i32
    %dma_start3A_20 = tpu.memref_slice %arg17[%dma_start3A_18, %dma_start3A_19] : memref<4x64xi32, #tpu.memory_space<vmem>> -> memref<1x64xi32, #tpu.memory_space<vmem>>
    %dma_start3A_21 = tpu.memref_squeeze %dma_start3A_20 : memref<1x64xi32, #tpu.memory_space<vmem>> -> memref<64xi32, #tpu.memory_space<vmem>>
    %dma_start3A_22 = arith.constant 0 : i32
    %dma_start3A_23 = arith.constant 0 : i32
    %dma_start3A_24 = tpu.memref_slice %arg4[%dma_start3A_22, %dma_start3A_23] : memref<8192x256xf32, #tpu.memory_space<hbm>> -> memref<8192x256xf32, #tpu.memory_space<hbm>>
    tpu.enqueue_indirect_dma source(%dma_start3A_24 : memref<8192x256xf32, #tpu.memory_space<hbm>>) target(%arg20 : memref<64x256xf32, #tpu.memory_space<vmem>>) offsets(%dma_start3A_21 : memref<64xi32, #tpu.memory_space<vmem>>) semaphore(%arg30 : memref<!tpu.dma_semaphore, #tpu.memory_space<semaphore_mem>>)
    %dma_start3A_25 = arith.constant 0 : i32
    %dma_start3A_26 = arith.constant 0 : i32
    %dma_start3A_27 = tpu.memref_slice %arg17[%dma_start3A_25, %dma_start3A_26] : memref<4x64xi32, #tpu.memory_space<vmem>> -> memref<1x64xi32, #tpu.memory_space<vmem>>
    %dma_start3A_28 = tpu.memref_squeeze %dma_start3A_27 : memref<1x64xi32, #tpu.memory_space<vmem>> -> memref<64xi32, #tpu.memory_space<vmem>>
    %dma_start3A_29 = arith.constant 0 : i32
    %dma_start3A_30 = arith.constant 0 : i32
    %dma_start3A_31 = tpu.memref_slice %arg5[%dma_start3A_29, %dma_start3A_30] : memref<8192x512xf32, #tpu.memory_space<hbm>> -> memref<8192x512xf32, #tpu.memory_space<hbm>>
    tpu.enqueue_indirect_dma source(%dma_start3A_31 : memref<8192x512xf32, #tpu.memory_space<hbm>>) target(%arg21 : memref<64x512xf32, #tpu.memory_space<vmem>>) offsets(%dma_start3A_28 : memref<64xi32, #tpu.memory_space<vmem>>) semaphore(%arg31 : memref<!tpu.dma_semaphore, #tpu.memory_space<semaphore_mem>>)
    %dma_wait3A = arith.constant 0 : i32
    %dma_wait3A_32 = arith.constant 0 : i32
    %dma_wait3A_33 = tpu.memref_slice %arg17[%dma_wait3A, %dma_wait3A_32] : memref<4x64xi32, #tpu.memory_space<vmem>> -> memref<1x64xi32, #tpu.memory_space<vmem>>
    %dma_wait3A_34 = tpu.memref_squeeze %dma_wait3A_33 : memref<1x64xi32, #tpu.memory_space<vmem>> -> memref<64xi32, #tpu.memory_space<vmem>>
    %dma_wait3A_35 = arith.constant 0 : i32
    %dma_wait3A_36 = arith.constant 0 : i32
    %dma_wait3A_37 = tpu.memref_slice %arg2[%dma_wait3A_35, %dma_wait3A_36] : memref<8192x128xf32, #tpu.memory_space<hbm>> -> memref<8192x128xf32, #tpu.memory_space<hbm>>
    tpu.wait_indirect_dma semaphore(%arg28 : memref<!tpu.dma_semaphore, #tpu.memory_space<semaphore_mem>>) src(%dma_wait3A_37 : memref<8192x128xf32, #tpu.memory_space<hbm>>) dst(%arg18 : memref<64x128xf32, #tpu.memory_space<vmem>>)
    %dma_start3A_38 = arith.constant 0 : i32
    %dma_start3A_39 = arith.constant 0 : i32
    %dma_start3A_40 = tpu.memref_slice %arg16[%dma_start3A_38, %dma_start3A_39] : memref<4x64xi32, #tpu.memory_space<vmem>> -> memref<1x64xi32, #tpu.memory_space<vmem>>
    %dma_start3A_41 = tpu.memref_squeeze %dma_start3A_40 : memref<1x64xi32, #tpu.memory_space<vmem>> -> memref<64xi32, #tpu.memory_space<vmem>>
    %dma_start3A_42 = arith.constant 0 : i32
    %dma_start3A_43 = arith.constant 0 : i32
    %dma_start3A_44 = tpu.memref_slice %arg8[%dma_start3A_42, %dma_start3A_43] : memref<50000x128xf32, #tpu.memory_space<hbm>> -> memref<50000x128xf32, #tpu.memory_space<hbm>>
    tpu.enqueue_indirect_dma source(%arg18 : memref<64x128xf32, #tpu.memory_space<vmem>>) target(%dma_start3A_44 : memref<50000x128xf32, #tpu.memory_space<hbm>>) offsets(%dma_start3A_41 : memref<64xi32, #tpu.memory_space<vmem>>) semaphore(%arg23 : memref<!tpu.dma_semaphore, #tpu.memory_space<semaphore_mem>>)
    %dma_wait3A_45 = arith.constant 0 : i32
    %dma_wait3A_46 = arith.constant 0 : i32
    %dma_wait3A_47 = tpu.memref_slice %arg17[%dma_wait3A_45, %dma_wait3A_46] : memref<4x64xi32, #tpu.memory_space<vmem>> -> memref<1x64xi32, #tpu.memory_space<vmem>>
    %dma_wait3A_48 = tpu.memref_squeeze %dma_wait3A_47 : memref<1x64xi32, #tpu.memory_space<vmem>> -> memref<64xi32, #tpu.memory_space<vmem>>
    %dma_wait3A_49 = arith.constant 0 : i32
    %dma_wait3A_50 = arith.constant 0 : i32
    %dma_wait3A_51 = tpu.memref_slice %arg3[%dma_wait3A_49, %dma_wait3A_50] : memref<8192x256xf32, #tpu.memory_space<hbm>> -> memref<8192x256xf32, #tpu.memory_space<hbm>>
    tpu.wait_indirect_dma semaphore(%arg29 : memref<!tpu.dma_semaphore, #tpu.memory_space<semaphore_mem>>) src(%dma_wait3A_51 : memref<8192x256xf32, #tpu.memory_space<hbm>>) dst(%arg19 : memref<64x256xf32, #tpu.memory_space<vmem>>)
    %dma_start3A_52 = arith.constant 0 : i32
    %dma_start3A_53 = arith.constant 0 : i32
    %dma_start3A_54 = tpu.memref_slice %arg16[%dma_start3A_52, %dma_start3A_53] : memref<4x64xi32, #tpu.memory_space<vmem>> -> memref<1x64xi32, #tpu.memory_space<vmem>>
    %dma_start3A_55 = tpu.memref_squeeze %dma_start3A_54 : memref<1x64xi32, #tpu.memory_space<vmem>> -> memref<64xi32, #tpu.memory_space<vmem>>
    %dma_start3A_56 = arith.constant 0 : i32
    %dma_start3A_57 = arith.constant 0 : i32
    %dma_start3A_58 = tpu.memref_slice %arg9[%dma_start3A_56, %dma_start3A_57] : memref<50000x256xf32, #tpu.memory_space<hbm>> -> memref<50000x256xf32, #tpu.memory_space<hbm>>
    tpu.enqueue_indirect_dma source(%arg19 : memref<64x256xf32, #tpu.memory_space<vmem>>) target(%dma_start3A_58 : memref<50000x256xf32, #tpu.memory_space<hbm>>) offsets(%dma_start3A_55 : memref<64xi32, #tpu.memory_space<vmem>>) semaphore(%arg24 : memref<!tpu.dma_semaphore, #tpu.memory_space<semaphore_mem>>)
    %dma_wait3A_59 = arith.constant 0 : i32
    %dma_wait3A_60 = arith.constant 0 : i32
    %dma_wait3A_61 = tpu.memref_slice %arg17[%dma_wait3A_59, %dma_wait3A_60] : memref<4x64xi32, #tpu.memory_space<vmem>> -> memref<1x64xi32, #tpu.memory_space<vmem>>
    %dma_wait3A_62 = tpu.memref_squeeze %dma_wait3A_61 : memref<1x64xi32, #tpu.memory_space<vmem>> -> memref<64xi32, #tpu.memory_space<vmem>>
    %dma_wait3A_63 = arith.constant 0 : i32
    %dma_wait3A_64 = arith.constant 0 : i32
    %dma_wait3A_65 = tpu.memref_slice %arg4[%dma_wait3A_63, %dma_wait3A_64] : memref<8192x256xf32, #tpu.memory_space<hbm>> -> memref<8192x256xf32, #tpu.memory_space<hbm>>
    tpu.wait_indirect_dma semaphore(%arg30 : memref<!tpu.dma_semaphore, #tpu.memory_space<semaphore_mem>>) src(%dma_wait3A_65 : memref<8192x256xf32, #tpu.memory_space<hbm>>) dst(%arg20 : memref<64x256xf32, #tpu.memory_space<vmem>>)
    %dma_start3A_66 = arith.constant 0 : i32
    %dma_start3A_67 = arith.constant 0 : i32
    %dma_start3A_68 = tpu.memref_slice %arg16[%dma_start3A_66, %dma_start3A_67] : memref<4x64xi32, #tpu.memory_space<vmem>> -> memref<1x64xi32, #tpu.memory_space<vmem>>
    %dma_start3A_69 = tpu.memref_squeeze %dma_start3A_68 : memref<1x64xi32, #tpu.memory_space<vmem>> -> memref<64xi32, #tpu.memory_space<vmem>>
    %dma_start3A_70 = arith.constant 0 : i32
    %dma_start3A_71 = arith.constant 0 : i32
    %dma_start3A_72 = tpu.memref_slice %arg10[%dma_start3A_70, %dma_start3A_71] : memref<50000x256xf32, #tpu.memory_space<hbm>> -> memref<50000x256xf32, #tpu.memory_space<hbm>>
    tpu.enqueue_indirect_dma source(%arg20 : memref<64x256xf32, #tpu.memory_space<vmem>>) target(%dma_start3A_72 : memref<50000x256xf32, #tpu.memory_space<hbm>>) offsets(%dma_start3A_69 : memref<64xi32, #tpu.memory_space<vmem>>) semaphore(%arg25 : memref<!tpu.dma_semaphore, #tpu.memory_space<semaphore_mem>>)
    %dma_wait3A_73 = arith.constant 0 : i32
    %dma_wait3A_74 = arith.constant 0 : i32
    %dma_wait3A_75 = tpu.memref_slice %arg17[%dma_wait3A_73, %dma_wait3A_74] : memref<4x64xi32, #tpu.memory_space<vmem>> -> memref<1x64xi32, #tpu.memory_space<vmem>>
    %dma_wait3A_76 = tpu.memref_squeeze %dma_wait3A_75 : memref<1x64xi32, #tpu.memory_space<vmem>> -> memref<64xi32, #tpu.memory_space<vmem>>
    %dma_wait3A_77 = arith.constant 0 : i32
    %dma_wait3A_78 = arith.constant 0 : i32
    %dma_wait3A_79 = tpu.memref_slice %arg5[%dma_wait3A_77, %dma_wait3A_78] : memref<8192x512xf32, #tpu.memory_space<hbm>> -> memref<8192x512xf32, #tpu.memory_space<hbm>>
    tpu.wait_indirect_dma semaphore(%arg31 : memref<!tpu.dma_semaphore, #tpu.memory_space<semaphore_mem>>) src(%dma_wait3A_79 : memref<8192x512xf32, #tpu.memory_space<hbm>>) dst(%arg21 : memref<64x512xf32, #tpu.memory_space<vmem>>)
    %dma_start3A_80 = arith.constant 0 : i32
    %dma_start3A_81 = arith.constant 0 : i32
    %dma_start3A_82 = tpu.memref_slice %arg16[%dma_start3A_80, %dma_start3A_81] : memref<4x64xi32, #tpu.memory_space<vmem>> -> memref<1x64xi32, #tpu.memory_space<vmem>>
    %dma_start3A_83 = tpu.memref_squeeze %dma_start3A_82 : memref<1x64xi32, #tpu.memory_space<vmem>> -> memref<64xi32, #tpu.memory_space<vmem>>
    %dma_start3A_84 = arith.constant 0 : i32
    %dma_start3A_85 = arith.constant 0 : i32
    %dma_start3A_86 = tpu.memref_slice %arg11[%dma_start3A_84, %dma_start3A_85] : memref<50000x512xf32, #tpu.memory_space<hbm>> -> memref<50000x512xf32, #tpu.memory_space<hbm>>
    tpu.enqueue_indirect_dma source(%arg21 : memref<64x512xf32, #tpu.memory_space<vmem>>) target(%dma_start3A_86 : memref<50000x512xf32, #tpu.memory_space<hbm>>) offsets(%dma_start3A_83 : memref<64xi32, #tpu.memory_space<vmem>>) semaphore(%arg26 : memref<!tpu.dma_semaphore, #tpu.memory_space<semaphore_mem>>)
    %dma_wait3A_87 = arith.constant 0 : i32
    %dma_wait3A_88 = arith.constant 0 : i32
    %dma_wait3A_89 = tpu.memref_slice %arg16[%dma_wait3A_87, %dma_wait3A_88] : memref<4x64xi32, #tpu.memory_space<vmem>> -> memref<1x64xi32, #tpu.memory_space<vmem>>
    %dma_wait3A_90 = tpu.memref_squeeze %dma_wait3A_89 : memref<1x64xi32, #tpu.memory_space<vmem>> -> memref<64xi32, #tpu.memory_space<vmem>>
    %dma_wait3A_91 = arith.constant 0 : i32
    %dma_wait3A_92 = arith.constant 0 : i32
    %dma_wait3A_93 = tpu.memref_slice %arg8[%dma_wait3A_91, %dma_wait3A_92] : memref<50000x128xf32, #tpu.memory_space<hbm>> -> memref<50000x128xf32, #tpu.memory_space<hbm>>
    tpu.wait_indirect_dma semaphore(%arg23 : memref<!tpu.dma_semaphore, #tpu.memory_space<semaphore_mem>>) src(%arg18 : memref<64x128xf32, #tpu.memory_space<vmem>>) dst(%dma_wait3A_93 : memref<50000x128xf32, #tpu.memory_space<hbm>>)
    %dma_start3A_94 = arith.constant 1 : i32
    %dma_start3A_95 = arith.constant 0 : i32
    %dma_start3A_96 = tpu.memref_slice %arg17[%dma_start3A_94, %dma_start3A_95] : memref<4x64xi32, #tpu.memory_space<vmem>> -> memref<1x64xi32, #tpu.memory_space<vmem>>
    %dma_start3A_97 = tpu.memref_squeeze %dma_start3A_96 : memref<1x64xi32, #tpu.memory_space<vmem>> -> memref<64xi32, #tpu.memory_space<vmem>>
    %dma_start3A_98 = arith.constant 0 : i32
    %dma_start3A_99 = arith.constant 0 : i32
    %dma_start3A_100 = tpu.memref_slice %arg2[%dma_start3A_98, %dma_start3A_99] : memref<8192x128xf32, #tpu.memory_space<hbm>> -> memref<8192x128xf32, #tpu.memory_space<hbm>>
    tpu.enqueue_indirect_dma source(%dma_start3A_100 : memref<8192x128xf32, #tpu.memory_space<hbm>>) target(%arg18 : memref<64x128xf32, #tpu.memory_space<vmem>>) offsets(%dma_start3A_97 : memref<64xi32, #tpu.memory_space<vmem>>) semaphore(%arg28 : memref<!tpu.dma_semaphore, #tpu.memory_space<semaphore_mem>>)
    %dma_wait3A_101 = arith.constant 0 : i32
    %dma_wait3A_102 = arith.constant 0 : i32
    %dma_wait3A_103 = tpu.memref_slice %arg16[%dma_wait3A_101, %dma_wait3A_102] : memref<4x64xi32, #tpu.memory_space<vmem>> -> memref<1x64xi32, #tpu.memory_space<vmem>>
    %dma_wait3A_104 = tpu.memref_squeeze %dma_wait3A_103 : memref<1x64xi32, #tpu.memory_space<vmem>> -> memref<64xi32, #tpu.memory_space<vmem>>
    %dma_wait3A_105 = arith.constant 0 : i32
    %dma_wait3A_106 = arith.constant 0 : i32
    %dma_wait3A_107 = tpu.memref_slice %arg9[%dma_wait3A_105, %dma_wait3A_106] : memref<50000x256xf32, #tpu.memory_space<hbm>> -> memref<50000x256xf32, #tpu.memory_space<hbm>>
    tpu.wait_indirect_dma semaphore(%arg24 : memref<!tpu.dma_semaphore, #tpu.memory_space<semaphore_mem>>) src(%arg19 : memref<64x256xf32, #tpu.memory_space<vmem>>) dst(%dma_wait3A_107 : memref<50000x256xf32, #tpu.memory_space<hbm>>)
    %dma_start3A_108 = arith.constant 1 : i32
    %dma_start3A_109 = arith.constant 0 : i32
    %dma_start3A_110 = tpu.memref_slice %arg17[%dma_start3A_108, %dma_start3A_109] : memref<4x64xi32, #tpu.memory_space<vmem>> -> memref<1x64xi32, #tpu.memory_space<vmem>>
    %dma_start3A_111 = tpu.memref_squeeze %dma_start3A_110 : memref<1x64xi32, #tpu.memory_space<vmem>> -> memref<64xi32, #tpu.memory_space<vmem>>
    %dma_start3A_112 = arith.constant 0 : i32
    %dma_start3A_113 = arith.constant 0 : i32
    %dma_start3A_114 = tpu.memref_slice %arg3[%dma_start3A_112, %dma_start3A_113] : memref<8192x256xf32, #tpu.memory_space<hbm>> -> memref<8192x256xf32, #tpu.memory_space<hbm>>
    tpu.enqueue_indirect_dma source(%dma_start3A_114 : memref<8192x256xf32, #tpu.memory_space<hbm>>) target(%arg19 : memref<64x256xf32, #tpu.memory_space<vmem>>) offsets(%dma_start3A_111 : memref<64xi32, #tpu.memory_space<vmem>>) semaphore(%arg29 : memref<!tpu.dma_semaphore, #tpu.memory_space<semaphore_mem>>)
    %dma_wait3A_115 = arith.constant 0 : i32
    %dma_wait3A_116 = arith.constant 0 : i32
    %dma_wait3A_117 = tpu.memref_slice %arg16[%dma_wait3A_115, %dma_wait3A_116] : memref<4x64xi32, #tpu.memory_space<vmem>> -> memref<1x64xi32, #tpu.memory_space<vmem>>
    %dma_wait3A_118 = tpu.memref_squeeze %dma_wait3A_117 : memref<1x64xi32, #tpu.memory_space<vmem>> -> memref<64xi32, #tpu.memory_space<vmem>>
    %dma_wait3A_119 = arith.constant 0 : i32
    %dma_wait3A_120 = arith.constant 0 : i32
    %dma_wait3A_121 = tpu.memref_slice %arg10[%dma_wait3A_119, %dma_wait3A_120] : memref<50000x256xf32, #tpu.memory_space<hbm>> -> memref<50000x256xf32, #tpu.memory_space<hbm>>
    tpu.wait_indirect_dma semaphore(%arg25 : memref<!tpu.dma_semaphore, #tpu.memory_space<semaphore_mem>>) src(%arg20 : memref<64x256xf32, #tpu.memory_space<vmem>>) dst(%dma_wait3A_121 : memref<50000x256xf32, #tpu.memory_space<hbm>>)
    %dma_start3A_122 = arith.constant 1 : i32
    %dma_start3A_123 = arith.constant 0 : i32
    %dma_start3A_124 = tpu.memref_slice %arg17[%dma_start3A_122, %dma_start3A_123] : memref<4x64xi32, #tpu.memory_space<vmem>> -> memref<1x64xi32, #tpu.memory_space<vmem>>
    %dma_start3A_125 = tpu.memref_squeeze %dma_start3A_124 : memref<1x64xi32, #tpu.memory_space<vmem>> -> memref<64xi32, #tpu.memory_space<vmem>>
    %dma_start3A_126 = arith.constant 0 : i32
    %dma_start3A_127 = arith.constant 0 : i32
    %dma_start3A_128 = tpu.memref_slice %arg4[%dma_start3A_126, %dma_start3A_127] : memref<8192x256xf32, #tpu.memory_space<hbm>> -> memref<8192x256xf32, #tpu.memory_space<hbm>>
    tpu.enqueue_indirect_dma source(%dma_start3A_128 : memref<8192x256xf32, #tpu.memory_space<hbm>>) target(%arg20 : memref<64x256xf32, #tpu.memory_space<vmem>>) offsets(%dma_start3A_125 : memref<64xi32, #tpu.memory_space<vmem>>) semaphore(%arg30 : memref<!tpu.dma_semaphore, #tpu.memory_space<semaphore_mem>>)
    %dma_start3A_129 = arith.constant 1 : i32
    %dma_start3A_130 = arith.constant 0 : i32
    %dma_start3A_131 = tpu.memref_slice %arg17[%dma_start3A_129, %dma_start3A_130] : memref<4x64xi32, #tpu.memory_space<vmem>> -> memref<1x64xi32, #tpu.memory_space<vmem>>
    %dma_start3A_132 = tpu.memref_squeeze %dma_start3A_131 : memref<1x64xi32, #tpu.memory_space<vmem>> -> memref<64xi32, #tpu.memory_space<vmem>>
    %dma_start3A_133 = arith.constant 0 : i32
    %dma_start3A_134 = arith.constant 0 : i32
    %dma_start3A_135 = tpu.memref_slice %arg5[%dma_start3A_133, %dma_start3A_134] : memref<8192x512xf32, #tpu.memory_space<hbm>> -> memref<8192x512xf32, #tpu.memory_space<hbm>>
    tpu.enqueue_indirect_dma source(%dma_start3A_135 : memref<8192x512xf32, #tpu.memory_space<hbm>>) target(%arg22 : memref<64x512xf32, #tpu.memory_space<vmem>>) offsets(%dma_start3A_132 : memref<64xi32, #tpu.memory_space<vmem>>) semaphore(%arg32 : memref<!tpu.dma_semaphore, #tpu.memory_space<semaphore_mem>>)
    %dma_wait3A_136 = arith.constant 1 : i32
    %dma_wait3A_137 = arith.constant 0 : i32
    %dma_wait3A_138 = tpu.memref_slice %arg17[%dma_wait3A_136, %dma_wait3A_137] : memref<4x64xi32, #tpu.memory_space<vmem>> -> memref<1x64xi32, #tpu.memory_space<vmem>>
    %dma_wait3A_139 = tpu.memref_squeeze %dma_wait3A_138 : memref<1x64xi32, #tpu.memory_space<vmem>> -> memref<64xi32, #tpu.memory_space<vmem>>
    %dma_wait3A_140 = arith.constant 0 : i32
    %dma_wait3A_141 = arith.constant 0 : i32
    %dma_wait3A_142 = tpu.memref_slice %arg2[%dma_wait3A_140, %dma_wait3A_141] : memref<8192x128xf32, #tpu.memory_space<hbm>> -> memref<8192x128xf32, #tpu.memory_space<hbm>>
    tpu.wait_indirect_dma semaphore(%arg28 : memref<!tpu.dma_semaphore, #tpu.memory_space<semaphore_mem>>) src(%dma_wait3A_142 : memref<8192x128xf32, #tpu.memory_space<hbm>>) dst(%arg18 : memref<64x128xf32, #tpu.memory_space<vmem>>)
    %dma_start3A_143 = arith.constant 1 : i32
    %dma_start3A_144 = arith.constant 0 : i32
    %dma_start3A_145 = tpu.memref_slice %arg16[%dma_start3A_143, %dma_start3A_144] : memref<4x64xi32, #tpu.memory_space<vmem>> -> memref<1x64xi32, #tpu.memory_space<vmem>>
    %dma_start3A_146 = tpu.memref_squeeze %dma_start3A_145 : memref<1x64xi32, #tpu.memory_space<vmem>> -> memref<64xi32, #tpu.memory_space<vmem>>
    %dma_start3A_147 = arith.constant 0 : i32
    %dma_start3A_148 = arith.constant 0 : i32
    %dma_start3A_149 = tpu.memref_slice %arg8[%dma_start3A_147, %dma_start3A_148] : memref<50000x128xf32, #tpu.memory_space<hbm>> -> memref<50000x128xf32, #tpu.memory_space<hbm>>
    tpu.enqueue_indirect_dma source(%arg18 : memref<64x128xf32, #tpu.memory_space<vmem>>) target(%dma_start3A_149 : memref<50000x128xf32, #tpu.memory_space<hbm>>) offsets(%dma_start3A_146 : memref<64xi32, #tpu.memory_space<vmem>>) semaphore(%arg23 : memref<!tpu.dma_semaphore, #tpu.memory_space<semaphore_mem>>)
    %dma_wait3A_150 = arith.constant 1 : i32
    %dma_wait3A_151 = arith.constant 0 : i32
    %dma_wait3A_152 = tpu.memref_slice %arg17[%dma_wait3A_150, %dma_wait3A_151] : memref<4x64xi32, #tpu.memory_space<vmem>> -> memref<1x64xi32, #tpu.memory_space<vmem>>
    %dma_wait3A_153 = tpu.memref_squeeze %dma_wait3A_152 : memref<1x64xi32, #tpu.memory_space<vmem>> -> memref<64xi32, #tpu.memory_space<vmem>>
    %dma_wait3A_154 = arith.constant 0 : i32
    %dma_wait3A_155 = arith.constant 0 : i32
    %dma_wait3A_156 = tpu.memref_slice %arg3[%dma_wait3A_154, %dma_wait3A_155] : memref<8192x256xf32, #tpu.memory_space<hbm>> -> memref<8192x256xf32, #tpu.memory_space<hbm>>
    tpu.wait_indirect_dma semaphore(%arg29 : memref<!tpu.dma_semaphore, #tpu.memory_space<semaphore_mem>>) src(%dma_wait3A_156 : memref<8192x256xf32, #tpu.memory_space<hbm>>) dst(%arg19 : memref<64x256xf32, #tpu.memory_space<vmem>>)
    %dma_start3A_157 = arith.constant 1 : i32
    %dma_start3A_158 = arith.constant 0 : i32
    %dma_start3A_159 = tpu.memref_slice %arg16[%dma_start3A_157, %dma_start3A_158] : memref<4x64xi32, #tpu.memory_space<vmem>> -> memref<1x64xi32, #tpu.memory_space<vmem>>
    %dma_start3A_160 = tpu.memref_squeeze %dma_start3A_159 : memref<1x64xi32, #tpu.memory_space<vmem>> -> memref<64xi32, #tpu.memory_space<vmem>>
    %dma_start3A_161 = arith.constant 0 : i32
    %dma_start3A_162 = arith.constant 0 : i32
    %dma_start3A_163 = tpu.memref_slice %arg9[%dma_start3A_161, %dma_start3A_162] : memref<50000x256xf32, #tpu.memory_space<hbm>> -> memref<50000x256xf32, #tpu.memory_space<hbm>>
    tpu.enqueue_indirect_dma source(%arg19 : memref<64x256xf32, #tpu.memory_space<vmem>>) target(%dma_start3A_163 : memref<50000x256xf32, #tpu.memory_space<hbm>>) offsets(%dma_start3A_160 : memref<64xi32, #tpu.memory_space<vmem>>) semaphore(%arg24 : memref<!tpu.dma_semaphore, #tpu.memory_space<semaphore_mem>>)
    %dma_wait3A_164 = arith.constant 1 : i32
    %dma_wait3A_165 = arith.constant 0 : i32
    %dma_wait3A_166 = tpu.memref_slice %arg17[%dma_wait3A_164, %dma_wait3A_165] : memref<4x64xi32, #tpu.memory_space<vmem>> -> memref<1x64xi32, #tpu.memory_space<vmem>>
    %dma_wait3A_167 = tpu.memref_squeeze %dma_wait3A_166 : memref<1x64xi32, #tpu.memory_space<vmem>> -> memref<64xi32, #tpu.memory_space<vmem>>
    %dma_wait3A_168 = arith.constant 0 : i32
    %dma_wait3A_169 = arith.constant 0 : i32
    %dma_wait3A_170 = tpu.memref_slice %arg4[%dma_wait3A_168, %dma_wait3A_169] : memref<8192x256xf32, #tpu.memory_space<hbm>> -> memref<8192x256xf32, #tpu.memory_space<hbm>>
    tpu.wait_indirect_dma semaphore(%arg30 : memref<!tpu.dma_semaphore, #tpu.memory_space<semaphore_mem>>) src(%dma_wait3A_170 : memref<8192x256xf32, #tpu.memory_space<hbm>>) dst(%arg20 : memref<64x256xf32, #tpu.memory_space<vmem>>)
    %dma_start3A_171 = arith.constant 1 : i32
    %dma_start3A_172 = arith.constant 0 : i32
    %dma_start3A_173 = tpu.memref_slice %arg16[%dma_start3A_171, %dma_start3A_172] : memref<4x64xi32, #tpu.memory_space<vmem>> -> memref<1x64xi32, #tpu.memory_space<vmem>>
    %dma_start3A_174 = tpu.memref_squeeze %dma_start3A_173 : memref<1x64xi32, #tpu.memory_space<vmem>> -> memref<64xi32, #tpu.memory_space<vmem>>
    %dma_start3A_175 = arith.constant 0 : i32
    %dma_start3A_176 = arith.constant 0 : i32
    %dma_start3A_177 = tpu.memref_slice %arg10[%dma_start3A_175, %dma_start3A_176] : memref<50000x256xf32, #tpu.memory_space<hbm>> -> memref<50000x256xf32, #tpu.memory_space<hbm>>
    tpu.enqueue_indirect_dma source(%arg20 : memref<64x256xf32, #tpu.memory_space<vmem>>) target(%dma_start3A_177 : memref<50000x256xf32, #tpu.memory_space<hbm>>) offsets(%dma_start3A_174 : memref<64xi32, #tpu.memory_space<vmem>>) semaphore(%arg25 : memref<!tpu.dma_semaphore, #tpu.memory_space<semaphore_mem>>)
    %dma_wait3A_178 = arith.constant 1 : i32
    %dma_wait3A_179 = arith.constant 0 : i32
    %dma_wait3A_180 = tpu.memref_slice %arg17[%dma_wait3A_178, %dma_wait3A_179] : memref<4x64xi32, #tpu.memory_space<vmem>> -> memref<1x64xi32, #tpu.memory_space<vmem>>
    %dma_wait3A_181 = tpu.memref_squeeze %dma_wait3A_180 : memref<1x64xi32, #tpu.memory_space<vmem>> -> memref<64xi32, #tpu.memory_space<vmem>>
    %dma_wait3A_182 = arith.constant 0 : i32
    %dma_wait3A_183 = arith.constant 0 : i32
    %dma_wait3A_184 = tpu.memref_slice %arg5[%dma_wait3A_182, %dma_wait3A_183] : memref<8192x512xf32, #tpu.memory_space<hbm>> -> memref<8192x512xf32, #tpu.memory_space<hbm>>
    tpu.wait_indirect_dma semaphore(%arg32 : memref<!tpu.dma_semaphore, #tpu.memory_space<semaphore_mem>>) src(%dma_wait3A_184 : memref<8192x512xf32, #tpu.memory_space<hbm>>) dst(%arg22 : memref<64x512xf32, #tpu.memory_space<vmem>>)
    %dma_start3A_185 = arith.constant 1 : i32
    %dma_start3A_186 = arith.constant 0 : i32
    %dma_start3A_187 = tpu.memref_slice %arg16[%dma_start3A_185, %dma_start3A_186] : memref<4x64xi32, #tpu.memory_space<vmem>> -> memref<1x64xi32, #tpu.memory_space<vmem>>
    %dma_start3A_188 = tpu.memref_squeeze %dma_start3A_187 : memref<1x64xi32, #tpu.memory_space<vmem>> -> memref<64xi32, #tpu.memory_space<vmem>>
    %dma_start3A_189 = arith.constant 0 : i32
    %dma_start3A_190 = arith.constant 0 : i32
    %dma_start3A_191 = tpu.memref_slice %arg11[%dma_start3A_189, %dma_start3A_190] : memref<50000x512xf32, #tpu.memory_space<hbm>> -> memref<50000x512xf32, #tpu.memory_space<hbm>>
    tpu.enqueue_indirect_dma source(%arg22 : memref<64x512xf32, #tpu.memory_space<vmem>>) target(%dma_start3A_191 : memref<50000x512xf32, #tpu.memory_space<hbm>>) offsets(%dma_start3A_188 : memref<64xi32, #tpu.memory_space<vmem>>) semaphore(%arg27 : memref<!tpu.dma_semaphore, #tpu.memory_space<semaphore_mem>>)
    %dma_wait3A_192 = arith.constant 1 : i32
    %dma_wait3A_193 = arith.constant 0 : i32
    %dma_wait3A_194 = tpu.memref_slice %arg16[%dma_wait3A_192, %dma_wait3A_193] : memref<4x64xi32, #tpu.memory_space<vmem>> -> memref<1x64xi32, #tpu.memory_space<vmem>>
    %dma_wait3A_195 = tpu.memref_squeeze %dma_wait3A_194 : memref<1x64xi32, #tpu.memory_space<vmem>> -> memref<64xi32, #tpu.memory_space<vmem>>
    %dma_wait3A_196 = arith.constant 0 : i32
    %dma_wait3A_197 = arith.constant 0 : i32
    %dma_wait3A_198 = tpu.memref_slice %arg8[%dma_wait3A_196, %dma_wait3A_197] : memref<50000x128xf32, #tpu.memory_space<hbm>> -> memref<50000x128xf32, #tpu.memory_space<hbm>>
    tpu.wait_indirect_dma semaphore(%arg23 : memref<!tpu.dma_semaphore, #tpu.memory_space<semaphore_mem>>) src(%arg18 : memref<64x128xf32, #tpu.memory_space<vmem>>) dst(%dma_wait3A_198 : memref<50000x128xf32, #tpu.memory_space<hbm>>)
    %dma_start3A_199 = arith.constant 2 : i32
    %dma_start3A_200 = arith.constant 0 : i32
    %dma_start3A_201 = tpu.memref_slice %arg17[%dma_start3A_199, %dma_start3A_200] : memref<4x64xi32, #tpu.memory_space<vmem>> -> memref<1x64xi32, #tpu.memory_space<vmem>>
    %dma_start3A_202 = tpu.memref_squeeze %dma_start3A_201 : memref<1x64xi32, #tpu.memory_space<vmem>> -> memref<64xi32, #tpu.memory_space<vmem>>
    %dma_start3A_203 = arith.constant 0 : i32
    %dma_start3A_204 = arith.constant 0 : i32
    %dma_start3A_205 = tpu.memref_slice %arg2[%dma_start3A_203, %dma_start3A_204] : memref<8192x128xf32, #tpu.memory_space<hbm>> -> memref<8192x128xf32, #tpu.memory_space<hbm>>
    tpu.enqueue_indirect_dma source(%dma_start3A_205 : memref<8192x128xf32, #tpu.memory_space<hbm>>) target(%arg18 : memref<64x128xf32, #tpu.memory_space<vmem>>) offsets(%dma_start3A_202 : memref<64xi32, #tpu.memory_space<vmem>>) semaphore(%arg28 : memref<!tpu.dma_semaphore, #tpu.memory_space<semaphore_mem>>)
    %dma_wait3A_206 = arith.constant 1 : i32
    %dma_wait3A_207 = arith.constant 0 : i32
    %dma_wait3A_208 = tpu.memref_slice %arg16[%dma_wait3A_206, %dma_wait3A_207] : memref<4x64xi32, #tpu.memory_space<vmem>> -> memref<1x64xi32, #tpu.memory_space<vmem>>
    %dma_wait3A_209 = tpu.memref_squeeze %dma_wait3A_208 : memref<1x64xi32, #tpu.memory_space<vmem>> -> memref<64xi32, #tpu.memory_space<vmem>>
    %dma_wait3A_210 = arith.constant 0 : i32
    %dma_wait3A_211 = arith.constant 0 : i32
    %dma_wait3A_212 = tpu.memref_slice %arg9[%dma_wait3A_210, %dma_wait3A_211] : memref<50000x256xf32, #tpu.memory_space<hbm>> -> memref<50000x256xf32, #tpu.memory_space<hbm>>
    tpu.wait_indirect_dma semaphore(%arg24 : memref<!tpu.dma_semaphore, #tpu.memory_space<semaphore_mem>>) src(%arg19 : memref<64x256xf32, #tpu.memory_space<vmem>>) dst(%dma_wait3A_212 : memref<50000x256xf32, #tpu.memory_space<hbm>>)
    %dma_start3A_213 = arith.constant 2 : i32
    %dma_start3A_214 = arith.constant 0 : i32
    %dma_start3A_215 = tpu.memref_slice %arg17[%dma_start3A_213, %dma_start3A_214] : memref<4x64xi32, #tpu.memory_space<vmem>> -> memref<1x64xi32, #tpu.memory_space<vmem>>
    %dma_start3A_216 = tpu.memref_squeeze %dma_start3A_215 : memref<1x64xi32, #tpu.memory_space<vmem>> -> memref<64xi32, #tpu.memory_space<vmem>>
    %dma_start3A_217 = arith.constant 0 : i32
    %dma_start3A_218 = arith.constant 0 : i32
    %dma_start3A_219 = tpu.memref_slice %arg3[%dma_start3A_217, %dma_start3A_218] : memref<8192x256xf32, #tpu.memory_space<hbm>> -> memref<8192x256xf32, #tpu.memory_space<hbm>>
    tpu.enqueue_indirect_dma source(%dma_start3A_219 : memref<8192x256xf32, #tpu.memory_space<hbm>>) target(%arg19 : memref<64x256xf32, #tpu.memory_space<vmem>>) offsets(%dma_start3A_216 : memref<64xi32, #tpu.memory_space<vmem>>) semaphore(%arg29 : memref<!tpu.dma_semaphore, #tpu.memory_space<semaphore_mem>>)
    %dma_wait3A_220 = arith.constant 1 : i32
    %dma_wait3A_221 = arith.constant 0 : i32
    %dma_wait3A_222 = tpu.memref_slice %arg16[%dma_wait3A_220, %dma_wait3A_221] : memref<4x64xi32, #tpu.memory_space<vmem>> -> memref<1x64xi32, #tpu.memory_space<vmem>>
    %dma_wait3A_223 = tpu.memref_squeeze %dma_wait3A_222 : memref<1x64xi32, #tpu.memory_space<vmem>> -> memref<64xi32, #tpu.memory_space<vmem>>
    %dma_wait3A_224 = arith.constant 0 : i32
    %dma_wait3A_225 = arith.constant 0 : i32
    %dma_wait3A_226 = tpu.memref_slice %arg10[%dma_wait3A_224, %dma_wait3A_225] : memref<50000x256xf32, #tpu.memory_space<hbm>> -> memref<50000x256xf32, #tpu.memory_space<hbm>>
    tpu.wait_indirect_dma semaphore(%arg25 : memref<!tpu.dma_semaphore, #tpu.memory_space<semaphore_mem>>) src(%arg20 : memref<64x256xf32, #tpu.memory_space<vmem>>) dst(%dma_wait3A_226 : memref<50000x256xf32, #tpu.memory_space<hbm>>)
    %dma_start3A_227 = arith.constant 2 : i32
    %dma_start3A_228 = arith.constant 0 : i32
    %dma_start3A_229 = tpu.memref_slice %arg17[%dma_start3A_227, %dma_start3A_228] : memref<4x64xi32, #tpu.memory_space<vmem>> -> memref<1x64xi32, #tpu.memory_space<vmem>>
    %dma_start3A_230 = tpu.memref_squeeze %dma_start3A_229 : memref<1x64xi32, #tpu.memory_space<vmem>> -> memref<64xi32, #tpu.memory_space<vmem>>
    %dma_start3A_231 = arith.constant 0 : i32
    %dma_start3A_232 = arith.constant 0 : i32
    %dma_start3A_233 = tpu.memref_slice %arg4[%dma_start3A_231, %dma_start3A_232] : memref<8192x256xf32, #tpu.memory_space<hbm>> -> memref<8192x256xf32, #tpu.memory_space<hbm>>
    tpu.enqueue_indirect_dma source(%dma_start3A_233 : memref<8192x256xf32, #tpu.memory_space<hbm>>) target(%arg20 : memref<64x256xf32, #tpu.memory_space<vmem>>) offsets(%dma_start3A_230 : memref<64xi32, #tpu.memory_space<vmem>>) semaphore(%arg30 : memref<!tpu.dma_semaphore, #tpu.memory_space<semaphore_mem>>)
    %dma_wait3A_234 = arith.constant 0 : i32
    %dma_wait3A_235 = arith.constant 0 : i32
    %dma_wait3A_236 = tpu.memref_slice %arg16[%dma_wait3A_234, %dma_wait3A_235] : memref<4x64xi32, #tpu.memory_space<vmem>> -> memref<1x64xi32, #tpu.memory_space<vmem>>
    %dma_wait3A_237 = tpu.memref_squeeze %dma_wait3A_236 : memref<1x64xi32, #tpu.memory_space<vmem>> -> memref<64xi32, #tpu.memory_space<vmem>>
    %dma_wait3A_238 = arith.constant 0 : i32
    %dma_wait3A_239 = arith.constant 0 : i32
    %dma_wait3A_240 = tpu.memref_slice %arg11[%dma_wait3A_238, %dma_wait3A_239] : memref<50000x512xf32, #tpu.memory_space<hbm>> -> memref<50000x512xf32, #tpu.memory_space<hbm>>
    tpu.wait_indirect_dma semaphore(%arg26 : memref<!tpu.dma_semaphore, #tpu.memory_space<semaphore_mem>>) src(%arg21 : memref<64x512xf32, #tpu.memory_space<vmem>>) dst(%dma_wait3A_240 : memref<50000x512xf32, #tpu.memory_space<hbm>>)
    %dma_start3A_241 = arith.constant 2 : i32
    %dma_start3A_242 = arith.constant 0 : i32
    %dma_start3A_243 = tpu.memref_slice %arg17[%dma_start3A_241, %dma_start3A_242] : memref<4x64xi32, #tpu.memory_space<vmem>> -> memref<1x64xi32, #tpu.memory_space<vmem>>
    %dma_start3A_244 = tpu.memref_squeeze %dma_start3A_243 : memref<1x64xi32, #tpu.memory_space<vmem>> -> memref<64xi32, #tpu.memory_space<vmem>>
    %dma_start3A_245 = arith.constant 0 : i32
    %dma_start3A_246 = arith.constant 0 : i32
    %dma_start3A_247 = tpu.memref_slice %arg5[%dma_start3A_245, %dma_start3A_246] : memref<8192x512xf32, #tpu.memory_space<hbm>> -> memref<8192x512xf32, #tpu.memory_space<hbm>>
    tpu.enqueue_indirect_dma source(%dma_start3A_247 : memref<8192x512xf32, #tpu.memory_space<hbm>>) target(%arg21 : memref<64x512xf32, #tpu.memory_space<vmem>>) offsets(%dma_start3A_244 : memref<64xi32, #tpu.memory_space<vmem>>) semaphore(%arg31 : memref<!tpu.dma_semaphore, #tpu.memory_space<semaphore_mem>>)
    %dma_wait3A_248 = arith.constant 2 : i32
    %dma_wait3A_249 = arith.constant 0 : i32
    %dma_wait3A_250 = tpu.memref_slice %arg17[%dma_wait3A_248, %dma_wait3A_249] : memref<4x64xi32, #tpu.memory_space<vmem>> -> memref<1x64xi32, #tpu.memory_space<vmem>>
    %dma_wait3A_251 = tpu.memref_squeeze %dma_wait3A_250 : memref<1x64xi32, #tpu.memory_space<vmem>> -> memref<64xi32, #tpu.memory_space<vmem>>
    %dma_wait3A_252 = arith.constant 0 : i32
    %dma_wait3A_253 = arith.constant 0 : i32
    %dma_wait3A_254 = tpu.memref_slice %arg2[%dma_wait3A_252, %dma_wait3A_253] : memref<8192x128xf32, #tpu.memory_space<hbm>> -> memref<8192x128xf32, #tpu.memory_space<hbm>>
    tpu.wait_indirect_dma semaphore(%arg28 : memref<!tpu.dma_semaphore, #tpu.memory_space<semaphore_mem>>) src(%dma_wait3A_254 : memref<8192x128xf32, #tpu.memory_space<hbm>>) dst(%arg18 : memref<64x128xf32, #tpu.memory_space<vmem>>)
    %dma_start3A_255 = arith.constant 2 : i32
    %dma_start3A_256 = arith.constant 0 : i32
    %dma_start3A_257 = tpu.memref_slice %arg16[%dma_start3A_255, %dma_start3A_256] : memref<4x64xi32, #tpu.memory_space<vmem>> -> memref<1x64xi32, #tpu.memory_space<vmem>>
    %dma_start3A_258 = tpu.memref_squeeze %dma_start3A_257 : memref<1x64xi32, #tpu.memory_space<vmem>> -> memref<64xi32, #tpu.memory_space<vmem>>
    %dma_start3A_259 = arith.constant 0 : i32
    %dma_start3A_260 = arith.constant 0 : i32
    %dma_start3A_261 = tpu.memref_slice %arg8[%dma_start3A_259, %dma_start3A_260] : memref<50000x128xf32, #tpu.memory_space<hbm>> -> memref<50000x128xf32, #tpu.memory_space<hbm>>
    tpu.enqueue_indirect_dma source(%arg18 : memref<64x128xf32, #tpu.memory_space<vmem>>) target(%dma_start3A_261 : memref<50000x128xf32, #tpu.memory_space<hbm>>) offsets(%dma_start3A_258 : memref<64xi32, #tpu.memory_space<vmem>>) semaphore(%arg23 : memref<!tpu.dma_semaphore, #tpu.memory_space<semaphore_mem>>)
    %dma_wait3A_262 = arith.constant 2 : i32
    %dma_wait3A_263 = arith.constant 0 : i32
    %dma_wait3A_264 = tpu.memref_slice %arg17[%dma_wait3A_262, %dma_wait3A_263] : memref<4x64xi32, #tpu.memory_space<vmem>> -> memref<1x64xi32, #tpu.memory_space<vmem>>
    %dma_wait3A_265 = tpu.memref_squeeze %dma_wait3A_264 : memref<1x64xi32, #tpu.memory_space<vmem>> -> memref<64xi32, #tpu.memory_space<vmem>>
    %dma_wait3A_266 = arith.constant 0 : i32
    %dma_wait3A_267 = arith.constant 0 : i32
    %dma_wait3A_268 = tpu.memref_slice %arg3[%dma_wait3A_266, %dma_wait3A_267] : memref<8192x256xf32, #tpu.memory_space<hbm>> -> memref<8192x256xf32, #tpu.memory_space<hbm>>
    tpu.wait_indirect_dma semaphore(%arg29 : memref<!tpu.dma_semaphore, #tpu.memory_space<semaphore_mem>>) src(%dma_wait3A_268 : memref<8192x256xf32, #tpu.memory_space<hbm>>) dst(%arg19 : memref<64x256xf32, #tpu.memory_space<vmem>>)
    %dma_start3A_269 = arith.constant 2 : i32
    %dma_start3A_270 = arith.constant 0 : i32
    %dma_start3A_271 = tpu.memref_slice %arg16[%dma_start3A_269, %dma_start3A_270] : memref<4x64xi32, #tpu.memory_space<vmem>> -> memref<1x64xi32, #tpu.memory_space<vmem>>
    %dma_start3A_272 = tpu.memref_squeeze %dma_start3A_271 : memref<1x64xi32, #tpu.memory_space<vmem>> -> memref<64xi32, #tpu.memory_space<vmem>>
    %dma_start3A_273 = arith.constant 0 : i32
    %dma_start3A_274 = arith.constant 0 : i32
    %dma_start3A_275 = tpu.memref_slice %arg9[%dma_start3A_273, %dma_start3A_274] : memref<50000x256xf32, #tpu.memory_space<hbm>> -> memref<50000x256xf32, #tpu.memory_space<hbm>>
    tpu.enqueue_indirect_dma source(%arg19 : memref<64x256xf32, #tpu.memory_space<vmem>>) target(%dma_start3A_275 : memref<50000x256xf32, #tpu.memory_space<hbm>>) offsets(%dma_start3A_272 : memref<64xi32, #tpu.memory_space<vmem>>) semaphore(%arg24 : memref<!tpu.dma_semaphore, #tpu.memory_space<semaphore_mem>>)
    %dma_wait3A_276 = arith.constant 2 : i32
    %dma_wait3A_277 = arith.constant 0 : i32
    %dma_wait3A_278 = tpu.memref_slice %arg17[%dma_wait3A_276, %dma_wait3A_277] : memref<4x64xi32, #tpu.memory_space<vmem>> -> memref<1x64xi32, #tpu.memory_space<vmem>>
    %dma_wait3A_279 = tpu.memref_squeeze %dma_wait3A_278 : memref<1x64xi32, #tpu.memory_space<vmem>> -> memref<64xi32, #tpu.memory_space<vmem>>
    %dma_wait3A_280 = arith.constant 0 : i32
    %dma_wait3A_281 = arith.constant 0 : i32
    %dma_wait3A_282 = tpu.memref_slice %arg4[%dma_wait3A_280, %dma_wait3A_281] : memref<8192x256xf32, #tpu.memory_space<hbm>> -> memref<8192x256xf32, #tpu.memory_space<hbm>>
    tpu.wait_indirect_dma semaphore(%arg30 : memref<!tpu.dma_semaphore, #tpu.memory_space<semaphore_mem>>) src(%dma_wait3A_282 : memref<8192x256xf32, #tpu.memory_space<hbm>>) dst(%arg20 : memref<64x256xf32, #tpu.memory_space<vmem>>)
    %dma_start3A_283 = arith.constant 2 : i32
    %dma_start3A_284 = arith.constant 0 : i32
    %dma_start3A_285 = tpu.memref_slice %arg16[%dma_start3A_283, %dma_start3A_284] : memref<4x64xi32, #tpu.memory_space<vmem>> -> memref<1x64xi32, #tpu.memory_space<vmem>>
    %dma_start3A_286 = tpu.memref_squeeze %dma_start3A_285 : memref<1x64xi32, #tpu.memory_space<vmem>> -> memref<64xi32, #tpu.memory_space<vmem>>
    %dma_start3A_287 = arith.constant 0 : i32
    %dma_start3A_288 = arith.constant 0 : i32
    %dma_start3A_289 = tpu.memref_slice %arg10[%dma_start3A_287, %dma_start3A_288] : memref<50000x256xf32, #tpu.memory_space<hbm>> -> memref<50000x256xf32, #tpu.memory_space<hbm>>
    tpu.enqueue_indirect_dma source(%arg20 : memref<64x256xf32, #tpu.memory_space<vmem>>) target(%dma_start3A_289 : memref<50000x256xf32, #tpu.memory_space<hbm>>) offsets(%dma_start3A_286 : memref<64xi32, #tpu.memory_space<vmem>>) semaphore(%arg25 : memref<!tpu.dma_semaphore, #tpu.memory_space<semaphore_mem>>)
    %dma_wait3A_290 = arith.constant 2 : i32
    %dma_wait3A_291 = arith.constant 0 : i32
    %dma_wait3A_292 = tpu.memref_slice %arg17[%dma_wait3A_290, %dma_wait3A_291] : memref<4x64xi32, #tpu.memory_space<vmem>> -> memref<1x64xi32, #tpu.memory_space<vmem>>
    %dma_wait3A_293 = tpu.memref_squeeze %dma_wait3A_292 : memref<1x64xi32, #tpu.memory_space<vmem>> -> memref<64xi32, #tpu.memory_space<vmem>>
    %dma_wait3A_294 = arith.constant 0 : i32
    %dma_wait3A_295 = arith.constant 0 : i32
    %dma_wait3A_296 = tpu.memref_slice %arg5[%dma_wait3A_294, %dma_wait3A_295] : memref<8192x512xf32, #tpu.memory_space<hbm>> -> memref<8192x512xf32, #tpu.memory_space<hbm>>
    tpu.wait_indirect_dma semaphore(%arg31 : memref<!tpu.dma_semaphore, #tpu.memory_space<semaphore_mem>>) src(%dma_wait3A_296 : memref<8192x512xf32, #tpu.memory_space<hbm>>) dst(%arg21 : memref<64x512xf32, #tpu.memory_space<vmem>>)
    %dma_start3A_297 = arith.constant 2 : i32
    %dma_start3A_298 = arith.constant 0 : i32
    %dma_start3A_299 = tpu.memref_slice %arg16[%dma_start3A_297, %dma_start3A_298] : memref<4x64xi32, #tpu.memory_space<vmem>> -> memref<1x64xi32, #tpu.memory_space<vmem>>
    %dma_start3A_300 = tpu.memref_squeeze %dma_start3A_299 : memref<1x64xi32, #tpu.memory_space<vmem>> -> memref<64xi32, #tpu.memory_space<vmem>>
    %dma_start3A_301 = arith.constant 0 : i32
    %dma_start3A_302 = arith.constant 0 : i32
    %dma_start3A_303 = tpu.memref_slice %arg11[%dma_start3A_301, %dma_start3A_302] : memref<50000x512xf32, #tpu.memory_space<hbm>> -> memref<50000x512xf32, #tpu.memory_space<hbm>>
    tpu.enqueue_indirect_dma source(%arg21 : memref<64x512xf32, #tpu.memory_space<vmem>>) target(%dma_start3A_303 : memref<50000x512xf32, #tpu.memory_space<hbm>>) offsets(%dma_start3A_300 : memref<64xi32, #tpu.memory_space<vmem>>) semaphore(%arg26 : memref<!tpu.dma_semaphore, #tpu.memory_space<semaphore_mem>>)
    %dma_wait3A_304 = arith.constant 2 : i32
    %dma_wait3A_305 = arith.constant 0 : i32
    %dma_wait3A_306 = tpu.memref_slice %arg16[%dma_wait3A_304, %dma_wait3A_305] : memref<4x64xi32, #tpu.memory_space<vmem>> -> memref<1x64xi32, #tpu.memory_space<vmem>>
    %dma_wait3A_307 = tpu.memref_squeeze %dma_wait3A_306 : memref<1x64xi32, #tpu.memory_space<vmem>> -> memref<64xi32, #tpu.memory_space<vmem>>
    %dma_wait3A_308 = arith.constant 0 : i32
    %dma_wait3A_309 = arith.constant 0 : i32
    %dma_wait3A_310 = tpu.memref_slice %arg8[%dma_wait3A_308, %dma_wait3A_309] : memref<50000x128xf32, #tpu.memory_space<hbm>> -> memref<50000x128xf32, #tpu.memory_space<hbm>>
    tpu.wait_indirect_dma semaphore(%arg23 : memref<!tpu.dma_semaphore, #tpu.memory_space<semaphore_mem>>) src(%arg18 : memref<64x128xf32, #tpu.memory_space<vmem>>) dst(%dma_wait3A_310 : memref<50000x128xf32, #tpu.memory_space<hbm>>)
    %dma_start3A_311 = arith.constant 3 : i32
    %dma_start3A_312 = arith.constant 0 : i32
    %dma_start3A_313 = tpu.memref_slice %arg17[%dma_start3A_311, %dma_start3A_312] : memref<4x64xi32, #tpu.memory_space<vmem>> -> memref<1x64xi32, #tpu.memory_space<vmem>>
    %dma_start3A_314 = tpu.memref_squeeze %dma_start3A_313 : memref<1x64xi32, #tpu.memory_space<vmem>> -> memref<64xi32, #tpu.memory_space<vmem>>
    %dma_start3A_315 = arith.constant 0 : i32
    %dma_start3A_316 = arith.constant 0 : i32
    %dma_start3A_317 = tpu.memref_slice %arg2[%dma_start3A_315, %dma_start3A_316] : memref<8192x128xf32, #tpu.memory_space<hbm>> -> memref<8192x128xf32, #tpu.memory_space<hbm>>
    tpu.enqueue_indirect_dma source(%dma_start3A_317 : memref<8192x128xf32, #tpu.memory_space<hbm>>) target(%arg18 : memref<64x128xf32, #tpu.memory_space<vmem>>) offsets(%dma_start3A_314 : memref<64xi32, #tpu.memory_space<vmem>>) semaphore(%arg28 : memref<!tpu.dma_semaphore, #tpu.memory_space<semaphore_mem>>)
    %dma_wait3A_318 = arith.constant 2 : i32
    %dma_wait3A_319 = arith.constant 0 : i32
    %dma_wait3A_320 = tpu.memref_slice %arg16[%dma_wait3A_318, %dma_wait3A_319] : memref<4x64xi32, #tpu.memory_space<vmem>> -> memref<1x64xi32, #tpu.memory_space<vmem>>
    %dma_wait3A_321 = tpu.memref_squeeze %dma_wait3A_320 : memref<1x64xi32, #tpu.memory_space<vmem>> -> memref<64xi32, #tpu.memory_space<vmem>>
    %dma_wait3A_322 = arith.constant 0 : i32
    %dma_wait3A_323 = arith.constant 0 : i32
    %dma_wait3A_324 = tpu.memref_slice %arg9[%dma_wait3A_322, %dma_wait3A_323] : memref<50000x256xf32, #tpu.memory_space<hbm>> -> memref<50000x256xf32, #tpu.memory_space<hbm>>
    tpu.wait_indirect_dma semaphore(%arg24 : memref<!tpu.dma_semaphore, #tpu.memory_space<semaphore_mem>>) src(%arg19 : memref<64x256xf32, #tpu.memory_space<vmem>>) dst(%dma_wait3A_324 : memref<50000x256xf32, #tpu.memory_space<hbm>>)
    %dma_start3A_325 = arith.constant 3 : i32
    %dma_start3A_326 = arith.constant 0 : i32
    %dma_start3A_327 = tpu.memref_slice %arg17[%dma_start3A_325, %dma_start3A_326] : memref<4x64xi32, #tpu.memory_space<vmem>> -> memref<1x64xi32, #tpu.memory_space<vmem>>
    %dma_start3A_328 = tpu.memref_squeeze %dma_start3A_327 : memref<1x64xi32, #tpu.memory_space<vmem>> -> memref<64xi32, #tpu.memory_space<vmem>>
    %dma_start3A_329 = arith.constant 0 : i32
    %dma_start3A_330 = arith.constant 0 : i32
    %dma_start3A_331 = tpu.memref_slice %arg3[%dma_start3A_329, %dma_start3A_330] : memref<8192x256xf32, #tpu.memory_space<hbm>> -> memref<8192x256xf32, #tpu.memory_space<hbm>>
    tpu.enqueue_indirect_dma source(%dma_start3A_331 : memref<8192x256xf32, #tpu.memory_space<hbm>>) target(%arg19 : memref<64x256xf32, #tpu.memory_space<vmem>>) offsets(%dma_start3A_328 : memref<64xi32, #tpu.memory_space<vmem>>) semaphore(%arg29 : memref<!tpu.dma_semaphore, #tpu.memory_space<semaphore_mem>>)
    %dma_wait3A_332 = arith.constant 2 : i32
    %dma_wait3A_333 = arith.constant 0 : i32
    %dma_wait3A_334 = tpu.memref_slice %arg16[%dma_wait3A_332, %dma_wait3A_333] : memref<4x64xi32, #tpu.memory_space<vmem>> -> memref<1x64xi32, #tpu.memory_space<vmem>>
    %dma_wait3A_335 = tpu.memref_squeeze %dma_wait3A_334 : memref<1x64xi32, #tpu.memory_space<vmem>> -> memref<64xi32, #tpu.memory_space<vmem>>
    %dma_wait3A_336 = arith.constant 0 : i32
    %dma_wait3A_337 = arith.constant 0 : i32
    %dma_wait3A_338 = tpu.memref_slice %arg10[%dma_wait3A_336, %dma_wait3A_337] : memref<50000x256xf32, #tpu.memory_space<hbm>> -> memref<50000x256xf32, #tpu.memory_space<hbm>>
    tpu.wait_indirect_dma semaphore(%arg25 : memref<!tpu.dma_semaphore, #tpu.memory_space<semaphore_mem>>) src(%arg20 : memref<64x256xf32, #tpu.memory_space<vmem>>) dst(%dma_wait3A_338 : memref<50000x256xf32, #tpu.memory_space<hbm>>)
    %dma_start3A_339 = arith.constant 3 : i32
    %dma_start3A_340 = arith.constant 0 : i32
    %dma_start3A_341 = tpu.memref_slice %arg17[%dma_start3A_339, %dma_start3A_340] : memref<4x64xi32, #tpu.memory_space<vmem>> -> memref<1x64xi32, #tpu.memory_space<vmem>>
    %dma_start3A_342 = tpu.memref_squeeze %dma_start3A_341 : memref<1x64xi32, #tpu.memory_space<vmem>> -> memref<64xi32, #tpu.memory_space<vmem>>
    %dma_start3A_343 = arith.constant 0 : i32
    %dma_start3A_344 = arith.constant 0 : i32
    %dma_start3A_345 = tpu.memref_slice %arg4[%dma_start3A_343, %dma_start3A_344] : memref<8192x256xf32, #tpu.memory_space<hbm>> -> memref<8192x256xf32, #tpu.memory_space<hbm>>
    tpu.enqueue_indirect_dma source(%dma_start3A_345 : memref<8192x256xf32, #tpu.memory_space<hbm>>) target(%arg20 : memref<64x256xf32, #tpu.memory_space<vmem>>) offsets(%dma_start3A_342 : memref<64xi32, #tpu.memory_space<vmem>>) semaphore(%arg30 : memref<!tpu.dma_semaphore, #tpu.memory_space<semaphore_mem>>)
    %dma_wait3A_346 = arith.constant 1 : i32
    %dma_wait3A_347 = arith.constant 0 : i32
    %dma_wait3A_348 = tpu.memref_slice %arg16[%dma_wait3A_346, %dma_wait3A_347] : memref<4x64xi32, #tpu.memory_space<vmem>> -> memref<1x64xi32, #tpu.memory_space<vmem>>
    %dma_wait3A_349 = tpu.memref_squeeze %dma_wait3A_348 : memref<1x64xi32, #tpu.memory_space<vmem>> -> memref<64xi32, #tpu.memory_space<vmem>>
    %dma_wait3A_350 = arith.constant 0 : i32
    %dma_wait3A_351 = arith.constant 0 : i32
    %dma_wait3A_352 = tpu.memref_slice %arg11[%dma_wait3A_350, %dma_wait3A_351] : memref<50000x512xf32, #tpu.memory_space<hbm>> -> memref<50000x512xf32, #tpu.memory_space<hbm>>
    tpu.wait_indirect_dma semaphore(%arg27 : memref<!tpu.dma_semaphore, #tpu.memory_space<semaphore_mem>>) src(%arg22 : memref<64x512xf32, #tpu.memory_space<vmem>>) dst(%dma_wait3A_352 : memref<50000x512xf32, #tpu.memory_space<hbm>>)
    %dma_start3A_353 = arith.constant 3 : i32
    %dma_start3A_354 = arith.constant 0 : i32
    %dma_start3A_355 = tpu.memref_slice %arg17[%dma_start3A_353, %dma_start3A_354] : memref<4x64xi32, #tpu.memory_space<vmem>> -> memref<1x64xi32, #tpu.memory_space<vmem>>
    %dma_start3A_356 = tpu.memref_squeeze %dma_start3A_355 : memref<1x64xi32, #tpu.memory_space<vmem>> -> memref<64xi32, #tpu.memory_space<vmem>>
    %dma_start3A_357 = arith.constant 0 : i32
    %dma_start3A_358 = arith.constant 0 : i32
    %dma_start3A_359 = tpu.memref_slice %arg5[%dma_start3A_357, %dma_start3A_358] : memref<8192x512xf32, #tpu.memory_space<hbm>> -> memref<8192x512xf32, #tpu.memory_space<hbm>>
    tpu.enqueue_indirect_dma source(%dma_start3A_359 : memref<8192x512xf32, #tpu.memory_space<hbm>>) target(%arg22 : memref<64x512xf32, #tpu.memory_space<vmem>>) offsets(%dma_start3A_356 : memref<64xi32, #tpu.memory_space<vmem>>) semaphore(%arg32 : memref<!tpu.dma_semaphore, #tpu.memory_space<semaphore_mem>>)
    %dma_wait3A_360 = arith.constant 3 : i32
    %dma_wait3A_361 = arith.constant 0 : i32
    %dma_wait3A_362 = tpu.memref_slice %arg17[%dma_wait3A_360, %dma_wait3A_361] : memref<4x64xi32, #tpu.memory_space<vmem>> -> memref<1x64xi32, #tpu.memory_space<vmem>>
    %dma_wait3A_363 = tpu.memref_squeeze %dma_wait3A_362 : memref<1x64xi32, #tpu.memory_space<vmem>> -> memref<64xi32, #tpu.memory_space<vmem>>
    %dma_wait3A_364 = arith.constant 0 : i32
    %dma_wait3A_365 = arith.constant 0 : i32
    %dma_wait3A_366 = tpu.memref_slice %arg2[%dma_wait3A_364, %dma_wait3A_365] : memref<8192x128xf32, #tpu.memory_space<hbm>> -> memref<8192x128xf32, #tpu.memory_space<hbm>>
    tpu.wait_indirect_dma semaphore(%arg28 : memref<!tpu.dma_semaphore, #tpu.memory_space<semaphore_mem>>) src(%dma_wait3A_366 : memref<8192x128xf32, #tpu.memory_space<hbm>>) dst(%arg18 : memref<64x128xf32, #tpu.memory_space<vmem>>)
    %dma_start3A_367 = arith.constant 3 : i32
    %dma_start3A_368 = arith.constant 0 : i32
    %dma_start3A_369 = tpu.memref_slice %arg16[%dma_start3A_367, %dma_start3A_368] : memref<4x64xi32, #tpu.memory_space<vmem>> -> memref<1x64xi32, #tpu.memory_space<vmem>>
    %dma_start3A_370 = tpu.memref_squeeze %dma_start3A_369 : memref<1x64xi32, #tpu.memory_space<vmem>> -> memref<64xi32, #tpu.memory_space<vmem>>
    %dma_start3A_371 = arith.constant 0 : i32
    %dma_start3A_372 = arith.constant 0 : i32
    %dma_start3A_373 = tpu.memref_slice %arg8[%dma_start3A_371, %dma_start3A_372] : memref<50000x128xf32, #tpu.memory_space<hbm>> -> memref<50000x128xf32, #tpu.memory_space<hbm>>
    tpu.enqueue_indirect_dma source(%arg18 : memref<64x128xf32, #tpu.memory_space<vmem>>) target(%dma_start3A_373 : memref<50000x128xf32, #tpu.memory_space<hbm>>) offsets(%dma_start3A_370 : memref<64xi32, #tpu.memory_space<vmem>>) semaphore(%arg23 : memref<!tpu.dma_semaphore, #tpu.memory_space<semaphore_mem>>)
    %dma_wait3A_374 = arith.constant 3 : i32
    %dma_wait3A_375 = arith.constant 0 : i32
    %dma_wait3A_376 = tpu.memref_slice %arg17[%dma_wait3A_374, %dma_wait3A_375] : memref<4x64xi32, #tpu.memory_space<vmem>> -> memref<1x64xi32, #tpu.memory_space<vmem>>
    %dma_wait3A_377 = tpu.memref_squeeze %dma_wait3A_376 : memref<1x64xi32, #tpu.memory_space<vmem>> -> memref<64xi32, #tpu.memory_space<vmem>>
    %dma_wait3A_378 = arith.constant 0 : i32
    %dma_wait3A_379 = arith.constant 0 : i32
    %dma_wait3A_380 = tpu.memref_slice %arg3[%dma_wait3A_378, %dma_wait3A_379] : memref<8192x256xf32, #tpu.memory_space<hbm>> -> memref<8192x256xf32, #tpu.memory_space<hbm>>
    tpu.wait_indirect_dma semaphore(%arg29 : memref<!tpu.dma_semaphore, #tpu.memory_space<semaphore_mem>>) src(%dma_wait3A_380 : memref<8192x256xf32, #tpu.memory_space<hbm>>) dst(%arg19 : memref<64x256xf32, #tpu.memory_space<vmem>>)
    %dma_start3A_381 = arith.constant 3 : i32
    %dma_start3A_382 = arith.constant 0 : i32
    %dma_start3A_383 = tpu.memref_slice %arg16[%dma_start3A_381, %dma_start3A_382] : memref<4x64xi32, #tpu.memory_space<vmem>> -> memref<1x64xi32, #tpu.memory_space<vmem>>
    %dma_start3A_384 = tpu.memref_squeeze %dma_start3A_383 : memref<1x64xi32, #tpu.memory_space<vmem>> -> memref<64xi32, #tpu.memory_space<vmem>>
    %dma_start3A_385 = arith.constant 0 : i32
    %dma_start3A_386 = arith.constant 0 : i32
    %dma_start3A_387 = tpu.memref_slice %arg9[%dma_start3A_385, %dma_start3A_386] : memref<50000x256xf32, #tpu.memory_space<hbm>> -> memref<50000x256xf32, #tpu.memory_space<hbm>>
    tpu.enqueue_indirect_dma source(%arg19 : memref<64x256xf32, #tpu.memory_space<vmem>>) target(%dma_start3A_387 : memref<50000x256xf32, #tpu.memory_space<hbm>>) offsets(%dma_start3A_384 : memref<64xi32, #tpu.memory_space<vmem>>) semaphore(%arg24 : memref<!tpu.dma_semaphore, #tpu.memory_space<semaphore_mem>>)
    %dma_wait3A_388 = arith.constant 3 : i32
    %dma_wait3A_389 = arith.constant 0 : i32
    %dma_wait3A_390 = tpu.memref_slice %arg17[%dma_wait3A_388, %dma_wait3A_389] : memref<4x64xi32, #tpu.memory_space<vmem>> -> memref<1x64xi32, #tpu.memory_space<vmem>>
    %dma_wait3A_391 = tpu.memref_squeeze %dma_wait3A_390 : memref<1x64xi32, #tpu.memory_space<vmem>> -> memref<64xi32, #tpu.memory_space<vmem>>
    %dma_wait3A_392 = arith.constant 0 : i32
    %dma_wait3A_393 = arith.constant 0 : i32
    %dma_wait3A_394 = tpu.memref_slice %arg4[%dma_wait3A_392, %dma_wait3A_393] : memref<8192x256xf32, #tpu.memory_space<hbm>> -> memref<8192x256xf32, #tpu.memory_space<hbm>>
    tpu.wait_indirect_dma semaphore(%arg30 : memref<!tpu.dma_semaphore, #tpu.memory_space<semaphore_mem>>) src(%dma_wait3A_394 : memref<8192x256xf32, #tpu.memory_space<hbm>>) dst(%arg20 : memref<64x256xf32, #tpu.memory_space<vmem>>)
    %dma_start3A_395 = arith.constant 3 : i32
    %dma_start3A_396 = arith.constant 0 : i32
    %dma_start3A_397 = tpu.memref_slice %arg16[%dma_start3A_395, %dma_start3A_396] : memref<4x64xi32, #tpu.memory_space<vmem>> -> memref<1x64xi32, #tpu.memory_space<vmem>>
    %dma_start3A_398 = tpu.memref_squeeze %dma_start3A_397 : memref<1x64xi32, #tpu.memory_space<vmem>> -> memref<64xi32, #tpu.memory_space<vmem>>
    %dma_start3A_399 = arith.constant 0 : i32
    %dma_start3A_400 = arith.constant 0 : i32
    %dma_start3A_401 = tpu.memref_slice %arg10[%dma_start3A_399, %dma_start3A_400] : memref<50000x256xf32, #tpu.memory_space<hbm>> -> memref<50000x256xf32, #tpu.memory_space<hbm>>
    tpu.enqueue_indirect_dma source(%arg20 : memref<64x256xf32, #tpu.memory_space<vmem>>) target(%dma_start3A_401 : memref<50000x256xf32, #tpu.memory_space<hbm>>) offsets(%dma_start3A_398 : memref<64xi32, #tpu.memory_space<vmem>>) semaphore(%arg25 : memref<!tpu.dma_semaphore, #tpu.memory_space<semaphore_mem>>)
    %dma_wait3A_402 = arith.constant 3 : i32
    %dma_wait3A_403 = arith.constant 0 : i32
    %dma_wait3A_404 = tpu.memref_slice %arg17[%dma_wait3A_402, %dma_wait3A_403] : memref<4x64xi32, #tpu.memory_space<vmem>> -> memref<1x64xi32, #tpu.memory_space<vmem>>
    %dma_wait3A_405 = tpu.memref_squeeze %dma_wait3A_404 : memref<1x64xi32, #tpu.memory_space<vmem>> -> memref<64xi32, #tpu.memory_space<vmem>>
    %dma_wait3A_406 = arith.constant 0 : i32
    %dma_wait3A_407 = arith.constant 0 : i32
    %dma_wait3A_408 = tpu.memref_slice %arg5[%dma_wait3A_406, %dma_wait3A_407] : memref<8192x512xf32, #tpu.memory_space<hbm>> -> memref<8192x512xf32, #tpu.memory_space<hbm>>
    tpu.wait_indirect_dma semaphore(%arg32 : memref<!tpu.dma_semaphore, #tpu.memory_space<semaphore_mem>>) src(%dma_wait3A_408 : memref<8192x512xf32, #tpu.memory_space<hbm>>) dst(%arg22 : memref<64x512xf32, #tpu.memory_space<vmem>>)
    %dma_start3A_409 = arith.constant 3 : i32
    %dma_start3A_410 = arith.constant 0 : i32
    %dma_start3A_411 = tpu.memref_slice %arg16[%dma_start3A_409, %dma_start3A_410] : memref<4x64xi32, #tpu.memory_space<vmem>> -> memref<1x64xi32, #tpu.memory_space<vmem>>
    %dma_start3A_412 = tpu.memref_squeeze %dma_start3A_411 : memref<1x64xi32, #tpu.memory_space<vmem>> -> memref<64xi32, #tpu.memory_space<vmem>>
    %dma_start3A_413 = arith.constant 0 : i32
    %dma_start3A_414 = arith.constant 0 : i32
    %dma_start3A_415 = tpu.memref_slice %arg11[%dma_start3A_413, %dma_start3A_414] : memref<50000x512xf32, #tpu.memory_space<hbm>> -> memref<50000x512xf32, #tpu.memory_space<hbm>>
    tpu.enqueue_indirect_dma source(%arg22 : memref<64x512xf32, #tpu.memory_space<vmem>>) target(%dma_start3A_415 : memref<50000x512xf32, #tpu.memory_space<hbm>>) offsets(%dma_start3A_412 : memref<64xi32, #tpu.memory_space<vmem>>) semaphore(%arg27 : memref<!tpu.dma_semaphore, #tpu.memory_space<semaphore_mem>>)
    %dma_wait3A_416 = arith.constant 3 : i32
    %dma_wait3A_417 = arith.constant 0 : i32
    %dma_wait3A_418 = tpu.memref_slice %arg16[%dma_wait3A_416, %dma_wait3A_417] : memref<4x64xi32, #tpu.memory_space<vmem>> -> memref<1x64xi32, #tpu.memory_space<vmem>>
    %dma_wait3A_419 = tpu.memref_squeeze %dma_wait3A_418 : memref<1x64xi32, #tpu.memory_space<vmem>> -> memref<64xi32, #tpu.memory_space<vmem>>
    %dma_wait3A_420 = arith.constant 0 : i32
    %dma_wait3A_421 = arith.constant 0 : i32
    %dma_wait3A_422 = tpu.memref_slice %arg8[%dma_wait3A_420, %dma_wait3A_421] : memref<50000x128xf32, #tpu.memory_space<hbm>> -> memref<50000x128xf32, #tpu.memory_space<hbm>>
    tpu.wait_indirect_dma semaphore(%arg23 : memref<!tpu.dma_semaphore, #tpu.memory_space<semaphore_mem>>) src(%arg18 : memref<64x128xf32, #tpu.memory_space<vmem>>) dst(%dma_wait3A_422 : memref<50000x128xf32, #tpu.memory_space<hbm>>)
    %dma_wait3A_423 = arith.constant 3 : i32
    %dma_wait3A_424 = arith.constant 0 : i32
    %dma_wait3A_425 = tpu.memref_slice %arg16[%dma_wait3A_423, %dma_wait3A_424] : memref<4x64xi32, #tpu.memory_space<vmem>> -> memref<1x64xi32, #tpu.memory_space<vmem>>
    %dma_wait3A_426 = tpu.memref_squeeze %dma_wait3A_425 : memref<1x64xi32, #tpu.memory_space<vmem>> -> memref<64xi32, #tpu.memory_space<vmem>>
    %dma_wait3A_427 = arith.constant 0 : i32
    %dma_wait3A_428 = arith.constant 0 : i32
    %dma_wait3A_429 = tpu.memref_slice %arg9[%dma_wait3A_427, %dma_wait3A_428] : memref<50000x256xf32, #tpu.memory_space<hbm>> -> memref<50000x256xf32, #tpu.memory_space<hbm>>
    tpu.wait_indirect_dma semaphore(%arg24 : memref<!tpu.dma_semaphore, #tpu.memory_space<semaphore_mem>>) src(%arg19 : memref<64x256xf32, #tpu.memory_space<vmem>>) dst(%dma_wait3A_429 : memref<50000x256xf32, #tpu.memory_space<hbm>>)
    %dma_wait3A_430 = arith.constant 3 : i32
    %dma_wait3A_431 = arith.constant 0 : i32
    %dma_wait3A_432 = tpu.memref_slice %arg16[%dma_wait3A_430, %dma_wait3A_431] : memref<4x64xi32, #tpu.memory_space<vmem>> -> memref<1x64xi32, #tpu.memory_space<vmem>>
    %dma_wait3A_433 = tpu.memref_squeeze %dma_wait3A_432 : memref<1x64xi32, #tpu.memory_space<vmem>> -> memref<64xi32, #tpu.memory_space<vmem>>
    %dma_wait3A_434 = arith.constant 0 : i32
    %dma_wait3A_435 = arith.constant 0 : i32
    %dma_wait3A_436 = tpu.memref_slice %arg10[%dma_wait3A_434, %dma_wait3A_435] : memref<50000x256xf32, #tpu.memory_space<hbm>> -> memref<50000x256xf32, #tpu.memory_space<hbm>>
    tpu.wait_indirect_dma semaphore(%arg25 : memref<!tpu.dma_semaphore, #tpu.memory_space<semaphore_mem>>) src(%arg20 : memref<64x256xf32, #tpu.memory_space<vmem>>) dst(%dma_wait3A_436 : memref<50000x256xf32, #tpu.memory_space<hbm>>)
    %dma_wait3A_437 = arith.constant 3 : i32
    %dma_wait3A_438 = arith.constant 0 : i32
    %dma_wait3A_439 = tpu.memref_slice %arg16[%dma_wait3A_437, %dma_wait3A_438] : memref<4x64xi32, #tpu.memory_space<vmem>> -> memref<1x64xi32, #tpu.memory_space<vmem>>
    %dma_wait3A_440 = tpu.memref_squeeze %dma_wait3A_439 : memref<1x64xi32, #tpu.memory_space<vmem>> -> memref<64xi32, #tpu.memory_space<vmem>>
    %dma_wait3A_441 = arith.constant 0 : i32
    %dma_wait3A_442 = arith.constant 0 : i32
    %dma_wait3A_443 = tpu.memref_slice %arg11[%dma_wait3A_441, %dma_wait3A_442] : memref<50000x512xf32, #tpu.memory_space<hbm>> -> memref<50000x512xf32, #tpu.memory_space<hbm>>
    tpu.wait_indirect_dma semaphore(%arg27 : memref<!tpu.dma_semaphore, #tpu.memory_space<semaphore_mem>>) src(%arg22 : memref<64x512xf32, #tpu.memory_space<vmem>>) dst(%dma_wait3A_443 : memref<50000x512xf32, #tpu.memory_space<hbm>>)
    %dma_wait3A_444 = arith.constant 2 : i32
    %dma_wait3A_445 = arith.constant 0 : i32
    %dma_wait3A_446 = tpu.memref_slice %arg16[%dma_wait3A_444, %dma_wait3A_445] : memref<4x64xi32, #tpu.memory_space<vmem>> -> memref<1x64xi32, #tpu.memory_space<vmem>>
    %dma_wait3A_447 = tpu.memref_squeeze %dma_wait3A_446 : memref<1x64xi32, #tpu.memory_space<vmem>> -> memref<64xi32, #tpu.memory_space<vmem>>
    %dma_wait3A_448 = arith.constant 0 : i32
    %dma_wait3A_449 = arith.constant 0 : i32
    %dma_wait3A_450 = tpu.memref_slice %arg11[%dma_wait3A_448, %dma_wait3A_449] : memref<50000x512xf32, #tpu.memory_space<hbm>> -> memref<50000x512xf32, #tpu.memory_space<hbm>>
    tpu.wait_indirect_dma semaphore(%arg26 : memref<!tpu.dma_semaphore, #tpu.memory_space<semaphore_mem>>) src(%arg21 : memref<64x512xf32, #tpu.memory_space<vmem>>) dst(%dma_wait3A_450 : memref<50000x512xf32, #tpu.memory_space<hbm>>)
    return
  }
}

module attributes {stable_mosaic.version = 14 : i64} {
  func.func @_copy_body(%arg0: i32, %arg1: memref<1000x128xf32, #tpu.memory_space<vmem>>, %arg2: memref<1000x256xf32, #tpu.memory_space<vmem>>, %arg3: memref<1000x256xf32, #tpu.memory_space<vmem>>, %arg4: memref<1000x512xf32, #tpu.memory_space<vmem>>, %arg5: memref<1000x128xf32, #tpu.memory_space<vmem>>, %arg6: memref<1000x256xf32, #tpu.memory_space<vmem>>, %arg7: memref<1000x256xf32, #tpu.memory_space<vmem>>, %arg8: memref<1000x512xf32, #tpu.memory_space<vmem>>) attributes {dimension_semantics = [#tpu.dimension_semantics<arbitrary>], iteration_bounds = array<i64: 50>, scalar_prefetch = 0 : i64, scratch_operands = 0 : i64, tpu.core_type = #tpu.core_type<tc>, window_params = [{transform_indices = @transform_0, window_bounds = array<i64: 1000, 128>}, {transform_indices = @transform_1, window_bounds = array<i64: 1000, 256>}, {transform_indices = @transform_2, window_bounds = array<i64: 1000, 256>}, {transform_indices = @transform_3, window_bounds = array<i64: 1000, 512>}, {transform_indices = @transform_4, window_bounds = array<i64: 1000, 128>}, {transform_indices = @transform_5, window_bounds = array<i64: 1000, 256>}, {transform_indices = @transform_6, window_bounds = array<i64: 1000, 256>}, {transform_indices = @transform_7, window_bounds = array<i64: 1000, 512>}]} {
    %get3A = arith.constant 0 : index
    %get3A_0 = arith.constant 0 : index
    %get3A_1 = vector.load %arg1[%get3A, %get3A_0] : memref<1000x128xf32, #tpu.memory_space<vmem>>, vector<1000x128xf32>
    %swap3A = arith.constant 0 : index
    %swap3A_2 = arith.constant 0 : index
    %swap3A_3 = vector.load %arg5[%swap3A, %swap3A_2] : memref<1000x128xf32, #tpu.memory_space<vmem>>, vector<1000x128xf32>
    tpu.vector_store %arg5[%swap3A, %swap3A_2], %get3A_1 {strides = array<i32>} : memref<1000x128xf32, #tpu.memory_space<vmem>>, vector<1000x128xf32>,
    %get3A_4 = arith.constant 0 : index
    %get3A_5 = arith.constant 0 : index
    %get3A_6 = vector.load %arg2[%get3A_4, %get3A_5] : memref<1000x256xf32, #tpu.memory_space<vmem>>, vector<1000x256xf32>
    %swap3A_7 = arith.constant 0 : index
    %swap3A_8 = arith.constant 0 : index
    %swap3A_9 = vector.load %arg6[%swap3A_7, %swap3A_8] : memref<1000x256xf32, #tpu.memory_space<vmem>>, vector<1000x256xf32>
    tpu.vector_store %arg6[%swap3A_7, %swap3A_8], %get3A_6 {strides = array<i32>} : memref<1000x256xf32, #tpu.memory_space<vmem>>, vector<1000x256xf32>,
    %get3A_10 = arith.constant 0 : index
    %get3A_11 = arith.constant 0 : index
    %get3A_12 = vector.load %arg3[%get3A_10, %get3A_11] : memref<1000x256xf32, #tpu.memory_space<vmem>>, vector<1000x256xf32>
    %swap3A_13 = arith.constant 0 : index
    %swap3A_14 = arith.constant 0 : index
    %swap3A_15 = vector.load %arg7[%swap3A_13, %swap3A_14] : memref<1000x256xf32, #tpu.memory_space<vmem>>, vector<1000x256xf32>
    tpu.vector_store %arg7[%swap3A_13, %swap3A_14], %get3A_12 {strides = array<i32>} : memref<1000x256xf32, #tpu.memory_space<vmem>>, vector<1000x256xf32>,
    %get3A_16 = arith.constant 0 : index
    %get3A_17 = arith.constant 0 : index
    %get3A_18 = vector.load %arg4[%get3A_16, %get3A_17] : memref<1000x512xf32, #tpu.memory_space<vmem>>, vector<1000x512xf32>
    %swap3A_19 = arith.constant 0 : index
    %swap3A_20 = arith.constant 0 : index
    %swap3A_21 = vector.load %arg8[%swap3A_19, %swap3A_20] : memref<1000x512xf32, #tpu.memory_space<vmem>>, vector<1000x512xf32>
    tpu.vector_store %arg8[%swap3A_19, %swap3A_20], %get3A_18 {strides = array<i32>} : memref<1000x512xf32, #tpu.memory_space<vmem>>, vector<1000x512xf32>,
    return
  }
  func.func @transform_0(%arg0: i32) -> (i32, i32) {
    %c0_i32 = arith.constant 0 : i32
    %c0_i32_0 = arith.constant 0 : i32
    return %arg0, %c0_i32 : i32, i32
  }
  func.func @transform_1(%arg0: i32) -> (i32, i32) {
    %c0_i32 = arith.constant 0 : i32
    %c0_i32_0 = arith.constant 0 : i32
    return %arg0, %c0_i32 : i32, i32
  }
  func.func @transform_2(%arg0: i32) -> (i32, i32) {
    %c0_i32 = arith.constant 0 : i32
    %c0_i32_0 = arith.constant 0 : i32
    return %arg0, %c0_i32 : i32, i32
  }
  func.func @transform_3(%arg0: i32) -> (i32, i32) {
    %c0_i32 = arith.constant 0 : i32
    %c0_i32_0 = arith.constant 0 : i32
    return %arg0, %c0_i32 : i32, i32
  }
  func.func @transform_4(%arg0: i32) -> (i32, i32) {
    %c0_i32 = arith.constant 0 : i32
    %c0_i32_0 = arith.constant 0 : i32
    return %arg0, %c0_i32 : i32, i32
  }
  func.func @transform_5(%arg0: i32) -> (i32, i32) {
    %c0_i32 = arith.constant 0 : i32
    %c0_i32_0 = arith.constant 0 : i32
    return %arg0, %c0_i32 : i32, i32
  }
  func.func @transform_6(%arg0: i32) -> (i32, i32) {
    %c0_i32 = arith.constant 0 : i32
    %c0_i32_0 = arith.constant 0 : i32
    return %arg0, %c0_i32 : i32, i32
  }
  func.func @transform_7(%arg0: i32) -> (i32, i32) {
    %c0_i32 = arith.constant 0 : i32
    %c0_i32_0 = arith.constant 0 : i32
    return %arg0, %c0_i32 : i32, i32
  }
}

module attributes {stable_mosaic.version = 14 : i64} {
  func.func @_dense_body(%arg0: i32, %arg1: memref<1x1x256xi32, #tpu.memory_space<vmem>>, %arg2: memref<8192x128xi32, #tpu.memory_space<vmem>>, %arg3: memref<256x128xf32, #tpu.memory_space<vmem>>, %arg4: memref<256x256xf32, #tpu.memory_space<vmem>>, %arg5: memref<256x256xf32, #tpu.memory_space<vmem>>, %arg6: memref<256x256xf32, #tpu.memory_space<vmem>>, %arg7: memref<256x256xf32, #tpu.memory_space<vmem>>, %arg8: memref<128x256xf32, #tpu.memory_space<vmem>>, %arg9: memref<1x256xf32, #tpu.memory_space<vmem>>, %arg10: memref<1x256xf32, #tpu.memory_space<vmem>>, %arg11: memref<1x128xf32, #tpu.memory_space<vmem>>, %arg12: memref<256x128xf32, #tpu.memory_space<vmem>>, %arg13: memref<256x128xf32, #tpu.memory_space<vmem>>, %arg14: memref<256x256xf32, #tpu.memory_space<vmem>>, %arg15: memref<256x256xf32, #tpu.memory_space<vmem>>, %arg16: memref<256x512xf32, #tpu.memory_space<vmem>>, %arg17: memref<256x128xf32, #tpu.memory_space<vmem>>, %arg18: memref<1x1x256xi32, #tpu.memory_space<vmem>>) attributes {dimension_semantics = [#tpu.dimension_semantics<arbitrary>], iteration_bounds = array<i64: 32>, scalar_prefetch = 0 : i64, scratch_operands = 0 : i64, tpu.core_type = #tpu.core_type<tc>, window_params = [{transform_indices = @transform_0, window_bounds = array<i64: 1, 1, 256>}, {pipeline_mode = #tpu.pipeline_mode<synchronous>, transform_indices = @transform_1, window_bounds = array<i64: 8192, 128>}, {transform_indices = @transform_2, window_bounds = array<i64: 256, 128>}, {transform_indices = @transform_3, window_bounds = array<i64: 256, 256>}, {transform_indices = @transform_4, window_bounds = array<i64: 256, 256>}, {transform_indices = @transform_5, window_bounds = array<i64: 256, 256>}, {transform_indices = @transform_6, window_bounds = array<i64: 256, 256>}, {pipeline_mode = #tpu.pipeline_mode<synchronous>, transform_indices = @transform_7, window_bounds = array<i64: 128, 256>}, {pipeline_mode = #tpu.pipeline_mode<synchronous>, transform_indices = @transform_8, window_bounds = array<i64: 1, 256>}, {pipeline_mode = #tpu.pipeline_mode<synchronous>, transform_indices = @transform_9, window_bounds = array<i64: 1, 256>}, {pipeline_mode = #tpu.pipeline_mode<synchronous>, transform_indices = @transform_10, window_bounds = array<i64: 1, 128>}, {pipeline_mode = #tpu.pipeline_mode<synchronous>, transform_indices = @transform_11, window_bounds = array<i64: 256, 128>}, {pipeline_mode = #tpu.pipeline_mode<synchronous>, transform_indices = @transform_12, window_bounds = array<i64: 256, 128>}, {transform_indices = @transform_13, window_bounds = array<i64: 256, 256>}, {transform_indices = @transform_14, window_bounds = array<i64: 256, 256>}, {transform_indices = @transform_15, window_bounds = array<i64: 256, 512>}, {transform_indices = @transform_16, window_bounds = array<i64: 256, 128>}, {transform_indices = @transform_17, window_bounds = array<i64: 1, 1, 256>}]} {
    %get3A = arith.constant 0 : index
    %get3A_0 = arith.constant 0 : index
    %get3A_1 = vector.load %arg3[%get3A, %get3A_0] : memref<256x128xf32, #tpu.memory_space<vmem>>, vector<256x128xf32>
    %get3A_2 = arith.constant 0 : index
    %get3A_3 = arith.constant 0 : index
    %get3A_4 = vector.load %arg8[%get3A_2, %get3A_3] : memref<128x256xf32, #tpu.memory_space<vmem>>, vector<128x256xf32>
    %dot_general3A = arith.constant dense<0.000000e+00> : vector<256x256xf32>
    %dot_general3A_5 = tpu.matmul %get3A_1, %get3A_4, %dot_general3A {dimension_numbers = #tpu.dot_dimension_numbers<[1], [0], [0], [1], [0, 0, 1, 1], [], []>, precision = #tpu.contract_precision<fp32>, transpose_lhs_hint = false} : vector<256x128xf32>, vector<128x256xf32>, vector<256x256xf32> -> vector<256x256xf32>
    %get3A_6 = arith.constant 0 : index
    %get3A_7 = arith.constant 0 : index
    %get3A_8 = vector.load %arg9[%get3A_6, %get3A_7] : memref<1x256xf32, #tpu.memory_space<vmem>>, vector<1x256xf32>
    %add3A = vector.broadcast %get3A_8 : vector<1x256xf32> to vector<256x256xf32>
    %add3A_9 = arith.addf %dot_general3A_5, %add3A : vector<256x256xf32>
    %max3A = arith.constant 0.000000e+00 : f32
    %max3A_10 = vector.broadcast %max3A : f32 to vector<256x256xf32>
    %max3A_11 = arith.maximumf %add3A_9, %max3A_10 : vector<256x256xf32>
    %get3A_12 = arith.constant 0 : index
    %get3A_13 = arith.constant 0 : index
    %get3A_14 = vector.load %arg10[%get3A_12, %get3A_13] : memref<1x256xf32, #tpu.memory_space<vmem>>, vector<1x256xf32>
    %mul3A = vector.broadcast %get3A_14 : vector<1x256xf32> to vector<256x256xf32>
    %mul3A_15 = arith.mulf %max3A_11, %mul3A : vector<256x256xf32>
    %reduce_sum3A = arith.constant dense<0.000000e+00> : vector<256xf32>
    %reduce_sum3A_16 = vector.multi_reduction <add>, %mul3A_15, %reduce_sum3A [1] : vector<256x256xf32> to vector<256xf32>
    %broadcast_in_dim3A = vector.shape_cast %reduce_sum3A_16 : vector<256xf32> to vector<256x1xf32>
    %get3A_17 = arith.constant 0 : index
    %get3A_18 = arith.constant 0 : index
    %get3A_19 = vector.load %arg11[%get3A_17, %get3A_18] : memref<1x128xf32, #tpu.memory_space<vmem>>, vector<1x1xf32>
    %add3A_20 = vector.broadcast %get3A_19 : vector<1x1xf32> to vector<256x1xf32>
    %add3A_21 = arith.addf %broadcast_in_dim3A, %add3A_20 : vector<256x1xf32>
    %neg3A = arith.constant 0.000000e+00 : f32
    %neg3A_22 = vector.broadcast %neg3A : f32 to vector<256x1xf32>
    %neg3A_23 = arith.subf %neg3A_22, %add3A_21 : vector<256x1xf32>
    %exp3A = math.exp %neg3A_23 : vector<256x1xf32>
    %add3A_24 = arith.constant 1.000000e+00 : f32
    %add3A_25 = vector.broadcast %add3A_24 : f32 to vector<256x1xf32>
    %add3A_26 = arith.addf %add3A_25, %exp3A : vector<256x1xf32>
    %div3A = arith.constant 1.000000e+00 : f32
    %div3A_27 = vector.broadcast %div3A : f32 to vector<256x1xf32>
    %div3A_28 = arith.divf %div3A_27, %add3A_26 : vector<256x1xf32>
    %get3A_29 = arith.constant 0 : index
    %get3A_30 = arith.constant 0 : index
    %get3A_31 = vector.load %arg4[%get3A_29, %get3A_30] : memref<256x256xf32, #tpu.memory_space<vmem>>, vector<256x256xf32>
    %mul3A_32 = vector.broadcast %div3A_28 : vector<256x1xf32> to vector<256x256xf32>
    %mul3A_33 = arith.mulf %get3A_31, %mul3A_32 : vector<256x256xf32>
    %sub3A = arith.constant 1.000000e+00 : f32
    %sub3A_34 = vector.broadcast %sub3A : f32 to vector<256x1xf32>
    %sub3A_35 = arith.subf %sub3A_34, %div3A_28 : vector<256x1xf32>
    %get3A_36 = arith.constant 0 : index
    %get3A_37 = arith.constant 0 : index
    %get3A_38 = vector.load %arg6[%get3A_36, %get3A_37] : memref<256x256xf32, #tpu.memory_space<vmem>>, vector<256x256xf32>
    %mul3A_39 = vector.broadcast %sub3A_35 : vector<256x1xf32> to vector<256x256xf32>
    %mul3A_40 = arith.mulf %mul3A_39, %get3A_38 : vector<256x256xf32>
    %add3A_41 = arith.addf %mul3A_33, %mul3A_40 : vector<256x256xf32>
    %get3A_42 = arith.constant 0 : index
    %get3A_43 = arith.constant 0 : index
    %get3A_44 = vector.load %arg5[%get3A_42, %get3A_43] : memref<256x256xf32, #tpu.memory_space<vmem>>, vector<256x256xf32>
    %mul3A_45 = vector.broadcast %div3A_28 : vector<256x1xf32> to vector<256x256xf32>
    %mul3A_46 = arith.mulf %get3A_44, %mul3A_45 : vector<256x256xf32>
    %sub3A_47 = arith.constant 1.000000e+00 : f32
    %sub3A_48 = vector.broadcast %sub3A_47 : f32 to vector<256x1xf32>
    %sub3A_49 = arith.subf %sub3A_48, %div3A_28 : vector<256x1xf32>
    %get3A_50 = arith.constant 0 : index
    %get3A_51 = arith.constant 0 : index
    %get3A_52 = vector.load %arg7[%get3A_50, %get3A_51] : memref<256x256xf32, #tpu.memory_space<vmem>>, vector<256x256xf32>
    %mul3A_53 = vector.broadcast %sub3A_49 : vector<256x1xf32> to vector<256x256xf32>
    %mul3A_54 = arith.mulf %mul3A_53, %get3A_52 : vector<256x256xf32>
    %add3A_55 = arith.addf %mul3A_46, %mul3A_54 : vector<256x256xf32>
    %reduce_max3A = arith.constant dense<0xFF800000> : vector<256xf32>
    %reduce_max3A_56 = vector.multi_reduction <maximumf>, %add3A_41, %reduce_max3A [1] : vector<256x256xf32> to vector<256xf32>
    %broadcast_in_dim3A_57 = vector.shape_cast %reduce_max3A_56 : vector<256xf32> to vector<256x1xf32>
    %reduce_max3A_58 = arith.constant dense<0xFF800000> : vector<256xf32>
    %reduce_max3A_59 = vector.multi_reduction <maximumf>, %add3A_55, %reduce_max3A_58 [1] : vector<256x256xf32> to vector<256xf32>
    %broadcast_in_dim3A_60 = vector.shape_cast %reduce_max3A_59 : vector<256xf32> to vector<256x1xf32>
    %max3A_61 = arith.maximumf %broadcast_in_dim3A_57, %broadcast_in_dim3A_60 : vector<256x1xf32>
    %sub3A_62 = vector.broadcast %max3A_61 : vector<256x1xf32> to vector<256x256xf32>
    %sub3A_63 = arith.subf %add3A_41, %sub3A_62 : vector<256x256xf32>
    %exp3A_64 = math.exp %sub3A_63 : vector<256x256xf32>
    %sub3A_65 = vector.broadcast %max3A_61 : vector<256x1xf32> to vector<256x256xf32>
    %sub3A_66 = arith.subf %add3A_55, %sub3A_65 : vector<256x256xf32>
    %exp3A_67 = math.exp %sub3A_66 : vector<256x256xf32>
    %reduce_sum3A_68 = arith.constant dense<0.000000e+00> : vector<256xf32>
    %reduce_sum3A_69 = vector.multi_reduction <add>, %exp3A_64, %reduce_sum3A_68 [1] : vector<256x256xf32> to vector<256xf32>
    %broadcast_in_dim3A_70 = vector.shape_cast %reduce_sum3A_69 : vector<256xf32> to vector<256x1xf32>
    %reduce_sum3A_71 = arith.constant dense<0.000000e+00> : vector<256xf32>
    %reduce_sum3A_72 = vector.multi_reduction <add>, %exp3A_67, %reduce_sum3A_71 [1] : vector<256x256xf32> to vector<256xf32>
    %broadcast_in_dim3A_73 = vector.shape_cast %reduce_sum3A_72 : vector<256xf32> to vector<256x1xf32>
    %add3A_74 = arith.addf %broadcast_in_dim3A_70, %broadcast_in_dim3A_73 : vector<256x1xf32>
    %div3A_75 = vector.broadcast %add3A_74 : vector<256x1xf32> to vector<256x256xf32>
    %div3A_76 = arith.divf %exp3A_64, %div3A_75 : vector<256x256xf32>
    %div3A_77 = vector.broadcast %add3A_74 : vector<256x1xf32> to vector<256x256xf32>
    %div3A_78 = arith.divf %exp3A_67, %div3A_77 : vector<256x256xf32>
    %swap3A = arith.constant 0 : index
    %swap3A_79 = arith.constant 0 : index
    %swap3A_80 = vector.load %arg14[%swap3A, %swap3A_79] : memref<256x256xf32, #tpu.memory_space<vmem>>, vector<256x256xf32>
    tpu.vector_store %arg14[%swap3A, %swap3A_79], %add3A_41 {strides = array<i32>} : memref<256x256xf32, #tpu.memory_space<vmem>>, vector<256x256xf32>,
    %swap3A_81 = arith.constant 0 : index
    %swap3A_82 = arith.constant 0 : index
    %swap3A_83 = vector.load %arg15[%swap3A_81, %swap3A_82] : memref<256x256xf32, #tpu.memory_space<vmem>>, vector<256x256xf32>
    tpu.vector_store %arg15[%swap3A_81, %swap3A_82], %add3A_55 {strides = array<i32>} : memref<256x256xf32, #tpu.memory_space<vmem>>, vector<256x256xf32>,
    %concatenate3A = tpu.concatenate %div3A_76, %div3A_78 in 1 : vector<256x256xf32>, vector<256x256xf32> -> vector<256x512xf32>
    %swap3A_84 = arith.constant 0 : index
    %swap3A_85 = arith.constant 0 : index
    %swap3A_86 = vector.load %arg16[%swap3A_84, %swap3A_85] : memref<256x512xf32, #tpu.memory_space<vmem>>, vector<256x512xf32>
    tpu.vector_store %arg16[%swap3A_84, %swap3A_85], %concatenate3A {strides = array<i32>} : memref<256x512xf32, #tpu.memory_space<vmem>>, vector<256x512xf32>,
    %get3A_87 = arith.constant 0 : index
    %get3A_88 = arith.constant 0 : index
    %get3A_89 = vector.load %arg12[%get3A_87, %get3A_88] : memref<256x128xf32, #tpu.memory_space<vmem>>, vector<256x128xf32>
    %dot_general3A_90 = arith.constant dense<0.000000e+00> : vector<256x128xf32>
    %dot_general3A_91 = tpu.matmul %div3A_76, %get3A_89, %dot_general3A_90 {dimension_numbers = #tpu.dot_dimension_numbers<[1], [0], [0], [1], [0, 0, 1, 1], [], []>, precision = #tpu.contract_precision<fp32>, transpose_lhs_hint = false} : vector<256x256xf32>, vector<256x128xf32>, vector<256x128xf32> -> vector<256x128xf32>
    %get3A_92 = arith.constant 0 : index
    %get3A_93 = arith.constant 0 : index
    %get3A_94 = vector.load %arg13[%get3A_92, %get3A_93] : memref<256x128xf32, #tpu.memory_space<vmem>>, vector<256x128xf32>
    %dot_general3A_95 = arith.constant dense<0.000000e+00> : vector<256x128xf32>
    %dot_general3A_96 = tpu.matmul %div3A_78, %get3A_94, %dot_general3A_95 {dimension_numbers = #tpu.dot_dimension_numbers<[1], [0], [0], [1], [0, 0, 1, 1], [], []>, precision = #tpu.contract_precision<fp32>, transpose_lhs_hint = false} : vector<256x256xf32>, vector<256x128xf32>, vector<256x128xf32> -> vector<256x128xf32>
    %add3A_97 = arith.addf %dot_general3A_91, %dot_general3A_96 : vector<256x128xf32>
    %swap3A_98 = arith.constant 0 : index
    %swap3A_99 = arith.constant 0 : index
    %swap3A_100 = vector.load %arg17[%swap3A_98, %swap3A_99] : memref<256x128xf32, #tpu.memory_space<vmem>>, vector<256x128xf32>
    tpu.vector_store %arg17[%swap3A_98, %swap3A_99], %add3A_97 {strides = array<i32>} : memref<256x128xf32, #tpu.memory_space<vmem>>, vector<256x128xf32>,
    %get3A_101 = arith.constant 0 : index
    %get3A_102 = arith.constant 0 : index
    %get3A_103 = arith.constant 0 : index
    %get3A_104 = vector.load %arg1[%get3A_101, %get3A_102, %get3A_103] : memref<1x1x256xi32, #tpu.memory_space<vmem>>, vector<1x1x256xi32>
    %get3A_105 = vector.shape_cast %get3A_104 : vector<1x1x256xi32> to vector<1x256xi32>
    %broadcast_in_dim3A_106 = arith.constant -1 : i32
    %broadcast_in_dim3A_107 = vector.broadcast %broadcast_in_dim3A_106 : i32 to vector<1x256xi32>
    %get3A_108 = arith.constant 0 : index
    %get3A_109 = arith.constant 0 : index
    %get3A_110 = vector.load %arg2[%get3A_108, %get3A_109] : memref<8192x128xi32, #tpu.memory_space<vmem>>, vector<256x1xi32>
    %eq3A = vector.broadcast %get3A_110 : vector<256x1xi32> to vector<256x256xi32>
    %eq3A_111 = vector.broadcast %get3A_105 : vector<1x256xi32> to vector<256x256xi32>
    %eq3A_112 = arith.cmpi eq, %eq3A, %eq3A_111 : vector<256x256xi32>
    %iota3A = tpu.iota {dimensions = array<i32: 0>} : vector<256x256xi32>
    %add3A_113 = arith.constant 0 : i32
    %add3A_114 = vector.broadcast %add3A_113 : i32 to vector<256x256xi32>
    %add3A_115 = arith.addi %iota3A, %add3A_114 : vector<256x256xi32>
    %jit3A = arith.constant -1 : i32
    %broadcast_in_dim3A_116 = vector.broadcast %jit3A : i32 to vector<256x256xi32>
    %select_n3A = arith.select %eq3A_112, %add3A_115, %broadcast_in_dim3A_116 : vector<256x256xi1>, vector<256x256xi32>
    %reduce_max3A_117 = arith.constant dense<-2147483648> : vector<256xi32>
    %reduce_max3A_118 = vector.multi_reduction <maxsi>, %select_n3A, %reduce_max3A_117 [0] : vector<256x256xi32> to vector<256xi32>
    %broadcast_in_dim3A_119 = vector.shape_cast %reduce_max3A_118 : vector<256xi32> to vector<1x256xi32>
    %max3A_120 = arith.maxsi %broadcast_in_dim3A_107, %broadcast_in_dim3A_119 : vector<1x256xi32>
    %get3A_121 = arith.constant 256 : index
    %get3A_122 = arith.constant 0 : index
    %get3A_123 = vector.load %arg2[%get3A_121, %get3A_122] : memref<8192x128xi32, #tpu.memory_space<vmem>>, vector<256x1xi32>
    %eq3A_124 = vector.broadcast %get3A_123 : vector<256x1xi32> to vector<256x256xi32>
    %eq3A_125 = vector.broadcast %get3A_105 : vector<1x256xi32> to vector<256x256xi32>
    %eq3A_126 = arith.cmpi eq, %eq3A_124, %eq3A_125 : vector<256x256xi32>
    %iota3A_127 = tpu.iota {dimensions = array<i32: 0>} : vector<256x256xi32>
    %add3A_128 = arith.constant 256 : i32
    %add3A_129 = vector.broadcast %add3A_128 : i32 to vector<256x256xi32>
    %add3A_130 = arith.addi %iota3A_127, %add3A_129 : vector<256x256xi32>
    %jit3A_131 = arith.constant -1 : i32
    %broadcast_in_dim3A_132 = vector.broadcast %jit3A_131 : i32 to vector<256x256xi32>
    %select_n3A_133 = arith.select %eq3A_126, %add3A_130, %broadcast_in_dim3A_132 : vector<256x256xi1>, vector<256x256xi32>
    %reduce_max3A_134 = arith.constant dense<-2147483648> : vector<256xi32>
    %reduce_max3A_135 = vector.multi_reduction <maxsi>, %select_n3A_133, %reduce_max3A_134 [0] : vector<256x256xi32> to vector<256xi32>
    %broadcast_in_dim3A_136 = vector.shape_cast %reduce_max3A_135 : vector<256xi32> to vector<1x256xi32>
    %max3A_137 = arith.maxsi %max3A_120, %broadcast_in_dim3A_136 : vector<1x256xi32>
    %get3A_138 = arith.constant 512 : index
    %get3A_139 = arith.constant 0 : index
    %get3A_140 = vector.load %arg2[%get3A_138, %get3A_139] : memref<8192x128xi32, #tpu.memory_space<vmem>>, vector<256x1xi32>
    %eq3A_141 = vector.broadcast %get3A_140 : vector<256x1xi32> to vector<256x256xi32>
    %eq3A_142 = vector.broadcast %get3A_105 : vector<1x256xi32> to vector<256x256xi32>
    %eq3A_143 = arith.cmpi eq, %eq3A_141, %eq3A_142 : vector<256x256xi32>
    %iota3A_144 = tpu.iota {dimensions = array<i32: 0>} : vector<256x256xi32>
    %add3A_145 = arith.constant 512 : i32
    %add3A_146 = vector.broadcast %add3A_145 : i32 to vector<256x256xi32>
    %add3A_147 = arith.addi %iota3A_144, %add3A_146 : vector<256x256xi32>
    %jit3A_148 = arith.constant -1 : i32
    %broadcast_in_dim3A_149 = vector.broadcast %jit3A_148 : i32 to vector<256x256xi32>
    %select_n3A_150 = arith.select %eq3A_143, %add3A_147, %broadcast_in_dim3A_149 : vector<256x256xi1>, vector<256x256xi32>
    %reduce_max3A_151 = arith.constant dense<-2147483648> : vector<256xi32>
    %reduce_max3A_152 = vector.multi_reduction <maxsi>, %select_n3A_150, %reduce_max3A_151 [0] : vector<256x256xi32> to vector<256xi32>
    %broadcast_in_dim3A_153 = vector.shape_cast %reduce_max3A_152 : vector<256xi32> to vector<1x256xi32>
    %max3A_154 = arith.maxsi %max3A_137, %broadcast_in_dim3A_153 : vector<1x256xi32>
    %get3A_155 = arith.constant 768 : index
    %get3A_156 = arith.constant 0 : index
    %get3A_157 = vector.load %arg2[%get3A_155, %get3A_156] : memref<8192x128xi32, #tpu.memory_space<vmem>>, vector<256x1xi32>
    %eq3A_158 = vector.broadcast %get3A_157 : vector<256x1xi32> to vector<256x256xi32>
    %eq3A_159 = vector.broadcast %get3A_105 : vector<1x256xi32> to vector<256x256xi32>
    %eq3A_160 = arith.cmpi eq, %eq3A_158, %eq3A_159 : vector<256x256xi32>
    %iota3A_161 = tpu.iota {dimensions = array<i32: 0>} : vector<256x256xi32>
    %add3A_162 = arith.constant 768 : i32
    %add3A_163 = vector.broadcast %add3A_162 : i32 to vector<256x256xi32>
    %add3A_164 = arith.addi %iota3A_161, %add3A_163 : vector<256x256xi32>
    %jit3A_165 = arith.constant -1 : i32
    %broadcast_in_dim3A_166 = vector.broadcast %jit3A_165 : i32 to vector<256x256xi32>
    %select_n3A_167 = arith.select %eq3A_160, %add3A_164, %broadcast_in_dim3A_166 : vector<256x256xi1>, vector<256x256xi32>
    %reduce_max3A_168 = arith.constant dense<-2147483648> : vector<256xi32>
    %reduce_max3A_169 = vector.multi_reduction <maxsi>, %select_n3A_167, %reduce_max3A_168 [0] : vector<256x256xi32> to vector<256xi32>
    %broadcast_in_dim3A_170 = vector.shape_cast %reduce_max3A_169 : vector<256xi32> to vector<1x256xi32>
    %max3A_171 = arith.maxsi %max3A_154, %broadcast_in_dim3A_170 : vector<1x256xi32>
    %get3A_172 = arith.constant 1024 : index
    %get3A_173 = arith.constant 0 : index
    %get3A_174 = vector.load %arg2[%get3A_172, %get3A_173] : memref<8192x128xi32, #tpu.memory_space<vmem>>, vector<256x1xi32>
    %eq3A_175 = vector.broadcast %get3A_174 : vector<256x1xi32> to vector<256x256xi32>
    %eq3A_176 = vector.broadcast %get3A_105 : vector<1x256xi32> to vector<256x256xi32>
    %eq3A_177 = arith.cmpi eq, %eq3A_175, %eq3A_176 : vector<256x256xi32>
    %iota3A_178 = tpu.iota {dimensions = array<i32: 0>} : vector<256x256xi32>
    %add3A_179 = arith.constant 1024 : i32
    %add3A_180 = vector.broadcast %add3A_179 : i32 to vector<256x256xi32>
    %add3A_181 = arith.addi %iota3A_178, %add3A_180 : vector<256x256xi32>
    %jit3A_182 = arith.constant -1 : i32
    %broadcast_in_dim3A_183 = vector.broadcast %jit3A_182 : i32 to vector<256x256xi32>
    %select_n3A_184 = arith.select %eq3A_177, %add3A_181, %broadcast_in_dim3A_183 : vector<256x256xi1>, vector<256x256xi32>
    %reduce_max3A_185 = arith.constant dense<-2147483648> : vector<256xi32>
    %reduce_max3A_186 = vector.multi_reduction <maxsi>, %select_n3A_184, %reduce_max3A_185 [0] : vector<256x256xi32> to vector<256xi32>
    %broadcast_in_dim3A_187 = vector.shape_cast %reduce_max3A_186 : vector<256xi32> to vector<1x256xi32>
    %max3A_188 = arith.maxsi %max3A_171, %broadcast_in_dim3A_187 : vector<1x256xi32>
    %get3A_189 = arith.constant 1280 : index
    %get3A_190 = arith.constant 0 : index
    %get3A_191 = vector.load %arg2[%get3A_189, %get3A_190] : memref<8192x128xi32, #tpu.memory_space<vmem>>, vector<256x1xi32>
    %eq3A_192 = vector.broadcast %get3A_191 : vector<256x1xi32> to vector<256x256xi32>
    %eq3A_193 = vector.broadcast %get3A_105 : vector<1x256xi32> to vector<256x256xi32>
    %eq3A_194 = arith.cmpi eq, %eq3A_192, %eq3A_193 : vector<256x256xi32>
    %iota3A_195 = tpu.iota {dimensions = array<i32: 0>} : vector<256x256xi32>
    %add3A_196 = arith.constant 1280 : i32
    %add3A_197 = vector.broadcast %add3A_196 : i32 to vector<256x256xi32>
    %add3A_198 = arith.addi %iota3A_195, %add3A_197 : vector<256x256xi32>
    %jit3A_199 = arith.constant -1 : i32
    %broadcast_in_dim3A_200 = vector.broadcast %jit3A_199 : i32 to vector<256x256xi32>
    %select_n3A_201 = arith.select %eq3A_194, %add3A_198, %broadcast_in_dim3A_200 : vector<256x256xi1>, vector<256x256xi32>
    %reduce_max3A_202 = arith.constant dense<-2147483648> : vector<256xi32>
    %reduce_max3A_203 = vector.multi_reduction <maxsi>, %select_n3A_201, %reduce_max3A_202 [0] : vector<256x256xi32> to vector<256xi32>
    %broadcast_in_dim3A_204 = vector.shape_cast %reduce_max3A_203 : vector<256xi32> to vector<1x256xi32>
    %max3A_205 = arith.maxsi %max3A_188, %broadcast_in_dim3A_204 : vector<1x256xi32>
    %get3A_206 = arith.constant 1536 : index
    %get3A_207 = arith.constant 0 : index
    %get3A_208 = vector.load %arg2[%get3A_206, %get3A_207] : memref<8192x128xi32, #tpu.memory_space<vmem>>, vector<256x1xi32>
    %eq3A_209 = vector.broadcast %get3A_208 : vector<256x1xi32> to vector<256x256xi32>
    %eq3A_210 = vector.broadcast %get3A_105 : vector<1x256xi32> to vector<256x256xi32>
    %eq3A_211 = arith.cmpi eq, %eq3A_209, %eq3A_210 : vector<256x256xi32>
    %iota3A_212 = tpu.iota {dimensions = array<i32: 0>} : vector<256x256xi32>
    %add3A_213 = arith.constant 1536 : i32
    %add3A_214 = vector.broadcast %add3A_213 : i32 to vector<256x256xi32>
    %add3A_215 = arith.addi %iota3A_212, %add3A_214 : vector<256x256xi32>
    %jit3A_216 = arith.constant -1 : i32
    %broadcast_in_dim3A_217 = vector.broadcast %jit3A_216 : i32 to vector<256x256xi32>
    %select_n3A_218 = arith.select %eq3A_211, %add3A_215, %broadcast_in_dim3A_217 : vector<256x256xi1>, vector<256x256xi32>
    %reduce_max3A_219 = arith.constant dense<-2147483648> : vector<256xi32>
    %reduce_max3A_220 = vector.multi_reduction <maxsi>, %select_n3A_218, %reduce_max3A_219 [0] : vector<256x256xi32> to vector<256xi32>
    %broadcast_in_dim3A_221 = vector.shape_cast %reduce_max3A_220 : vector<256xi32> to vector<1x256xi32>
    %max3A_222 = arith.maxsi %max3A_205, %broadcast_in_dim3A_221 : vector<1x256xi32>
    %get3A_223 = arith.constant 1792 : index
    %get3A_224 = arith.constant 0 : index
    %get3A_225 = vector.load %arg2[%get3A_223, %get3A_224] : memref<8192x128xi32, #tpu.memory_space<vmem>>, vector<256x1xi32>
    %eq3A_226 = vector.broadcast %get3A_225 : vector<256x1xi32> to vector<256x256xi32>
    %eq3A_227 = vector.broadcast %get3A_105 : vector<1x256xi32> to vector<256x256xi32>
    %eq3A_228 = arith.cmpi eq, %eq3A_226, %eq3A_227 : vector<256x256xi32>
    %iota3A_229 = tpu.iota {dimensions = array<i32: 0>} : vector<256x256xi32>
    %add3A_230 = arith.constant 1792 : i32
    %add3A_231 = vector.broadcast %add3A_230 : i32 to vector<256x256xi32>
    %add3A_232 = arith.addi %iota3A_229, %add3A_231 : vector<256x256xi32>
    %jit3A_233 = arith.constant -1 : i32
    %broadcast_in_dim3A_234 = vector.broadcast %jit3A_233 : i32 to vector<256x256xi32>
    %select_n3A_235 = arith.select %eq3A_228, %add3A_232, %broadcast_in_dim3A_234 : vector<256x256xi1>, vector<256x256xi32>
    %reduce_max3A_236 = arith.constant dense<-2147483648> : vector<256xi32>
    %reduce_max3A_237 = vector.multi_reduction <maxsi>, %select_n3A_235, %reduce_max3A_236 [0] : vector<256x256xi32> to vector<256xi32>
    %broadcast_in_dim3A_238 = vector.shape_cast %reduce_max3A_237 : vector<256xi32> to vector<1x256xi32>
    %max3A_239 = arith.maxsi %max3A_222, %broadcast_in_dim3A_238 : vector<1x256xi32>
    %get3A_240 = arith.constant 2048 : index
    %get3A_241 = arith.constant 0 : index
    %get3A_242 = vector.load %arg2[%get3A_240, %get3A_241] : memref<8192x128xi32, #tpu.memory_space<vmem>>, vector<256x1xi32>
    %eq3A_243 = vector.broadcast %get3A_242 : vector<256x1xi32> to vector<256x256xi32>
    %eq3A_244 = vector.broadcast %get3A_105 : vector<1x256xi32> to vector<256x256xi32>
    %eq3A_245 = arith.cmpi eq, %eq3A_243, %eq3A_244 : vector<256x256xi32>
    %iota3A_246 = tpu.iota {dimensions = array<i32: 0>} : vector<256x256xi32>
    %add3A_247 = arith.constant 2048 : i32
    %add3A_248 = vector.broadcast %add3A_247 : i32 to vector<256x256xi32>
    %add3A_249 = arith.addi %iota3A_246, %add3A_248 : vector<256x256xi32>
    %jit3A_250 = arith.constant -1 : i32
    %broadcast_in_dim3A_251 = vector.broadcast %jit3A_250 : i32 to vector<256x256xi32>
    %select_n3A_252 = arith.select %eq3A_245, %add3A_249, %broadcast_in_dim3A_251 : vector<256x256xi1>, vector<256x256xi32>
    %reduce_max3A_253 = arith.constant dense<-2147483648> : vector<256xi32>
    %reduce_max3A_254 = vector.multi_reduction <maxsi>, %select_n3A_252, %reduce_max3A_253 [0] : vector<256x256xi32> to vector<256xi32>
    %broadcast_in_dim3A_255 = vector.shape_cast %reduce_max3A_254 : vector<256xi32> to vector<1x256xi32>
    %max3A_256 = arith.maxsi %max3A_239, %broadcast_in_dim3A_255 : vector<1x256xi32>
    %get3A_257 = arith.constant 2304 : index
    %get3A_258 = arith.constant 0 : index
    %get3A_259 = vector.load %arg2[%get3A_257, %get3A_258] : memref<8192x128xi32, #tpu.memory_space<vmem>>, vector<256x1xi32>
    %eq3A_260 = vector.broadcast %get3A_259 : vector<256x1xi32> to vector<256x256xi32>
    %eq3A_261 = vector.broadcast %get3A_105 : vector<1x256xi32> to vector<256x256xi32>
    %eq3A_262 = arith.cmpi eq, %eq3A_260, %eq3A_261 : vector<256x256xi32>
    %iota3A_263 = tpu.iota {dimensions = array<i32: 0>} : vector<256x256xi32>
    %add3A_264 = arith.constant 2304 : i32
    %add3A_265 = vector.broadcast %add3A_264 : i32 to vector<256x256xi32>
    %add3A_266 = arith.addi %iota3A_263, %add3A_265 : vector<256x256xi32>
    %jit3A_267 = arith.constant -1 : i32
    %broadcast_in_dim3A_268 = vector.broadcast %jit3A_267 : i32 to vector<256x256xi32>
    %select_n3A_269 = arith.select %eq3A_262, %add3A_266, %broadcast_in_dim3A_268 : vector<256x256xi1>, vector<256x256xi32>
    %reduce_max3A_270 = arith.constant dense<-2147483648> : vector<256xi32>
    %reduce_max3A_271 = vector.multi_reduction <maxsi>, %select_n3A_269, %reduce_max3A_270 [0] : vector<256x256xi32> to vector<256xi32>
    %broadcast_in_dim3A_272 = vector.shape_cast %reduce_max3A_271 : vector<256xi32> to vector<1x256xi32>
    %max3A_273 = arith.maxsi %max3A_256, %broadcast_in_dim3A_272 : vector<1x256xi32>
    %get3A_274 = arith.constant 2560 : index
    %get3A_275 = arith.constant 0 : index
    %get3A_276 = vector.load %arg2[%get3A_274, %get3A_275] : memref<8192x128xi32, #tpu.memory_space<vmem>>, vector<256x1xi32>
    %eq3A_277 = vector.broadcast %get3A_276 : vector<256x1xi32> to vector<256x256xi32>
    %eq3A_278 = vector.broadcast %get3A_105 : vector<1x256xi32> to vector<256x256xi32>
    %eq3A_279 = arith.cmpi eq, %eq3A_277, %eq3A_278 : vector<256x256xi32>
    %iota3A_280 = tpu.iota {dimensions = array<i32: 0>} : vector<256x256xi32>
    %add3A_281 = arith.constant 2560 : i32
    %add3A_282 = vector.broadcast %add3A_281 : i32 to vector<256x256xi32>
    %add3A_283 = arith.addi %iota3A_280, %add3A_282 : vector<256x256xi32>
    %jit3A_284 = arith.constant -1 : i32
    %broadcast_in_dim3A_285 = vector.broadcast %jit3A_284 : i32 to vector<256x256xi32>
    %select_n3A_286 = arith.select %eq3A_279, %add3A_283, %broadcast_in_dim3A_285 : vector<256x256xi1>, vector<256x256xi32>
    %reduce_max3A_287 = arith.constant dense<-2147483648> : vector<256xi32>
    %reduce_max3A_288 = vector.multi_reduction <maxsi>, %select_n3A_286, %reduce_max3A_287 [0] : vector<256x256xi32> to vector<256xi32>
    %broadcast_in_dim3A_289 = vector.shape_cast %reduce_max3A_288 : vector<256xi32> to vector<1x256xi32>
    %max3A_290 = arith.maxsi %max3A_273, %broadcast_in_dim3A_289 : vector<1x256xi32>
    %get3A_291 = arith.constant 2816 : index
    %get3A_292 = arith.constant 0 : index
    %get3A_293 = vector.load %arg2[%get3A_291, %get3A_292] : memref<8192x128xi32, #tpu.memory_space<vmem>>, vector<256x1xi32>
    %eq3A_294 = vector.broadcast %get3A_293 : vector<256x1xi32> to vector<256x256xi32>
    %eq3A_295 = vector.broadcast %get3A_105 : vector<1x256xi32> to vector<256x256xi32>
    %eq3A_296 = arith.cmpi eq, %eq3A_294, %eq3A_295 : vector<256x256xi32>
    %iota3A_297 = tpu.iota {dimensions = array<i32: 0>} : vector<256x256xi32>
    %add3A_298 = arith.constant 2816 : i32
    %add3A_299 = vector.broadcast %add3A_298 : i32 to vector<256x256xi32>
    %add3A_300 = arith.addi %iota3A_297, %add3A_299 : vector<256x256xi32>
    %jit3A_301 = arith.constant -1 : i32
    %broadcast_in_dim3A_302 = vector.broadcast %jit3A_301 : i32 to vector<256x256xi32>
    %select_n3A_303 = arith.select %eq3A_296, %add3A_300, %broadcast_in_dim3A_302 : vector<256x256xi1>, vector<256x256xi32>
    %reduce_max3A_304 = arith.constant dense<-2147483648> : vector<256xi32>
    %reduce_max3A_305 = vector.multi_reduction <maxsi>, %select_n3A_303, %reduce_max3A_304 [0] : vector<256x256xi32> to vector<256xi32>
    %broadcast_in_dim3A_306 = vector.shape_cast %reduce_max3A_305 : vector<256xi32> to vector<1x256xi32>
    %max3A_307 = arith.maxsi %max3A_290, %broadcast_in_dim3A_306 : vector<1x256xi32>
    %get3A_308 = arith.constant 3072 : index
    %get3A_309 = arith.constant 0 : index
    %get3A_310 = vector.load %arg2[%get3A_308, %get3A_309] : memref<8192x128xi32, #tpu.memory_space<vmem>>, vector<256x1xi32>
    %eq3A_311 = vector.broadcast %get3A_310 : vector<256x1xi32> to vector<256x256xi32>
    %eq3A_312 = vector.broadcast %get3A_105 : vector<1x256xi32> to vector<256x256xi32>
    %eq3A_313 = arith.cmpi eq, %eq3A_311, %eq3A_312 : vector<256x256xi32>
    %iota3A_314 = tpu.iota {dimensions = array<i32: 0>} : vector<256x256xi32>
    %add3A_315 = arith.constant 3072 : i32
    %add3A_316 = vector.broadcast %add3A_315 : i32 to vector<256x256xi32>
    %add3A_317 = arith.addi %iota3A_314, %add3A_316 : vector<256x256xi32>
    %jit3A_318 = arith.constant -1 : i32
    %broadcast_in_dim3A_319 = vector.broadcast %jit3A_318 : i32 to vector<256x256xi32>
    %select_n3A_320 = arith.select %eq3A_313, %add3A_317, %broadcast_in_dim3A_319 : vector<256x256xi1>, vector<256x256xi32>
    %reduce_max3A_321 = arith.constant dense<-2147483648> : vector<256xi32>
    %reduce_max3A_322 = vector.multi_reduction <maxsi>, %select_n3A_320, %reduce_max3A_321 [0] : vector<256x256xi32> to vector<256xi32>
    %broadcast_in_dim3A_323 = vector.shape_cast %reduce_max3A_322 : vector<256xi32> to vector<1x256xi32>
    %max3A_324 = arith.maxsi %max3A_307, %broadcast_in_dim3A_323 : vector<1x256xi32>
    %get3A_325 = arith.constant 3328 : index
    %get3A_326 = arith.constant 0 : index
    %get3A_327 = vector.load %arg2[%get3A_325, %get3A_326] : memref<8192x128xi32, #tpu.memory_space<vmem>>, vector<256x1xi32>
    %eq3A_328 = vector.broadcast %get3A_327 : vector<256x1xi32> to vector<256x256xi32>
    %eq3A_329 = vector.broadcast %get3A_105 : vector<1x256xi32> to vector<256x256xi32>
    %eq3A_330 = arith.cmpi eq, %eq3A_328, %eq3A_329 : vector<256x256xi32>
    %iota3A_331 = tpu.iota {dimensions = array<i32: 0>} : vector<256x256xi32>
    %add3A_332 = arith.constant 3328 : i32
    %add3A_333 = vector.broadcast %add3A_332 : i32 to vector<256x256xi32>
    %add3A_334 = arith.addi %iota3A_331, %add3A_333 : vector<256x256xi32>
    %jit3A_335 = arith.constant -1 : i32
    %broadcast_in_dim3A_336 = vector.broadcast %jit3A_335 : i32 to vector<256x256xi32>
    %select_n3A_337 = arith.select %eq3A_330, %add3A_334, %broadcast_in_dim3A_336 : vector<256x256xi1>, vector<256x256xi32>
    %reduce_max3A_338 = arith.constant dense<-2147483648> : vector<256xi32>
    %reduce_max3A_339 = vector.multi_reduction <maxsi>, %select_n3A_337, %reduce_max3A_338 [0] : vector<256x256xi32> to vector<256xi32>
    %broadcast_in_dim3A_340 = vector.shape_cast %reduce_max3A_339 : vector<256xi32> to vector<1x256xi32>
    %max3A_341 = arith.maxsi %max3A_324, %broadcast_in_dim3A_340 : vector<1x256xi32>
    %get3A_342 = arith.constant 3584 : index
    %get3A_343 = arith.constant 0 : index
    %get3A_344 = vector.load %arg2[%get3A_342, %get3A_343] : memref<8192x128xi32, #tpu.memory_space<vmem>>, vector<256x1xi32>
    %eq3A_345 = vector.broadcast %get3A_344 : vector<256x1xi32> to vector<256x256xi32>
    %eq3A_346 = vector.broadcast %get3A_105 : vector<1x256xi32> to vector<256x256xi32>
    %eq3A_347 = arith.cmpi eq, %eq3A_345, %eq3A_346 : vector<256x256xi32>
    %iota3A_348 = tpu.iota {dimensions = array<i32: 0>} : vector<256x256xi32>
    %add3A_349 = arith.constant 3584 : i32
    %add3A_350 = vector.broadcast %add3A_349 : i32 to vector<256x256xi32>
    %add3A_351 = arith.addi %iota3A_348, %add3A_350 : vector<256x256xi32>
    %jit3A_352 = arith.constant -1 : i32
    %broadcast_in_dim3A_353 = vector.broadcast %jit3A_352 : i32 to vector<256x256xi32>
    %select_n3A_354 = arith.select %eq3A_347, %add3A_351, %broadcast_in_dim3A_353 : vector<256x256xi1>, vector<256x256xi32>
    %reduce_max3A_355 = arith.constant dense<-2147483648> : vector<256xi32>
    %reduce_max3A_356 = vector.multi_reduction <maxsi>, %select_n3A_354, %reduce_max3A_355 [0] : vector<256x256xi32> to vector<256xi32>
    %broadcast_in_dim3A_357 = vector.shape_cast %reduce_max3A_356 : vector<256xi32> to vector<1x256xi32>
    %max3A_358 = arith.maxsi %max3A_341, %broadcast_in_dim3A_357 : vector<1x256xi32>
    %get3A_359 = arith.constant 3840 : index
    %get3A_360 = arith.constant 0 : index
    %get3A_361 = vector.load %arg2[%get3A_359, %get3A_360] : memref<8192x128xi32, #tpu.memory_space<vmem>>, vector<256x1xi32>
    %eq3A_362 = vector.broadcast %get3A_361 : vector<256x1xi32> to vector<256x256xi32>
    %eq3A_363 = vector.broadcast %get3A_105 : vector<1x256xi32> to vector<256x256xi32>
    %eq3A_364 = arith.cmpi eq, %eq3A_362, %eq3A_363 : vector<256x256xi32>
    %iota3A_365 = tpu.iota {dimensions = array<i32: 0>} : vector<256x256xi32>
    %add3A_366 = arith.constant 3840 : i32
    %add3A_367 = vector.broadcast %add3A_366 : i32 to vector<256x256xi32>
    %add3A_368 = arith.addi %iota3A_365, %add3A_367 : vector<256x256xi32>
    %jit3A_369 = arith.constant -1 : i32
    %broadcast_in_dim3A_370 = vector.broadcast %jit3A_369 : i32 to vector<256x256xi32>
    %select_n3A_371 = arith.select %eq3A_364, %add3A_368, %broadcast_in_dim3A_370 : vector<256x256xi1>, vector<256x256xi32>
    %reduce_max3A_372 = arith.constant dense<-2147483648> : vector<256xi32>
    %reduce_max3A_373 = vector.multi_reduction <maxsi>, %select_n3A_371, %reduce_max3A_372 [0] : vector<256x256xi32> to vector<256xi32>
    %broadcast_in_dim3A_374 = vector.shape_cast %reduce_max3A_373 : vector<256xi32> to vector<1x256xi32>
    %max3A_375 = arith.maxsi %max3A_358, %broadcast_in_dim3A_374 : vector<1x256xi32>
    %get3A_376 = arith.constant 4096 : index
    %get3A_377 = arith.constant 0 : index
    %get3A_378 = vector.load %arg2[%get3A_376, %get3A_377] : memref<8192x128xi32, #tpu.memory_space<vmem>>, vector<256x1xi32>
    %eq3A_379 = vector.broadcast %get3A_378 : vector<256x1xi32> to vector<256x256xi32>
    %eq3A_380 = vector.broadcast %get3A_105 : vector<1x256xi32> to vector<256x256xi32>
    %eq3A_381 = arith.cmpi eq, %eq3A_379, %eq3A_380 : vector<256x256xi32>
    %iota3A_382 = tpu.iota {dimensions = array<i32: 0>} : vector<256x256xi32>
    %add3A_383 = arith.constant 4096 : i32
    %add3A_384 = vector.broadcast %add3A_383 : i32 to vector<256x256xi32>
    %add3A_385 = arith.addi %iota3A_382, %add3A_384 : vector<256x256xi32>
    %jit3A_386 = arith.constant -1 : i32
    %broadcast_in_dim3A_387 = vector.broadcast %jit3A_386 : i32 to vector<256x256xi32>
    %select_n3A_388 = arith.select %eq3A_381, %add3A_385, %broadcast_in_dim3A_387 : vector<256x256xi1>, vector<256x256xi32>
    %reduce_max3A_389 = arith.constant dense<-2147483648> : vector<256xi32>
    %reduce_max3A_390 = vector.multi_reduction <maxsi>, %select_n3A_388, %reduce_max3A_389 [0] : vector<256x256xi32> to vector<256xi32>
    %broadcast_in_dim3A_391 = vector.shape_cast %reduce_max3A_390 : vector<256xi32> to vector<1x256xi32>
    %max3A_392 = arith.maxsi %max3A_375, %broadcast_in_dim3A_391 : vector<1x256xi32>
    %get3A_393 = arith.constant 4352 : index
    %get3A_394 = arith.constant 0 : index
    %get3A_395 = vector.load %arg2[%get3A_393, %get3A_394] : memref<8192x128xi32, #tpu.memory_space<vmem>>, vector<256x1xi32>
    %eq3A_396 = vector.broadcast %get3A_395 : vector<256x1xi32> to vector<256x256xi32>
    %eq3A_397 = vector.broadcast %get3A_105 : vector<1x256xi32> to vector<256x256xi32>
    %eq3A_398 = arith.cmpi eq, %eq3A_396, %eq3A_397 : vector<256x256xi32>
    %iota3A_399 = tpu.iota {dimensions = array<i32: 0>} : vector<256x256xi32>
    %add3A_400 = arith.constant 4352 : i32
    %add3A_401 = vector.broadcast %add3A_400 : i32 to vector<256x256xi32>
    %add3A_402 = arith.addi %iota3A_399, %add3A_401 : vector<256x256xi32>
    %jit3A_403 = arith.constant -1 : i32
    %broadcast_in_dim3A_404 = vector.broadcast %jit3A_403 : i32 to vector<256x256xi32>
    %select_n3A_405 = arith.select %eq3A_398, %add3A_402, %broadcast_in_dim3A_404 : vector<256x256xi1>, vector<256x256xi32>
    %reduce_max3A_406 = arith.constant dense<-2147483648> : vector<256xi32>
    %reduce_max3A_407 = vector.multi_reduction <maxsi>, %select_n3A_405, %reduce_max3A_406 [0] : vector<256x256xi32> to vector<256xi32>
    %broadcast_in_dim3A_408 = vector.shape_cast %reduce_max3A_407 : vector<256xi32> to vector<1x256xi32>
    %max3A_409 = arith.maxsi %max3A_392, %broadcast_in_dim3A_408 : vector<1x256xi32>
    %get3A_410 = arith.constant 4608 : index
    %get3A_411 = arith.constant 0 : index
    %get3A_412 = vector.load %arg2[%get3A_410, %get3A_411] : memref<8192x128xi32, #tpu.memory_space<vmem>>, vector<256x1xi32>
    %eq3A_413 = vector.broadcast %get3A_412 : vector<256x1xi32> to vector<256x256xi32>
    %eq3A_414 = vector.broadcast %get3A_105 : vector<1x256xi32> to vector<256x256xi32>
    %eq3A_415 = arith.cmpi eq, %eq3A_413, %eq3A_414 : vector<256x256xi32>
    %iota3A_416 = tpu.iota {dimensions = array<i32: 0>} : vector<256x256xi32>
    %add3A_417 = arith.constant 4608 : i32
    %add3A_418 = vector.broadcast %add3A_417 : i32 to vector<256x256xi32>
    %add3A_419 = arith.addi %iota3A_416, %add3A_418 : vector<256x256xi32>
    %jit3A_420 = arith.constant -1 : i32
    %broadcast_in_dim3A_421 = vector.broadcast %jit3A_420 : i32 to vector<256x256xi32>
    %select_n3A_422 = arith.select %eq3A_415, %add3A_419, %broadcast_in_dim3A_421 : vector<256x256xi1>, vector<256x256xi32>
    %reduce_max3A_423 = arith.constant dense<-2147483648> : vector<256xi32>
    %reduce_max3A_424 = vector.multi_reduction <maxsi>, %select_n3A_422, %reduce_max3A_423 [0] : vector<256x256xi32> to vector<256xi32>
    %broadcast_in_dim3A_425 = vector.shape_cast %reduce_max3A_424 : vector<256xi32> to vector<1x256xi32>
    %max3A_426 = arith.maxsi %max3A_409, %broadcast_in_dim3A_425 : vector<1x256xi32>
    %get3A_427 = arith.constant 4864 : index
    %get3A_428 = arith.constant 0 : index
    %get3A_429 = vector.load %arg2[%get3A_427, %get3A_428] : memref<8192x128xi32, #tpu.memory_space<vmem>>, vector<256x1xi32>
    %eq3A_430 = vector.broadcast %get3A_429 : vector<256x1xi32> to vector<256x256xi32>
    %eq3A_431 = vector.broadcast %get3A_105 : vector<1x256xi32> to vector<256x256xi32>
    %eq3A_432 = arith.cmpi eq, %eq3A_430, %eq3A_431 : vector<256x256xi32>
    %iota3A_433 = tpu.iota {dimensions = array<i32: 0>} : vector<256x256xi32>
    %add3A_434 = arith.constant 4864 : i32
    %add3A_435 = vector.broadcast %add3A_434 : i32 to vector<256x256xi32>
    %add3A_436 = arith.addi %iota3A_433, %add3A_435 : vector<256x256xi32>
    %jit3A_437 = arith.constant -1 : i32
    %broadcast_in_dim3A_438 = vector.broadcast %jit3A_437 : i32 to vector<256x256xi32>
    %select_n3A_439 = arith.select %eq3A_432, %add3A_436, %broadcast_in_dim3A_438 : vector<256x256xi1>, vector<256x256xi32>
    %reduce_max3A_440 = arith.constant dense<-2147483648> : vector<256xi32>
    %reduce_max3A_441 = vector.multi_reduction <maxsi>, %select_n3A_439, %reduce_max3A_440 [0] : vector<256x256xi32> to vector<256xi32>
    %broadcast_in_dim3A_442 = vector.shape_cast %reduce_max3A_441 : vector<256xi32> to vector<1x256xi32>
    %max3A_443 = arith.maxsi %max3A_426, %broadcast_in_dim3A_442 : vector<1x256xi32>
    %get3A_444 = arith.constant 5120 : index
    %get3A_445 = arith.constant 0 : index
    %get3A_446 = vector.load %arg2[%get3A_444, %get3A_445] : memref<8192x128xi32, #tpu.memory_space<vmem>>, vector<256x1xi32>
    %eq3A_447 = vector.broadcast %get3A_446 : vector<256x1xi32> to vector<256x256xi32>
    %eq3A_448 = vector.broadcast %get3A_105 : vector<1x256xi32> to vector<256x256xi32>
    %eq3A_449 = arith.cmpi eq, %eq3A_447, %eq3A_448 : vector<256x256xi32>
    %iota3A_450 = tpu.iota {dimensions = array<i32: 0>} : vector<256x256xi32>
    %add3A_451 = arith.constant 5120 : i32
    %add3A_452 = vector.broadcast %add3A_451 : i32 to vector<256x256xi32>
    %add3A_453 = arith.addi %iota3A_450, %add3A_452 : vector<256x256xi32>
    %jit3A_454 = arith.constant -1 : i32
    %broadcast_in_dim3A_455 = vector.broadcast %jit3A_454 : i32 to vector<256x256xi32>
    %select_n3A_456 = arith.select %eq3A_449, %add3A_453, %broadcast_in_dim3A_455 : vector<256x256xi1>, vector<256x256xi32>
    %reduce_max3A_457 = arith.constant dense<-2147483648> : vector<256xi32>
    %reduce_max3A_458 = vector.multi_reduction <maxsi>, %select_n3A_456, %reduce_max3A_457 [0] : vector<256x256xi32> to vector<256xi32>
    %broadcast_in_dim3A_459 = vector.shape_cast %reduce_max3A_458 : vector<256xi32> to vector<1x256xi32>
    %max3A_460 = arith.maxsi %max3A_443, %broadcast_in_dim3A_459 : vector<1x256xi32>
    %get3A_461 = arith.constant 5376 : index
    %get3A_462 = arith.constant 0 : index
    %get3A_463 = vector.load %arg2[%get3A_461, %get3A_462] : memref<8192x128xi32, #tpu.memory_space<vmem>>, vector<256x1xi32>
    %eq3A_464 = vector.broadcast %get3A_463 : vector<256x1xi32> to vector<256x256xi32>
    %eq3A_465 = vector.broadcast %get3A_105 : vector<1x256xi32> to vector<256x256xi32>
    %eq3A_466 = arith.cmpi eq, %eq3A_464, %eq3A_465 : vector<256x256xi32>
    %iota3A_467 = tpu.iota {dimensions = array<i32: 0>} : vector<256x256xi32>
    %add3A_468 = arith.constant 5376 : i32
    %add3A_469 = vector.broadcast %add3A_468 : i32 to vector<256x256xi32>
    %add3A_470 = arith.addi %iota3A_467, %add3A_469 : vector<256x256xi32>
    %jit3A_471 = arith.constant -1 : i32
    %broadcast_in_dim3A_472 = vector.broadcast %jit3A_471 : i32 to vector<256x256xi32>
    %select_n3A_473 = arith.select %eq3A_466, %add3A_470, %broadcast_in_dim3A_472 : vector<256x256xi1>, vector<256x256xi32>
    %reduce_max3A_474 = arith.constant dense<-2147483648> : vector<256xi32>
    %reduce_max3A_475 = vector.multi_reduction <maxsi>, %select_n3A_473, %reduce_max3A_474 [0] : vector<256x256xi32> to vector<256xi32>
    %broadcast_in_dim3A_476 = vector.shape_cast %reduce_max3A_475 : vector<256xi32> to vector<1x256xi32>
    %max3A_477 = arith.maxsi %max3A_460, %broadcast_in_dim3A_476 : vector<1x256xi32>
    %get3A_478 = arith.constant 5632 : index
    %get3A_479 = arith.constant 0 : index
    %get3A_480 = vector.load %arg2[%get3A_478, %get3A_479] : memref<8192x128xi32, #tpu.memory_space<vmem>>, vector<256x1xi32>
    %eq3A_481 = vector.broadcast %get3A_480 : vector<256x1xi32> to vector<256x256xi32>
    %eq3A_482 = vector.broadcast %get3A_105 : vector<1x256xi32> to vector<256x256xi32>
    %eq3A_483 = arith.cmpi eq, %eq3A_481, %eq3A_482 : vector<256x256xi32>
    %iota3A_484 = tpu.iota {dimensions = array<i32: 0>} : vector<256x256xi32>
    %add3A_485 = arith.constant 5632 : i32
    %add3A_486 = vector.broadcast %add3A_485 : i32 to vector<256x256xi32>
    %add3A_487 = arith.addi %iota3A_484, %add3A_486 : vector<256x256xi32>
    %jit3A_488 = arith.constant -1 : i32
    %broadcast_in_dim3A_489 = vector.broadcast %jit3A_488 : i32 to vector<256x256xi32>
    %select_n3A_490 = arith.select %eq3A_483, %add3A_487, %broadcast_in_dim3A_489 : vector<256x256xi1>, vector<256x256xi32>
    %reduce_max3A_491 = arith.constant dense<-2147483648> : vector<256xi32>
    %reduce_max3A_492 = vector.multi_reduction <maxsi>, %select_n3A_490, %reduce_max3A_491 [0] : vector<256x256xi32> to vector<256xi32>
    %broadcast_in_dim3A_493 = vector.shape_cast %reduce_max3A_492 : vector<256xi32> to vector<1x256xi32>
    %max3A_494 = arith.maxsi %max3A_477, %broadcast_in_dim3A_493 : vector<1x256xi32>
    %get3A_495 = arith.constant 5888 : index
    %get3A_496 = arith.constant 0 : index
    %get3A_497 = vector.load %arg2[%get3A_495, %get3A_496] : memref<8192x128xi32, #tpu.memory_space<vmem>>, vector<256x1xi32>
    %eq3A_498 = vector.broadcast %get3A_497 : vector<256x1xi32> to vector<256x256xi32>
    %eq3A_499 = vector.broadcast %get3A_105 : vector<1x256xi32> to vector<256x256xi32>
    %eq3A_500 = arith.cmpi eq, %eq3A_498, %eq3A_499 : vector<256x256xi32>
    %iota3A_501 = tpu.iota {dimensions = array<i32: 0>} : vector<256x256xi32>
    %add3A_502 = arith.constant 5888 : i32
    %add3A_503 = vector.broadcast %add3A_502 : i32 to vector<256x256xi32>
    %add3A_504 = arith.addi %iota3A_501, %add3A_503 : vector<256x256xi32>
    %jit3A_505 = arith.constant -1 : i32
    %broadcast_in_dim3A_506 = vector.broadcast %jit3A_505 : i32 to vector<256x256xi32>
    %select_n3A_507 = arith.select %eq3A_500, %add3A_504, %broadcast_in_dim3A_506 : vector<256x256xi1>, vector<256x256xi32>
    %reduce_max3A_508 = arith.constant dense<-2147483648> : vector<256xi32>
    %reduce_max3A_509 = vector.multi_reduction <maxsi>, %select_n3A_507, %reduce_max3A_508 [0] : vector<256x256xi32> to vector<256xi32>
    %broadcast_in_dim3A_510 = vector.shape_cast %reduce_max3A_509 : vector<256xi32> to vector<1x256xi32>
    %max3A_511 = arith.maxsi %max3A_494, %broadcast_in_dim3A_510 : vector<1x256xi32>
    %get3A_512 = arith.constant 6144 : index
    %get3A_513 = arith.constant 0 : index
    %get3A_514 = vector.load %arg2[%get3A_512, %get3A_513] : memref<8192x128xi32, #tpu.memory_space<vmem>>, vector<256x1xi32>
    %eq3A_515 = vector.broadcast %get3A_514 : vector<256x1xi32> to vector<256x256xi32>
    %eq3A_516 = vector.broadcast %get3A_105 : vector<1x256xi32> to vector<256x256xi32>
    %eq3A_517 = arith.cmpi eq, %eq3A_515, %eq3A_516 : vector<256x256xi32>
    %iota3A_518 = tpu.iota {dimensions = array<i32: 0>} : vector<256x256xi32>
    %add3A_519 = arith.constant 6144 : i32
    %add3A_520 = vector.broadcast %add3A_519 : i32 to vector<256x256xi32>
    %add3A_521 = arith.addi %iota3A_518, %add3A_520 : vector<256x256xi32>
    %jit3A_522 = arith.constant -1 : i32
    %broadcast_in_dim3A_523 = vector.broadcast %jit3A_522 : i32 to vector<256x256xi32>
    %select_n3A_524 = arith.select %eq3A_517, %add3A_521, %broadcast_in_dim3A_523 : vector<256x256xi1>, vector<256x256xi32>
    %reduce_max3A_525 = arith.constant dense<-2147483648> : vector<256xi32>
    %reduce_max3A_526 = vector.multi_reduction <maxsi>, %select_n3A_524, %reduce_max3A_525 [0] : vector<256x256xi32> to vector<256xi32>
    %broadcast_in_dim3A_527 = vector.shape_cast %reduce_max3A_526 : vector<256xi32> to vector<1x256xi32>
    %max3A_528 = arith.maxsi %max3A_511, %broadcast_in_dim3A_527 : vector<1x256xi32>
    %get3A_529 = arith.constant 6400 : index
    %get3A_530 = arith.constant 0 : index
    %get3A_531 = vector.load %arg2[%get3A_529, %get3A_530] : memref<8192x128xi32, #tpu.memory_space<vmem>>, vector<256x1xi32>
    %eq3A_532 = vector.broadcast %get3A_531 : vector<256x1xi32> to vector<256x256xi32>
    %eq3A_533 = vector.broadcast %get3A_105 : vector<1x256xi32> to vector<256x256xi32>
    %eq3A_534 = arith.cmpi eq, %eq3A_532, %eq3A_533 : vector<256x256xi32>
    %iota3A_535 = tpu.iota {dimensions = array<i32: 0>} : vector<256x256xi32>
    %add3A_536 = arith.constant 6400 : i32
    %add3A_537 = vector.broadcast %add3A_536 : i32 to vector<256x256xi32>
    %add3A_538 = arith.addi %iota3A_535, %add3A_537 : vector<256x256xi32>
    %jit3A_539 = arith.constant -1 : i32
    %broadcast_in_dim3A_540 = vector.broadcast %jit3A_539 : i32 to vector<256x256xi32>
    %select_n3A_541 = arith.select %eq3A_534, %add3A_538, %broadcast_in_dim3A_540 : vector<256x256xi1>, vector<256x256xi32>
    %reduce_max3A_542 = arith.constant dense<-2147483648> : vector<256xi32>
    %reduce_max3A_543 = vector.multi_reduction <maxsi>, %select_n3A_541, %reduce_max3A_542 [0] : vector<256x256xi32> to vector<256xi32>
    %broadcast_in_dim3A_544 = vector.shape_cast %reduce_max3A_543 : vector<256xi32> to vector<1x256xi32>
    %max3A_545 = arith.maxsi %max3A_528, %broadcast_in_dim3A_544 : vector<1x256xi32>
    %get3A_546 = arith.constant 6656 : index
    %get3A_547 = arith.constant 0 : index
    %get3A_548 = vector.load %arg2[%get3A_546, %get3A_547] : memref<8192x128xi32, #tpu.memory_space<vmem>>, vector<256x1xi32>
    %eq3A_549 = vector.broadcast %get3A_548 : vector<256x1xi32> to vector<256x256xi32>
    %eq3A_550 = vector.broadcast %get3A_105 : vector<1x256xi32> to vector<256x256xi32>
    %eq3A_551 = arith.cmpi eq, %eq3A_549, %eq3A_550 : vector<256x256xi32>
    %iota3A_552 = tpu.iota {dimensions = array<i32: 0>} : vector<256x256xi32>
    %add3A_553 = arith.constant 6656 : i32
    %add3A_554 = vector.broadcast %add3A_553 : i32 to vector<256x256xi32>
    %add3A_555 = arith.addi %iota3A_552, %add3A_554 : vector<256x256xi32>
    %jit3A_556 = arith.constant -1 : i32
    %broadcast_in_dim3A_557 = vector.broadcast %jit3A_556 : i32 to vector<256x256xi32>
    %select_n3A_558 = arith.select %eq3A_551, %add3A_555, %broadcast_in_dim3A_557 : vector<256x256xi1>, vector<256x256xi32>
    %reduce_max3A_559 = arith.constant dense<-2147483648> : vector<256xi32>
    %reduce_max3A_560 = vector.multi_reduction <maxsi>, %select_n3A_558, %reduce_max3A_559 [0] : vector<256x256xi32> to vector<256xi32>
    %broadcast_in_dim3A_561 = vector.shape_cast %reduce_max3A_560 : vector<256xi32> to vector<1x256xi32>
    %max3A_562 = arith.maxsi %max3A_545, %broadcast_in_dim3A_561 : vector<1x256xi32>
    %get3A_563 = arith.constant 6912 : index
    %get3A_564 = arith.constant 0 : index
    %get3A_565 = vector.load %arg2[%get3A_563, %get3A_564] : memref<8192x128xi32, #tpu.memory_space<vmem>>, vector<256x1xi32>
    %eq3A_566 = vector.broadcast %get3A_565 : vector<256x1xi32> to vector<256x256xi32>
    %eq3A_567 = vector.broadcast %get3A_105 : vector<1x256xi32> to vector<256x256xi32>
    %eq3A_568 = arith.cmpi eq, %eq3A_566, %eq3A_567 : vector<256x256xi32>
    %iota3A_569 = tpu.iota {dimensions = array<i32: 0>} : vector<256x256xi32>
    %add3A_570 = arith.constant 6912 : i32
    %add3A_571 = vector.broadcast %add3A_570 : i32 to vector<256x256xi32>
    %add3A_572 = arith.addi %iota3A_569, %add3A_571 : vector<256x256xi32>
    %jit3A_573 = arith.constant -1 : i32
    %broadcast_in_dim3A_574 = vector.broadcast %jit3A_573 : i32 to vector<256x256xi32>
    %select_n3A_575 = arith.select %eq3A_568, %add3A_572, %broadcast_in_dim3A_574 : vector<256x256xi1>, vector<256x256xi32>
    %reduce_max3A_576 = arith.constant dense<-2147483648> : vector<256xi32>
    %reduce_max3A_577 = vector.multi_reduction <maxsi>, %select_n3A_575, %reduce_max3A_576 [0] : vector<256x256xi32> to vector<256xi32>
    %broadcast_in_dim3A_578 = vector.shape_cast %reduce_max3A_577 : vector<256xi32> to vector<1x256xi32>
    %max3A_579 = arith.maxsi %max3A_562, %broadcast_in_dim3A_578 : vector<1x256xi32>
    %get3A_580 = arith.constant 7168 : index
    %get3A_581 = arith.constant 0 : index
    %get3A_582 = vector.load %arg2[%get3A_580, %get3A_581] : memref<8192x128xi32, #tpu.memory_space<vmem>>, vector<256x1xi32>
    %eq3A_583 = vector.broadcast %get3A_582 : vector<256x1xi32> to vector<256x256xi32>
    %eq3A_584 = vector.broadcast %get3A_105 : vector<1x256xi32> to vector<256x256xi32>
    %eq3A_585 = arith.cmpi eq, %eq3A_583, %eq3A_584 : vector<256x256xi32>
    %iota3A_586 = tpu.iota {dimensions = array<i32: 0>} : vector<256x256xi32>
    %add3A_587 = arith.constant 7168 : i32
    %add3A_588 = vector.broadcast %add3A_587 : i32 to vector<256x256xi32>
    %add3A_589 = arith.addi %iota3A_586, %add3A_588 : vector<256x256xi32>
    %jit3A_590 = arith.constant -1 : i32
    %broadcast_in_dim3A_591 = vector.broadcast %jit3A_590 : i32 to vector<256x256xi32>
    %select_n3A_592 = arith.select %eq3A_585, %add3A_589, %broadcast_in_dim3A_591 : vector<256x256xi1>, vector<256x256xi32>
    %reduce_max3A_593 = arith.constant dense<-2147483648> : vector<256xi32>
    %reduce_max3A_594 = vector.multi_reduction <maxsi>, %select_n3A_592, %reduce_max3A_593 [0] : vector<256x256xi32> to vector<256xi32>
    %broadcast_in_dim3A_595 = vector.shape_cast %reduce_max3A_594 : vector<256xi32> to vector<1x256xi32>
    %max3A_596 = arith.maxsi %max3A_579, %broadcast_in_dim3A_595 : vector<1x256xi32>
    %get3A_597 = arith.constant 7424 : index
    %get3A_598 = arith.constant 0 : index
    %get3A_599 = vector.load %arg2[%get3A_597, %get3A_598] : memref<8192x128xi32, #tpu.memory_space<vmem>>, vector<256x1xi32>
    %eq3A_600 = vector.broadcast %get3A_599 : vector<256x1xi32> to vector<256x256xi32>
    %eq3A_601 = vector.broadcast %get3A_105 : vector<1x256xi32> to vector<256x256xi32>
    %eq3A_602 = arith.cmpi eq, %eq3A_600, %eq3A_601 : vector<256x256xi32>
    %iota3A_603 = tpu.iota {dimensions = array<i32: 0>} : vector<256x256xi32>
    %add3A_604 = arith.constant 7424 : i32
    %add3A_605 = vector.broadcast %add3A_604 : i32 to vector<256x256xi32>
    %add3A_606 = arith.addi %iota3A_603, %add3A_605 : vector<256x256xi32>
    %jit3A_607 = arith.constant -1 : i32
    %broadcast_in_dim3A_608 = vector.broadcast %jit3A_607 : i32 to vector<256x256xi32>
    %select_n3A_609 = arith.select %eq3A_602, %add3A_606, %broadcast_in_dim3A_608 : vector<256x256xi1>, vector<256x256xi32>
    %reduce_max3A_610 = arith.constant dense<-2147483648> : vector<256xi32>
    %reduce_max3A_611 = vector.multi_reduction <maxsi>, %select_n3A_609, %reduce_max3A_610 [0] : vector<256x256xi32> to vector<256xi32>
    %broadcast_in_dim3A_612 = vector.shape_cast %reduce_max3A_611 : vector<256xi32> to vector<1x256xi32>
    %max3A_613 = arith.maxsi %max3A_596, %broadcast_in_dim3A_612 : vector<1x256xi32>
    %get3A_614 = arith.constant 7680 : index
    %get3A_615 = arith.constant 0 : index
    %get3A_616 = vector.load %arg2[%get3A_614, %get3A_615] : memref<8192x128xi32, #tpu.memory_space<vmem>>, vector<256x1xi32>
    %eq3A_617 = vector.broadcast %get3A_616 : vector<256x1xi32> to vector<256x256xi32>
    %eq3A_618 = vector.broadcast %get3A_105 : vector<1x256xi32> to vector<256x256xi32>
    %eq3A_619 = arith.cmpi eq, %eq3A_617, %eq3A_618 : vector<256x256xi32>
    %iota3A_620 = tpu.iota {dimensions = array<i32: 0>} : vector<256x256xi32>
    %add3A_621 = arith.constant 7680 : i32
    %add3A_622 = vector.broadcast %add3A_621 : i32 to vector<256x256xi32>
    %add3A_623 = arith.addi %iota3A_620, %add3A_622 : vector<256x256xi32>
    %jit3A_624 = arith.constant -1 : i32
    %broadcast_in_dim3A_625 = vector.broadcast %jit3A_624 : i32 to vector<256x256xi32>
    %select_n3A_626 = arith.select %eq3A_619, %add3A_623, %broadcast_in_dim3A_625 : vector<256x256xi1>, vector<256x256xi32>
    %reduce_max3A_627 = arith.constant dense<-2147483648> : vector<256xi32>
    %reduce_max3A_628 = vector.multi_reduction <maxsi>, %select_n3A_626, %reduce_max3A_627 [0] : vector<256x256xi32> to vector<256xi32>
    %broadcast_in_dim3A_629 = vector.shape_cast %reduce_max3A_628 : vector<256xi32> to vector<1x256xi32>
    %max3A_630 = arith.maxsi %max3A_613, %broadcast_in_dim3A_629 : vector<1x256xi32>
    %get3A_631 = arith.constant 7936 : index
    %get3A_632 = arith.constant 0 : index
    %get3A_633 = vector.load %arg2[%get3A_631, %get3A_632] : memref<8192x128xi32, #tpu.memory_space<vmem>>, vector<256x1xi32>
    %eq3A_634 = vector.broadcast %get3A_633 : vector<256x1xi32> to vector<256x256xi32>
    %eq3A_635 = vector.broadcast %get3A_105 : vector<1x256xi32> to vector<256x256xi32>
    %eq3A_636 = arith.cmpi eq, %eq3A_634, %eq3A_635 : vector<256x256xi32>
    %iota3A_637 = tpu.iota {dimensions = array<i32: 0>} : vector<256x256xi32>
    %add3A_638 = arith.constant 7936 : i32
    %add3A_639 = vector.broadcast %add3A_638 : i32 to vector<256x256xi32>
    %add3A_640 = arith.addi %iota3A_637, %add3A_639 : vector<256x256xi32>
    %jit3A_641 = arith.constant -1 : i32
    %broadcast_in_dim3A_642 = vector.broadcast %jit3A_641 : i32 to vector<256x256xi32>
    %select_n3A_643 = arith.select %eq3A_636, %add3A_640, %broadcast_in_dim3A_642 : vector<256x256xi1>, vector<256x256xi32>
    %reduce_max3A_644 = arith.constant dense<-2147483648> : vector<256xi32>
    %reduce_max3A_645 = vector.multi_reduction <maxsi>, %select_n3A_643, %reduce_max3A_644 [0] : vector<256x256xi32> to vector<256xi32>
    %broadcast_in_dim3A_646 = vector.shape_cast %reduce_max3A_645 : vector<256xi32> to vector<1x256xi32>
    %max3A_647 = arith.maxsi %max3A_630, %broadcast_in_dim3A_646 : vector<1x256xi32>
    %swap3A_648 = arith.constant 0 : index
    %swap3A_649 = arith.constant 0 : index
    %swap3A_650 = arith.constant 0 : index
    %swap3A_651 = vector.load %arg18[%swap3A_648, %swap3A_649, %swap3A_650] : memref<1x1x256xi32, #tpu.memory_space<vmem>>, vector<1x1x256xi32>
    %swap3A_652 = vector.shape_cast %swap3A_651 : vector<1x1x256xi32> to vector<1x256xi32>
    %swap3A_653 = vector.shape_cast %max3A_647 : vector<1x256xi32> to vector<1x1x256xi32>
    tpu.vector_store %arg18[%swap3A_648, %swap3A_649, %swap3A_650], %swap3A_653 {strides = array<i32>} : memref<1x1x256xi32, #tpu.memory_space<vmem>>, vector<1x1x256xi32>,
    return
  }
  func.func @transform_0(%arg0: i32) -> (i32, i32, i32) {
    %c0_i32 = arith.constant 0 : i32
    %c0_i32_0 = arith.constant 0 : i32
    %c0_i32_1 = arith.constant 0 : i32
    return %arg0, %c0_i32, %c0_i32_0 : i32, i32, i32
  }
  func.func @transform_1(%arg0: i32) -> (i32, i32) {
    %c0_i32 = arith.constant 0 : i32
    %c0_i32_0 = arith.constant 0 : i32
    %c0_i32_1 = arith.constant 0 : i32
    return %c0_i32, %c0_i32_0 : i32, i32
  }
  func.func @transform_2(%arg0: i32) -> (i32, i32) {
    %c0_i32 = arith.constant 0 : i32
    %c0_i32_0 = arith.constant 0 : i32
    return %arg0, %c0_i32 : i32, i32
  }
  func.func @transform_3(%arg0: i32) -> (i32, i32) {
    %c0_i32 = arith.constant 0 : i32
    %c0_i32_0 = arith.constant 0 : i32
    return %arg0, %c0_i32 : i32, i32
  }
  func.func @transform_4(%arg0: i32) -> (i32, i32) {
    %c0_i32 = arith.constant 0 : i32
    %c0_i32_0 = arith.constant 0 : i32
    return %arg0, %c0_i32 : i32, i32
  }
  func.func @transform_5(%arg0: i32) -> (i32, i32) {
    %c0_i32 = arith.constant 0 : i32
    %c0_i32_0 = arith.constant 0 : i32
    return %arg0, %c0_i32 : i32, i32
  }
  func.func @transform_6(%arg0: i32) -> (i32, i32) {
    %c0_i32 = arith.constant 0 : i32
    %c0_i32_0 = arith.constant 0 : i32
    return %arg0, %c0_i32 : i32, i32
  }
  func.func @transform_7(%arg0: i32) -> (i32, i32) {
    %c0_i32 = arith.constant 0 : i32
    %c0_i32_0 = arith.constant 0 : i32
    %c0_i32_1 = arith.constant 0 : i32
    return %c0_i32, %c0_i32_0 : i32, i32
  }
  func.func @transform_8(%arg0: i32) -> (i32, i32) {
    %c0_i32 = arith.constant 0 : i32
    %c0_i32_0 = arith.constant 0 : i32
    %c0_i32_1 = arith.constant 0 : i32
    return %c0_i32, %c0_i32_0 : i32, i32
  }
  func.func @transform_9(%arg0: i32) -> (i32, i32) {
    %c0_i32 = arith.constant 0 : i32
    %c0_i32_0 = arith.constant 0 : i32
    %c0_i32_1 = arith.constant 0 : i32
    return %c0_i32, %c0_i32_0 : i32, i32
  }
  func.func @transform_10(%arg0: i32) -> (i32, i32) {
    %c0_i32 = arith.constant 0 : i32
    %c0_i32_0 = arith.constant 0 : i32
    %c0_i32_1 = arith.constant 0 : i32
    return %c0_i32, %c0_i32_0 : i32, i32
  }
  func.func @transform_11(%arg0: i32) -> (i32, i32) {
    %c0_i32 = arith.constant 0 : i32
    %c0_i32_0 = arith.constant 0 : i32
    %c0_i32_1 = arith.constant 0 : i32
    return %c0_i32, %c0_i32_0 : i32, i32
  }
  func.func @transform_12(%arg0: i32) -> (i32, i32) {
    %c0_i32 = arith.constant 0 : i32
    %c0_i32_0 = arith.constant 0 : i32
    %c0_i32_1 = arith.constant 0 : i32
    return %c0_i32, %c0_i32_0 : i32, i32
  }
  func.func @transform_13(%arg0: i32) -> (i32, i32) {
    %c0_i32 = arith.constant 0 : i32
    %c0_i32_0 = arith.constant 0 : i32
    return %arg0, %c0_i32 : i32, i32
  }
  func.func @transform_14(%arg0: i32) -> (i32, i32) {
    %c0_i32 = arith.constant 0 : i32
    %c0_i32_0 = arith.constant 0 : i32
    return %arg0, %c0_i32 : i32, i32
  }
  func.func @transform_15(%arg0: i32) -> (i32, i32) {
    %c0_i32 = arith.constant 0 : i32
    %c0_i32_0 = arith.constant 0 : i32
    return %arg0, %c0_i32 : i32, i32
  }
  func.func @transform_16(%arg0: i32) -> (i32, i32) {
    %c0_i32 = arith.constant 0 : i32
    %c0_i32_0 = arith.constant 0 : i32
    return %arg0, %c0_i32 : i32, i32
  }
  func.func @transform_17(%arg0: i32) -> (i32, i32, i32) {
    %c0_i32 = arith.constant 0 : i32
    %c0_i32_0 = arith.constant 0 : i32
    %c0_i32_1 = arith.constant 0 : i32
    return %arg0, %c0_i32, %c0_i32_0 : i32, i32, i32
  }
}

</mosaic_0001>

<sc_bundles>
// kernel: kernel.6.cloned.1.call-start
scs
__scs_entry_jumppad:
0x0: {  	(pc) =	sbr.rel $0x88, $3  }
0x1: {  	(tag) =	ssettag $0x0;
	lr =	simm.s32 $0x1  }
0x2: {  	[smem:$0x3F95] =	sst lr;
	_ =	strace $0xD0000000  }
0x3: {  	_ = 	snop  }
0x4: {  	_ = 	snop  }
0x5: {  	_ = 	snop  }
0x6: {  	_ = 	snop  }
0x7: {  	_ = 	snop  }
__scs_overlays_trampoline_lowered:
0x8: {  	[smem:$0x3FA4] =	sst s0  }
0x9: {  	[smem:$0x3FA5] =	sst s1  }
0xa: {  	[smem:$0x3FA6] =	sst s2  }
0xb: {  	[smem:$0x3FA7] =	sst s3  }
0xc: {  	[smem:$0x3FA8] =	sst s4  }
0xd: {  	[smem:$0x3FA9] =	sst s5  }
0xe: {  	[smem:$0x3FAA] =	sst s6  }
0xf: {  	[smem:$0x3FAB] =	sst s7  }
0x10: {  	[smem:$0x3FAC] =	sst s8  }
0x11: {  	[smem:$0x3FAD] =	sst s9;
	s0 =	simm.s32 @!p0 $0x0  }
0x12: {  	s1 =	sld [smem:$0x3F93];
	s0 =	simm.s32 @p0 $0x1  }
0x13: {  	[smem:$0x3FAE] =	sst s0;
	s0 =	simm.s32 @!p1 $0x0  }
0x14: {  	s2 =	sld [smem:$0x3F92];
	s0 =	simm.s32 @p1 $0x1  }
0x15: {  	[smem:$0x3FAF] =	sst s0;
	s0 =	simm.s32 @!p2 $0x0  }
0x16: {  	s3 =	sld [smem:$0x3FDB];
	s0 =	simm.s32 @p2 $0x1  }
0x17: {  	s4 =	simm.s32 $0x1BF5;
	[smem:$0x3FB1] =	sst s0  }
0x18: {  	s0 =	sld [smem:$0x3F94];
	_ =	swait.ge [sflag:s4], $0x0  }
0x19: {  	s7 =	sld [smem:$0x3F95]  }
0x1a: {  	s8 =	sadd.s32 $0xFFFFE003, lr  }
0x1b: {  	s9 =	sadd.s32 $0xFFFFFEF7, lr;
	s5 =	simm.s32 $0xFFFFFFFF;
	p2 =	slt.u32 s8, $0xFFFFF086  }
0x1c: {  	p1 =	slt.u32 s9, $0xF7A;
	s5 =	simm.s32 @!p2 $0x0  }
0x1d: {  	s5 =	simm.s32 @p1 $0x1;
	p0 =	seq.s32 s7, s2  }
0x1e: {  	s7 =	smul.u32 @!p0 $0xF7A, s2;
	p2 =	seq.s32 @!p0 s5, $0x0  }
0x1f: {  	s9 =	smul.u32 $0xF7A, s1;
	s8 =	simm.s32 @!p0 $0x1BF5;
	p2 =	por !p2, p0  }
0x20: {  	[sflag:s8] =	ssyncset.s32 @!p0 $0xFFFFF086;
	s6 =	sadd.s32 @!p0 s3, s7;
	s7 =	simm.s32 @!p0 $0x108  }
0x21: {  	s3 =	sadd.s32 s3, s9;
	s6 =	sadd.s32 @!p0 $0x88, s6;
	s7 =	simm.s32 @p2 $0x1082  }
0x22: {  	[simem:s7], [sflag:s8] =	dma.local @!p0 [hbm:s6], $0xF7A  }
0x23: {  	s9 =	sor.u32 $0xD0000000, s2;
	s6 =	simm.s32 $0x108;
	_ =	swait.ge @!p0 [sflag:s8], $0x0  }
0x24: {  	s3 =	sadd.s32 $0x88, s3;
	s6 =	simm.s32 @!p1 $0x1082;
	[sflag:s4] =	ssyncset.s32 $0xFFFFF086  }
0x25: {  	[simem:s6], [sflag:s4] =	dma.local [hbm:s3], $0xF7A  }
0x26: {  	[smem:$0x3F95] =	sst s1;
	(tag) =	ssettag s2;
	_ =	strace s9  }
0x27: {  	s1 =	sld [smem:$0x3FA5]  }
0x28: {  	s2 =	sld [smem:$0x3FA6]  }
0x29: {  	s4 =	sld [smem:$0x3FA8]  }
0x2a: {  	p0 =	seq.s32 s5, $0x0;
	s5 =	sld [smem:$0x3FA9]  }
0x2b: {  	s6 =	sld [smem:$0x3FAA]  }
0x2c: {  	s7 =	sld [smem:$0x3FAB]  }
0x2d: {  	s3 =	simm.s32 $0x108;
	s8 =	sld [smem:$0x3FAC]  }
0x2e: {  	s3 =	simm.s32 @!p0 $0x1082;
	s9 =	sld [smem:$0x3FAD]  }
0x2f: {  	lr =	sadd.s32 s0, s3;
	s0 =	sld [smem:$0x3FA4]  }
0x30: {  	s3 =	sld [smem:$0x3FA7]  }
0x31: {  	[smem:$0x3FB0] =	sst s10  }
0x32: {  	s10 =	sld [smem:$0x3FAE];
	_ =	sdelay $0x3  }
0x33: {  	p0 =	seq.s32 s10, $0x1;
	s10 =	sld [smem:$0x3FB0];
	_ =	sdelay $0x3  }
0x34: {  	[smem:$0x3FB0] =	sst s10  }
0x35: {  	s10 =	sld [smem:$0x3FAF];
	_ =	sdelay $0x3  }
0x36: {  	p1 =	seq.s32 s10, $0x1;
	s10 =	sld [smem:$0x3FB0];
	_ =	sdelay $0x3  }
0x37: {  	[smem:$0x3FB0] =	sst s10  }
0x38: {  	s10 =	sld [smem:$0x3FB1]  }
0x39: {  	_ = 	snop;
	(pc) =	sbr.ind lr, $3  }
0x3a: {  	_ = 	snop  }
0x3b: {  	_ = 	snop  }
0x3c: {  	p2 =	seq.s32 s10, $0x1;
	s10 =	sld [smem:$0x3FB0]  }
0x3d: {  	_ =	shalt  }
0x3e: {  	_ =	shalt  }
0x3f: {  	_ =	shalt  }
0x40: {  	_ =	shalt  }
0x41: {  	_ =	shalt  }
0x42: {  	_ =	shalt  }
0x43: {  	_ =	shalt  }
0x44: {  	_ =	shalt  }
0x45: {  	_ =	shalt  }
0x46: {  	_ =	shalt  }
0x47: {  	_ =	shalt  }
0x48: {  	_ =	shalt  }
0x49: {  	_ =	shalt  }
0x4a: {  	_ =	shalt  }
0x4b: {  	_ =	shalt  }
0x4c: {  	_ =	shalt  }
0x4d: {  	_ =	shalt  }
0x4e: {  	_ =	shalt  }
0x4f: {  	_ =	shalt  }
0x50: {  	_ =	shalt  }
0x51: {  	_ =	shalt  }
0x52: {  	_ =	shalt  }
0x53: {  	_ =	shalt  }
0x54: {  	_ =	shalt  }
0x55: {  	_ =	shalt  }
0x56: {  	_ =	shalt  }
0x57: {  	_ =	shalt  }
0x58: {  	_ =	shalt  }
0x59: {  	_ =	shalt  }
0x5a: {  	_ =	shalt  }
0x5b: {  	_ =	shalt  }
0x5c: {  	_ =	shalt  }
0x5d: {  	_ =	shalt  }
0x5e: {  	_ =	shalt  }
0x5f: {  	_ =	shalt  }
0x60: {  	_ =	shalt  }
0x61: {  	_ =	shalt  }
0x62: {  	_ =	shalt  }
0x63: {  	_ =	shalt  }
0x64: {  	_ =	shalt  }
0x65: {  	_ =	shalt  }
0x66: {  	_ =	shalt  }
0x67: {  	_ =	shalt  }
0x68: {  	_ =	shalt  }
0x69: {  	_ =	shalt  }
0x6a: {  	_ =	shalt  }
0x6b: {  	_ =	shalt  }
0x6c: {  	_ =	shalt  }
0x6d: {  	_ =	shalt  }
0x6e: {  	_ =	shalt  }
0x6f: {  	_ =	shalt  }
0x70: {  	_ =	shalt  }
0x71: {  	_ =	shalt  }
0x72: {  	_ =	shalt  }
0x73: {  	_ =	shalt  }
0x74: {  	_ =	shalt  }
0x75: {  	_ =	shalt  }
0x76: {  	_ =	shalt  }
0x77: {  	_ =	shalt  }
0x78: {  	_ =	shalt  }
0x79: {  	_ =	shalt  }
0x7a: {  	_ =	shalt  }
0x7b: {  	_ =	shalt  }
0x7c: {  	_ =	shalt  }
0x7d: {  	_ =	shalt  }
0x7e: {  	_ =	shalt  }
0x7f: {  	_ =	shalt  }
0x80: {  	_ =	shalt  }
0x81: {  	_ =	shalt  }
0x82: {  	_ =	shalt  }
0x83: {  	_ =	shalt  }
0x84: {  	_ =	shalt  }
0x85: {  	_ =	shalt  }
0x86: {  	_ =	shalt  }
0x87: {  	_ =	shalt  }
.Lfunc_end0:
.L_simem_size_0:
called_computation_lowered:
.L_overlay_start_0:
0x88: {  	s2 =	sld [smem:$0x3FD9]  }
0x89: {  	s3 =	sld [smem:$0x3FFE];
	_ =	sdelay $0x1  }
0x8a: {  	s1 =	srdreg.scid  }
0x8b: {  	s0 =	sand.u32 $0x1, s1  }
0x8c: {  	s17 =	sshll.u32 s0, $0xA;
	s2 =	sadd.s32 s3, s2  }
0x8d: {  	s2 =	sadd.s32 s2, s17  }
0x8e: {  	[smem:$0x3FBC] =	sst s2  }
0x8f: {  	_ = 	snop  }
0x90: {  	s2 =	sld [smem:$0x3FC9]  }
0x91: {  	s18 =	sld [smem:$0x3FC8]  }
0x92: {  	s4 =	sld [smem:$0x3FC7]  }
0x93: {  	s5 =	sld [smem:$0x3FC5]  }
0x94: {  	s6 =	sld [smem:$0x3FC4];
	(tm) =	ssettm $0x1  }
0x95: {  	s7 =	sld [smem:$0x3FFB];
	_ =	sdelay $0x3  }
0x96: {  	_ =	strace s7  }
0x97: {  	s7 =	sld [smem:$0x3FFC];
	_ =	sdelay $0x3  }
0x98: {  	_ =	strace s7  }
0x99: {  	s7 =	sld [smem:$0x3FFD];
	_ =	sdelay $0x3  }
0x9a: {  	_ =	strace s7  }
0x9b: {  	_ =	strace $0x8FFFFFFF  }
0x9c: {  	s19 =	sld [smem:$0x3FDB];
	_ =	sdelay $0x1  }
0x9d: {  	s8 =	simm.s32 $_scs_section_size  }
0x9e: {  	s9 =	simm.s32 $_size__tile_overlayer_lowered;
	s10 =	simm.s32 $_tile_overlayer_lowered  }
0x9f: {  	s22 =	simm.s32 $0x1BFF;
	s21 =	sshll.u32 s10, $0x1;
	s7 =	sadd.s32 s8, s19  }
0xa0: {  	s11 =	simm.s32 $0x0;
	s20 =	sshll.u32 s9, $0x1;
	s9 =	sadd.s32 s21, s7  }
0xa1: {  	[timem:s11], [sflag:s22] =	dma.local [hbm:s9], s20  }
0xa2: {  	_ =	swait.ge [sflag:s22], s20  }
0xa3: {  	s8 =	ssub.s32 $0x0, s20;
	[sflag:s22] =	ssyncset.done $0x0  }
0xa4: {  	[sflag:s22] =	ssyncadd.s32 s8;
	_ =	sdelay $0x1  }
0xa5: {  	s23 =	simm.s32 $0x1B8B  }
0xa6: {  	_ =	swait.ge [sflag:s23], $0x1  }
0xa7: {  	[sflag:s23] =	ssyncset.done $0x0  }
0xa8: {  	s25 =	simm.s32 $0x1B8E;
	s24 =	sld [smem:$0x3FFE];
	[sflag:s23] =	ssyncadd.s32 $0xFFFFFFFF  }
0xa9: {  	s26 =	simm.s32 $execute0_lowered;
	[smem:$0x3FD2] =	sst s25  }
0xaa: {  	s9 =	sshll.u32 s26, $0x1;
	_ =	strace $0x80000046;
	[dreg:$0x1] =	wrdreg $0xFFFFFFFF  }
0xab: {  	s28 =	simm.s32 $_size_execute0_lowered;
	s7 =	sadd.s32 s7, s9;
	[dreg:$0x0] =	wrdreg $0x0  }
0xac: {  	s9 =	sshll.u32 s28, $0x1;
	[dreg:$0x2] =	wrdreg s7  }
0xad: {  	[dreg:$0x3] =	wrdreg s9  }
0xae: {  	[dreg:$0x4] =	wrdreg $0xC0  }
0xaf: {  	_ =	task [dreg:s11], $0x5FFFF  }
0xb0: {  	[dreg:$0x1] =	wrdreg $0xFFFFFFFF  }
0xb1: {  	[dreg:$0x0] =	wrdreg $0x60  }
0xb2: {  	[dreg:$0x2] =	wrdreg s2  }
0xb3: {  	[dreg:$0x3] =	wrdreg s18  }
0xb4: {  	[dreg:$0x4] =	wrdreg s4  }
0xb5: {  	[dreg:$0x5] =	wrdreg s5  }
0xb6: {  	[dreg:$0x6] =	wrdreg s6  }
0xb7: {  	[dreg:$0x7] =	wrdreg s24  }
0xb8: {  	[dreg:$0x8] =	wrdreg $0x9  }
0xb9: {  	_ =	task.clear_ibuf [dreg:s11], $0x9FFFF;
	_ =	strace $0x90000046  }
0xba: {  	s29 =	simm.s32 $0x9;
	_ =	strace $0x80000048  }
0xbb: {  	_ =	swait.ge [sflag:s29], $0x1  }
0xbc: {  	[sflag:s29] =	ssyncadd.s32 $0xFFFFFFFF  }
0xbd: {  	_ =	strace $0x90000048  }
0xbe: {  	_ =	sfence  }
0xbf: {  	s30 =	sld [smem:$0x0];
	_ =	sdelay $0x2  }
0xc0: {  	s31 =	sshll.u32 s1, $0xD;
	s1 =	sshrl.u32 s1, $0x2  }
0xc1: {  	s3 =	sand.u32 $0x4000, s31;
	s1 =	sadd.s32 s1, s30  }
0xc2: {  	s0 =	sor.u32 s3, s0;
	s1 =	sshll.u32 s1, $0x11  }
0xc3: {  	s0 =	sor.u32 s1, s0  }
0xc4: {  	s0 =	sadd.s32 $0x8F2B, s0  }
0xc5: {  	[sflag:s0] =	ssyncadd.remote.s32 $0x1  }
0xc6: {  	_ =	sfence.sel $0xFFFF  }
0xc7: {  	[dreg:$0x0] =	wrdreg $0xFFFFFFFF;
	(pc) =	sbr.abs _section_cstart, $3  }
0xc8: {  	[dreg:$0x1] =	wrdreg $0xFFFFFFFF  }
0xc9: {  	_ =	task.clear_ibuf [dreg:s11], $0x2FFFF;
	_ =	strace $0x9FFFFFFF  }
0xca: {  	(tm) =	ssettm $0x7FFFFFFF  }
0xcb: {  	_ =	shalt  }
tec
execute0_lowered:
.L_overlay_start_1:
0x0: {  	(tag) =	ssettag $0x1  }
0x1: {  	s2 =	rddreg [dreg:$0x1]  }
0x2: {  	s3 =	rddreg [dreg:$0x2]  }
0x3: {  	s0 =	rddreg [dreg:$0x3]  }
0x4: {  	s1 =	rddreg [dreg:$0x4]  }
0x5: {  	s4 =	rddreg [dreg:$0x5]  }
0x6: {  	s6 =	srdreg.scid;
	s7 =	stileid.u32  }
0x7: {  	s5 =	simm.s32 $0x0;
	s30 =	simm.s32 $0x100;
	s31 =	simm.s32 $0x1B200  }
0x8: {  	s6 =	sand.u32 $0x1, s6;
	s7 =	sshll.u32 s7, $0x1;
	[smem:$0x7FF] =	sst s5  }
0x9: {  	s8 =	sadd.s32 $0x2000, s4;
	s10 =	sadd.s32 $0x22000, s4;
	s11 =	sadd.s32 $0x62000, s4  }
0xa: {  	s15 =	sadd.s32 $0xA2000, s4;
	s4 =	sadd.s32 $0xE2000, s4;
	s7 =	sor.u32 s6, s7  }
0xb: {  	_ =	strace $0x80000047;
	s6 =	ssub.s32 $0x2, s6;
	[dreg:$0x13] =	wrdreg s30  }
0xc: {  	s9 =	sshll.u32 s7, $0x5;
	s12 =	sshll.u32 s7, $0xC;
	s14 =	sshll.u32 s7, $0xD  }
0xd: {  	s23 =	sshrl.u32 s6, $0x1;
	s7 =	simm.s32 $0x14A00;
	s0 =	sadd.s32 s0, s9  }
0xe: {  	s1 =	sadd.s32 s1, s9;
	s13 =	sadd.s32 s8, s12;
	[dreg:$0x7] =	wrdreg s0  }
0xf: {  	s16 =	sadd.s32 s10, s14;
	s17 =	sadd.s32 s11, s14;
	[dreg:$0x8] =	wrdreg s1  }
0x10: {  	s18 =	sadd.s32 s15, s14;
	s9 =	sor.u32 $0x10, s9;
	[dreg:$0x9] =	wrdreg s13  }
0x11: {  	s19 =	sadd.s32 s4, s14;
	s28 =	ssub.s32 s6, s23;
	[dreg:$0xa] =	wrdreg s16  }
0x12: {  	s23 =	simm.s32 $0x7;
	s12 =	simm.s32 $0x17A00;
	[dreg:$0xb] =	wrdreg s17  }
0x13: {  	s14 =	simm.s32 $0x18A00;
	[dreg:$0xc] =	wrdreg s18;
	s20 =	sshll.u32 s9, $0x8  }
0x14: {  	[dreg:$0xd] =	wrdreg s19;
	s26 =	sshll.u32 s9, $0x7;
	s6 =	smax.u32 s28, $0x1  }
0x15: {  	s19 =	simm.s32 $0xC200;
	s9 =	simm.s32 $0x16A00;
	s13 =	simm.s32 $0x18200  }
0x16: {  	s16 =	simm.s32 $0x19A00;
	s17 =	simm.s32 $0x1A200;
	s21 =	sadd.s32 s10, s20  }
0x17: {  	s18 =	simm.s32 $0x1AA00;
	s22 =	sadd.s32 s11, s20;
	[dreg:$0xe] =	wrdreg s21  }
0x18: {  	s24 =	sadd.s32 s15, s20;
	s25 =	sadd.s32 s4, s20;
	[dreg:$0xf] =	wrdreg s22  }
0x19: {  	s29 =	sadd.s32 s8, s26;
	s26 =	simm.s32 $0x3;
	[dreg:$0x10] =	wrdreg s24  }
0x1a: {  	v2 =	vlaneseq.u32;
	s8 =	simm.s32 $0x16200;
	s11 =	simm.s32 $0x17200;
	[dreg:$0x11] =	wrdreg s25  }
0x1b: {  	vm0 =	vmmov $0xffff;
	v1 =	vshrl.u32 v2, $0x3;
	s15 =	simm.s32 $0x19200;
	s10 =	simm.s32 $0x1BA00;
	[dreg:$0x12] =	wrdreg s29  }
0x1c: {  	v0 =	vand.u32 $0x7, v2;
	v2 =	vor.u32 $0x8, v2;
	v1 =	vmul.u32 $0x8, v1;
	s21 =	simm.s32 $0x6;
	s22 =	simm.s32 $0x4;
	s24 =	simm.s32 $0x1  }
.LBB2_1:
0x1d: {  	s29 =	rddreg [dreg:$0x7];
	s0 =	simm.s32 $0x9  }
0x1e: {  	[tilespmem:s5], [sflag:$0x9] =	stream.linear.gather [hbm4b:s29+s5], $0x100, $0x38;
	[tilespmem:$0x1C200] =	vst v63  }
0x1f: {  	_ =	swait.ge [sflag:s0], $0x100  }
0x20: {  	s20 =	rddreg [dreg:$0x8];
	[sflag:s0] =	ssyncset.done $0x0  }
0x21: {  	s30 =	rddreg [dreg:$0x13];
	[sflag:s0] =	ssyncadd.s32 $0xFFFFFF00  }
0x22: {  	[tilespmem:s30], [sflag:$0x9] =	stream.linear.gather [hbm4b:s20+s5], $0x100, $0x38;
	[tilespmem:$0x1C200] =	vst v63  }
0x23: {  	_ =	swait.ge [sflag:s0], $0x100  }
0x24: {  	[sflag:s0] =	ssyncset.done $0x0  }
0x25: {  	[sflag:s0] =	ssyncadd.s32 $0xFFFFFF00  }
0x26: {  	s1 =	simm.s32 $0x80;
	s28 =	simm.s32 $0x200;
	s25 =	rddreg [dreg:$0x0]  }
0x27: {  	[tilespmem:s28], [sflag:$0x1] =	stream.indirect.gather [hbm4b:s25+s1], $0x80, s5, s1, $0xb8;
	[tilespmem:$0x1C200] =	vst v63  }
0x28: {  	v3 =	vld [tilespmem:$0x0];
	_ =	sdelay $0x4  }
0x29: {  	v4 =	vshll.u32 v3, $0x1  }
0x2a: {  	v3 =	vand.u32 $0x7, v3;
	v4 =	vand.u32 $0xFFFFFFF0, v4  }
0x2b: {  	v3 =	vor.u32 v3, v4  }
0x2c: {  	v4 =	vperm.xlane v3, v0;
	_ =	sdelay $0x1  }
0x2d: {  	v3 =	vperm.xlane v3, v2;
	v4 =	vadd.s32 v1, v4;
	_ =	sdelay $0x1  }
0x2e: {  	v3 =	vadd.s32 v1, v3;
	_ =	sdelay $0x1  }
0x2f: {  	s29 =	simm.s32 $0x4200  }
0x30: {  	[tilespmem:s29], [sflag:$0x3] =	stream.indirect_vreg.gather [hbm4b:s2+s5], $0x80, v4, vm0, $0xb8;
	[tilespmem:$0x1C200] =	vst v63  }
0x31: {  	s30 =	simm.s32 $0x4A00  }
0x32: {  	[tilespmem:s30], [sflag:$0x3] =	stream.indirect_vreg.gather [hbm4b:s2+s5], $0x80, v3, vm0, $0xb8;
	[tilespmem:$0x1C200] =	vst v63  }
0x33: {  	v3 =	vld [tilespmem:$0x10];
	_ =	sdelay $0x4  }
0x34: {  	v57 =	vshll.u32 v3, $0x1  }
0x35: {  	v3 =	vand.u32 $0x7, v3;
	v4 =	vand.u32 $0xFFFFFFF0, v57  }
0x36: {  	v3 =	vor.u32 v3, v4  }
0x37: {  	v4 =	vperm.xlane v3, v0;
	_ =	sdelay $0x1  }
0x38: {  	v3 =	vperm.xlane v3, v2;
	v4 =	vadd.s32 v1, v4;
	_ =	sdelay $0x1  }
0x39: {  	v3 =	vadd.s32 v1, v3;
	_ =	sdelay $0x1  }
0x3a: {  	s4 =	simm.s32 $0x5200  }
0x3b: {  	[tilespmem:s4], [sflag:$0x3] =	stream.indirect_vreg.gather [hbm4b:s2+s5], $0x80, v4, vm0, $0xb8;
	[tilespmem:$0x1C200] =	vst v63  }
0x3c: {  	s28 =	simm.s32 $0x5A00  }
0x3d: {  	[tilespmem:s28], [sflag:$0x3] =	stream.indirect_vreg.gather [hbm4b:s2+s5], $0x80, v3, vm0, $0xb8;
	[tilespmem:$0x1C200] =	vst v63  }
0x3e: {  	v3 =	vld [tilespmem:$0x20];
	_ =	sdelay $0x4  }
0x3f: {  	v58 =	vshll.u32 v3, $0x1  }
0x40: {  	v3 =	vand.u32 $0x7, v3;
	v4 =	vand.u32 $0xFFFFFFF0, v58  }
0x41: {  	v3 =	vor.u32 v3, v4  }
0x42: {  	v4 =	vperm.xlane v3, v0;
	_ =	sdelay $0x1  }
0x43: {  	v3 =	vperm.xlane v3, v2;
	v4 =	vadd.s32 v1, v4;
	_ =	sdelay $0x1  }
0x44: {  	v3 =	vadd.s32 v1, v3;
	_ =	sdelay $0x1  }
0x45: {  	s29 =	simm.s32 $0x6200  }
0x46: {  	[tilespmem:s29], [sflag:$0x3] =	stream.indirect_vreg.gather [hbm4b:s2+s5], $0x80, v4, vm0, $0xb8;
	[tilespmem:$0x1C200] =	vst v63  }
0x47: {  	s30 =	simm.s32 $0x6A00  }
0x48: {  	[tilespmem:s30], [sflag:$0x3] =	stream.indirect_vreg.gather [hbm4b:s2+s5], $0x80, v3, vm0, $0xb8;
	[tilespmem:$0x1C200] =	vst v63  }
0x49: {  	v3 =	vld [tilespmem:$0x30];
	_ =	sdelay $0x4  }
0x4a: {  	v59 =	vshll.u32 v3, $0x1  }
0x4b: {  	v3 =	vand.u32 $0x7, v3;
	v4 =	vand.u32 $0xFFFFFFF0, v59  }
0x4c: {  	v3 =	vor.u32 v3, v4  }
0x4d: {  	v4 =	vperm.xlane v3, v0;
	_ =	sdelay $0x1  }
0x4e: {  	v3 =	vperm.xlane v3, v2;
	v4 =	vadd.s32 v1, v4;
	_ =	sdelay $0x1  }
0x4f: {  	v3 =	vadd.s32 v1, v3;
	_ =	sdelay $0x1  }
0x50: {  	s4 =	simm.s32 $0x7200  }
0x51: {  	[tilespmem:s4], [sflag:$0x3] =	stream.indirect_vreg.gather [hbm4b:s2+s5], $0x80, v4, vm0, $0xb8;
	[tilespmem:$0x1C200] =	vst v63  }
0x52: {  	s29 =	simm.s32 $0x7A00  }
0x53: {  	[tilespmem:s29], [sflag:$0x3] =	stream.indirect_vreg.gather [hbm4b:s2+s5], $0x80, v3, vm0, $0xb8;
	[tilespmem:$0x1C200] =	vst v63  }
0x54: {  	v3 =	vld [tilespmem:$0x40];
	_ =	sdelay $0x4  }
0x55: {  	v60 =	vshll.u32 v3, $0x1  }
0x56: {  	v3 =	vand.u32 $0x7, v3;
	v4 =	vand.u32 $0xFFFFFFF0, v60  }
0x57: {  	v3 =	vor.u32 v3, v4  }
0x58: {  	v4 =	vperm.xlane v3, v0;
	_ =	sdelay $0x1  }
0x59: {  	v3 =	vperm.xlane v3, v2;
	v4 =	vadd.s32 v1, v4;
	_ =	sdelay $0x1  }
0x5a: {  	v3 =	vadd.s32 v1, v3;
	_ =	sdelay $0x1  }
0x5b: {  	s30 =	simm.s32 $0x8200  }
0x5c: {  	[tilespmem:s30], [sflag:$0x3] =	stream.indirect_vreg.gather [hbm4b:s2+s5], $0x80, v4, vm0, $0xb8;
	[tilespmem:$0x1C200] =	vst v63  }
0x5d: {  	s4 =	simm.s32 $0x8A00  }
0x5e: {  	[tilespmem:s4], [sflag:$0x3] =	stream.indirect_vreg.gather [hbm4b:s2+s5], $0x80, v3, vm0, $0xb8;
	[tilespmem:$0x1C200] =	vst v63  }
0x5f: {  	v3 =	vld [tilespmem:$0x50];
	_ =	sdelay $0x4  }
0x60: {  	v61 =	vshll.u32 v3, $0x1  }
0x61: {  	v3 =	vand.u32 $0x7, v3;
	v4 =	vand.u32 $0xFFFFFFF0, v61  }
0x62: {  	v3 =	vor.u32 v3, v4  }
0x63: {  	v4 =	vperm.xlane v3, v0;
	_ =	sdelay $0x1  }
0x64: {  	v3 =	vperm.xlane v3, v2;
	v4 =	vadd.s32 v1, v4;
	_ =	sdelay $0x1  }
0x65: {  	v3 =	vadd.s32 v1, v3;
	_ =	sdelay $0x1  }
0x66: {  	s29 =	simm.s32 $0x9200  }
0x67: {  	[tilespmem:s29], [sflag:$0x3] =	stream.indirect_vreg.gather [hbm4b:s2+s5], $0x80, v4, vm0, $0xb8;
	[tilespmem:$0x1C200] =	vst v63  }
0x68: {  	s30 =	simm.s32 $0x9A00  }
0x69: {  	[tilespmem:s30], [sflag:$0x3] =	stream.indirect_vreg.gather [hbm4b:s2+s5], $0x80, v3, vm0, $0xb8;
	[tilespmem:$0x1C200] =	vst v63  }
0x6a: {  	v3 =	vld [tilespmem:$0x60];
	_ =	sdelay $0x4  }
0x6b: {  	v62 =	vshll.u32 v3, $0x1  }
0x6c: {  	v3 =	vand.u32 $0x7, v3;
	v4 =	vand.u32 $0xFFFFFFF0, v62  }
0x6d: {  	v3 =	vor.u32 v3, v4  }
0x6e: {  	v4 =	vperm.xlane v3, v0;
	_ =	sdelay $0x1  }
0x6f: {  	v3 =	vperm.xlane v3, v2;
	v4 =	vadd.s32 v1, v4;
	_ =	sdelay $0x1  }
0x70: {  	v3 =	vadd.s32 v1, v3;
	_ =	sdelay $0x1  }
0x71: {  	s4 =	simm.s32 $0xA200  }
0x72: {  	[tilespmem:s4], [sflag:$0x3] =	stream.indirect_vreg.gather [hbm4b:s2+s5], $0x80, v4, vm0, $0xb8;
	[tilespmem:$0x1C200] =	vst v63  }
0x73: {  	s29 =	simm.s32 $0xAA00  }
0x74: {  	[tilespmem:s29], [sflag:$0x3] =	stream.indirect_vreg.gather [hbm4b:s2+s5], $0x80, v3, vm0, $0xb8;
	[tilespmem:$0x1C200] =	vst v63  }
0x75: {  	v3 =	vld [tilespmem:$0x70];
	_ =	sdelay $0x4  }
0x76: {  	v63 =	vshll.u32 v3, $0x1  }
0x77: {  	v3 =	vand.u32 $0x7, v3;
	v4 =	vand.u32 $0xFFFFFFF0, v63  }
0x78: {  	v3 =	vor.u32 v3, v4  }
0x79: {  	v4 =	vperm.xlane v3, v0;
	_ =	sdelay $0x1  }
0x7a: {  	v3 =	vperm.xlane v3, v2;
	v4 =	vadd.s32 v1, v4;
	_ =	sdelay $0x1  }
0x7b: {  	v3 =	vadd.s32 v1, v3;
	_ =	sdelay $0x1  }
0x7c: {  	s30 =	simm.s32 $0xB200  }
0x7d: {  	[tilespmem:s30], [sflag:$0x3] =	stream.indirect_vreg.gather [hbm4b:s2+s5], $0x80, v4, vm0, $0xb8;
	[tilespmem:$0x1C200] =	vst v63  }
0x7e: {  	s4 =	simm.s32 $0xBA00  }
0x7f: {  	[tilespmem:s4], [sflag:$0x3] =	stream.indirect_vreg.gather [hbm4b:s2+s5], $0x80, v3, vm0, $0xb8;
	[tilespmem:$0x1C200] =	vst v63  }
0x80: {  	v3 =	vld [tilespmem:$0x0];
	_ =	sdelay $0x4  }
0x81: {  	v8 =	vshll.u32 v3, $0x1  }
0x82: {  	v3 =	vand.u32 $0x7, v3;
	v4 =	vand.u32 $0xFFFFFFF0, v8  }
0x83: {  	v3 =	vor.u32 v3, v4  }
0x84: {  	v4 =	vperm.xlane v3, v0;
	_ =	sdelay $0x1  }
0x85: {  	v3 =	vperm.xlane v3, v2;
	v4 =	vadd.s32 v1, v4;
	_ =	sdelay $0x1  }
0x86: {  	v3 =	vadd.s32 v1, v3;
	_ =	sdelay $0x2  }
0x87: {  	[tilespmem:s19], [sflag:$0x4] =	stream.indirect_vreg.gather [hbm4b:s3+s5], $0x80, v4, vm0, $0xb8;
	[tilespmem:$0x1C200] =	vst v63  }
0x88: {  	s29 =	simm.s32 $0xCA00  }
0x89: {  	[tilespmem:s29], [sflag:$0x4] =	stream.indirect_vreg.gather [hbm4b:s3+s5], $0x80, v3, vm0, $0xb8;
	[tilespmem:$0x1C200] =	vst v63  }
0x8a: {  	v3 =	vld [tilespmem:$0x10];
	_ =	sdelay $0x4  }
0x8b: {  	v9 =	vshll.u32 v3, $0x1  }
0x8c: {  	v3 =	vand.u32 $0x7, v3;
	v4 =	vand.u32 $0xFFFFFFF0, v9  }
0x8d: {  	v3 =	vor.u32 v3, v4  }
0x8e: {  	v4 =	vperm.xlane v3, v0;
	_ =	sdelay $0x1  }
0x8f: {  	v3 =	vperm.xlane v3, v2;
	v4 =	vadd.s32 v1, v4;
	_ =	sdelay $0x1  }
0x90: {  	v3 =	vadd.s32 v1, v3;
	_ =	sdelay $0x1  }
0x91: {  	s30 =	simm.s32 $0xD200  }
0x92: {  	[tilespmem:s30], [sflag:$0x4] =	stream.indirect_vreg.gather [hbm4b:s3+s5], $0x80, v4, vm0, $0xb8;
	[tilespmem:$0x1C200] =	vst v63  }
0x93: {  	s4 =	simm.s32 $0xDA00  }
0x94: {  	[tilespmem:s4], [sflag:$0x4] =	stream.indirect_vreg.gather [hbm4b:s3+s5], $0x80, v3, vm0, $0xb8;
	[tilespmem:$0x1C200] =	vst v63  }
0x95: {  	v3 =	vld [tilespmem:$0x20];
	_ =	sdelay $0x4  }
0x96: {  	v10 =	vshll.u32 v3, $0x1  }
0x97: {  	v3 =	vand.u32 $0x7, v3;
	v4 =	vand.u32 $0xFFFFFFF0, v10  }
0x98: {  	v3 =	vor.u32 v3, v4  }
0x99: {  	v4 =	vperm.xlane v3, v0;
	_ =	sdelay $0x1  }
0x9a: {  	v3 =	vperm.xlane v3, v2;
	v4 =	vadd.s32 v1, v4;
	_ =	sdelay $0x1  }
0x9b: {  	v3 =	vadd.s32 v1, v3;
	_ =	sdelay $0x1  }
0x9c: {  	s29 =	simm.s32 $0xE200  }
0x9d: {  	[tilespmem:s29], [sflag:$0x4] =	stream.indirect_vreg.gather [hbm4b:s3+s5], $0x80, v4, vm0, $0xb8;
	[tilespmem:$0x1C200] =	vst v63  }
0x9e: {  	s30 =	simm.s32 $0xEA00  }
0x9f: {  	[tilespmem:s30], [sflag:$0x4] =	stream.indirect_vreg.gather [hbm4b:s3+s5], $0x80, v3, vm0, $0xb8;
	[tilespmem:$0x1C200] =	vst v63  }
0xa0: {  	v3 =	vld [tilespmem:$0x30];
	_ =	sdelay $0x4  }
0xa1: {  	v11 =	vshll.u32 v3, $0x1  }
0xa2: {  	v3 =	vand.u32 $0x7, v3;
	v4 =	vand.u32 $0xFFFFFFF0, v11  }
0xa3: {  	v3 =	vor.u32 v3, v4  }
0xa4: {  	v4 =	vperm.xlane v3, v0;
	_ =	sdelay $0x1  }
0xa5: {  	v3 =	vperm.xlane v3, v2;
	v4 =	vadd.s32 v1, v4;
	_ =	sdelay $0x1  }
0xa6: {  	v3 =	vadd.s32 v1, v3;
	_ =	sdelay $0x1  }
0xa7: {  	s4 =	simm.s32 $0xF200  }
0xa8: {  	[tilespmem:s4], [sflag:$0x4] =	stream.indirect_vreg.gather [hbm4b:s3+s5], $0x80, v4, vm0, $0xb8;
	[tilespmem:$0x1C200] =	vst v63  }
0xa9: {  	s29 =	simm.s32 $0xFA00  }
0xaa: {  	[tilespmem:s29], [sflag:$0x4] =	stream.indirect_vreg.gather [hbm4b:s3+s5], $0x80, v3, vm0, $0xb8;
	[tilespmem:$0x1C200] =	vst v63  }
0xab: {  	v3 =	vld [tilespmem:$0x40];
	_ =	sdelay $0x4  }
0xac: {  	v12 =	vshll.u32 v3, $0x1  }
0xad: {  	v3 =	vand.u32 $0x7, v3;
	v4 =	vand.u32 $0xFFFFFFF0, v12  }
0xae: {  	v3 =	vor.u32 v3, v4  }
0xaf: {  	v4 =	vperm.xlane v3, v0;
	_ =	sdelay $0x1  }
0xb0: {  	v3 =	vperm.xlane v3, v2;
	v4 =	vadd.s32 v1, v4;
	_ =	sdelay $0x1  }
0xb1: {  	v3 =	vadd.s32 v1, v3;
	_ =	sdelay $0x1  }
0xb2: {  	s30 =	simm.s32 $0x10200  }
0xb3: {  	[tilespmem:s30], [sflag:$0x4] =	stream.indirect_vreg.gather [hbm4b:s3+s5], $0x80, v4, vm0, $0xb8;
	[tilespmem:$0x1C200] =	vst v63  }
0xb4: {  	s4 =	simm.s32 $0x10A00  }
0xb5: {  	[tilespmem:s4], [sflag:$0x4] =	stream.indirect_vreg.gather [hbm4b:s3+s5], $0x80, v3, vm0, $0xb8;
	[tilespmem:$0x1C200] =	vst v63  }
0xb6: {  	v3 =	vld [tilespmem:$0x50];
	_ =	sdelay $0x4  }
0xb7: {  	v13 =	vshll.u32 v3, $0x1  }
0xb8: {  	v3 =	vand.u32 $0x7, v3;
	v4 =	vand.u32 $0xFFFFFFF0, v13  }
0xb9: {  	v3 =	vor.u32 v3, v4  }
0xba: {  	v4 =	vperm.xlane v3, v0;
	_ =	sdelay $0x1  }
0xbb: {  	v3 =	vperm.xlane v3, v2;
	v4 =	vadd.s32 v1, v4;
	_ =	sdelay $0x1  }
0xbc: {  	v3 =	vadd.s32 v1, v3;
	_ =	sdelay $0x1  }
0xbd: {  	s29 =	simm.s32 $0x11200  }
0xbe: {  	[tilespmem:s29], [sflag:$0x4] =	stream.indirect_vreg.gather [hbm4b:s3+s5], $0x80, v4, vm0, $0xb8;
	[tilespmem:$0x1C200] =	vst v63  }
0xbf: {  	s30 =	simm.s32 $0x11A00  }
0xc0: {  	[tilespmem:s30], [sflag:$0x4] =	stream.indirect_vreg.gather [hbm4b:s3+s5], $0x80, v3, vm0, $0xb8;
	[tilespmem:$0x1C200] =	vst v63  }
0xc1: {  	v3 =	vld [tilespmem:$0x60];
	_ =	sdelay $0x4  }
0xc2: {  	v14 =	vshll.u32 v3, $0x1  }
0xc3: {  	v3 =	vand.u32 $0x7, v3;
	v4 =	vand.u32 $0xFFFFFFF0, v14  }
0xc4: {  	v3 =	vor.u32 v3, v4  }
0xc5: {  	v4 =	vperm.xlane v3, v0;
	_ =	sdelay $0x1  }
0xc6: {  	v3 =	vperm.xlane v3, v2;
	v4 =	vadd.s32 v1, v4;
	_ =	sdelay $0x1  }
0xc7: {  	v3 =	vadd.s32 v1, v3;
	_ =	sdelay $0x1  }
0xc8: {  	s4 =	simm.s32 $0x12200  }
0xc9: {  	[tilespmem:s4], [sflag:$0x4] =	stream.indirect_vreg.gather [hbm4b:s3+s5], $0x80, v4, vm0, $0xb8;
	[tilespmem:$0x1C200] =	vst v63  }
0xca: {  	s29 =	simm.s32 $0x12A00  }
0xcb: {  	[tilespmem:s29], [sflag:$0x4] =	stream.indirect_vreg.gather [hbm4b:s3+s5], $0x80, v3, vm0, $0xb8;
	[tilespmem:$0x1C200] =	vst v63  }
0xcc: {  	v3 =	vld [tilespmem:$0x70];
	_ =	sdelay $0x4  }
0xcd: {  	v15 =	vshll.u32 v3, $0x1  }
0xce: {  	v3 =	vand.u32 $0x7, v3;
	v4 =	vand.u32 $0xFFFFFFF0, v15  }
0xcf: {  	v3 =	vor.u32 v3, v4  }
0xd0: {  	v4 =	vperm.xlane v3, v0;
	_ =	sdelay $0x1  }
0xd1: {  	v3 =	vperm.xlane v3, v2;
	v4 =	vadd.s32 v1, v4;
	_ =	sdelay $0x1  }
0xd2: {  	v3 =	vadd.s32 v1, v3;
	_ =	sdelay $0x1  }
0xd3: {  	s30 =	simm.s32 $0x13200  }
0xd4: {  	[tilespmem:s30], [sflag:$0x4] =	stream.indirect_vreg.gather [hbm4b:s3+s5], $0x80, v4, vm0, $0xb8;
	[tilespmem:$0x1C200] =	vst v63  }
0xd5: {  	s4 =	simm.s32 $0x13A00  }
0xd6: {  	[tilespmem:s4], [sflag:$0x4] =	stream.indirect_vreg.gather [hbm4b:s3+s5], $0x80, v3, vm0, $0xb8;
	[tilespmem:$0x1C200] =	vst v63  }
0xd7: {  	v3 =	vld [tilespmem:$0x100];
	_ =	sdelay $0x4  }
0xd8: {  	v16 =	vshll.u32 v3, $0x1  }
0xd9: {  	v3 =	vand.u32 $0x7, v3;
	v4 =	vand.u32 $0xFFFFFFF0, v16  }
0xda: {  	v3 =	vor.u32 v3, v4  }
0xdb: {  	v4 =	vperm.xlane v3, v0;
	_ =	sdelay $0x1  }
0xdc: {  	v3 =	vperm.xlane v3, v2;
	v4 =	vadd.s32 v1, v4;
	_ =	sdelay $0x1  }
0xdd: {  	v3 =	vadd.s32 v1, v3;
	_ =	sdelay $0x1  }
0xde: {  	s29 =	simm.s32 $0x14200  }
0xdf: {  	[tilespmem:s29], [sflag:$0x5] =	stream.indirect_vreg.gather [hbm4b:s2+s5], $0x80, v4, vm0, $0xb8;
	[tilespmem:$0x1C200] =	vst v63  }
0xe0: {  	_ = 	snop  }
0xe1: {  	[tilespmem:s7], [sflag:$0x5] =	stream.indirect_vreg.gather [hbm4b:s2+s5], $0x80, v3, vm0, $0xb8;
	[tilespmem:$0x1C200] =	vst v63  }
0xe2: {  	v3 =	vld [tilespmem:$0x110];
	_ =	sdelay $0x4  }
0xe3: {  	v17 =	vshll.u32 v3, $0x1  }
0xe4: {  	v3 =	vand.u32 $0x7, v3;
	v4 =	vand.u32 $0xFFFFFFF0, v17  }
0xe5: {  	v3 =	vor.u32 v3, v4  }
0xe6: {  	v4 =	vperm.xlane v3, v0;
	_ =	sdelay $0x1  }
0xe7: {  	v3 =	vperm.xlane v3, v2;
	v4 =	vadd.s32 v1, v4;
	_ =	sdelay $0x1  }
0xe8: {  	v3 =	vadd.s32 v1, v3;
	_ =	sdelay $0x1  }
0xe9: {  	s1 =	simm.s32 $0x15200  }
0xea: {  	[tilespmem:s1], [sflag:$0x5] =	stream.indirect_vreg.gather [hbm4b:s2+s5], $0x80, v4, vm0, $0xb8;
	[tilespmem:$0x1C200] =	vst v63  }
0xeb: {  	s4 =	simm.s32 $0x15A00  }
0xec: {  	[tilespmem:s4], [sflag:$0x5] =	stream.indirect_vreg.gather [hbm4b:s2+s5], $0x80, v3, vm0, $0xb8;
	[tilespmem:$0x1C200] =	vst v63  }
0xed: {  	v3 =	vld [tilespmem:$0x120];
	_ =	sdelay $0x4  }
0xee: {  	v18 =	vshll.u32 v3, $0x1  }
0xef: {  	v3 =	vand.u32 $0x7, v3;
	v4 =	vand.u32 $0xFFFFFFF0, v18  }
0xf0: {  	v3 =	vor.u32 v3, v4  }
0xf1: {  	v4 =	vperm.xlane v3, v0;
	_ =	sdelay $0x1  }
0xf2: {  	v3 =	vperm.xlane v3, v2;
	v4 =	vadd.s32 v1, v4;
	_ =	sdelay $0x1  }
0xf3: {  	v3 =	vadd.s32 v1, v3;
	_ =	sdelay $0x2  }
0xf4: {  	[tilespmem:s8], [sflag:$0x5] =	stream.indirect_vreg.gather [hbm4b:s2+s5], $0x80, v4, vm0, $0xb8;
	[tilespmem:$0x1C200] =	vst v63  }
0xf5: {  	_ = 	snop  }
0xf6: {  	[tilespmem:s9], [sflag:$0x5] =	stream.indirect_vreg.gather [hbm4b:s2+s5], $0x80, v3, vm0, $0xb8;
	[tilespmem:$0x1C200] =	vst v63  }
0xf7: {  	v3 =	vld [tilespmem:$0x130];
	_ =	sdelay $0x4  }
0xf8: {  	v19 =	vshll.u32 v3, $0x1  }
0xf9: {  	v3 =	vand.u32 $0x7, v3;
	v4 =	vand.u32 $0xFFFFFFF0, v19  }
0xfa: {  	v3 =	vor.u32 v3, v4  }
0xfb: {  	v4 =	vperm.xlane v3, v0;
	_ =	sdelay $0x1  }
0xfc: {  	v3 =	vperm.xlane v3, v2;
	v4 =	vadd.s32 v1, v4;
	_ =	sdelay $0x1  }
0xfd: {  	v3 =	vadd.s32 v1, v3;
	_ =	sdelay $0x2  }
0xfe: {  	[tilespmem:s11], [sflag:$0x5] =	stream.indirect_vreg.gather [hbm4b:s2+s5], $0x80, v4, vm0, $0xb8;
	[tilespmem:$0x1C200] =	vst v63  }
0xff: {  	_ = 	snop  }
0x100: {  	[tilespmem:s12], [sflag:$0x5] =	stream.indirect_vreg.gather [hbm4b:s2+s5], $0x80, v3, vm0, $0xb8;
	[tilespmem:$0x1C200] =	vst v63  }
0x101: {  	v3 =	vld [tilespmem:$0x140];
	_ =	sdelay $0x4  }
0x102: {  	v20 =	vshll.u32 v3, $0x1  }
0x103: {  	v3 =	vand.u32 $0x7, v3;
	v4 =	vand.u32 $0xFFFFFFF0, v20  }
0x104: {  	v3 =	vor.u32 v3, v4  }
0x105: {  	v4 =	vperm.xlane v3, v0;
	_ =	sdelay $0x1  }
0x106: {  	v3 =	vperm.xlane v3, v2;
	v4 =	vadd.s32 v1, v4;
	_ =	sdelay $0x1  }
0x107: {  	v3 =	vadd.s32 v1, v3;
	_ =	sdelay $0x2  }
0x108: {  	[tilespmem:s13], [sflag:$0x5] =	stream.indirect_vreg.gather [hbm4b:s2+s5], $0x80, v4, vm0, $0xb8;
	[tilespmem:$0x1C200] =	vst v63  }
0x109: {  	_ = 	snop  }
0x10a: {  	[tilespmem:s14], [sflag:$0x5] =	stream.indirect_vreg.gather [hbm4b:s2+s5], $0x80, v3, vm0, $0xb8;
	[tilespmem:$0x1C200] =	vst v63  }
0x10b: {  	v3 =	vld [tilespmem:$0x150];
	_ =	sdelay $0x4  }
0x10c: {  	v21 =	vshll.u32 v3, $0x1  }
0x10d: {  	v3 =	vand.u32 $0x7, v3;
	v4 =	vand.u32 $0xFFFFFFF0, v21  }
0x10e: {  	v3 =	vor.u32 v3, v4  }
0x10f: {  	v4 =	vperm.xlane v3, v0;
	_ =	sdelay $0x1  }
0x110: {  	v3 =	vperm.xlane v3, v2;
	v4 =	vadd.s32 v1, v4;
	_ =	sdelay $0x1  }
0x111: {  	v3 =	vadd.s32 v1, v3;
	_ =	sdelay $0x2  }
0x112: {  	[tilespmem:s15], [sflag:$0x5] =	stream.indirect_vreg.gather [hbm4b:s2+s5], $0x80, v4, vm0, $0xb8;
	[tilespmem:$0x1C200] =	vst v63  }
0x113: {  	_ = 	snop  }
0x114: {  	[tilespmem:s16], [sflag:$0x5] =	stream.indirect_vreg.gather [hbm4b:s2+s5], $0x80, v3, vm0, $0xb8;
	[tilespmem:$0x1C200] =	vst v63  }
0x115: {  	v3 =	vld [tilespmem:$0x160];
	_ =	sdelay $0x4  }
0x116: {  	v22 =	vshll.u32 v3, $0x1  }
0x117: {  	v3 =	vand.u32 $0x7, v3;
	v4 =	vand.u32 $0xFFFFFFF0, v22  }
0x118: {  	v3 =	vor.u32 v3, v4  }
0x119: {  	v4 =	vperm.xlane v3, v0;
	_ =	sdelay $0x1  }
0x11a: {  	v3 =	vperm.xlane v3, v2;
	v4 =	vadd.s32 v1, v4;
	_ =	sdelay $0x1  }
0x11b: {  	v3 =	vadd.s32 v1, v3;
	_ =	sdelay $0x2  }
0x11c: {  	[tilespmem:s17], [sflag:$0x5] =	stream.indirect_vreg.gather [hbm4b:s2+s5], $0x80, v4, vm0, $0xb8;
	[tilespmem:$0x1C200] =	vst v63  }
0x11d: {  	_ = 	snop  }
0x11e: {  	[tilespmem:s18], [sflag:$0x5] =	stream.indirect_vreg.gather [hbm4b:s2+s5], $0x80, v3, vm0, $0xb8;
	[tilespmem:$0x1C200] =	vst v63  }
0x11f: {  	v3 =	vld [tilespmem:$0x170];
	_ =	sdelay $0x4  }
0x120: {  	v23 =	vshll.u32 v3, $0x1  }
0x121: {  	v3 =	vand.u32 $0x7, v3;
	v4 =	vand.u32 $0xFFFFFFF0, v23  }
0x122: {  	v3 =	vor.u32 v3, v4  }
0x123: {  	v4 =	vperm.xlane v3, v0;
	_ =	sdelay $0x1  }
0x124: {  	v3 =	vperm.xlane v3, v2;
	v4 =	vadd.s32 v1, v4;
	_ =	sdelay $0x1  }
0x125: {  	v3 =	vadd.s32 v1, v3;
	_ =	sdelay $0x2  }
0x126: {  	[tilespmem:s31], [sflag:$0x5] =	stream.indirect_vreg.gather [hbm4b:s2+s5], $0x80, v4, vm0, $0xb8;
	[tilespmem:$0x1C200] =	vst v63  }
0x127: {  	_ = 	snop  }
0x128: {  	[tilespmem:s10], [sflag:$0x5] =	stream.indirect_vreg.gather [hbm4b:s2+s5], $0x80, v3, vm0, $0xb8;
	[tilespmem:$0x1C200] =	vst v63  }
0x129: {  	_ =	swait.ge [sflag:s24], $0x4000  }
0x12a: {  	[sflag:s24] =	ssyncset.done $0x0  }
0x12b: {  	s0 =	simm.s32 $0x200;
	s30 =	rddreg [dreg:$0x9];
	[sflag:s24] =	ssyncadd.s32 $0xFFFFC000  }
0x12c: {  	[hbm4b:s30+s5] =	stream.linear.scatter [tilespmem:s0], [sflag:$0x2], $0x4000, $0x38;
	[tilespmem:$0x1C200] =	vst v63  }
0x12d: {  	_ =	swait.ge [sflag:s26], $0x8000  }
0x12e: {  	[sflag:s26] =	ssyncset.done $0x0  }
0x12f: {  	s20 =	simm.s32 $0x4200;
	s0 =	rddreg [dreg:$0xa];
	[sflag:s26] =	ssyncadd.s32 $0xFFFF8000  }
0x130: {  	[hbm4b:s0+s5] =	stream.linear.scatter [tilespmem:s20], [sflag:$0x6], $0x8000, $0x38;
	[tilespmem:$0x1C200] =	vst v63  }
0x131: {  	_ =	swait.ge [sflag:s21], $0x8000  }
0x132: {  	[sflag:s21] =	ssyncset.done $0x0  }
0x133: {  	[sflag:s21] =	ssyncadd.s32 $0xFFFF8000  }
0x134: {  	v3 =	vld [tilespmem:$0x100];
	_ =	sdelay $0x4  }
0x135: {  	v24 =	vshll.u32 v3, $0x1  }
0x136: {  	v3 =	vand.u32 $0x7, v3;
	v4 =	vand.u32 $0xFFFFFFF0, v24  }
0x137: {  	v3 =	vor.u32 v3, v4  }
0x138: {  	v4 =	vperm.xlane v3, v0;
	_ =	sdelay $0x1  }
0x139: {  	v3 =	vperm.xlane v3, v2;
	v4 =	vadd.s32 v1, v4;
	_ =	sdelay $0x1  }
0x13a: {  	v3 =	vadd.s32 v1, v3;
	_ =	sdelay $0x2  }
0x13b: {  	[tilespmem:s20], [sflag:$0x3] =	stream.indirect_vreg.gather [hbm4b:s3+s5], $0x80, v4, vm0, $0xb8;
	[tilespmem:$0x1C200] =	vst v63  }
0x13c: {  	s25 =	simm.s32 $0x4A00  }
0x13d: {  	[tilespmem:s25], [sflag:$0x3] =	stream.indirect_vreg.gather [hbm4b:s3+s5], $0x80, v3, vm0, $0xb8;
	[tilespmem:$0x1C200] =	vst v63  }
0x13e: {  	v3 =	vld [tilespmem:$0x110];
	_ =	sdelay $0x4  }
0x13f: {  	v25 =	vshll.u32 v3, $0x1  }
0x140: {  	v3 =	vand.u32 $0x7, v3;
	v4 =	vand.u32 $0xFFFFFFF0, v25  }
0x141: {  	v3 =	vor.u32 v3, v4  }
0x142: {  	v4 =	vperm.xlane v3, v0;
	_ =	sdelay $0x1  }
0x143: {  	v3 =	vperm.xlane v3, v2;
	v4 =	vadd.s32 v1, v4;
	_ =	sdelay $0x1  }
0x144: {  	v3 =	vadd.s32 v1, v3;
	_ =	sdelay $0x1  }
0x145: {  	s25 =	simm.s32 $0x5200  }
0x146: {  	[tilespmem:s25], [sflag:$0x3] =	stream.indirect_vreg.gather [hbm4b:s3+s5], $0x80, v4, vm0, $0xb8;
	[tilespmem:$0x1C200] =	vst v63  }
0x147: {  	s28 =	simm.s32 $0x5A00  }
0x148: {  	[tilespmem:s28], [sflag:$0x3] =	stream.indirect_vreg.gather [hbm4b:s3+s5], $0x80, v3, vm0, $0xb8;
	[tilespmem:$0x1C200] =	vst v63  }
0x149: {  	v3 =	vld [tilespmem:$0x120];
	_ =	sdelay $0x4  }
0x14a: {  	v26 =	vshll.u32 v3, $0x1  }
0x14b: {  	v3 =	vand.u32 $0x7, v3;
	v4 =	vand.u32 $0xFFFFFFF0, v26  }
0x14c: {  	v3 =	vor.u32 v3, v4  }
0x14d: {  	v4 =	vperm.xlane v3, v0;
	_ =	sdelay $0x1  }
0x14e: {  	v3 =	vperm.xlane v3, v2;
	v4 =	vadd.s32 v1, v4;
	_ =	sdelay $0x1  }
0x14f: {  	v3 =	vadd.s32 v1, v3;
	_ =	sdelay $0x1  }
0x150: {  	s29 =	simm.s32 $0x6200  }
0x151: {  	[tilespmem:s29], [sflag:$0x3] =	stream.indirect_vreg.gather [hbm4b:s3+s5], $0x80, v4, vm0, $0xb8;
	[tilespmem:$0x1C200] =	vst v63  }
0x152: {  	s30 =	simm.s32 $0x6A00  }
0x153: {  	[tilespmem:s30], [sflag:$0x3] =	stream.indirect_vreg.gather [hbm4b:s3+s5], $0x80, v3, vm0, $0xb8;
	[tilespmem:$0x1C200] =	vst v63  }
0x154: {  	v3 =	vld [tilespmem:$0x130];
	_ =	sdelay $0x4  }
0x155: {  	v27 =	vshll.u32 v3, $0x1  }
0x156: {  	v3 =	vand.u32 $0x7, v3;
	v4 =	vand.u32 $0xFFFFFFF0, v27  }
0x157: {  	v3 =	vor.u32 v3, v4  }
0x158: {  	v4 =	vperm.xlane v3, v0;
	_ =	sdelay $0x1  }
0x159: {  	v3 =	vperm.xlane v3, v2;
	v4 =	vadd.s32 v1, v4;
	_ =	sdelay $0x1  }
0x15a: {  	v3 =	vadd.s32 v1, v3;
	_ =	sdelay $0x1  }
0x15b: {  	s20 =	simm.s32 $0x7200  }
0x15c: {  	[tilespmem:s20], [sflag:$0x3] =	stream.indirect_vreg.gather [hbm4b:s3+s5], $0x80, v4, vm0, $0xb8;
	[tilespmem:$0x1C200] =	vst v63  }
0x15d: {  	s25 =	simm.s32 $0x7A00  }
0x15e: {  	[tilespmem:s25], [sflag:$0x3] =	stream.indirect_vreg.gather [hbm4b:s3+s5], $0x80, v3, vm0, $0xb8;
	[tilespmem:$0x1C200] =	vst v63  }
0x15f: {  	v3 =	vld [tilespmem:$0x140];
	_ =	sdelay $0x4  }
0x160: {  	v28 =	vshll.u32 v3, $0x1  }
0x161: {  	v3 =	vand.u32 $0x7, v3;
	v4 =	vand.u32 $0xFFFFFFF0, v28  }
0x162: {  	v3 =	vor.u32 v3, v4  }
0x163: {  	v4 =	vperm.xlane v3, v0;
	_ =	sdelay $0x1  }
0x164: {  	v3 =	vperm.xlane v3, v2;
	v4 =	vadd.s32 v1, v4;
	_ =	sdelay $0x1  }
0x165: {  	v3 =	vadd.s32 v1, v3;
	_ =	sdelay $0x1  }
0x166: {  	s28 =	simm.s32 $0x8200  }
0x167: {  	[tilespmem:s28], [sflag:$0x3] =	stream.indirect_vreg.gather [hbm4b:s3+s5], $0x80, v4, vm0, $0xb8;
	[tilespmem:$0x1C200] =	vst v63  }
0x168: {  	s29 =	simm.s32 $0x8A00  }
0x169: {  	[tilespmem:s29], [sflag:$0x3] =	stream.indirect_vreg.gather [hbm4b:s3+s5], $0x80, v3, vm0, $0xb8;
	[tilespmem:$0x1C200] =	vst v63  }
0x16a: {  	v3 =	vld [tilespmem:$0x150];
	_ =	sdelay $0x4  }
0x16b: {  	v29 =	vshll.u32 v3, $0x1  }
0x16c: {  	v3 =	vand.u32 $0x7, v3;
	v4 =	vand.u32 $0xFFFFFFF0, v29  }
0x16d: {  	v3 =	vor.u32 v3, v4  }
0x16e: {  	v4 =	vperm.xlane v3, v0;
	_ =	sdelay $0x1  }
0x16f: {  	v3 =	vperm.xlane v3, v2;
	v4 =	vadd.s32 v1, v4;
	_ =	sdelay $0x1  }
0x170: {  	v3 =	vadd.s32 v1, v3;
	_ =	sdelay $0x1  }
0x171: {  	s30 =	simm.s32 $0x9200  }
0x172: {  	[tilespmem:s30], [sflag:$0x3] =	stream.indirect_vreg.gather [hbm4b:s3+s5], $0x80, v4, vm0, $0xb8;
	[tilespmem:$0x1C200] =	vst v63  }
0x173: {  	s20 =	simm.s32 $0x9A00  }
0x174: {  	[tilespmem:s20], [sflag:$0x3] =	stream.indirect_vreg.gather [hbm4b:s3+s5], $0x80, v3, vm0, $0xb8;
	[tilespmem:$0x1C200] =	vst v63  }
0x175: {  	v3 =	vld [tilespmem:$0x160];
	_ =	sdelay $0x4  }
0x176: {  	v30 =	vshll.u32 v3, $0x1  }
0x177: {  	v3 =	vand.u32 $0x7, v3;
	v4 =	vand.u32 $0xFFFFFFF0, v30  }
0x178: {  	v3 =	vor.u32 v3, v4  }
0x179: {  	v4 =	vperm.xlane v3, v0;
	_ =	sdelay $0x1  }
0x17a: {  	v3 =	vperm.xlane v3, v2;
	v4 =	vadd.s32 v1, v4;
	_ =	sdelay $0x1  }
0x17b: {  	v3 =	vadd.s32 v1, v3;
	_ =	sdelay $0x1  }
0x17c: {  	s25 =	simm.s32 $0xA200  }
0x17d: {  	[tilespmem:s25], [sflag:$0x3] =	stream.indirect_vreg.gather [hbm4b:s3+s5], $0x80, v4, vm0, $0xb8;
	[tilespmem:$0x1C200] =	vst v63  }
0x17e: {  	s28 =	simm.s32 $0xAA00  }
0x17f: {  	[tilespmem:s28], [sflag:$0x3] =	stream.indirect_vreg.gather [hbm4b:s3+s5], $0x80, v3, vm0, $0xb8;
	[tilespmem:$0x1C200] =	vst v63  }
0x180: {  	v3 =	vld [tilespmem:$0x170];
	_ =	sdelay $0x4  }
0x181: {  	v31 =	vshll.u32 v3, $0x1  }
0x182: {  	v3 =	vand.u32 $0x7, v3;
	v4 =	vand.u32 $0xFFFFFFF0, v31  }
0x183: {  	v3 =	vor.u32 v3, v4  }
0x184: {  	v4 =	vperm.xlane v3, v0;
	_ =	sdelay $0x1  }
0x185: {  	v3 =	vperm.xlane v3, v2;
	v4 =	vadd.s32 v1, v4;
	_ =	sdelay $0x1  }
0x186: {  	v3 =	vadd.s32 v1, v3;
	_ =	sdelay $0x1  }
0x187: {  	s29 =	simm.s32 $0xB200  }
0x188: {  	[tilespmem:s29], [sflag:$0x3] =	stream.indirect_vreg.gather [hbm4b:s3+s5], $0x80, v4, vm0, $0xb8;
	[tilespmem:$0x1C200] =	vst v63  }
0x189: {  	s30 =	simm.s32 $0xBA00  }
0x18a: {  	[tilespmem:s30], [sflag:$0x3] =	stream.indirect_vreg.gather [hbm4b:s3+s5], $0x80, v3, vm0, $0xb8;
	[tilespmem:$0x1C200] =	vst v63  }
0x18b: {  	_ =	swait.ge [sflag:s22], $0x8000  }
0x18c: {  	[sflag:s22] =	ssyncset.done $0x0  }
0x18d: {  	s0 =	rddreg [dreg:$0xb];
	[sflag:s22] =	ssyncadd.s32 $0xFFFF8000  }
0x18e: {  	[hbm4b:s0+s5] =	stream.linear.scatter [tilespmem:s19], [sflag:$0x7], $0x8000, $0x38;
	[tilespmem:$0x1C200] =	vst v63  }
0x18f: {  	_ =	swait.ge [sflag:s23], $0x8000  }
0x190: {  	[sflag:s23] =	ssyncset.done $0x0  }
0x191: {  	[sflag:s23] =	ssyncadd.s32 $0xFFFF8000  }
0x192: {  	v3 =	vld [tilespmem:$0x80];
	_ =	sdelay $0x4  }
0x193: {  	v32 =	vshll.u32 v3, $0x1  }
0x194: {  	v3 =	vand.u32 $0x7, v3;
	v4 =	vand.u32 $0xFFFFFFF0, v32  }
0x195: {  	v3 =	vor.u32 v3, v4  }
0x196: {  	v4 =	vperm.xlane v3, v0;
	_ =	sdelay $0x1  }
0x197: {  	v3 =	vperm.xlane v3, v2;
	v4 =	vadd.s32 v1, v4;
	_ =	sdelay $0x1  }
0x198: {  	v3 =	vadd.s32 v1, v3;
	_ =	sdelay $0x2  }
0x199: {  	[tilespmem:s19], [sflag:$0x4] =	stream.indirect_vreg.gather [hbm4b:s2+s5], $0x80, v4, vm0, $0xb8;
	[tilespmem:$0x1C200] =	vst v63  }
0x19a: {  	s20 =	simm.s32 $0xCA00  }
0x19b: {  	[tilespmem:s20], [sflag:$0x4] =	stream.indirect_vreg.gather [hbm4b:s2+s5], $0x80, v3, vm0, $0xb8;
	[tilespmem:$0x1C200] =	vst v63  }
0x19c: {  	v3 =	vld [tilespmem:$0x90];
	_ =	sdelay $0x4  }
0x19d: {  	v33 =	vshll.u32 v3, $0x1  }
0x19e: {  	v3 =	vand.u32 $0x7, v3;
	v4 =	vand.u32 $0xFFFFFFF0, v33  }
0x19f: {  	v3 =	vor.u32 v3, v4  }
0x1a0: {  	v4 =	vperm.xlane v3, v0;
	_ =	sdelay $0x1  }
0x1a1: {  	v3 =	vperm.xlane v3, v2;
	v4 =	vadd.s32 v1, v4;
	_ =	sdelay $0x1  }
0x1a2: {  	v3 =	vadd.s32 v1, v3;
	_ =	sdelay $0x1  }
0x1a3: {  	s25 =	simm.s32 $0xD200  }
0x1a4: {  	[tilespmem:s25], [sflag:$0x4] =	stream.indirect_vreg.gather [hbm4b:s2+s5], $0x80, v4, vm0, $0xb8;
	[tilespmem:$0x1C200] =	vst v63  }
0x1a5: {  	s28 =	simm.s32 $0xDA00  }
0x1a6: {  	[tilespmem:s28], [sflag:$0x4] =	stream.indirect_vreg.gather [hbm4b:s2+s5], $0x80, v3, vm0, $0xb8;
	[tilespmem:$0x1C200] =	vst v63  }
0x1a7: {  	v3 =	vld [tilespmem:$0xA0];
	_ =	sdelay $0x4  }
0x1a8: {  	v34 =	vshll.u32 v3, $0x1  }
0x1a9: {  	v3 =	vand.u32 $0x7, v3;
	v4 =	vand.u32 $0xFFFFFFF0, v34  }
0x1aa: {  	v3 =	vor.u32 v3, v4  }
0x1ab: {  	v4 =	vperm.xlane v3, v0;
	_ =	sdelay $0x1  }
0x1ac: {  	v3 =	vperm.xlane v3, v2;
	v4 =	vadd.s32 v1, v4;
	_ =	sdelay $0x1  }
0x1ad: {  	v3 =	vadd.s32 v1, v3;
	_ =	sdelay $0x1  }
0x1ae: {  	s29 =	simm.s32 $0xE200  }
0x1af: {  	[tilespmem:s29], [sflag:$0x4] =	stream.indirect_vreg.gather [hbm4b:s2+s5], $0x80, v4, vm0, $0xb8;
	[tilespmem:$0x1C200] =	vst v63  }
0x1b0: {  	s30 =	simm.s32 $0xEA00  }
0x1b1: {  	[tilespmem:s30], [sflag:$0x4] =	stream.indirect_vreg.gather [hbm4b:s2+s5], $0x80, v3, vm0, $0xb8;
	[tilespmem:$0x1C200] =	vst v63  }
0x1b2: {  	v3 =	vld [tilespmem:$0xB0];
	_ =	sdelay $0x4  }
0x1b3: {  	v35 =	vshll.u32 v3, $0x1  }
0x1b4: {  	v3 =	vand.u32 $0x7, v3;
	v4 =	vand.u32 $0xFFFFFFF0, v35  }
0x1b5: {  	v3 =	vor.u32 v3, v4  }
0x1b6: {  	v4 =	vperm.xlane v3, v0;
	_ =	sdelay $0x1  }
0x1b7: {  	v3 =	vperm.xlane v3, v2;
	v4 =	vadd.s32 v1, v4;
	_ =	sdelay $0x1  }
0x1b8: {  	v3 =	vadd.s32 v1, v3;
	_ =	sdelay $0x1  }
0x1b9: {  	s20 =	simm.s32 $0xF200  }
0x1ba: {  	[tilespmem:s20], [sflag:$0x4] =	stream.indirect_vreg.gather [hbm4b:s2+s5], $0x80, v4, vm0, $0xb8;
	[tilespmem:$0x1C200] =	vst v63  }
0x1bb: {  	s25 =	simm.s32 $0xFA00  }
0x1bc: {  	[tilespmem:s25], [sflag:$0x4] =	stream.indirect_vreg.gather [hbm4b:s2+s5], $0x80, v3, vm0, $0xb8;
	[tilespmem:$0x1C200] =	vst v63  }
0x1bd: {  	v3 =	vld [tilespmem:$0xC0];
	_ =	sdelay $0x4  }
0x1be: {  	v36 =	vshll.u32 v3, $0x1  }
0x1bf: {  	v3 =	vand.u32 $0x7, v3;
	v4 =	vand.u32 $0xFFFFFFF0, v36  }
0x1c0: {  	v3 =	vor.u32 v3, v4  }
0x1c1: {  	v4 =	vperm.xlane v3, v0;
	_ =	sdelay $0x1  }
0x1c2: {  	v3 =	vperm.xlane v3, v2;
	v4 =	vadd.s32 v1, v4;
	_ =	sdelay $0x1  }
0x1c3: {  	v3 =	vadd.s32 v1, v3;
	_ =	sdelay $0x1  }
0x1c4: {  	s28 =	simm.s32 $0x10200  }
0x1c5: {  	[tilespmem:s28], [sflag:$0x4] =	stream.indirect_vreg.gather [hbm4b:s2+s5], $0x80, v4, vm0, $0xb8;
	[tilespmem:$0x1C200] =	vst v63  }
0x1c6: {  	s29 =	simm.s32 $0x10A00  }
0x1c7: {  	[tilespmem:s29], [sflag:$0x4] =	stream.indirect_vreg.gather [hbm4b:s2+s5], $0x80, v3, vm0, $0xb8;
	[tilespmem:$0x1C200] =	vst v63  }
0x1c8: {  	v3 =	vld [tilespmem:$0xD0];
	_ =	sdelay $0x4  }
0x1c9: {  	v37 =	vshll.u32 v3, $0x1  }
0x1ca: {  	v3 =	vand.u32 $0x7, v3;
	v4 =	vand.u32 $0xFFFFFFF0, v37  }
0x1cb: {  	v3 =	vor.u32 v3, v4  }
0x1cc: {  	v4 =	vperm.xlane v3, v0;
	_ =	sdelay $0x1  }
0x1cd: {  	v3 =	vperm.xlane v3, v2;
	v4 =	vadd.s32 v1, v4;
	_ =	sdelay $0x1  }
0x1ce: {  	v3 =	vadd.s32 v1, v3;
	_ =	sdelay $0x1  }
0x1cf: {  	s30 =	simm.s32 $0x11200  }
0x1d0: {  	[tilespmem:s30], [sflag:$0x4] =	stream.indirect_vreg.gather [hbm4b:s2+s5], $0x80, v4, vm0, $0xb8;
	[tilespmem:$0x1C200] =	vst v63  }
0x1d1: {  	s20 =	simm.s32 $0x11A00  }
0x1d2: {  	[tilespmem:s20], [sflag:$0x4] =	stream.indirect_vreg.gather [hbm4b:s2+s5], $0x80, v3, vm0, $0xb8;
	[tilespmem:$0x1C200] =	vst v63  }
0x1d3: {  	v3 =	vld [tilespmem:$0xE0];
	_ =	sdelay $0x4  }
0x1d4: {  	v38 =	vshll.u32 v3, $0x1  }
0x1d5: {  	v3 =	vand.u32 $0x7, v3;
	v4 =	vand.u32 $0xFFFFFFF0, v38  }
0x1d6: {  	v3 =	vor.u32 v3, v4  }
0x1d7: {  	v4 =	vperm.xlane v3, v0;
	_ =	sdelay $0x1  }
0x1d8: {  	v3 =	vperm.xlane v3, v2;
	v4 =	vadd.s32 v1, v4;
	_ =	sdelay $0x1  }
0x1d9: {  	v3 =	vadd.s32 v1, v3;
	_ =	sdelay $0x1  }
0x1da: {  	s25 =	simm.s32 $0x12200  }
0x1db: {  	[tilespmem:s25], [sflag:$0x4] =	stream.indirect_vreg.gather [hbm4b:s2+s5], $0x80, v4, vm0, $0xb8;
	[tilespmem:$0x1C200] =	vst v63  }
0x1dc: {  	s28 =	simm.s32 $0x12A00  }
0x1dd: {  	[tilespmem:s28], [sflag:$0x4] =	stream.indirect_vreg.gather [hbm4b:s2+s5], $0x80, v3, vm0, $0xb8;
	[tilespmem:$0x1C200] =	vst v63  }
0x1de: {  	v3 =	vld [tilespmem:$0xF0];
	_ =	sdelay $0x4  }
0x1df: {  	v39 =	vshll.u32 v3, $0x1  }
0x1e0: {  	v3 =	vand.u32 $0x7, v3;
	v4 =	vand.u32 $0xFFFFFFF0, v39  }
0x1e1: {  	v3 =	vor.u32 v3, v4  }
0x1e2: {  	v4 =	vperm.xlane v3, v0;
	_ =	sdelay $0x1  }
0x1e3: {  	v3 =	vperm.xlane v3, v2;
	v4 =	vadd.s32 v1, v4;
	_ =	sdelay $0x1  }
0x1e4: {  	v3 =	vadd.s32 v1, v3;
	_ =	sdelay $0x1  }
0x1e5: {  	s29 =	simm.s32 $0x13200  }
0x1e6: {  	[tilespmem:s29], [sflag:$0x4] =	stream.indirect_vreg.gather [hbm4b:s2+s5], $0x80, v4, vm0, $0xb8;
	[tilespmem:$0x1C200] =	vst v63  }
0x1e7: {  	s30 =	simm.s32 $0x13A00;
	s25 =	simm.s32 $0x5  }
0x1e8: {  	[tilespmem:s30], [sflag:$0x4] =	stream.indirect_vreg.gather [hbm4b:s2+s5], $0x80, v3, vm0, $0xb8;
	[tilespmem:$0x1C200] =	vst v63  }
0x1e9: {  	_ =	swait.ge [sflag:s25], $0x8000  }
0x1ea: {  	s20 =	simm.s32 $0x14200;
	[sflag:s25] =	ssyncset.done $0x0  }
0x1eb: {  	s28 =	simm.s32 $0x2;
	s0 =	rddreg [dreg:$0xc];
	[sflag:s25] =	ssyncadd.s32 $0xFFFF8000  }
0x1ec: {  	[hbm4b:s0+s5] =	stream.linear.scatter [tilespmem:s20], [sflag:$0x8], $0x8000, $0x38;
	[tilespmem:$0x1C200] =	vst v63  }
0x1ed: {  	_ =	swait.ge [sflag:s28], $0x4000  }
0x1ee: {  	[sflag:s28] =	ssyncset.done $0x0  }
0x1ef: {  	[sflag:s28] =	ssyncadd.s32 $0xFFFFC000  }
0x1f0: {  	s30 =	simm.s32 $0x80;
	s0 =	simm.s32 $0x200;
	s29 =	rddreg [dreg:$0x0]  }
0x1f1: {  	[tilespmem:s0], [sflag:$0x1] =	stream.indirect.gather [hbm4b:s29+s30], $0x80, s30, s30, $0xb8;
	[tilespmem:$0x1C200] =	vst v63  }
0x1f2: {  	s0 =	simm.s32 $0x8  }
0x1f3: {  	_ =	swait.ge [sflag:s0], $0x8000  }
0x1f4: {  	[sflag:s0] =	ssyncset.done $0x0  }
0x1f5: {  	[sflag:s0] =	ssyncadd.s32 $0xFFFF8000  }
0x1f6: {  	v3 =	vld [tilespmem:$0x80];
	_ =	sdelay $0x4  }
0x1f7: {  	v40 =	vshll.u32 v3, $0x1  }
0x1f8: {  	v3 =	vand.u32 $0x7, v3;
	v4 =	vand.u32 $0xFFFFFFF0, v40  }
0x1f9: {  	v3 =	vor.u32 v3, v4  }
0x1fa: {  	v4 =	vperm.xlane v3, v0;
	_ =	sdelay $0x1  }
0x1fb: {  	v3 =	vperm.xlane v3, v2;
	v4 =	vadd.s32 v1, v4;
	_ =	sdelay $0x1  }
0x1fc: {  	v3 =	vadd.s32 v1, v3;
	_ =	sdelay $0x2  }
0x1fd: {  	[tilespmem:s20], [sflag:$0x5] =	stream.indirect_vreg.gather [hbm4b:s3+s5], $0x80, v4, vm0, $0xb8;
	[tilespmem:$0x1C200] =	vst v63  }
0x1fe: {  	_ = 	snop  }
0x1ff: {  	[tilespmem:s7], [sflag:$0x5] =	stream.indirect_vreg.gather [hbm4b:s3+s5], $0x80, v3, vm0, $0xb8;
	[tilespmem:$0x1C200] =	vst v63  }
0x200: {  	v3 =	vld [tilespmem:$0x90];
	_ =	sdelay $0x4  }
0x201: {  	v41 =	vshll.u32 v3, $0x1  }
0x202: {  	v3 =	vand.u32 $0x7, v3;
	v4 =	vand.u32 $0xFFFFFFF0, v41  }
0x203: {  	v3 =	vor.u32 v3, v4  }
0x204: {  	v4 =	vperm.xlane v3, v0;
	_ =	sdelay $0x1  }
0x205: {  	v3 =	vperm.xlane v3, v2;
	v4 =	vadd.s32 v1, v4;
	_ =	sdelay $0x1  }
0x206: {  	v3 =	vadd.s32 v1, v3;
	_ =	sdelay $0x2  }
0x207: {  	[tilespmem:s1], [sflag:$0x5] =	stream.indirect_vreg.gather [hbm4b:s3+s5], $0x80, v4, vm0, $0xb8;
	[tilespmem:$0x1C200] =	vst v63  }
0x208: {  	_ = 	snop  }
0x209: {  	[tilespmem:s4], [sflag:$0x5] =	stream.indirect_vreg.gather [hbm4b:s3+s5], $0x80, v3, vm0, $0xb8;
	[tilespmem:$0x1C200] =	vst v63  }
0x20a: {  	v3 =	vld [tilespmem:$0xA0];
	_ =	sdelay $0x4  }
0x20b: {  	v42 =	vshll.u32 v3, $0x1  }
0x20c: {  	v3 =	vand.u32 $0x7, v3;
	v4 =	vand.u32 $0xFFFFFFF0, v42  }
0x20d: {  	v3 =	vor.u32 v3, v4  }
0x20e: {  	v4 =	vperm.xlane v3, v0;
	_ =	sdelay $0x1  }
0x20f: {  	v3 =	vperm.xlane v3, v2;
	v4 =	vadd.s32 v1, v4;
	_ =	sdelay $0x1  }
0x210: {  	v3 =	vadd.s32 v1, v3;
	_ =	sdelay $0x2  }
0x211: {  	[tilespmem:s8], [sflag:$0x5] =	stream.indirect_vreg.gather [hbm4b:s3+s5], $0x80, v4, vm0, $0xb8;
	[tilespmem:$0x1C200] =	vst v63  }
0x212: {  	_ = 	snop  }
0x213: {  	[tilespmem:s9], [sflag:$0x5] =	stream.indirect_vreg.gather [hbm4b:s3+s5], $0x80, v3, vm0, $0xb8;
	[tilespmem:$0x1C200] =	vst v63  }
0x214: {  	v3 =	vld [tilespmem:$0xB0];
	_ =	sdelay $0x4  }
0x215: {  	v43 =	vshll.u32 v3, $0x1  }
0x216: {  	v3 =	vand.u32 $0x7, v3;
	v4 =	vand.u32 $0xFFFFFFF0, v43  }
0x217: {  	v3 =	vor.u32 v3, v4  }
0x218: {  	v4 =	vperm.xlane v3, v0;
	_ =	sdelay $0x1  }
0x219: {  	v3 =	vperm.xlane v3, v2;
	v4 =	vadd.s32 v1, v4;
	_ =	sdelay $0x1  }
0x21a: {  	v3 =	vadd.s32 v1, v3;
	_ =	sdelay $0x2  }
0x21b: {  	[tilespmem:s11], [sflag:$0x5] =	stream.indirect_vreg.gather [hbm4b:s3+s5], $0x80, v4, vm0, $0xb8;
	[tilespmem:$0x1C200] =	vst v63  }
0x21c: {  	_ = 	snop  }
0x21d: {  	[tilespmem:s12], [sflag:$0x5] =	stream.indirect_vreg.gather [hbm4b:s3+s5], $0x80, v3, vm0, $0xb8;
	[tilespmem:$0x1C200] =	vst v63  }
0x21e: {  	v3 =	vld [tilespmem:$0xC0];
	_ =	sdelay $0x4  }
0x21f: {  	v44 =	vshll.u32 v3, $0x1  }
0x220: {  	v3 =	vand.u32 $0x7, v3;
	v4 =	vand.u32 $0xFFFFFFF0, v44  }
0x221: {  	v3 =	vor.u32 v3, v4  }
0x222: {  	v4 =	vperm.xlane v3, v0;
	_ =	sdelay $0x1  }
0x223: {  	v3 =	vperm.xlane v3, v2;
	v4 =	vadd.s32 v1, v4;
	_ =	sdelay $0x1  }
0x224: {  	v3 =	vadd.s32 v1, v3;
	_ =	sdelay $0x2  }
0x225: {  	[tilespmem:s13], [sflag:$0x5] =	stream.indirect_vreg.gather [hbm4b:s3+s5], $0x80, v4, vm0, $0xb8;
	[tilespmem:$0x1C200] =	vst v63  }
0x226: {  	_ = 	snop  }
0x227: {  	[tilespmem:s14], [sflag:$0x5] =	stream.indirect_vreg.gather [hbm4b:s3+s5], $0x80, v3, vm0, $0xb8;
	[tilespmem:$0x1C200] =	vst v63  }
0x228: {  	v3 =	vld [tilespmem:$0xD0];
	_ =	sdelay $0x4  }
0x229: {  	v45 =	vshll.u32 v3, $0x1  }
0x22a: {  	v3 =	vand.u32 $0x7, v3;
	v4 =	vand.u32 $0xFFFFFFF0, v45  }
0x22b: {  	v3 =	vor.u32 v3, v4  }
0x22c: {  	v4 =	vperm.xlane v3, v0;
	_ =	sdelay $0x1  }
0x22d: {  	v3 =	vperm.xlane v3, v2;
	v4 =	vadd.s32 v1, v4;
	_ =	sdelay $0x1  }
0x22e: {  	v3 =	vadd.s32 v1, v3;
	_ =	sdelay $0x2  }
0x22f: {  	[tilespmem:s15], [sflag:$0x5] =	stream.indirect_vreg.gather [hbm4b:s3+s5], $0x80, v4, vm0, $0xb8;
	[tilespmem:$0x1C200] =	vst v63  }
0x230: {  	_ = 	snop  }
0x231: {  	[tilespmem:s16], [sflag:$0x5] =	stream.indirect_vreg.gather [hbm4b:s3+s5], $0x80, v3, vm0, $0xb8;
	[tilespmem:$0x1C200] =	vst v63  }
0x232: {  	v3 =	vld [tilespmem:$0xE0];
	_ =	sdelay $0x4  }
0x233: {  	v46 =	vshll.u32 v3, $0x1  }
0x234: {  	v3 =	vand.u32 $0x7, v3;
	v4 =	vand.u32 $0xFFFFFFF0, v46  }
0x235: {  	v3 =	vor.u32 v3, v4  }
0x236: {  	v4 =	vperm.xlane v3, v0;
	_ =	sdelay $0x1  }
0x237: {  	v3 =	vperm.xlane v3, v2;
	v4 =	vadd.s32 v1, v4;
	_ =	sdelay $0x1  }
0x238: {  	v3 =	vadd.s32 v1, v3;
	_ =	sdelay $0x2  }
0x239: {  	[tilespmem:s17], [sflag:$0x5] =	stream.indirect_vreg.gather [hbm4b:s3+s5], $0x80, v4, vm0, $0xb8;
	[tilespmem:$0x1C200] =	vst v63  }
0x23a: {  	_ = 	snop  }
0x23b: {  	[tilespmem:s18], [sflag:$0x5] =	stream.indirect_vreg.gather [hbm4b:s3+s5], $0x80, v3, vm0, $0xb8;
	[tilespmem:$0x1C200] =	vst v63  }
0x23c: {  	v3 =	vld [tilespmem:$0xF0];
	_ =	sdelay $0x4  }
0x23d: {  	v47 =	vshll.u32 v3, $0x1  }
0x23e: {  	v3 =	vand.u32 $0x7, v3;
	v4 =	vand.u32 $0xFFFFFFF0, v47  }
0x23f: {  	v3 =	vor.u32 v3, v4  }
0x240: {  	v4 =	vperm.xlane v3, v0;
	_ =	sdelay $0x1  }
0x241: {  	v3 =	vperm.xlane v3, v2;
	v4 =	vadd.s32 v1, v4;
	_ =	sdelay $0x1  }
0x242: {  	v3 =	vadd.s32 v1, v3;
	_ =	sdelay $0x2  }
0x243: {  	[tilespmem:s31], [sflag:$0x5] =	stream.indirect_vreg.gather [hbm4b:s3+s5], $0x80, v4, vm0, $0xb8;
	[tilespmem:$0x1C200] =	vst v63  }
0x244: {  	_ = 	snop  }
0x245: {  	[tilespmem:s10], [sflag:$0x5] =	stream.indirect_vreg.gather [hbm4b:s3+s5], $0x80, v3, vm0, $0xb8;
	[tilespmem:$0x1C200] =	vst v63  }
0x246: {  	_ =	swait.ge [sflag:s26], $0x8000  }
0x247: {  	[sflag:s26] =	ssyncset.done $0x0  }
0x248: {  	s4 =	simm.s32 $0x4200;
	s1 =	rddreg [dreg:$0xd];
	[sflag:s26] =	ssyncadd.s32 $0xFFFF8000  }
0x249: {  	[hbm4b:s1+s5] =	stream.linear.scatter [tilespmem:s4], [sflag:$0x6], $0x8000, $0x38;
	[tilespmem:$0x1C200] =	vst v63  }
0x24a: {  	_ =	swait.ge [sflag:s21], $0x8000  }
0x24b: {  	[sflag:s21] =	ssyncset.done $0x0  }
0x24c: {  	[sflag:s21] =	ssyncadd.s32 $0xFFFF8000  }
0x24d: {  	v3 =	vld [tilespmem:$0x180];
	_ =	sdelay $0x4  }
0x24e: {  	v48 =	vshll.u32 v3, $0x1  }
0x24f: {  	v3 =	vand.u32 $0x7, v3;
	v4 =	vand.u32 $0xFFFFFFF0, v48  }
0x250: {  	v3 =	vor.u32 v3, v4  }
0x251: {  	v4 =	vperm.xlane v3, v0;
	_ =	sdelay $0x1  }
0x252: {  	v3 =	vperm.xlane v3, v2;
	v4 =	vadd.s32 v1, v4;
	_ =	sdelay $0x1  }
0x253: {  	v3 =	vadd.s32 v1, v3;
	_ =	sdelay $0x2  }
0x254: {  	[tilespmem:s4], [sflag:$0x3] =	stream.indirect_vreg.gather [hbm4b:s2+s5], $0x80, v4, vm0, $0xb8;
	[tilespmem:$0x1C200] =	vst v63  }
0x255: {  	s29 =	simm.s32 $0x4A00  }
0x256: {  	[tilespmem:s29], [sflag:$0x3] =	stream.indirect_vreg.gather [hbm4b:s2+s5], $0x80, v3, vm0, $0xb8;
	[tilespmem:$0x1C200] =	vst v63  }
0x257: {  	v3 =	vld [tilespmem:$0x190];
	_ =	sdelay $0x4  }
0x258: {  	v49 =	vshll.u32 v3, $0x1  }
0x259: {  	v3 =	vand.u32 $0x7, v3;
	v4 =	vand.u32 $0xFFFFFFF0, v49  }
0x25a: {  	v3 =	vor.u32 v3, v4  }
0x25b: {  	v4 =	vperm.xlane v3, v0;
	_ =	sdelay $0x1  }
0x25c: {  	v3 =	vperm.xlane v3, v2;
	v4 =	vadd.s32 v1, v4;
	_ =	sdelay $0x1  }
0x25d: {  	v3 =	vadd.s32 v1, v3;
	_ =	sdelay $0x1  }
0x25e: {  	s29 =	simm.s32 $0x5200  }
0x25f: {  	[tilespmem:s29], [sflag:$0x3] =	stream.indirect_vreg.gather [hbm4b:s2+s5], $0x80, v4, vm0, $0xb8;
	[tilespmem:$0x1C200] =	vst v63  }
0x260: {  	s29 =	simm.s32 $0x5A00  }
0x261: {  	[tilespmem:s29], [sflag:$0x3] =	stream.indirect_vreg.gather [hbm4b:s2+s5], $0x80, v3, vm0, $0xb8;
	[tilespmem:$0x1C200] =	vst v63  }
0x262: {  	v3 =	vld [tilespmem:$0x1A0];
	_ =	sdelay $0x4  }
0x263: {  	v50 =	vshll.u32 v3, $0x1  }
0x264: {  	v3 =	vand.u32 $0x7, v3;
	v4 =	vand.u32 $0xFFFFFFF0, v50  }
0x265: {  	v3 =	vor.u32 v3, v4  }
0x266: {  	v4 =	vperm.xlane v3, v0;
	_ =	sdelay $0x1  }
0x267: {  	v3 =	vperm.xlane v3, v2;
	v4 =	vadd.s32 v1, v4;
	_ =	sdelay $0x1  }
0x268: {  	v3 =	vadd.s32 v1, v3;
	_ =	sdelay $0x1  }
0x269: {  	s29 =	simm.s32 $0x6200  }
0x26a: {  	[tilespmem:s29], [sflag:$0x3] =	stream.indirect_vreg.gather [hbm4b:s2+s5], $0x80, v4, vm0, $0xb8;
	[tilespmem:$0x1C200] =	vst v63  }
0x26b: {  	s29 =	simm.s32 $0x6A00  }
0x26c: {  	[tilespmem:s29], [sflag:$0x3] =	stream.indirect_vreg.gather [hbm4b:s2+s5], $0x80, v3, vm0, $0xb8;
	[tilespmem:$0x1C200] =	vst v63  }
0x26d: {  	v3 =	vld [tilespmem:$0x1B0];
	_ =	sdelay $0x4  }
0x26e: {  	v51 =	vshll.u32 v3, $0x1  }
0x26f: {  	v3 =	vand.u32 $0x7, v3;
	v4 =	vand.u32 $0xFFFFFFF0, v51  }
0x270: {  	v3 =	vor.u32 v3, v4  }
0x271: {  	v4 =	vperm.xlane v3, v0;
	_ =	sdelay $0x1  }
0x272: {  	v3 =	vperm.xlane v3, v2;
	v4 =	vadd.s32 v1, v4;
	_ =	sdelay $0x1  }
0x273: {  	v3 =	vadd.s32 v1, v3;
	_ =	sdelay $0x1  }
0x274: {  	s29 =	simm.s32 $0x7200  }
0x275: {  	[tilespmem:s29], [sflag:$0x3] =	stream.indirect_vreg.gather [hbm4b:s2+s5], $0x80, v4, vm0, $0xb8;
	[tilespmem:$0x1C200] =	vst v63  }
0x276: {  	s29 =	simm.s32 $0x7A00  }
0x277: {  	[tilespmem:s29], [sflag:$0x3] =	stream.indirect_vreg.gather [hbm4b:s2+s5], $0x80, v3, vm0, $0xb8;
	[tilespmem:$0x1C200] =	vst v63  }
0x278: {  	v3 =	vld [tilespmem:$0x1C0];
	_ =	sdelay $0x4  }
0x279: {  	v52 =	vshll.u32 v3, $0x1  }
0x27a: {  	v3 =	vand.u32 $0x7, v3;
	v4 =	vand.u32 $0xFFFFFFF0, v52  }
0x27b: {  	v3 =	vor.u32 v3, v4  }
0x27c: {  	v4 =	vperm.xlane v3, v0;
	_ =	sdelay $0x1  }
0x27d: {  	v3 =	vperm.xlane v3, v2;
	v4 =	vadd.s32 v1, v4;
	_ =	sdelay $0x1  }
0x27e: {  	v3 =	vadd.s32 v1, v3;
	_ =	sdelay $0x1  }
0x27f: {  	s29 =	simm.s32 $0x8200  }
0x280: {  	[tilespmem:s29], [sflag:$0x3] =	stream.indirect_vreg.gather [hbm4b:s2+s5], $0x80, v4, vm0, $0xb8;
	[tilespmem:$0x1C200] =	vst v63  }
0x281: {  	s29 =	simm.s32 $0x8A00  }
0x282: {  	[tilespmem:s29], [sflag:$0x3] =	stream.indirect_vreg.gather [hbm4b:s2+s5], $0x80, v3, vm0, $0xb8;
	[tilespmem:$0x1C200] =	vst v63  }
0x283: {  	v3 =	vld [tilespmem:$0x1D0];
	_ =	sdelay $0x4  }
0x284: {  	v53 =	vshll.u32 v3, $0x1  }
0x285: {  	v3 =	vand.u32 $0x7, v3;
	v4 =	vand.u32 $0xFFFFFFF0, v53  }
0x286: {  	v3 =	vor.u32 v3, v4  }
0x287: {  	v4 =	vperm.xlane v3, v0;
	_ =	sdelay $0x1  }
0x288: {  	v3 =	vperm.xlane v3, v2;
	v4 =	vadd.s32 v1, v4;
	_ =	sdelay $0x1  }
0x289: {  	v3 =	vadd.s32 v1, v3;
	_ =	sdelay $0x1  }
0x28a: {  	s29 =	simm.s32 $0x9200  }
0x28b: {  	[tilespmem:s29], [sflag:$0x3] =	stream.indirect_vreg.gather [hbm4b:s2+s5], $0x80, v4, vm0, $0xb8;
	[tilespmem:$0x1C200] =	vst v63  }
0x28c: {  	s29 =	simm.s32 $0x9A00  }
0x28d: {  	[tilespmem:s29], [sflag:$0x3] =	stream.indirect_vreg.gather [hbm4b:s2+s5], $0x80, v3, vm0, $0xb8;
	[tilespmem:$0x1C200] =	vst v63  }
0x28e: {  	v3 =	vld [tilespmem:$0x1E0];
	_ =	sdelay $0x4  }
0x28f: {  	v54 =	vshll.u32 v3, $0x1  }
0x290: {  	v3 =	vand.u32 $0x7, v3;
	v4 =	vand.u32 $0xFFFFFFF0, v54  }
0x291: {  	v3 =	vor.u32 v3, v4  }
0x292: {  	v4 =	vperm.xlane v3, v0;
	_ =	sdelay $0x1  }
0x293: {  	v3 =	vperm.xlane v3, v2;
	v4 =	vadd.s32 v1, v4;
	_ =	sdelay $0x1  }
0x294: {  	v3 =	vadd.s32 v1, v3;
	_ =	sdelay $0x1  }
0x295: {  	s29 =	simm.s32 $0xA200  }
0x296: {  	[tilespmem:s29], [sflag:$0x3] =	stream.indirect_vreg.gather [hbm4b:s2+s5], $0x80, v4, vm0, $0xb8;
	[tilespmem:$0x1C200] =	vst v63  }
0x297: {  	s29 =	simm.s32 $0xAA00  }
0x298: {  	[tilespmem:s29], [sflag:$0x3] =	stream.indirect_vreg.gather [hbm4b:s2+s5], $0x80, v3, vm0, $0xb8;
	[tilespmem:$0x1C200] =	vst v63  }
0x299: {  	v3 =	vld [tilespmem:$0x1F0];
	_ =	sdelay $0x4  }
0x29a: {  	v55 =	vshll.u32 v3, $0x1  }
0x29b: {  	v3 =	vand.u32 $0x7, v3;
	v4 =	vand.u32 $0xFFFFFFF0, v55  }
0x29c: {  	v3 =	vor.u32 v3, v4  }
0x29d: {  	v4 =	vperm.xlane v3, v0;
	_ =	sdelay $0x1  }
0x29e: {  	v3 =	vperm.xlane v3, v2;
	v4 =	vadd.s32 v1, v4;
	_ =	sdelay $0x1  }
0x29f: {  	v3 =	vadd.s32 v1, v3;
	_ =	sdelay $0x1  }
0x2a0: {  	s29 =	simm.s32 $0xB200  }
0x2a1: {  	[tilespmem:s29], [sflag:$0x3] =	stream.indirect_vreg.gather [hbm4b:s2+s5], $0x80, v4, vm0, $0xb8;
	[tilespmem:$0x1C200] =	vst v63  }
0x2a2: {  	s29 =	simm.s32 $0xBA00  }
0x2a3: {  	[tilespmem:s29], [sflag:$0x3] =	stream.indirect_vreg.gather [hbm4b:s2+s5], $0x80, v3, vm0, $0xb8;
	[tilespmem:$0x1C200] =	vst v63  }
0x2a4: {  	_ =	swait.ge [sflag:s22], $0x8000  }
0x2a5: {  	[sflag:s22] =	ssyncset.done $0x0  }
0x2a6: {  	s4 =	rddreg [dreg:$0xe];
	[sflag:s22] =	ssyncadd.s32 $0xFFFF8000  }
0x2a7: {  	[hbm4b:s4+s5] =	stream.linear.scatter [tilespmem:s19], [sflag:$0x7], $0x8000, $0x38;
	[tilespmem:$0x1C200] =	vst v63  }
0x2a8: {  	_ =	swait.ge [sflag:s23], $0x8000  }
0x2a9: {  	[sflag:s23] =	ssyncset.done $0x0  }
0x2aa: {  	[sflag:s23] =	ssyncadd.s32 $0xFFFF8000  }
0x2ab: {  	v3 =	vld [tilespmem:$0x180];
	_ =	sdelay $0x4  }
0x2ac: {  	v56 =	vshll.u32 v3, $0x1  }
0x2ad: {  	v3 =	vand.u32 $0x7, v3;
	v4 =	vand.u32 $0xFFFFFFF0, v56  }
0x2ae: {  	v3 =	vor.u32 v3, v4  }
0x2af: {  	v4 =	vperm.xlane v3, v0;
	_ =	sdelay $0x1  }
0x2b0: {  	v3 =	vperm.xlane v3, v2;
	v4 =	vadd.s32 v1, v4;
	_ =	sdelay $0x1  }
0x2b1: {  	v3 =	vadd.s32 v1, v3;
	_ =	sdelay $0x2  }
0x2b2: {  	[tilespmem:s19], [sflag:$0x4] =	stream.indirect_vreg.gather [hbm4b:s3+s5], $0x80, v4, vm0, $0xb8;
	[tilespmem:$0x1C200] =	vst v63  }
0x2b3: {  	s29 =	simm.s32 $0xCA00  }
0x2b4: {  	[tilespmem:s29], [sflag:$0x4] =	stream.indirect_vreg.gather [hbm4b:s3+s5], $0x80, v3, vm0, $0xb8;
	[tilespmem:$0x1C200] =	vst v63  }
0x2b5: {  	v3 =	vld [tilespmem:$0x190];
	_ =	sdelay $0x4  }
0x2b6: {  	v57 =	vshll.u32 v3, $0x1  }
0x2b7: {  	v3 =	vand.u32 $0x7, v3;
	v4 =	vand.u32 $0xFFFFFFF0, v57  }
0x2b8: {  	v3 =	vor.u32 v3, v4  }
0x2b9: {  	v4 =	vperm.xlane v3, v0;
	_ =	sdelay $0x1  }
0x2ba: {  	v3 =	vperm.xlane v3, v2;
	v4 =	vadd.s32 v1, v4;
	_ =	sdelay $0x1  }
0x2bb: {  	v3 =	vadd.s32 v1, v3;
	_ =	sdelay $0x1  }
0x2bc: {  	s29 =	simm.s32 $0xD200  }
0x2bd: {  	[tilespmem:s29], [sflag:$0x4] =	stream.indirect_vreg.gather [hbm4b:s3+s5], $0x80, v4, vm0, $0xb8;
	[tilespmem:$0x1C200] =	vst v63  }
0x2be: {  	s29 =	simm.s32 $0xDA00  }
0x2bf: {  	[tilespmem:s29], [sflag:$0x4] =	stream.indirect_vreg.gather [hbm4b:s3+s5], $0x80, v3, vm0, $0xb8;
	[tilespmem:$0x1C200] =	vst v63  }
0x2c0: {  	v3 =	vld [tilespmem:$0x1A0];
	_ =	sdelay $0x4  }
0x2c1: {  	v58 =	vshll.u32 v3, $0x1  }
0x2c2: {  	v3 =	vand.u32 $0x7, v3;
	v4 =	vand.u32 $0xFFFFFFF0, v58  }
0x2c3: {  	v3 =	vor.u32 v3, v4  }
0x2c4: {  	v4 =	vperm.xlane v3, v0;
	_ =	sdelay $0x1  }
0x2c5: {  	v3 =	vperm.xlane v3, v2;
	v4 =	vadd.s32 v1, v4;
	_ =	sdelay $0x1  }
0x2c6: {  	v3 =	vadd.s32 v1, v3;
	_ =	sdelay $0x1  }
0x2c7: {  	s29 =	simm.s32 $0xE200  }
0x2c8: {  	[tilespmem:s29], [sflag:$0x4] =	stream.indirect_vreg.gather [hbm4b:s3+s5], $0x80, v4, vm0, $0xb8;
	[tilespmem:$0x1C200] =	vst v63  }
0x2c9: {  	s29 =	simm.s32 $0xEA00  }
0x2ca: {  	[tilespmem:s29], [sflag:$0x4] =	stream.indirect_vreg.gather [hbm4b:s3+s5], $0x80, v3, vm0, $0xb8;
	[tilespmem:$0x1C200] =	vst v63  }
0x2cb: {  	v3 =	vld [tilespmem:$0x1B0];
	_ =	sdelay $0x4  }
0x2cc: {  	v59 =	vshll.u32 v3, $0x1  }
0x2cd: {  	v3 =	vand.u32 $0x7, v3;
	v4 =	vand.u32 $0xFFFFFFF0, v59  }
0x2ce: {  	v3 =	vor.u32 v3, v4  }
0x2cf: {  	v4 =	vperm.xlane v3, v0;
	_ =	sdelay $0x1  }
0x2d0: {  	v3 =	vperm.xlane v3, v2;
	v4 =	vadd.s32 v1, v4;
	_ =	sdelay $0x1  }
0x2d1: {  	v3 =	vadd.s32 v1, v3;
	_ =	sdelay $0x1  }
0x2d2: {  	s29 =	simm.s32 $0xF200  }
0x2d3: {  	[tilespmem:s29], [sflag:$0x4] =	stream.indirect_vreg.gather [hbm4b:s3+s5], $0x80, v4, vm0, $0xb8;
	[tilespmem:$0x1C200] =	vst v63  }
0x2d4: {  	s29 =	simm.s32 $0xFA00  }
0x2d5: {  	[tilespmem:s29], [sflag:$0x4] =	stream.indirect_vreg.gather [hbm4b:s3+s5], $0x80, v3, vm0, $0xb8;
	[tilespmem:$0x1C200] =	vst v63  }
0x2d6: {  	v3 =	vld [tilespmem:$0x1C0];
	_ =	sdelay $0x4  }
0x2d7: {  	v60 =	vshll.u32 v3, $0x1  }
0x2d8: {  	v3 =	vand.u32 $0x7, v3;
	v4 =	vand.u32 $0xFFFFFFF0, v60  }
0x2d9: {  	v3 =	vor.u32 v3, v4  }
0x2da: {  	v4 =	vperm.xlane v3, v0;
	_ =	sdelay $0x1  }
0x2db: {  	v3 =	vperm.xlane v3, v2;
	v4 =	vadd.s32 v1, v4;
	_ =	sdelay $0x1  }
0x2dc: {  	v3 =	vadd.s32 v1, v3;
	_ =	sdelay $0x1  }
0x2dd: {  	s29 =	simm.s32 $0x10200  }
0x2de: {  	[tilespmem:s29], [sflag:$0x4] =	stream.indirect_vreg.gather [hbm4b:s3+s5], $0x80, v4, vm0, $0xb8;
	[tilespmem:$0x1C200] =	vst v63  }
0x2df: {  	s29 =	simm.s32 $0x10A00  }
0x2e0: {  	[tilespmem:s29], [sflag:$0x4] =	stream.indirect_vreg.gather [hbm4b:s3+s5], $0x80, v3, vm0, $0xb8;
	[tilespmem:$0x1C200] =	vst v63  }
0x2e1: {  	v3 =	vld [tilespmem:$0x1D0];
	_ =	sdelay $0x4  }
0x2e2: {  	v61 =	vshll.u32 v3, $0x1  }
0x2e3: {  	v3 =	vand.u32 $0x7, v3;
	v4 =	vand.u32 $0xFFFFFFF0, v61  }
0x2e4: {  	v3 =	vor.u32 v3, v4  }
0x2e5: {  	v4 =	vperm.xlane v3, v0;
	_ =	sdelay $0x1  }
0x2e6: {  	v3 =	vperm.xlane v3, v2;
	v4 =	vadd.s32 v1, v4;
	_ =	sdelay $0x1  }
0x2e7: {  	v3 =	vadd.s32 v1, v3;
	_ =	sdelay $0x1  }
0x2e8: {  	s29 =	simm.s32 $0x11200  }
0x2e9: {  	[tilespmem:s29], [sflag:$0x4] =	stream.indirect_vreg.gather [hbm4b:s3+s5], $0x80, v4, vm0, $0xb8;
	[tilespmem:$0x1C200] =	vst v63  }
0x2ea: {  	s29 =	simm.s32 $0x11A00  }
0x2eb: {  	[tilespmem:s29], [sflag:$0x4] =	stream.indirect_vreg.gather [hbm4b:s3+s5], $0x80, v3, vm0, $0xb8;
	[tilespmem:$0x1C200] =	vst v63  }
0x2ec: {  	v3 =	vld [tilespmem:$0x1E0];
	_ =	sdelay $0x4  }
0x2ed: {  	v62 =	vshll.u32 v3, $0x1  }
0x2ee: {  	v3 =	vand.u32 $0x7, v3;
	v4 =	vand.u32 $0xFFFFFFF0, v62  }
0x2ef: {  	v3 =	vor.u32 v3, v4  }
0x2f0: {  	v4 =	vperm.xlane v3, v0;
	_ =	sdelay $0x1  }
0x2f1: {  	v3 =	vperm.xlane v3, v2;
	v4 =	vadd.s32 v1, v4;
	_ =	sdelay $0x1  }
0x2f2: {  	v3 =	vadd.s32 v1, v3;
	_ =	sdelay $0x1  }
0x2f3: {  	s29 =	simm.s32 $0x12200  }
0x2f4: {  	[tilespmem:s29], [sflag:$0x4] =	stream.indirect_vreg.gather [hbm4b:s3+s5], $0x80, v4, vm0, $0xb8;
	[tilespmem:$0x1C200] =	vst v63  }
0x2f5: {  	s29 =	simm.s32 $0x12A00  }
0x2f6: {  	[tilespmem:s29], [sflag:$0x4] =	stream.indirect_vreg.gather [hbm4b:s3+s5], $0x80, v3, vm0, $0xb8;
	[tilespmem:$0x1C200] =	vst v63  }
0x2f7: {  	v3 =	vld [tilespmem:$0x1F0];
	_ =	sdelay $0x4  }
0x2f8: {  	v63 =	vshll.u32 v3, $0x1  }
0x2f9: {  	v3 =	vand.u32 $0x7, v3;
	v4 =	vand.u32 $0xFFFFFFF0, v63  }
0x2fa: {  	v3 =	vor.u32 v3, v4  }
0x2fb: {  	v4 =	vperm.xlane v3, v0;
	_ =	sdelay $0x1  }
0x2fc: {  	v3 =	vperm.xlane v3, v2;
	v4 =	vadd.s32 v1, v4;
	_ =	sdelay $0x1  }
0x2fd: {  	v3 =	vadd.s32 v1, v3;
	_ =	sdelay $0x1  }
0x2fe: {  	s29 =	simm.s32 $0x13200  }
0x2ff: {  	[tilespmem:s29], [sflag:$0x4] =	stream.indirect_vreg.gather [hbm4b:s3+s5], $0x80, v4, vm0, $0xb8;
	[tilespmem:$0x1C200] =	vst v63  }
0x300: {  	s29 =	simm.s32 $0x13A00  }
0x301: {  	[tilespmem:s29], [sflag:$0x4] =	stream.indirect_vreg.gather [hbm4b:s3+s5], $0x80, v3, vm0, $0xb8;
	[tilespmem:$0x1C200] =	vst v63  }
0x302: {  	_ =	swait.ge [sflag:s25], $0x8000  }
0x303: {  	[sflag:s25] =	ssyncset.done $0x0  }
0x304: {  	s20 =	simm.s32 $0x14200;
	s4 =	rddreg [dreg:$0xf];
	[sflag:s25] =	ssyncadd.s32 $0xFFFF8000  }
0x305: {  	[hbm4b:s4+s5] =	stream.linear.scatter [tilespmem:s20], [sflag:$0x8], $0x8000, $0x38;
	[tilespmem:$0x1C200] =	vst v63  }
0x306: {  	_ =	swait.ge [sflag:s26], $0x8000  }
0x307: {  	[sflag:s26] =	ssyncset.done $0x0  }
0x308: {  	s1 =	simm.s32 $0x4200;
	s4 =	rddreg [dreg:$0x10];
	[sflag:s26] =	ssyncadd.s32 $0xFFFF8000  }
0x309: {  	[hbm4b:s4+s5] =	stream.linear.scatter [tilespmem:s1], [sflag:$0x6], $0x8000, $0x38;
	[tilespmem:$0x1C200] =	vst v63  }
0x30a: {  	_ =	swait.ge [sflag:s22], $0x8000  }
0x30b: {  	[sflag:s22] =	ssyncset.done $0x0  }
0x30c: {  	s20 =	rddreg [dreg:$0x11];
	[sflag:s22] =	ssyncadd.s32 $0xFFFF8000  }
0x30d: {  	[hbm4b:s20+s5] =	stream.linear.scatter [tilespmem:s19], [sflag:$0x7], $0x8000, $0x38;
	[tilespmem:$0x1C200] =	vst v63  }
0x30e: {  	_ =	swait.ge [sflag:s24], $0x4000  }
0x30f: {  	[sflag:s24] =	ssyncset.done $0x0  }
0x310: {  	s30 =	simm.s32 $0x200;
	s25 =	rddreg [dreg:$0x12];
	[sflag:s24] =	ssyncadd.s32 $0xFFFFC000  }
0x311: {  	[hbm4b:s25+s5] =	stream.linear.scatter [tilespmem:s30], [sflag:$0x2], $0x4000, $0x38;
	[tilespmem:$0x1C200] =	vst v63  }
0x312: {  	_ =	swait.ge [sflag:s0], $0x8000  }
0x313: {  	[sflag:s0] =	ssyncset.done $0x0  }
0x314: {  	[sflag:s0] =	ssyncadd.s32 $0xFFFF8000  }
0x315: {  	_ =	swait.ge [sflag:s21], $0x8000  }
0x316: {  	[sflag:s21] =	ssyncset.done $0x0  }
0x317: {  	[sflag:s21] =	ssyncadd.s32 $0xFFFF8000  }
0x318: {  	p0 =	sne.s32 s6, $0x1;
	_ =	swait.ge [sflag:s23], $0x8000  }
.Ltmp0:
0x319: {  	[sflag:s23] =	ssyncset.done $0x0;
	(pc) =	sbr.rel @p0 .LBB2_1-.Ltmp0, $4  }
0x31a: {  	[sflag:s23] =	ssyncadd.s32 $0xFFFF8000  }
0x31b: {  	_ =	swait.ge [sflag:s28], $0x4000  }
0x31c: {  	[sflag:s28] =	ssyncset.done $0x0  }
0x31d: {  	s6 =	sadd.s32 $0xFFFFFFFF, s6;
	[sflag:s28] =	ssyncadd.s32 $0xFFFFC000  }
0x31e: {  	_ =	sfence.sel $0x180000  }
0x31f: {  	[bflag:$0x0] =	sbarrier.arrive $0xFFFF  }
0x320: {  	_ =	strace $0x90000047  }
0x321: {  	s0 =	stileid.u32;
	[bflag:$0x2] =	sbarrier.arrive $0xFFFF  }
0x322: {  	p0 =	sne.s32 s0, $0x0;
	s0 =	rddreg [dreg:$0x6]  }
0x323: {  	s0 =	sadd.s32 @!p0 $0x100000, s0  }
0x324: {  	[sflag:s0] =	ssyncadd.tile.s32 @!p0 $0x1;
	_ =	shalt  }
.Lfunc_end2:
_tile_overlayer_lowered:
.L_overlay_start_2:
0x325: {  	(tag) =	ssettag $0x2  }
0x326: {  	s0 =	rddreg [dreg:$0x0];
	s2 =	stileid.u32  }
0x327: {  	s1 =	rddreg [dreg:$0x1];
	p0 =	sne.s32 s2, $0x0  }
0x328: {  	s3 =	rddreg [dreg:$0x2];
	[bflag:$0x3] =	sbarrier.arrive $0xFFFF;
	s2 =	simm.s32 @!p0 $0x1C09  }
0x329: {  	[timem:s3], [sflag:s2] =	dma.local @!p0 [hbm:s0], s1  }
0x32a: {  	s0 =	simm.s32 @!p0 $0x9  }
0x32b: {  	_ =	swait.ge @!p0 [sflag:s0], s1  }
0x32c: {  	s1 =	ssub.s32 @!p0 $0x0, s1;
	[sflag:s0] =	ssyncset.done @!p0 $0x0  }
0x32d: {  	[sflag:s0] =	ssyncadd.s32 @!p0 s1  }
0x32e: {  	[bflag:$0x3] =	sbarrier.arrive $0xFFFF  }
0x32f: {  	_ =	shalt  }

// kernel: kernel.9.cloned.1.call-start
scs
__scs_entry_jumppad:
0x0: {  	(pc) =	sbr.rel $0x88, $3  }
0x1: {  	(tag) =	ssettag $0x0;
	lr =	simm.s32 $0x1  }
0x2: {  	[smem:$0x3F95] =	sst lr;
	_ =	strace $0xD0000000  }
0x3: {  	_ = 	snop  }
0x4: {  	_ = 	snop  }
0x5: {  	_ = 	snop  }
0x6: {  	_ = 	snop  }
0x7: {  	_ = 	snop  }
__scs_overlays_trampoline_lowered:
0x8: {  	[smem:$0x3FA4] =	sst s0  }
0x9: {  	[smem:$0x3FA5] =	sst s1  }
0xa: {  	[smem:$0x3FA6] =	sst s2  }
0xb: {  	[smem:$0x3FA7] =	sst s3  }
0xc: {  	[smem:$0x3FA8] =	sst s4  }
0xd: {  	[smem:$0x3FA9] =	sst s5  }
0xe: {  	[smem:$0x3FAA] =	sst s6  }
0xf: {  	[smem:$0x3FAB] =	sst s7  }
0x10: {  	[smem:$0x3FAC] =	sst s8  }
0x11: {  	[smem:$0x3FAD] =	sst s9;
	s0 =	simm.s32 @!p0 $0x0  }
0x12: {  	s1 =	sld [smem:$0x3F93];
	s0 =	simm.s32 @p0 $0x1  }
0x13: {  	[smem:$0x3FAE] =	sst s0;
	s0 =	simm.s32 @!p1 $0x0  }
0x14: {  	s2 =	sld [smem:$0x3F92];
	s0 =	simm.s32 @p1 $0x1  }
0x15: {  	[smem:$0x3FAF] =	sst s0;
	s0 =	simm.s32 @!p2 $0x0  }
0x16: {  	s3 =	sld [smem:$0x3FDB];
	s0 =	simm.s32 @p2 $0x1  }
0x17: {  	s4 =	simm.s32 $0x1BF5;
	[smem:$0x3FB1] =	sst s0  }
0x18: {  	s0 =	sld [smem:$0x3F94];
	_ =	swait.ge [sflag:s4], $0x0  }
0x19: {  	s7 =	sld [smem:$0x3F95]  }
0x1a: {  	s8 =	sadd.s32 $0xFFFFE003, lr  }
0x1b: {  	s9 =	sadd.s32 $0xFFFFFEF7, lr;
	s5 =	simm.s32 $0xFFFFFFFF;
	p2 =	slt.u32 s8, $0xFFFFF086  }
0x1c: {  	p1 =	slt.u32 s9, $0xF7A;
	s5 =	simm.s32 @!p2 $0x0  }
0x1d: {  	s5 =	simm.s32 @p1 $0x1;
	p0 =	seq.s32 s7, s2  }
0x1e: {  	s7 =	smul.u32 @!p0 $0xF7A, s2;
	p2 =	seq.s32 @!p0 s5, $0x0  }
0x1f: {  	s9 =	smul.u32 $0xF7A, s1;
	s8 =	simm.s32 @!p0 $0x1BF5;
	p2 =	por !p2, p0  }
0x20: {  	[sflag:s8] =	ssyncset.s32 @!p0 $0xFFFFF086;
	s6 =	sadd.s32 @!p0 s3, s7;
	s7 =	simm.s32 @!p0 $0x108  }
0x21: {  	s3 =	sadd.s32 s3, s9;
	s6 =	sadd.s32 @!p0 $0x88, s6;
	s7 =	simm.s32 @p2 $0x1082  }
0x22: {  	[simem:s7], [sflag:s8] =	dma.local @!p0 [hbm:s6], $0xF7A  }
0x23: {  	s9 =	sor.u32 $0xD0000000, s2;
	s6 =	simm.s32 $0x108;
	_ =	swait.ge @!p0 [sflag:s8], $0x0  }
0x24: {  	s3 =	sadd.s32 $0x88, s3;
	s6 =	simm.s32 @!p1 $0x1082;
	[sflag:s4] =	ssyncset.s32 $0xFFFFF086  }
0x25: {  	[simem:s6], [sflag:s4] =	dma.local [hbm:s3], $0xF7A  }
0x26: {  	[smem:$0x3F95] =	sst s1;
	(tag) =	ssettag s2;
	_ =	strace s9  }
0x27: {  	s1 =	sld [smem:$0x3FA5]  }
0x28: {  	s2 =	sld [smem:$0x3FA6]  }
0x29: {  	s4 =	sld [smem:$0x3FA8]  }
0x2a: {  	p0 =	seq.s32 s5, $0x0;
	s5 =	sld [smem:$0x3FA9]  }
0x2b: {  	s6 =	sld [smem:$0x3FAA]  }
0x2c: {  	s7 =	sld [smem:$0x3FAB]  }
0x2d: {  	s3 =	simm.s32 $0x108;
	s8 =	sld [smem:$0x3FAC]  }
0x2e: {  	s3 =	simm.s32 @!p0 $0x1082;
	s9 =	sld [smem:$0x3FAD]  }
0x2f: {  	lr =	sadd.s32 s0, s3;
	s0 =	sld [smem:$0x3FA4]  }
0x30: {  	s3 =	sld [smem:$0x3FA7]  }
0x31: {  	[smem:$0x3FB0] =	sst s10  }
0x32: {  	s10 =	sld [smem:$0x3FAE];
	_ =	sdelay $0x3  }
0x33: {  	p0 =	seq.s32 s10, $0x1;
	s10 =	sld [smem:$0x3FB0];
	_ =	sdelay $0x3  }
0x34: {  	[smem:$0x3FB0] =	sst s10  }
0x35: {  	s10 =	sld [smem:$0x3FAF];
	_ =	sdelay $0x3  }
0x36: {  	p1 =	seq.s32 s10, $0x1;
	s10 =	sld [smem:$0x3FB0];
	_ =	sdelay $0x3  }
0x37: {  	[smem:$0x3FB0] =	sst s10  }
0x38: {  	s10 =	sld [smem:$0x3FB1]  }
0x39: {  	_ = 	snop;
	(pc) =	sbr.ind lr, $3  }
0x3a: {  	_ = 	snop  }
0x3b: {  	_ = 	snop  }
0x3c: {  	p2 =	seq.s32 s10, $0x1;
	s10 =	sld [smem:$0x3FB0]  }
0x3d: {  	_ =	shalt  }
0x3e: {  	_ =	shalt  }
0x3f: {  	_ =	shalt  }
0x40: {  	_ =	shalt  }
0x41: {  	_ =	shalt  }
0x42: {  	_ =	shalt  }
0x43: {  	_ =	shalt  }
0x44: {  	_ =	shalt  }
0x45: {  	_ =	shalt  }
0x46: {  	_ =	shalt  }
0x47: {  	_ =	shalt  }
0x48: {  	_ =	shalt  }
0x49: {  	_ =	shalt  }
0x4a: {  	_ =	shalt  }
0x4b: {  	_ =	shalt  }
0x4c: {  	_ =	shalt  }
0x4d: {  	_ =	shalt  }
0x4e: {  	_ =	shalt  }
0x4f: {  	_ =	shalt  }
0x50: {  	_ =	shalt  }
0x51: {  	_ =	shalt  }
0x52: {  	_ =	shalt  }
0x53: {  	_ =	shalt  }
0x54: {  	_ =	shalt  }
0x55: {  	_ =	shalt  }
0x56: {  	_ =	shalt  }
0x57: {  	_ =	shalt  }
0x58: {  	_ =	shalt  }
0x59: {  	_ =	shalt  }
0x5a: {  	_ =	shalt  }
0x5b: {  	_ =	shalt  }
0x5c: {  	_ =	shalt  }
0x5d: {  	_ =	shalt  }
0x5e: {  	_ =	shalt  }
0x5f: {  	_ =	shalt  }
0x60: {  	_ =	shalt  }
0x61: {  	_ =	shalt  }
0x62: {  	_ =	shalt  }
0x63: {  	_ =	shalt  }
0x64: {  	_ =	shalt  }
0x65: {  	_ =	shalt  }
0x66: {  	_ =	shalt  }
0x67: {  	_ =	shalt  }
0x68: {  	_ =	shalt  }
0x69: {  	_ =	shalt  }
0x6a: {  	_ =	shalt  }
0x6b: {  	_ =	shalt  }
0x6c: {  	_ =	shalt  }
0x6d: {  	_ =	shalt  }
0x6e: {  	_ =	shalt  }
0x6f: {  	_ =	shalt  }
0x70: {  	_ =	shalt  }
0x71: {  	_ =	shalt  }
0x72: {  	_ =	shalt  }
0x73: {  	_ =	shalt  }
0x74: {  	_ =	shalt  }
0x75: {  	_ =	shalt  }
0x76: {  	_ =	shalt  }
0x77: {  	_ =	shalt  }
0x78: {  	_ =	shalt  }
0x79: {  	_ =	shalt  }
0x7a: {  	_ =	shalt  }
0x7b: {  	_ =	shalt  }
0x7c: {  	_ =	shalt  }
0x7d: {  	_ =	shalt  }
0x7e: {  	_ =	shalt  }
0x7f: {  	_ =	shalt  }
0x80: {  	_ =	shalt  }
0x81: {  	_ =	shalt  }
0x82: {  	_ =	shalt  }
0x83: {  	_ =	shalt  }
0x84: {  	_ =	shalt  }
0x85: {  	_ =	shalt  }
0x86: {  	_ =	shalt  }
0x87: {  	_ =	shalt  }
.Lfunc_end0:
.L_simem_size_0:
called_computation.1_lowered:
.L_overlay_start_0:
0x88: {  	s2 =	sld [smem:$0x3FD9]  }
0x89: {  	s3 =	sld [smem:$0x3FFE];
	_ =	sdelay $0x1  }
0x8a: {  	s1 =	srdreg.scid  }
0x8b: {  	s0 =	sand.u32 $0x1, s1  }
0x8c: {  	s14 =	sshll.u32 s0, $0xA;
	s2 =	sadd.s32 s3, s2  }
0x8d: {  	s2 =	sadd.s32 s2, s14  }
0x8e: {  	[smem:$0x3FBC] =	sst s2  }
0x8f: {  	_ = 	snop  }
0x90: {  	s2 =	sld [smem:$0x3FD0];
	_ =	sdelay $0x2  }
0x91: {  	s15 =	simm.s32 $0xA;
	s4 =	simm.s32 $0x10  }
0x92: {  	[smem:s4], [sflag:s15] =	dma.local [hbm:s2], $0x1  }
0x93: {  	_ =	swait.eq [sflag:s15], $0x1  }
0x94: {  	s16 =	sld [smem:$0x10]  }
0x95: {  	s17 =	sld [smem:$0x11];
	[sflag:s15] =	ssyncset.done $0x0  }
0x96: {  	s5 =	sld [smem:$0x12];
	[sflag:s15] =	ssyncadd.s32 $0xFFFFFFFF  }
0x97: {  	s18 =	sld [smem:$0x13];
	(tm) =	ssettm $0x1  }
0x98: {  	s6 =	sld [smem:$0x3FFB];
	_ =	sdelay $0x3  }
0x99: {  	_ =	strace s6  }
0x9a: {  	s6 =	sld [smem:$0x3FFC];
	_ =	sdelay $0x3  }
0x9b: {  	_ =	strace s6  }
0x9c: {  	s6 =	sld [smem:$0x3FFD];
	_ =	sdelay $0x3  }
0x9d: {  	_ =	strace s6  }
0x9e: {  	_ =	strace $0x8FFFFFFF  }
0x9f: {  	s19 =	sld [smem:$0x3FDB];
	_ =	sdelay $0x1  }
0xa0: {  	s7 =	simm.s32 $_scs_section_size  }
0xa1: {  	s8 =	simm.s32 $_size__tile_overlayer_lowered;
	s9 =	simm.s32 $_tile_overlayer_lowered  }
0xa2: {  	s22 =	simm.s32 $0x1BFF;
	s21 =	sshll.u32 s9, $0x1;
	s6 =	sadd.s32 s7, s19  }
0xa3: {  	s10 =	simm.s32 $0x0;
	s20 =	sshll.u32 s8, $0x1;
	s8 =	sadd.s32 s21, s6  }
0xa4: {  	[timem:s10], [sflag:s22] =	dma.local [hbm:s8], s20  }
0xa5: {  	_ =	swait.ge [sflag:s22], s20  }
0xa6: {  	s7 =	ssub.s32 $0x0, s20;
	[sflag:s22] =	ssyncset.done $0x0  }
0xa7: {  	[sflag:s22] =	ssyncadd.s32 s7;
	_ =	sdelay $0x1  }
0xa8: {  	s23 =	simm.s32 $0x1B8B  }
0xa9: {  	_ =	swait.ge [sflag:s23], $0x1  }
0xaa: {  	[sflag:s23] =	ssyncset.done $0x0  }
0xab: {  	s25 =	simm.s32 $0x1B8E;
	s24 =	sld [smem:$0x3FFE];
	[sflag:s23] =	ssyncadd.s32 $0xFFFFFFFF  }
0xac: {  	s26 =	simm.s32 $execute0_lowered;
	[smem:$0x3FD2] =	sst s25  }
0xad: {  	s8 =	sshll.u32 s26, $0x1;
	_ =	strace $0x80000049;
	[dreg:$0x1] =	wrdreg $0xFFFFFFFF  }
0xae: {  	s28 =	simm.s32 $_size_execute0_lowered;
	s6 =	sadd.s32 s6, s8;
	[dreg:$0x0] =	wrdreg $0x0  }
0xaf: {  	s8 =	sshll.u32 s28, $0x1;
	[dreg:$0x2] =	wrdreg s6  }
0xb0: {  	[dreg:$0x3] =	wrdreg s8  }
0xb1: {  	[dreg:$0x4] =	wrdreg $0xC0  }
0xb2: {  	_ =	task [dreg:s10], $0x5FFFF  }
0xb3: {  	[dreg:$0x1] =	wrdreg $0xFFFFFFFF  }
0xb4: {  	[dreg:$0x0] =	wrdreg $0x60  }
0xb5: {  	[dreg:$0x2] =	wrdreg s24  }
0xb6: {  	[dreg:$0x3] =	wrdreg s16  }
0xb7: {  	[dreg:$0x4] =	wrdreg s17  }
0xb8: {  	[dreg:$0x5] =	wrdreg s5  }
0xb9: {  	[dreg:$0x6] =	wrdreg s18  }
0xba: {  	[dreg:$0x7] =	wrdreg $0x9  }
0xbb: {  	_ =	task.clear_ibuf [dreg:s10], $0x8FFFF;
	_ =	strace $0x90000049  }
0xbc: {  	s29 =	simm.s32 $0x9;
	_ =	strace $0x8000004B  }
0xbd: {  	_ =	swait.ge [sflag:s29], $0x1  }
0xbe: {  	[sflag:s29] =	ssyncadd.s32 $0xFFFFFFFF  }
0xbf: {  	_ =	strace $0x9000004B  }
0xc0: {  	_ =	sfence  }
0xc1: {  	s30 =	sld [smem:$0x0];
	_ =	sdelay $0x2  }
0xc2: {  	s31 =	sshll.u32 s1, $0xD;
	s1 =	sshrl.u32 s1, $0x2  }
0xc3: {  	s3 =	sand.u32 $0x4000, s31;
	s1 =	sadd.s32 s1, s30  }
0xc4: {  	s0 =	sor.u32 s3, s0;
	s1 =	sshll.u32 s1, $0x11  }
0xc5: {  	s0 =	sor.u32 s1, s0  }
0xc6: {  	s0 =	sadd.s32 $0x8F2B, s0  }
0xc7: {  	[sflag:s0] =	ssyncadd.remote.s32 $0x1  }
0xc8: {  	_ =	sfence.sel $0xFFFF  }
0xc9: {  	[dreg:$0x0] =	wrdreg $0xFFFFFFFF;
	(pc) =	sbr.abs _section_cstart, $3  }
0xca: {  	[dreg:$0x1] =	wrdreg $0xFFFFFFFF  }
0xcb: {  	_ =	task.clear_ibuf [dreg:s10], $0x2FFFF;
	_ =	strace $0x9FFFFFFF  }
0xcc: {  	(tm) =	ssettm $0x7FFFFFFF  }
0xcd: {  	_ =	shalt  }
tec
execute0_lowered:
.L_overlay_start_1:
0x0: {  	(tag) =	ssettag $0x1  }
0x1: {  	s0 =	rddreg [dreg:$0x0]  }
0x2: {  	s2 =	rddreg [dreg:$0x2]  }
0x3: {  	s3 =	rddreg [dreg:$0x3]  }
0x4: {  	s4 =	rddreg [dreg:$0x4];
	s6 =	simm.s32 $0x0  }
0x5: {  	s1 =	srdreg.scid;
	s5 =	stileid.u32;
	s25 =	simm.s32 $0x280  }
0x6: {  	s26 =	simm.s32 $0x80;
	s28 =	simm.s32 $0x300;
	s29 =	simm.s32 $0x100  }
0x7: {  	s30 =	simm.s32 $0x380;
	[smem:$0x7FF] =	sst s6;
	s8 =	sadd.s32 $0x42000, s0  }
0x8: {  	s31 =	simm.s32 $0x180;
	_ =	strace $0x8000004A;
	[dreg:$0xe] =	wrdreg s8  }
0x9: {  	s1 =	sand.u32 $0x1, s1;
	s5 =	sshll.u32 s5, $0x7;
	[dreg:$0x8] =	wrdreg s25  }
0xa: {  	s9 =	sadd.s32 $0x122800, s0;
	s10 =	sadd.s32 $0x162800, s0;
	[dreg:$0x9] =	wrdreg s26  }
0xb: {  	s12 =	sadd.s32 $0x100, s4;
	s7 =	sshll.u32 s1, $0x6;
	[dreg:$0xa] =	wrdreg s28  }
0xc: {  	s8 =	sadd.s32 $0x2000, s0;
	[dreg:$0xb] =	wrdreg s29;
	s5 =	sor.u32 s7, s5  }
0xd: {  	s1 =	ssub.s32 $0x2, s1;
	[dreg:$0xc] =	wrdreg s30;
	s5 =	sadd.s32 s5, s0  }
0xe: {  	v2 =	vlaneseq.u32;
	[dreg:$0xd] =	wrdreg s31;
	s24 =	sshrl.u32 s1, $0x1;
	s11 =	sadd.s32 $0x122000, s5  }
0xf: {  	vm0 =	vmmov $0xffff;
	v1 =	vshrl.u32 v2, $0x3;
	s1 =	ssub.s32 s1, s24;
	s5 =	sadd.s32 $0x62000, s5;
	[dreg:$0x6] =	wrdreg s11  }
0x10: {  	v0 =	vand.u32 $0x7, v2;
	v2 =	vor.u32 $0x8, v2;
	v1 =	vmul.u32 $0x8, v1;
	s1 =	smax.u32 s1, $0x1;
	[dreg:$0x7] =	wrdreg s5;
	s11 =	sadd.s32 $0x162900, s0  }
.LBB2_1:
0x11: {  	[dreg:$0xf] =	wrdreg s1  }
0x12: {  	s19 =	rddreg [dreg:$0x6];
	s20 =	simm.s32 $0xB  }
0x13: {  	[tilespmem:s6], [sflag:$0xB] =	stream.linear.gather [hbm4b:s19+s6], $0x200, $0x38;
	[tilespmem:$0x1A400] =	vst v63  }
0x14: {  	_ =	swait.ge [sflag:s20], $0x200  }
0x15: {  	[sflag:s20] =	ssyncset.done $0x0  }
0x16: {  	s21 =	simm.s32 $0x200;
	s22 =	rddreg [dreg:$0x7];
	[sflag:s20] =	ssyncadd.s32 $0xFFFFFE00  }
0x17: {  	[tilespmem:s21], [sflag:$0xB] =	stream.linear.gather [hbm4b:s22+s6], $0x200, $0x38;
	[tilespmem:$0x1A400] =	vst v63  }
0x18: {  	_ =	swait.ge [sflag:s20], $0x200  }
0x19: {  	s23 =	simm.s32 $0x40;
	[sflag:s20] =	ssyncset.done $0x0  }
0x1a: {  	s0 =	simm.s32 $0x400;
	s5 =	rddreg [dreg:$0xe];
	[sflag:s20] =	ssyncadd.s32 $0xFFFFFE00  }
0x1b: {  	[tilespmem:s0], [sflag:$0x6] =	stream.indirect.gather [hbm4b:s5+s23], $0x80, s21, s23, $0xb8;
	[tilespmem:$0x1A400] =	vst v63  }
0x1c: {  	v3 =	vld [tilespmem:$0x200];
	_ =	sdelay $0x4  }
0x1d: {  	v4 =	vshll.u32 v3, $0x1  }
0x1e: {  	v3 =	vand.u32 $0x7, v3;
	v4 =	vand.u32 $0xFFFFFFF0, v4  }
0x1f: {  	v3 =	vor.u32 v3, v4  }
0x20: {  	v4 =	vperm.xlane v3, v0;
	_ =	sdelay $0x1  }
0x21: {  	v3 =	vperm.xlane v3, v2;
	v4 =	vadd.s32 v1, v4;
	_ =	sdelay $0x1  }
0x22: {  	v3 =	vadd.s32 v1, v3;
	_ =	sdelay $0x1  }
0x23: {  	s24 =	simm.s32 $0x2400  }
0x24: {  	[tilespmem:s24], [sflag:$0x7] =	stream.indirect_vreg.gather [hbm4b:s8+s6], $0x80, v4, vm0, $0xb8;
	[tilespmem:$0x1A400] =	vst v63  }
0x25: {  	s25 =	simm.s32 $0x2C00  }
0x26: {  	[tilespmem:s25], [sflag:$0x7] =	stream.indirect_vreg.gather [hbm4b:s8+s6], $0x80, v3, vm0, $0xb8;
	[tilespmem:$0x1A400] =	vst v63  }
0x27: {  	v3 =	vld [tilespmem:$0x210];
	_ =	sdelay $0x4  }
0x28: {  	v25 =	vshll.u32 v3, $0x1  }
0x29: {  	v3 =	vand.u32 $0x7, v3;
	v4 =	vand.u32 $0xFFFFFFF0, v25  }
0x2a: {  	v3 =	vor.u32 v3, v4  }
0x2b: {  	v4 =	vperm.xlane v3, v0;
	_ =	sdelay $0x1  }
0x2c: {  	v3 =	vperm.xlane v3, v2;
	v4 =	vadd.s32 v1, v4;
	_ =	sdelay $0x1  }
0x2d: {  	v3 =	vadd.s32 v1, v3;
	_ =	sdelay $0x1  }
0x2e: {  	s26 =	simm.s32 $0x3400  }
0x2f: {  	[tilespmem:s26], [sflag:$0x7] =	stream.indirect_vreg.gather [hbm4b:s8+s6], $0x80, v4, vm0, $0xb8;
	[tilespmem:$0x1A400] =	vst v63  }
0x30: {  	s28 =	simm.s32 $0x3C00  }
0x31: {  	[tilespmem:s28], [sflag:$0x7] =	stream.indirect_vreg.gather [hbm4b:s8+s6], $0x80, v3, vm0, $0xb8;
	[tilespmem:$0x1A400] =	vst v63  }
0x32: {  	v3 =	vld [tilespmem:$0x220];
	_ =	sdelay $0x4  }
0x33: {  	v26 =	vshll.u32 v3, $0x1  }
0x34: {  	v3 =	vand.u32 $0x7, v3;
	v4 =	vand.u32 $0xFFFFFFF0, v26  }
0x35: {  	v3 =	vor.u32 v3, v4  }
0x36: {  	v4 =	vperm.xlane v3, v0;
	_ =	sdelay $0x1  }
0x37: {  	v3 =	vperm.xlane v3, v2;
	v4 =	vadd.s32 v1, v4;
	_ =	sdelay $0x1  }
0x38: {  	v3 =	vadd.s32 v1, v3;
	_ =	sdelay $0x1  }
0x39: {  	s29 =	simm.s32 $0x4400  }
0x3a: {  	[tilespmem:s29], [sflag:$0x7] =	stream.indirect_vreg.gather [hbm4b:s8+s6], $0x80, v4, vm0, $0xb8;
	[tilespmem:$0x1A400] =	vst v63  }
0x3b: {  	s31 =	simm.s32 $0x4C00  }
0x3c: {  	[tilespmem:s31], [sflag:$0x7] =	stream.indirect_vreg.gather [hbm4b:s8+s6], $0x80, v3, vm0, $0xb8;
	[tilespmem:$0x1A400] =	vst v63  }
0x3d: {  	v3 =	vld [tilespmem:$0x230];
	_ =	sdelay $0x4  }
0x3e: {  	v27 =	vshll.u32 v3, $0x1  }
0x3f: {  	v3 =	vand.u32 $0x7, v3;
	v4 =	vand.u32 $0xFFFFFFF0, v27  }
0x40: {  	v3 =	vor.u32 v3, v4  }
0x41: {  	v4 =	vperm.xlane v3, v0;
	_ =	sdelay $0x1  }
0x42: {  	v3 =	vperm.xlane v3, v2;
	v4 =	vadd.s32 v1, v4;
	_ =	sdelay $0x1  }
0x43: {  	v3 =	vadd.s32 v1, v3;
	_ =	sdelay $0x1  }
0x44: {  	s1 =	simm.s32 $0x5400  }
0x45: {  	[tilespmem:s1], [sflag:$0x7] =	stream.indirect_vreg.gather [hbm4b:s8+s6], $0x80, v4, vm0, $0xb8;
	[tilespmem:$0x1A400] =	vst v63  }
0x46: {  	s7 =	simm.s32 $0x5C00  }
0x47: {  	[tilespmem:s7], [sflag:$0x7] =	stream.indirect_vreg.gather [hbm4b:s8+s6], $0x80, v3, vm0, $0xb8;
	[tilespmem:$0x1A400] =	vst v63  }
0x48: {  	v3 =	vld [tilespmem:$0x200];
	_ =	sdelay $0x4  }
0x49: {  	v28 =	vshll.u32 v3, $0x1  }
0x4a: {  	v3 =	vand.u32 $0x7, v3;
	v4 =	vand.u32 $0xFFFFFFF0, v28  }
0x4b: {  	v3 =	vor.u32 v3, v4  }
0x4c: {  	v4 =	vperm.xlane v3, v0;
	_ =	sdelay $0x1  }
0x4d: {  	v3 =	vperm.xlane v3, v2;
	v4 =	vadd.s32 v1, v4;
	_ =	sdelay $0x1  }
0x4e: {  	v3 =	vadd.s32 v1, v3;
	_ =	sdelay $0x1  }
0x4f: {  	s18 =	simm.s32 $0x6400  }
0x50: {  	[tilespmem:s18], [sflag:$0x8] =	stream.indirect_vreg.gather [hbm4b:s9+s6], $0x80, v4, vm0, $0xb8;
	[tilespmem:$0x1A400] =	vst v63  }
0x51: {  	s19 =	simm.s32 $0x6C00  }
0x52: {  	[tilespmem:s19], [sflag:$0x8] =	stream.indirect_vreg.gather [hbm4b:s9+s6], $0x80, v3, vm0, $0xb8;
	[tilespmem:$0x1A400] =	vst v63  }
0x53: {  	v3 =	vld [tilespmem:$0x210];
	_ =	sdelay $0x4  }
0x54: {  	v29 =	vshll.u32 v3, $0x1  }
0x55: {  	v3 =	vand.u32 $0x7, v3;
	v4 =	vand.u32 $0xFFFFFFF0, v29  }
0x56: {  	v3 =	vor.u32 v3, v4  }
0x57: {  	v4 =	vperm.xlane v3, v0;
	_ =	sdelay $0x1  }
0x58: {  	v3 =	vperm.xlane v3, v2;
	v4 =	vadd.s32 v1, v4;
	_ =	sdelay $0x1  }
0x59: {  	v3 =	vadd.s32 v1, v3;
	_ =	sdelay $0x1  }
0x5a: {  	s20 =	simm.s32 $0x7400  }
0x5b: {  	[tilespmem:s20], [sflag:$0x8] =	stream.indirect_vreg.gather [hbm4b:s9+s6], $0x80, v4, vm0, $0xb8;
	[tilespmem:$0x1A400] =	vst v63  }
0x5c: {  	s21 =	simm.s32 $0x7C00  }
0x5d: {  	[tilespmem:s21], [sflag:$0x8] =	stream.indirect_vreg.gather [hbm4b:s9+s6], $0x80, v3, vm0, $0xb8;
	[tilespmem:$0x1A400] =	vst v63  }
0x5e: {  	v3 =	vld [tilespmem:$0x220];
	_ =	sdelay $0x4  }
0x5f: {  	v30 =	vshll.u32 v3, $0x1  }
0x60: {  	v3 =	vand.u32 $0x7, v3;
	v4 =	vand.u32 $0xFFFFFFF0, v30  }
0x61: {  	v3 =	vor.u32 v3, v4  }
0x62: {  	v4 =	vperm.xlane v3, v0;
	_ =	sdelay $0x1  }
0x63: {  	v3 =	vperm.xlane v3, v2;
	v4 =	vadd.s32 v1, v4;
	_ =	sdelay $0x1  }
0x64: {  	v3 =	vadd.s32 v1, v3;
	_ =	sdelay $0x1  }
0x65: {  	s22 =	simm.s32 $0x8400  }
0x66: {  	[tilespmem:s22], [sflag:$0x8] =	stream.indirect_vreg.gather [hbm4b:s9+s6], $0x80, v4, vm0, $0xb8;
	[tilespmem:$0x1A400] =	vst v63  }
0x67: {  	s26 =	simm.s32 $0x8C00  }
0x68: {  	[tilespmem:s26], [sflag:$0x8] =	stream.indirect_vreg.gather [hbm4b:s9+s6], $0x80, v3, vm0, $0xb8;
	[tilespmem:$0x1A400] =	vst v63  }
0x69: {  	v3 =	vld [tilespmem:$0x230];
	_ =	sdelay $0x4  }
0x6a: {  	v31 =	vshll.u32 v3, $0x1  }
0x6b: {  	v3 =	vand.u32 $0x7, v3;
	v4 =	vand.u32 $0xFFFFFFF0, v31  }
0x6c: {  	v3 =	vor.u32 v3, v4  }
0x6d: {  	v4 =	vperm.xlane v3, v0;
	_ =	sdelay $0x1  }
0x6e: {  	v3 =	vperm.xlane v3, v2;
	v4 =	vadd.s32 v1, v4;
	_ =	sdelay $0x1  }
0x6f: {  	v3 =	vadd.s32 v1, v3;
	_ =	sdelay $0x1  }
0x70: {  	s28 =	simm.s32 $0x9400  }
0x71: {  	[tilespmem:s28], [sflag:$0x8] =	stream.indirect_vreg.gather [hbm4b:s9+s6], $0x80, v4, vm0, $0xb8;
	[tilespmem:$0x1A400] =	vst v63  }
0x72: {  	s29 =	simm.s32 $0x9C00  }
0x73: {  	[tilespmem:s29], [sflag:$0x8] =	stream.indirect_vreg.gather [hbm4b:s9+s6], $0x80, v3, vm0, $0xb8;
	[tilespmem:$0x1A400] =	vst v63  }
0x74: {  	v3 =	vld [tilespmem:$0x200];
	_ =	sdelay $0x4  }
0x75: {  	v32 =	vshll.u32 v3, $0x2  }
0x76: {  	v3 =	vand.u32 $0x7, v3;
	v4 =	vand.u32 $0xFFFFFFE0, v32  }
0x77: {  	v3 =	vor.u32 v3, v4  }
0x78: {  	v4 =	vperm.xlane v3, v0;
	_ =	sdelay $0x1  }
0x79: {  	v4 =	vadd.s32 v1, v4;
	_ =	sdelay $0x1  }
0x7a: {  	v3 =	vperm.xlane v3, v2;
	_ =	sdelay $0x1  }
0x7b: {  	s7 =	simm.s32 $0xA400;
	v3 =	vadd.s32 v1, v3  }
0x7c: {  	[tilespmem:s7], [sflag:$0x9] =	stream.indirect_vreg.gather [hbm4b:s10+s6], $0x80, v4, vm0, $0xb8;
	[tilespmem:$0x1A400] =	vst v63  }
0x7d: {  	s31 =	simm.s32 $0xAC00  }
0x7e: {  	[tilespmem:s31], [sflag:$0x9] =	stream.indirect_vreg.gather [hbm4b:s11+s6], $0x80, v4, vm0, $0xb8;
	[tilespmem:$0x1A400] =	vst v63  }
0x7f: {  	s0 =	simm.s32 $0xB400  }
0x80: {  	[tilespmem:s0], [sflag:$0x9] =	stream.indirect_vreg.gather [hbm4b:s10+s6], $0x80, v3, vm0, $0xb8;
	[tilespmem:$0x1A400] =	vst v63  }
0x81: {  	s19 =	simm.s32 $0xBC00  }
0x82: {  	[tilespmem:s19], [sflag:$0x9] =	stream.indirect_vreg.gather [hbm4b:s11+s6], $0x80, v3, vm0, $0xb8;
	[tilespmem:$0x1A400] =	vst v63  }
0x83: {  	v3 =	vld [tilespmem:$0x210];
	_ =	sdelay $0x4  }
0x84: {  	v33 =	vshll.u32 v3, $0x2  }
0x85: {  	v3 =	vand.u32 $0x7, v3;
	v4 =	vand.u32 $0xFFFFFFE0, v33  }
0x86: {  	v3 =	vor.u32 v3, v4  }
0x87: {  	v4 =	vperm.xlane v3, v0;
	_ =	sdelay $0x1  }
0x88: {  	v4 =	vadd.s32 v1, v4;
	_ =	sdelay $0x1  }
0x89: {  	v3 =	vperm.xlane v3, v2;
	_ =	sdelay $0x1  }
0x8a: {  	s21 =	simm.s32 $0xC400;
	v3 =	vadd.s32 v1, v3  }
0x8b: {  	[tilespmem:s21], [sflag:$0x9] =	stream.indirect_vreg.gather [hbm4b:s10+s6], $0x80, v4, vm0, $0xb8;
	[tilespmem:$0x1A400] =	vst v63  }
0x8c: {  	s26 =	simm.s32 $0xCC00  }
0x8d: {  	[tilespmem:s26], [sflag:$0x9] =	stream.indirect_vreg.gather [hbm4b:s11+s6], $0x80, v4, vm0, $0xb8;
	[tilespmem:$0x1A400] =	vst v63  }
0x8e: {  	s29 =	simm.s32 $0xD400  }
0x8f: {  	[tilespmem:s29], [sflag:$0x9] =	stream.indirect_vreg.gather [hbm4b:s10+s6], $0x80, v3, vm0, $0xb8;
	[tilespmem:$0x1A400] =	vst v63  }
0x90: {  	s31 =	simm.s32 $0xDC00  }
0x91: {  	[tilespmem:s31], [sflag:$0x9] =	stream.indirect_vreg.gather [hbm4b:s11+s6], $0x80, v3, vm0, $0xb8;
	[tilespmem:$0x1A400] =	vst v63  }
0x92: {  	v3 =	vld [tilespmem:$0x220];
	_ =	sdelay $0x4  }
0x93: {  	v34 =	vshll.u32 v3, $0x2  }
0x94: {  	v3 =	vand.u32 $0x7, v3;
	v4 =	vand.u32 $0xFFFFFFE0, v34  }
0x95: {  	v3 =	vor.u32 v3, v4  }
0x96: {  	v4 =	vperm.xlane v3, v0;
	_ =	sdelay $0x1  }
0x97: {  	v4 =	vadd.s32 v1, v4;
	_ =	sdelay $0x1  }
0x98: {  	v3 =	vperm.xlane v3, v2;
	_ =	sdelay $0x1  }
0x99: {  	s0 =	simm.s32 $0xE400;
	v3 =	vadd.s32 v1, v3  }
0x9a: {  	[tilespmem:s0], [sflag:$0x9] =	stream.indirect_vreg.gather [hbm4b:s10+s6], $0x80, v4, vm0, $0xb8;
	[tilespmem:$0x1A400] =	vst v63  }
0x9b: {  	s19 =	simm.s32 $0xEC00  }
0x9c: {  	[tilespmem:s19], [sflag:$0x9] =	stream.indirect_vreg.gather [hbm4b:s11+s6], $0x80, v4, vm0, $0xb8;
	[tilespmem:$0x1A400] =	vst v63  }
0x9d: {  	s21 =	simm.s32 $0xF400  }
0x9e: {  	[tilespmem:s21], [sflag:$0x9] =	stream.indirect_vreg.gather [hbm4b:s10+s6], $0x80, v3, vm0, $0xb8;
	[tilespmem:$0x1A400] =	vst v63  }
0x9f: {  	s31 =	simm.s32 $0xFC00  }
0xa0: {  	[tilespmem:s31], [sflag:$0x9] =	stream.indirect_vreg.gather [hbm4b:s11+s6], $0x80, v3, vm0, $0xb8;
	[tilespmem:$0x1A400] =	vst v63  }
0xa1: {  	v3 =	vld [tilespmem:$0x230];
	_ =	sdelay $0x4  }
0xa2: {  	v35 =	vshll.u32 v3, $0x2  }
0xa3: {  	v3 =	vand.u32 $0x7, v3;
	v4 =	vand.u32 $0xFFFFFFE0, v35  }
0xa4: {  	v3 =	vor.u32 v3, v4  }
0xa5: {  	v4 =	vperm.xlane v3, v0;
	_ =	sdelay $0x1  }
0xa6: {  	v4 =	vadd.s32 v1, v4;
	_ =	sdelay $0x1  }
0xa7: {  	v3 =	vperm.xlane v3, v2;
	_ =	sdelay $0x1  }
0xa8: {  	s0 =	simm.s32 $0x10400;
	v3 =	vadd.s32 v1, v3  }
0xa9: {  	[tilespmem:s0], [sflag:$0x9] =	stream.indirect_vreg.gather [hbm4b:s10+s6], $0x80, v4, vm0, $0xb8;
	[tilespmem:$0x1A400] =	vst v63  }
0xaa: {  	s19 =	simm.s32 $0x10C00  }
0xab: {  	[tilespmem:s19], [sflag:$0x9] =	stream.indirect_vreg.gather [hbm4b:s11+s6], $0x80, v4, vm0, $0xb8;
	[tilespmem:$0x1A400] =	vst v63  }
0xac: {  	s31 =	simm.s32 $0x11400  }
0xad: {  	[tilespmem:s31], [sflag:$0x9] =	stream.indirect_vreg.gather [hbm4b:s10+s6], $0x80, v3, vm0, $0xb8;
	[tilespmem:$0x1A400] =	vst v63  }
0xae: {  	s0 =	simm.s32 $0x11C00;
	s19 =	simm.s32 $0x6  }
0xaf: {  	[tilespmem:s0], [sflag:$0x9] =	stream.indirect_vreg.gather [hbm4b:s11+s6], $0x80, v3, vm0, $0xb8;
	[tilespmem:$0x1A400] =	vst v63  }
0xb0: {  	_ =	swait.ge [sflag:s19], $0x2000  }
0xb1: {  	[sflag:s19] =	ssyncset.done $0x0  }
0xb2: {  	s30 =	simm.s32 $0x400;
	[sflag:s19] =	ssyncadd.s32 $0xFFFFE000  }
0xb3: {  	s23 =	simm.s32 $0x40;
	s0 =	simm.s32 $0x7;
	s31 =	rddreg [dreg:$0x1]  }
0xb4: {  	[hbm4b:s31+s23] =	stream.indirect.scatter [tilespmem:s30], [sflag:$0x1], $0x80, s6, s23, $0xb8;
	[tilespmem:$0x1A400] =	vst v63  }
0xb5: {  	_ =	swait.ge [sflag:s0], $0x4000  }
0xb6: {  	[sflag:s0] =	ssyncset.done $0x0  }
0xb7: {  	[sflag:s0] =	ssyncadd.s32 $0xFFFFC000  }
0xb8: {  	v3 =	vld [tilespmem:$0x0];
	_ =	sdelay $0x4  }
0xb9: {  	v36 =	vshll.u32 v3, $0x1  }
0xba: {  	v3 =	vand.u32 $0x7, v3;
	v4 =	vand.u32 $0xFFFFFFF0, v36  }
0xbb: {  	v3 =	vor.u32 v3, v4  }
0xbc: {  	v4 =	vperm.xlane v3, v0;
	_ =	sdelay $0x1  }
0xbd: {  	v3 =	vperm.xlane v3, v2;
	v4 =	vadd.s32 v1, v4;
	_ =	sdelay $0x1  }
0xbe: {  	v3 =	vadd.s32 v1, v3;
	_ =	sdelay $0x1  }
0xbf: {  	s13 =	simm.s32 $0x2400  }
0xc0: {  	[hbm4b:s2+s6] =	stream.indirect_vreg.scatter [tilespmem:s13], [sflag:$0x2], $0x80, v4, vm0, $0xb8;
	[tilespmem:$0x1A400] =	vst v63  }
0xc1: {  	s24 =	simm.s32 $0x2C00  }
0xc2: {  	[hbm4b:s2+s6] =	stream.indirect_vreg.scatter [tilespmem:s24], [sflag:$0x2], $0x80, v3, vm0, $0xb8;
	[tilespmem:$0x1A400] =	vst v63  }
0xc3: {  	v3 =	vld [tilespmem:$0x10];
	_ =	sdelay $0x4  }
0xc4: {  	v37 =	vshll.u32 v3, $0x1  }
0xc5: {  	v3 =	vand.u32 $0x7, v3;
	v4 =	vand.u32 $0xFFFFFFF0, v37  }
0xc6: {  	v3 =	vor.u32 v3, v4  }
0xc7: {  	v4 =	vperm.xlane v3, v0;
	_ =	sdelay $0x1  }
0xc8: {  	v3 =	vperm.xlane v3, v2;
	v4 =	vadd.s32 v1, v4;
	_ =	sdelay $0x1  }
0xc9: {  	v3 =	vadd.s32 v1, v3;
	_ =	sdelay $0x1  }
0xca: {  	s15 =	simm.s32 $0x3400  }
0xcb: {  	[hbm4b:s2+s6] =	stream.indirect_vreg.scatter [tilespmem:s15], [sflag:$0x2], $0x80, v4, vm0, $0xb8;
	[tilespmem:$0x1A400] =	vst v63  }
0xcc: {  	s25 =	simm.s32 $0x3C00  }
0xcd: {  	[hbm4b:s2+s6] =	stream.indirect_vreg.scatter [tilespmem:s25], [sflag:$0x2], $0x80, v3, vm0, $0xb8;
	[tilespmem:$0x1A400] =	vst v63  }
0xce: {  	v3 =	vld [tilespmem:$0x20];
	_ =	sdelay $0x4  }
0xcf: {  	v38 =	vshll.u32 v3, $0x1  }
0xd0: {  	v3 =	vand.u32 $0x7, v3;
	v4 =	vand.u32 $0xFFFFFFF0, v38  }
0xd1: {  	v3 =	vor.u32 v3, v4  }
0xd2: {  	v4 =	vperm.xlane v3, v0;
	_ =	sdelay $0x1  }
0xd3: {  	v3 =	vperm.xlane v3, v2;
	v4 =	vadd.s32 v1, v4;
	_ =	sdelay $0x1  }
0xd4: {  	v3 =	vadd.s32 v1, v3;
	_ =	sdelay $0x1  }
0xd5: {  	s16 =	simm.s32 $0x4400  }
0xd6: {  	[hbm4b:s2+s6] =	stream.indirect_vreg.scatter [tilespmem:s16], [sflag:$0x2], $0x80, v4, vm0, $0xb8;
	[tilespmem:$0x1A400] =	vst v63  }
0xd7: {  	s14 =	simm.s32 $0x4C00  }
0xd8: {  	[hbm4b:s2+s6] =	stream.indirect_vreg.scatter [tilespmem:s14], [sflag:$0x2], $0x80, v3, vm0, $0xb8;
	[tilespmem:$0x1A400] =	vst v63  }
0xd9: {  	v3 =	vld [tilespmem:$0x30];
	_ =	sdelay $0x4  }
0xda: {  	v39 =	vshll.u32 v3, $0x1  }
0xdb: {  	v3 =	vand.u32 $0x7, v3;
	v4 =	vand.u32 $0xFFFFFFF0, v39  }
0xdc: {  	v3 =	vor.u32 v3, v4  }
0xdd: {  	v4 =	vperm.xlane v3, v0;
	_ =	sdelay $0x1  }
0xde: {  	v3 =	vperm.xlane v3, v2;
	v4 =	vadd.s32 v1, v4;
	_ =	sdelay $0x1  }
0xdf: {  	v3 =	vadd.s32 v1, v3;
	_ =	sdelay $0x1  }
0xe0: {  	s17 =	simm.s32 $0x5400  }
0xe1: {  	[hbm4b:s2+s6] =	stream.indirect_vreg.scatter [tilespmem:s17], [sflag:$0x2], $0x80, v4, vm0, $0xb8;
	[tilespmem:$0x1A400] =	vst v63  }
0xe2: {  	s31 =	simm.s32 $0x5C00;
	s17 =	simm.s32 $0x8  }
0xe3: {  	[hbm4b:s2+s6] =	stream.indirect_vreg.scatter [tilespmem:s31], [sflag:$0x2], $0x80, v3, vm0, $0xb8;
	[tilespmem:$0x1A400] =	vst v63  }
0xe4: {  	_ =	swait.ge [sflag:s17], $0x4000  }
0xe5: {  	[sflag:s17] =	ssyncset.done $0x0  }
0xe6: {  	[sflag:s17] =	ssyncadd.s32 $0xFFFFC000  }
0xe7: {  	v3 =	vld [tilespmem:$0x0];
	_ =	sdelay $0x4  }
0xe8: {  	v40 =	vshll.u32 v3, $0x1  }
0xe9: {  	v3 =	vand.u32 $0x7, v3;
	v4 =	vand.u32 $0xFFFFFFF0, v40  }
0xea: {  	v3 =	vor.u32 v3, v4  }
0xeb: {  	v4 =	vperm.xlane v3, v0;
	_ =	sdelay $0x1  }
0xec: {  	v3 =	vperm.xlane v3, v2;
	v4 =	vadd.s32 v1, v4;
	_ =	sdelay $0x1  }
0xed: {  	v3 =	vadd.s32 v1, v3;
	_ =	sdelay $0x1  }
0xee: {  	s1 =	simm.s32 $0x6400  }
0xef: {  	[hbm4b:s3+s6] =	stream.indirect_vreg.scatter [tilespmem:s1], [sflag:$0x3], $0x80, v4, vm0, $0xb8;
	[tilespmem:$0x1A400] =	vst v63  }
0xf0: {  	s15 =	simm.s32 $0x6C00  }
0xf1: {  	[hbm4b:s3+s6] =	stream.indirect_vreg.scatter [tilespmem:s15], [sflag:$0x3], $0x80, v3, vm0, $0xb8;
	[tilespmem:$0x1A400] =	vst v63  }
0xf2: {  	v3 =	vld [tilespmem:$0x10];
	_ =	sdelay $0x4  }
0xf3: {  	v41 =	vshll.u32 v3, $0x1  }
0xf4: {  	v3 =	vand.u32 $0x7, v3;
	v4 =	vand.u32 $0xFFFFFFF0, v41  }
0xf5: {  	v3 =	vor.u32 v3, v4  }
0xf6: {  	v4 =	vperm.xlane v3, v0;
	_ =	sdelay $0x1  }
0xf7: {  	v3 =	vperm.xlane v3, v2;
	v4 =	vadd.s32 v1, v4;
	_ =	sdelay $0x1  }
0xf8: {  	v3 =	vadd.s32 v1, v3;
	_ =	sdelay $0x1  }
0xf9: {  	s18 =	simm.s32 $0x7400  }
0xfa: {  	[hbm4b:s3+s6] =	stream.indirect_vreg.scatter [tilespmem:s18], [sflag:$0x3], $0x80, v4, vm0, $0xb8;
	[tilespmem:$0x1A400] =	vst v63  }
0xfb: {  	s24 =	simm.s32 $0x7C00  }
0xfc: {  	[hbm4b:s3+s6] =	stream.indirect_vreg.scatter [tilespmem:s24], [sflag:$0x3], $0x80, v3, vm0, $0xb8;
	[tilespmem:$0x1A400] =	vst v63  }
0xfd: {  	v3 =	vld [tilespmem:$0x20];
	_ =	sdelay $0x4  }
0xfe: {  	v42 =	vshll.u32 v3, $0x1  }
0xff: {  	v3 =	vand.u32 $0x7, v3;
	v4 =	vand.u32 $0xFFFFFFF0, v42  }
0x100: {  	v3 =	vor.u32 v3, v4  }
0x101: {  	v4 =	vperm.xlane v3, v0;
	_ =	sdelay $0x1  }
0x102: {  	v3 =	vperm.xlane v3, v2;
	v4 =	vadd.s32 v1, v4;
	_ =	sdelay $0x1  }
0x103: {  	v3 =	vadd.s32 v1, v3;
	_ =	sdelay $0x1  }
0x104: {  	s1 =	simm.s32 $0x8400  }
0x105: {  	[hbm4b:s3+s6] =	stream.indirect_vreg.scatter [tilespmem:s1], [sflag:$0x3], $0x80, v4, vm0, $0xb8;
	[tilespmem:$0x1A400] =	vst v63  }
0x106: {  	s25 =	simm.s32 $0x8C00  }
0x107: {  	[hbm4b:s3+s6] =	stream.indirect_vreg.scatter [tilespmem:s25], [sflag:$0x3], $0x80, v3, vm0, $0xb8;
	[tilespmem:$0x1A400] =	vst v63  }
0x108: {  	v3 =	vld [tilespmem:$0x30];
	_ =	sdelay $0x4  }
0x109: {  	v43 =	vshll.u32 v3, $0x1  }
0x10a: {  	v3 =	vand.u32 $0x7, v3;
	v4 =	vand.u32 $0xFFFFFFF0, v43  }
0x10b: {  	v3 =	vor.u32 v3, v4  }
0x10c: {  	v4 =	vperm.xlane v3, v0;
	_ =	sdelay $0x1  }
0x10d: {  	v3 =	vperm.xlane v3, v2;
	v4 =	vadd.s32 v1, v4;
	_ =	sdelay $0x1  }
0x10e: {  	v3 =	vadd.s32 v1, v3;
	_ =	sdelay $0x1  }
0x10f: {  	s0 =	simm.s32 $0x9400  }
0x110: {  	[hbm4b:s3+s6] =	stream.indirect_vreg.scatter [tilespmem:s0], [sflag:$0x3], $0x80, v4, vm0, $0xb8;
	[tilespmem:$0x1A400] =	vst v63  }
0x111: {  	s20 =	simm.s32 $0x9C00;
	s19 =	simm.s32 $0x9  }
0x112: {  	[hbm4b:s3+s6] =	stream.indirect_vreg.scatter [tilespmem:s20], [sflag:$0x3], $0x80, v3, vm0, $0xb8;
	[tilespmem:$0x1A400] =	vst v63  }
0x113: {  	_ =	swait.ge [sflag:s19], $0x8000  }
0x114: {  	[sflag:s19] =	ssyncset.done $0x0  }
0x115: {  	[sflag:s19] =	ssyncadd.s32 $0xFFFF8000  }
0x116: {  	v3 =	vld [tilespmem:$0x0];
	_ =	sdelay $0x4  }
0x117: {  	v44 =	vshll.u32 v3, $0x2  }
0x118: {  	v3 =	vand.u32 $0x7, v3;
	v4 =	vand.u32 $0xFFFFFFE0, v44  }
0x119: {  	v3 =	vor.u32 v3, v4  }
0x11a: {  	v4 =	vperm.xlane v3, v0;
	_ =	sdelay $0x1  }
0x11b: {  	v4 =	vadd.s32 v1, v4;
	_ =	sdelay $0x1  }
0x11c: {  	v3 =	vperm.xlane v3, v2;
	_ =	sdelay $0x1  }
0x11d: {  	s20 =	simm.s32 $0xA400;
	v3 =	vadd.s32 v1, v3  }
0x11e: {  	[hbm4b:s4+s6] =	stream.indirect_vreg.scatter [tilespmem:s20], [sflag:$0x4], $0x80, v4, vm0, $0xb8;
	[tilespmem:$0x1A400] =	vst v63  }
0x11f: {  	s28 =	simm.s32 $0xAC00  }
0x120: {  	[hbm4b:s12+s6] =	stream.indirect_vreg.scatter [tilespmem:s28], [sflag:$0x4], $0x80, v4, vm0, $0xb8;
	[tilespmem:$0x1A400] =	vst v63  }
0x121: {  	s19 =	simm.s32 $0xB400  }
0x122: {  	[hbm4b:s4+s6] =	stream.indirect_vreg.scatter [tilespmem:s19], [sflag:$0x4], $0x80, v3, vm0, $0xb8;
	[tilespmem:$0x1A400] =	vst v63  }
0x123: {  	s22 =	simm.s32 $0xBC00  }
0x124: {  	[hbm4b:s12+s6] =	stream.indirect_vreg.scatter [tilespmem:s22], [sflag:$0x4], $0x80, v3, vm0, $0xb8;
	[tilespmem:$0x1A400] =	vst v63  }
0x125: {  	v3 =	vld [tilespmem:$0x10];
	_ =	sdelay $0x4  }
0x126: {  	v45 =	vshll.u32 v3, $0x2  }
0x127: {  	v3 =	vand.u32 $0x7, v3;
	v4 =	vand.u32 $0xFFFFFFE0, v45  }
0x128: {  	v3 =	vor.u32 v3, v4  }
0x129: {  	v4 =	vperm.xlane v3, v0;
	_ =	sdelay $0x1  }
0x12a: {  	v4 =	vadd.s32 v1, v4;
	_ =	sdelay $0x1  }
0x12b: {  	v3 =	vperm.xlane v3, v2;
	_ =	sdelay $0x1  }
0x12c: {  	s20 =	simm.s32 $0xC400;
	v3 =	vadd.s32 v1, v3  }
0x12d: {  	[hbm4b:s4+s6] =	stream.indirect_vreg.scatter [tilespmem:s20], [sflag:$0x4], $0x80, v4, vm0, $0xb8;
	[tilespmem:$0x1A400] =	vst v63  }
0x12e: {  	s22 =	simm.s32 $0xCC00  }
0x12f: {  	[hbm4b:s12+s6] =	stream.indirect_vreg.scatter [tilespmem:s22], [sflag:$0x4], $0x80, v4, vm0, $0xb8;
	[tilespmem:$0x1A400] =	vst v63  }
0x130: {  	s29 =	simm.s32 $0xD400  }
0x131: {  	[hbm4b:s4+s6] =	stream.indirect_vreg.scatter [tilespmem:s29], [sflag:$0x4], $0x80, v3, vm0, $0xb8;
	[tilespmem:$0x1A400] =	vst v63  }
0x132: {  	s26 =	simm.s32 $0xDC00  }
0x133: {  	[hbm4b:s12+s6] =	stream.indirect_vreg.scatter [tilespmem:s26], [sflag:$0x4], $0x80, v3, vm0, $0xb8;
	[tilespmem:$0x1A400] =	vst v63  }
0x134: {  	v3 =	vld [tilespmem:$0x20];
	_ =	sdelay $0x4  }
0x135: {  	v46 =	vshll.u32 v3, $0x2  }
0x136: {  	v3 =	vand.u32 $0x7, v3;
	v4 =	vand.u32 $0xFFFFFFE0, v46  }
0x137: {  	v3 =	vor.u32 v3, v4  }
0x138: {  	v4 =	vperm.xlane v3, v0;
	_ =	sdelay $0x1  }
0x139: {  	v4 =	vadd.s32 v1, v4;
	_ =	sdelay $0x1  }
0x13a: {  	v3 =	vperm.xlane v3, v2;
	_ =	sdelay $0x1  }
0x13b: {  	s26 =	simm.s32 $0xE400;
	v3 =	vadd.s32 v1, v3  }
0x13c: {  	[hbm4b:s4+s6] =	stream.indirect_vreg.scatter [tilespmem:s26], [sflag:$0x4], $0x80, v4, vm0, $0xb8;
	[tilespmem:$0x1A400] =	vst v63  }
0x13d: {  	s28 =	simm.s32 $0xEC00  }
0x13e: {  	[hbm4b:s12+s6] =	stream.indirect_vreg.scatter [tilespmem:s28], [sflag:$0x4], $0x80, v4, vm0, $0xb8;
	[tilespmem:$0x1A400] =	vst v63  }
0x13f: {  	s29 =	simm.s32 $0xF400  }
0x140: {  	[hbm4b:s4+s6] =	stream.indirect_vreg.scatter [tilespmem:s29], [sflag:$0x4], $0x80, v3, vm0, $0xb8;
	[tilespmem:$0x1A400] =	vst v63  }
0x141: {  	s21 =	simm.s32 $0xFC00  }
0x142: {  	[hbm4b:s12+s6] =	stream.indirect_vreg.scatter [tilespmem:s21], [sflag:$0x4], $0x80, v3, vm0, $0xb8;
	[tilespmem:$0x1A400] =	vst v63  }
0x143: {  	v3 =	vld [tilespmem:$0x30];
	_ =	sdelay $0x4  }
0x144: {  	v47 =	vshll.u32 v3, $0x2  }
0x145: {  	v3 =	vand.u32 $0x7, v3;
	v4 =	vand.u32 $0xFFFFFFE0, v47  }
0x146: {  	v3 =	vor.u32 v3, v4  }
0x147: {  	v4 =	vperm.xlane v3, v0;
	_ =	sdelay $0x1  }
0x148: {  	v4 =	vadd.s32 v1, v4;
	_ =	sdelay $0x1  }
0x149: {  	v3 =	vperm.xlane v3, v2;
	_ =	sdelay $0x1  }
0x14a: {  	s19 =	simm.s32 $0x10400;
	v3 =	vadd.s32 v1, v3  }
0x14b: {  	[hbm4b:s4+s6] =	stream.indirect_vreg.scatter [tilespmem:s19], [sflag:$0x4], $0x80, v4, vm0, $0xb8;
	[tilespmem:$0x1A400] =	vst v63  }
0x14c: {  	s20 =	simm.s32 $0x10C00  }
0x14d: {  	[hbm4b:s12+s6] =	stream.indirect_vreg.scatter [tilespmem:s20], [sflag:$0x4], $0x80, v4, vm0, $0xb8;
	[tilespmem:$0x1A400] =	vst v63  }
0x14e: {  	s21 =	simm.s32 $0x11400  }
0x14f: {  	[hbm4b:s4+s6] =	stream.indirect_vreg.scatter [tilespmem:s21], [sflag:$0x4], $0x80, v3, vm0, $0xb8;
	[tilespmem:$0x1A400] =	vst v63  }
0x150: {  	s22 =	simm.s32 $0x11C00;
	s26 =	simm.s32 $0x1  }
0x151: {  	[hbm4b:s12+s6] =	stream.indirect_vreg.scatter [tilespmem:s22], [sflag:$0x4], $0x80, v3, vm0, $0xb8;
	[tilespmem:$0x1A400] =	vst v63  }
0x152: {  	_ =	swait.ge [sflag:s26], $0x2000  }
0x153: {  	s30 =	simm.s32 $0x400;
	s29 =	simm.s32 $0x40;
	[sflag:s26] =	ssyncset.done $0x0  }
0x154: {  	s19 =	simm.s32 $0x2;
	s28 =	rddreg [dreg:$0x8];
	[sflag:s26] =	ssyncadd.s32 $0xFFFFE000  }
0x155: {  	[tilespmem:s30], [sflag:$0x6] =	stream.indirect.gather [hbm4b:s5+s29], $0x80, s28, s29, $0xb8;
	[tilespmem:$0x1A400] =	vst v63  }
0x156: {  	_ =	swait.ge [sflag:s19], $0x4000  }
0x157: {  	[sflag:s19] =	ssyncset.done $0x0  }
0x158: {  	[sflag:s19] =	ssyncadd.s32 $0xFFFFC000  }
0x159: {  	v3 =	vld [tilespmem:$0x280];
	_ =	sdelay $0x4  }
0x15a: {  	v48 =	vshll.u32 v3, $0x1  }
0x15b: {  	v3 =	vand.u32 $0x7, v3;
	v4 =	vand.u32 $0xFFFFFFF0, v48  }
0x15c: {  	v3 =	vor.u32 v3, v4  }
0x15d: {  	v4 =	vperm.xlane v3, v0;
	_ =	sdelay $0x1  }
0x15e: {  	v3 =	vperm.xlane v3, v2;
	v4 =	vadd.s32 v1, v4;
	_ =	sdelay $0x1  }
0x15f: {  	v3 =	vadd.s32 v1, v3;
	_ =	sdelay $0x1  }
0x160: {  	s20 =	simm.s32 $0x2400  }
0x161: {  	[tilespmem:s20], [sflag:$0x7] =	stream.indirect_vreg.gather [hbm4b:s8+s6], $0x80, v4, vm0, $0xb8;
	[tilespmem:$0x1A400] =	vst v63  }
0x162: {  	s21 =	simm.s32 $0x2C00  }
0x163: {  	[tilespmem:s21], [sflag:$0x7] =	stream.indirect_vreg.gather [hbm4b:s8+s6], $0x80, v3, vm0, $0xb8;
	[tilespmem:$0x1A400] =	vst v63  }
0x164: {  	v3 =	vld [tilespmem:$0x290];
	_ =	sdelay $0x4  }
0x165: {  	v49 =	vshll.u32 v3, $0x1  }
0x166: {  	v3 =	vand.u32 $0x7, v3;
	v4 =	vand.u32 $0xFFFFFFF0, v49  }
0x167: {  	v3 =	vor.u32 v3, v4  }
0x168: {  	v4 =	vperm.xlane v3, v0;
	_ =	sdelay $0x1  }
0x169: {  	v3 =	vperm.xlane v3, v2;
	v4 =	vadd.s32 v1, v4;
	_ =	sdelay $0x1  }
0x16a: {  	v3 =	vadd.s32 v1, v3;
	_ =	sdelay $0x1  }
0x16b: {  	s26 =	simm.s32 $0x3400  }
0x16c: {  	[tilespmem:s26], [sflag:$0x7] =	stream.indirect_vreg.gather [hbm4b:s8+s6], $0x80, v4, vm0, $0xb8;
	[tilespmem:$0x1A400] =	vst v63  }
0x16d: {  	s29 =	simm.s32 $0x3C00  }
0x16e: {  	[tilespmem:s29], [sflag:$0x7] =	stream.indirect_vreg.gather [hbm4b:s8+s6], $0x80, v3, vm0, $0xb8;
	[tilespmem:$0x1A400] =	vst v63  }
0x16f: {  	v3 =	vld [tilespmem:$0x2A0];
	_ =	sdelay $0x4  }
0x170: {  	v50 =	vshll.u32 v3, $0x1  }
0x171: {  	v3 =	vand.u32 $0x7, v3;
	v4 =	vand.u32 $0xFFFFFFF0, v50  }
0x172: {  	v3 =	vor.u32 v3, v4  }
0x173: {  	v4 =	vperm.xlane v3, v0;
	_ =	sdelay $0x1  }
0x174: {  	v3 =	vperm.xlane v3, v2;
	v4 =	vadd.s32 v1, v4;
	_ =	sdelay $0x1  }
0x175: {  	v3 =	vadd.s32 v1, v3;
	_ =	sdelay $0x1  }
0x176: {  	s13 =	simm.s32 $0x4400  }
0x177: {  	[tilespmem:s13], [sflag:$0x7] =	stream.indirect_vreg.gather [hbm4b:s8+s6], $0x80, v4, vm0, $0xb8;
	[tilespmem:$0x1A400] =	vst v63  }
0x178: {  	s14 =	simm.s32 $0x4C00  }
0x179: {  	[tilespmem:s14], [sflag:$0x7] =	stream.indirect_vreg.gather [hbm4b:s8+s6], $0x80, v3, vm0, $0xb8;
	[tilespmem:$0x1A400] =	vst v63  }
0x17a: {  	v3 =	vld [tilespmem:$0x2B0];
	_ =	sdelay $0x4  }
0x17b: {  	v51 =	vshll.u32 v3, $0x1  }
0x17c: {  	v3 =	vand.u32 $0x7, v3;
	v4 =	vand.u32 $0xFFFFFFF0, v51  }
0x17d: {  	v3 =	vor.u32 v3, v4  }
0x17e: {  	v4 =	vperm.xlane v3, v0;
	_ =	sdelay $0x1  }
0x17f: {  	v3 =	vperm.xlane v3, v2;
	v4 =	vadd.s32 v1, v4;
	_ =	sdelay $0x1  }
0x180: {  	v3 =	vadd.s32 v1, v3;
	_ =	sdelay $0x1  }
0x181: {  	s19 =	simm.s32 $0x5400  }
0x182: {  	[tilespmem:s19], [sflag:$0x7] =	stream.indirect_vreg.gather [hbm4b:s8+s6], $0x80, v4, vm0, $0xb8;
	[tilespmem:$0x1A400] =	vst v63  }
0x183: {  	s20 =	simm.s32 $0x3  }
0x184: {  	[tilespmem:s31], [sflag:$0x7] =	stream.indirect_vreg.gather [hbm4b:s8+s6], $0x80, v3, vm0, $0xb8;
	[tilespmem:$0x1A400] =	vst v63  }
0x185: {  	_ =	swait.ge [sflag:s20], $0x4000  }
0x186: {  	[sflag:s20] =	ssyncset.done $0x0  }
0x187: {  	[sflag:s20] =	ssyncadd.s32 $0xFFFFC000  }
0x188: {  	v3 =	vld [tilespmem:$0x280];
	_ =	sdelay $0x4  }
0x189: {  	v52 =	vshll.u32 v3, $0x1  }
0x18a: {  	v3 =	vand.u32 $0x7, v3;
	v4 =	vand.u32 $0xFFFFFFF0, v52  }
0x18b: {  	v3 =	vor.u32 v3, v4  }
0x18c: {  	v4 =	vperm.xlane v3, v0;
	_ =	sdelay $0x1  }
0x18d: {  	v3 =	vperm.xlane v3, v2;
	v4 =	vadd.s32 v1, v4;
	_ =	sdelay $0x1  }
0x18e: {  	v3 =	vadd.s32 v1, v3;
	_ =	sdelay $0x1  }
0x18f: {  	s16 =	simm.s32 $0x6400  }
0x190: {  	[tilespmem:s16], [sflag:$0x8] =	stream.indirect_vreg.gather [hbm4b:s9+s6], $0x80, v4, vm0, $0xb8;
	[tilespmem:$0x1A400] =	vst v63  }
0x191: {  	_ = 	snop  }
0x192: {  	[tilespmem:s15], [sflag:$0x8] =	stream.indirect_vreg.gather [hbm4b:s9+s6], $0x80, v3, vm0, $0xb8;
	[tilespmem:$0x1A400] =	vst v63  }
0x193: {  	v3 =	vld [tilespmem:$0x290];
	_ =	sdelay $0x4  }
0x194: {  	v53 =	vshll.u32 v3, $0x1  }
0x195: {  	v3 =	vand.u32 $0x7, v3;
	v4 =	vand.u32 $0xFFFFFFF0, v53  }
0x196: {  	v3 =	vor.u32 v3, v4  }
0x197: {  	v4 =	vperm.xlane v3, v0;
	_ =	sdelay $0x1  }
0x198: {  	v3 =	vperm.xlane v3, v2;
	v4 =	vadd.s32 v1, v4;
	_ =	sdelay $0x1  }
0x199: {  	v3 =	vadd.s32 v1, v3;
	_ =	sdelay $0x1  }
0x19a: {  	s21 =	simm.s32 $0x7400  }
0x19b: {  	[tilespmem:s21], [sflag:$0x8] =	stream.indirect_vreg.gather [hbm4b:s9+s6], $0x80, v4, vm0, $0xb8;
	[tilespmem:$0x1A400] =	vst v63  }
0x19c: {  	_ = 	snop  }
0x19d: {  	[tilespmem:s24], [sflag:$0x8] =	stream.indirect_vreg.gather [hbm4b:s9+s6], $0x80, v3, vm0, $0xb8;
	[tilespmem:$0x1A400] =	vst v63  }
0x19e: {  	v3 =	vld [tilespmem:$0x2A0];
	_ =	sdelay $0x4  }
0x19f: {  	v54 =	vshll.u32 v3, $0x1  }
0x1a0: {  	v3 =	vand.u32 $0x7, v3;
	v4 =	vand.u32 $0xFFFFFFF0, v54  }
0x1a1: {  	v3 =	vor.u32 v3, v4  }
0x1a2: {  	v4 =	vperm.xlane v3, v0;
	_ =	sdelay $0x1  }
0x1a3: {  	v3 =	vperm.xlane v3, v2;
	v4 =	vadd.s32 v1, v4;
	_ =	sdelay $0x1  }
0x1a4: {  	v3 =	vadd.s32 v1, v3;
	_ =	sdelay $0x2  }
0x1a5: {  	[tilespmem:s1], [sflag:$0x8] =	stream.indirect_vreg.gather [hbm4b:s9+s6], $0x80, v4, vm0, $0xb8;
	[tilespmem:$0x1A400] =	vst v63  }
0x1a6: {  	_ = 	snop  }
0x1a7: {  	[tilespmem:s25], [sflag:$0x8] =	stream.indirect_vreg.gather [hbm4b:s9+s6], $0x80, v3, vm0, $0xb8;
	[tilespmem:$0x1A400] =	vst v63  }
0x1a8: {  	v3 =	vld [tilespmem:$0x2B0];
	_ =	sdelay $0x4  }
0x1a9: {  	v55 =	vshll.u32 v3, $0x1  }
0x1aa: {  	v3 =	vand.u32 $0x7, v3;
	v4 =	vand.u32 $0xFFFFFFF0, v55  }
0x1ab: {  	v3 =	vor.u32 v3, v4  }
0x1ac: {  	v4 =	vperm.xlane v3, v0;
	_ =	sdelay $0x1  }
0x1ad: {  	v3 =	vperm.xlane v3, v2;
	v4 =	vadd.s32 v1, v4;
	_ =	sdelay $0x1  }
0x1ae: {  	v3 =	vadd.s32 v1, v3;
	_ =	sdelay $0x2  }
0x1af: {  	[tilespmem:s0], [sflag:$0x8] =	stream.indirect_vreg.gather [hbm4b:s9+s6], $0x80, v4, vm0, $0xb8;
	[tilespmem:$0x1A400] =	vst v63  }
0x1b0: {  	s18 =	simm.s32 $0x9C00  }
0x1b1: {  	[tilespmem:s18], [sflag:$0x8] =	stream.indirect_vreg.gather [hbm4b:s9+s6], $0x80, v3, vm0, $0xb8;
	[tilespmem:$0x1A400] =	vst v63  }
0x1b2: {  	v3 =	vld [tilespmem:$0x280];
	_ =	sdelay $0x4  }
0x1b3: {  	v56 =	vshll.u32 v3, $0x2  }
0x1b4: {  	v3 =	vand.u32 $0x7, v3;
	v4 =	vand.u32 $0xFFFFFFE0, v56  }
0x1b5: {  	v3 =	vor.u32 v3, v4  }
0x1b6: {  	v4 =	vperm.xlane v3, v0;
	_ =	sdelay $0x1  }
0x1b7: {  	v4 =	vadd.s32 v1, v4;
	_ =	sdelay $0x1  }
0x1b8: {  	v3 =	vperm.xlane v3, v2;
	_ =	sdelay $0x1  }
0x1b9: {  	s25 =	simm.s32 $0x12400;
	v3 =	vadd.s32 v1, v3  }
0x1ba: {  	[tilespmem:s25], [sflag:$0xA] =	stream.indirect_vreg.gather [hbm4b:s10+s6], $0x80, v4, vm0, $0xb8;
	[tilespmem:$0x1A400] =	vst v63  }
0x1bb: {  	s26 =	simm.s32 $0x12C00  }
0x1bc: {  	[tilespmem:s26], [sflag:$0xA] =	stream.indirect_vreg.gather [hbm4b:s11+s6], $0x80, v4, vm0, $0xb8;
	[tilespmem:$0x1A400] =	vst v63  }
0x1bd: {  	s31 =	simm.s32 $0x13400  }
0x1be: {  	[tilespmem:s31], [sflag:$0xA] =	stream.indirect_vreg.gather [hbm4b:s10+s6], $0x80, v3, vm0, $0xb8;
	[tilespmem:$0x1A400] =	vst v63  }
0x1bf: {  	s0 =	simm.s32 $0x13C00  }
0x1c0: {  	[tilespmem:s0], [sflag:$0xA] =	stream.indirect_vreg.gather [hbm4b:s11+s6], $0x80, v3, vm0, $0xb8;
	[tilespmem:$0x1A400] =	vst v63  }
0x1c1: {  	v3 =	vld [tilespmem:$0x290];
	_ =	sdelay $0x4  }
0x1c2: {  	v57 =	vshll.u32 v3, $0x2  }
0x1c3: {  	v3 =	vand.u32 $0x7, v3;
	v4 =	vand.u32 $0xFFFFFFE0, v57  }
0x1c4: {  	v3 =	vor.u32 v3, v4  }
0x1c5: {  	v4 =	vperm.xlane v3, v0;
	_ =	sdelay $0x1  }
0x1c6: {  	v4 =	vadd.s32 v1, v4;
	_ =	sdelay $0x1  }
0x1c7: {  	v3 =	vperm.xlane v3, v2;
	_ =	sdelay $0x1  }
0x1c8: {  	s30 =	smov.u32 s5;
	s5 =	simm.s32 $0x14400;
	v3 =	vadd.s32 v1, v3  }
0x1c9: {  	[tilespmem:s5], [sflag:$0xA] =	stream.indirect_vreg.gather [hbm4b:s10+s6], $0x80, v4, vm0, $0xb8;
	[tilespmem:$0x1A400] =	vst v63  }
0x1ca: {  	s16 =	simm.s32 $0x14C00  }
0x1cb: {  	[tilespmem:s16], [sflag:$0xA] =	stream.indirect_vreg.gather [hbm4b:s11+s6], $0x80, v4, vm0, $0xb8;
	[tilespmem:$0x1A400] =	vst v63  }
0x1cc: {  	s18 =	simm.s32 $0x15400  }
0x1cd: {  	[tilespmem:s18], [sflag:$0xA] =	stream.indirect_vreg.gather [hbm4b:s10+s6], $0x80, v3, vm0, $0xb8;
	[tilespmem:$0x1A400] =	vst v63  }
0x1ce: {  	s19 =	simm.s32 $0x15C00  }
0x1cf: {  	[tilespmem:s19], [sflag:$0xA] =	stream.indirect_vreg.gather [hbm4b:s11+s6], $0x80, v3, vm0, $0xb8;
	[tilespmem:$0x1A400] =	vst v63  }
0x1d0: {  	v3 =	vld [tilespmem:$0x2A0];
	_ =	sdelay $0x4  }
0x1d1: {  	v58 =	vshll.u32 v3, $0x2  }
0x1d2: {  	v3 =	vand.u32 $0x7, v3;
	v4 =	vand.u32 $0xFFFFFFE0, v58  }
0x1d3: {  	v3 =	vor.u32 v3, v4  }
0x1d4: {  	v4 =	vperm.xlane v3, v0;
	_ =	sdelay $0x1  }
0x1d5: {  	v4 =	vadd.s32 v1, v4;
	_ =	sdelay $0x1  }
0x1d6: {  	v3 =	vperm.xlane v3, v2;
	_ =	sdelay $0x1  }
0x1d7: {  	s20 =	simm.s32 $0x16400;
	v3 =	vadd.s32 v1, v3  }
0x1d8: {  	[tilespmem:s20], [sflag:$0xA] =	stream.indirect_vreg.gather [hbm4b:s10+s6], $0x80, v4, vm0, $0xb8;
	[tilespmem:$0x1A400] =	vst v63  }
0x1d9: {  	s21 =	simm.s32 $0x16C00  }
0x1da: {  	[tilespmem:s21], [sflag:$0xA] =	stream.indirect_vreg.gather [hbm4b:s11+s6], $0x80, v4, vm0, $0xb8;
	[tilespmem:$0x1A400] =	vst v63  }
0x1db: {  	s24 =	simm.s32 $0x17400  }
0x1dc: {  	[tilespmem:s24], [sflag:$0xA] =	stream.indirect_vreg.gather [hbm4b:s10+s6], $0x80, v3, vm0, $0xb8;
	[tilespmem:$0x1A400] =	vst v63  }
0x1dd: {  	s26 =	simm.s32 $0x17C00  }
0x1de: {  	[tilespmem:s26], [sflag:$0xA] =	stream.indirect_vreg.gather [hbm4b:s11+s6], $0x80, v3, vm0, $0xb8;
	[tilespmem:$0x1A400] =	vst v63  }
0x1df: {  	v3 =	vld [tilespmem:$0x2B0];
	_ =	sdelay $0x4  }
0x1e0: {  	v59 =	vshll.u32 v3, $0x2  }
0x1e1: {  	v3 =	vand.u32 $0x7, v3;
	v4 =	vand.u32 $0xFFFFFFE0, v59  }
0x1e2: {  	v3 =	vor.u32 v3, v4  }
0x1e3: {  	v4 =	vperm.xlane v3, v0;
	_ =	sdelay $0x1  }
0x1e4: {  	v4 =	vadd.s32 v1, v4;
	_ =	sdelay $0x1  }
0x1e5: {  	v3 =	vperm.xlane v3, v2;
	_ =	sdelay $0x1  }
0x1e6: {  	s0 =	simm.s32 $0x18400;
	v3 =	vadd.s32 v1, v3  }
0x1e7: {  	[tilespmem:s0], [sflag:$0xA] =	stream.indirect_vreg.gather [hbm4b:s10+s6], $0x80, v4, vm0, $0xb8;
	[tilespmem:$0x1A400] =	vst v63  }
0x1e8: {  	s5 =	simm.s32 $0x18C00  }
0x1e9: {  	[tilespmem:s5], [sflag:$0xA] =	stream.indirect_vreg.gather [hbm4b:s11+s6], $0x80, v4, vm0, $0xb8;
	[tilespmem:$0x1A400] =	vst v63  }
0x1ea: {  	s16 =	simm.s32 $0x19400  }
0x1eb: {  	[tilespmem:s16], [sflag:$0xA] =	stream.indirect_vreg.gather [hbm4b:s10+s6], $0x80, v3, vm0, $0xb8;
	[tilespmem:$0x1A400] =	vst v63  }
0x1ec: {  	s18 =	simm.s32 $0x19C00;
	s19 =	simm.s32 $0x6  }
0x1ed: {  	[tilespmem:s18], [sflag:$0xA] =	stream.indirect_vreg.gather [hbm4b:s11+s6], $0x80, v3, vm0, $0xb8;
	[tilespmem:$0x1A400] =	vst v63  }
0x1ee: {  	_ =	swait.ge [sflag:s19], $0x2000  }
0x1ef: {  	[sflag:s19] =	ssyncset.done $0x0  }
0x1f0: {  	s23 =	simm.s32 $0x7;
	s20 =	rddreg [dreg:$0x9];
	[sflag:s19] =	ssyncadd.s32 $0xFFFFE000  }
0x1f1: {  	s1 =	simm.s32 $0x40;
	s0 =	simm.s32 $0x400;
	s21 =	rddreg [dreg:$0x1]  }
0x1f2: {  	[hbm4b:s21+s1] =	stream.indirect.scatter [tilespmem:s0], [sflag:$0x1], $0x80, s20, s1, $0xb8;
	[tilespmem:$0x1A400] =	vst v63  }
0x1f3: {  	_ =	swait.ge [sflag:s23], $0x4000  }
0x1f4: {  	[sflag:s23] =	ssyncset.done $0x0  }
0x1f5: {  	[sflag:s23] =	ssyncadd.s32 $0xFFFFC000  }
0x1f6: {  	v3 =	vld [tilespmem:$0x80];
	_ =	sdelay $0x4  }
0x1f7: {  	v60 =	vshll.u32 v3, $0x1  }
0x1f8: {  	v3 =	vand.u32 $0x7, v3;
	v4 =	vand.u32 $0xFFFFFFF0, v60  }
0x1f9: {  	v3 =	vor.u32 v3, v4  }
0x1fa: {  	v4 =	vperm.xlane v3, v0;
	_ =	sdelay $0x1  }
0x1fb: {  	v3 =	vperm.xlane v3, v2;
	v4 =	vadd.s32 v1, v4;
	_ =	sdelay $0x1  }
0x1fc: {  	v3 =	vadd.s32 v1, v3;
	_ =	sdelay $0x1  }
0x1fd: {  	s22 =	simm.s32 $0x2400  }
0x1fe: {  	[hbm4b:s2+s6] =	stream.indirect_vreg.scatter [tilespmem:s22], [sflag:$0x2], $0x80, v4, vm0, $0xb8;
	[tilespmem:$0x1A400] =	vst v63  }
0x1ff: {  	s17 =	simm.s32 $0x2C00  }
0x200: {  	[hbm4b:s2+s6] =	stream.indirect_vreg.scatter [tilespmem:s17], [sflag:$0x2], $0x80, v3, vm0, $0xb8;
	[tilespmem:$0x1A400] =	vst v63  }
0x201: {  	v3 =	vld [tilespmem:$0x90];
	_ =	sdelay $0x4  }
0x202: {  	v61 =	vshll.u32 v3, $0x1  }
0x203: {  	v3 =	vand.u32 $0x7, v3;
	v4 =	vand.u32 $0xFFFFFFF0, v61  }
0x204: {  	v3 =	vor.u32 v3, v4  }
0x205: {  	v4 =	vperm.xlane v3, v0;
	_ =	sdelay $0x1  }
0x206: {  	v3 =	vperm.xlane v3, v2;
	v4 =	vadd.s32 v1, v4;
	_ =	sdelay $0x1  }
0x207: {  	v3 =	vadd.s32 v1, v3;
	_ =	sdelay $0x1  }
0x208: {  	s16 =	simm.s32 $0x3400  }
0x209: {  	[hbm4b:s2+s6] =	stream.indirect_vreg.scatter [tilespmem:s16], [sflag:$0x2], $0x80, v4, vm0, $0xb8;
	[tilespmem:$0x1A400] =	vst v63  }
0x20a: {  	s18 =	simm.s32 $0x3C00  }
0x20b: {  	[hbm4b:s2+s6] =	stream.indirect_vreg.scatter [tilespmem:s18], [sflag:$0x2], $0x80, v3, vm0, $0xb8;
	[tilespmem:$0x1A400] =	vst v63  }
0x20c: {  	v3 =	vld [tilespmem:$0xA0];
	_ =	sdelay $0x4  }
0x20d: {  	v62 =	vshll.u32 v3, $0x1  }
0x20e: {  	v3 =	vand.u32 $0x7, v3;
	v4 =	vand.u32 $0xFFFFFFF0, v62  }
0x20f: {  	v3 =	vor.u32 v3, v4  }
0x210: {  	v4 =	vperm.xlane v3, v0;
	_ =	sdelay $0x1  }
0x211: {  	v3 =	vperm.xlane v3, v2;
	v4 =	vadd.s32 v1, v4;
	_ =	sdelay $0x1  }
0x212: {  	v3 =	vadd.s32 v1, v3;
	_ =	sdelay $0x1  }
0x213: {  	s20 =	simm.s32 $0x4400  }
0x214: {  	[hbm4b:s2+s6] =	stream.indirect_vreg.scatter [tilespmem:s20], [sflag:$0x2], $0x80, v4, vm0, $0xb8;
	[tilespmem:$0x1A400] =	vst v63  }
0x215: {  	s21 =	simm.s32 $0x4C00  }
0x216: {  	[hbm4b:s2+s6] =	stream.indirect_vreg.scatter [tilespmem:s21], [sflag:$0x2], $0x80, v3, vm0, $0xb8;
	[tilespmem:$0x1A400] =	vst v63  }
0x217: {  	v3 =	vld [tilespmem:$0xB0];
	_ =	sdelay $0x4  }
0x218: {  	v63 =	vshll.u32 v3, $0x1  }
0x219: {  	v3 =	vand.u32 $0x7, v3;
	v4 =	vand.u32 $0xFFFFFFF0, v63  }
0x21a: {  	v3 =	vor.u32 v3, v4  }
0x21b: {  	v4 =	vperm.xlane v3, v0;
	_ =	sdelay $0x1  }
0x21c: {  	v3 =	vperm.xlane v3, v2;
	v4 =	vadd.s32 v1, v4;
	_ =	sdelay $0x1  }
0x21d: {  	v3 =	vadd.s32 v1, v3;
	_ =	sdelay $0x1  }
0x21e: {  	s22 =	simm.s32 $0x5400  }
0x21f: {  	[hbm4b:s2+s6] =	stream.indirect_vreg.scatter [tilespmem:s22], [sflag:$0x2], $0x80, v4, vm0, $0xb8;
	[tilespmem:$0x1A400] =	vst v63  }
0x220: {  	s7 =	simm.s32 $0x8;
	s17 =	simm.s32 $0x5C00  }
0x221: {  	[hbm4b:s2+s6] =	stream.indirect_vreg.scatter [tilespmem:s17], [sflag:$0x2], $0x80, v3, vm0, $0xb8;
	[tilespmem:$0x1A400] =	vst v63  }
0x222: {  	_ =	swait.ge [sflag:s7], $0x4000  }
0x223: {  	[sflag:s7] =	ssyncset.done $0x0  }
0x224: {  	[sflag:s7] =	ssyncadd.s32 $0xFFFFC000  }
0x225: {  	v3 =	vld [tilespmem:$0x80];
	_ =	sdelay $0x4  }
0x226: {  	v8 =	vshll.u32 v3, $0x1  }
0x227: {  	v3 =	vand.u32 $0x7, v3;
	v4 =	vand.u32 $0xFFFFFFF0, v8  }
0x228: {  	v3 =	vor.u32 v3, v4  }
0x229: {  	v4 =	vperm.xlane v3, v0;
	_ =	sdelay $0x1  }
0x22a: {  	v3 =	vperm.xlane v3, v2;
	v4 =	vadd.s32 v1, v4;
	_ =	sdelay $0x1  }
0x22b: {  	v3 =	vadd.s32 v1, v3;
	_ =	sdelay $0x1  }
0x22c: {  	s13 =	simm.s32 $0x6400  }
0x22d: {  	[hbm4b:s3+s6] =	stream.indirect_vreg.scatter [tilespmem:s13], [sflag:$0x3], $0x80, v4, vm0, $0xb8;
	[tilespmem:$0x1A400] =	vst v63  }
0x22e: {  	s15 =	simm.s32 $0x6C00  }
0x22f: {  	[hbm4b:s3+s6] =	stream.indirect_vreg.scatter [tilespmem:s15], [sflag:$0x3], $0x80, v3, vm0, $0xb8;
	[tilespmem:$0x1A400] =	vst v63  }
0x230: {  	v3 =	vld [tilespmem:$0x90];
	_ =	sdelay $0x4  }
0x231: {  	v9 =	vshll.u32 v3, $0x1  }
0x232: {  	v3 =	vand.u32 $0x7, v3;
	v4 =	vand.u32 $0xFFFFFFF0, v9  }
0x233: {  	v3 =	vor.u32 v3, v4  }
0x234: {  	v4 =	vperm.xlane v3, v0;
	_ =	sdelay $0x1  }
0x235: {  	v3 =	vperm.xlane v3, v2;
	v4 =	vadd.s32 v1, v4;
	_ =	sdelay $0x1  }
0x236: {  	v3 =	vadd.s32 v1, v3;
	_ =	sdelay $0x1  }
0x237: {  	s14 =	simm.s32 $0x7400  }
0x238: {  	[hbm4b:s3+s6] =	stream.indirect_vreg.scatter [tilespmem:s14], [sflag:$0x3], $0x80, v4, vm0, $0xb8;
	[tilespmem:$0x1A400] =	vst v63  }
0x239: {  	s13 =	simm.s32 $0x7C00  }
0x23a: {  	[hbm4b:s3+s6] =	stream.indirect_vreg.scatter [tilespmem:s13], [sflag:$0x3], $0x80, v3, vm0, $0xb8;
	[tilespmem:$0x1A400] =	vst v63  }
0x23b: {  	v3 =	vld [tilespmem:$0xA0];
	_ =	sdelay $0x4  }
0x23c: {  	v10 =	vshll.u32 v3, $0x1  }
0x23d: {  	v3 =	vand.u32 $0x7, v3;
	v4 =	vand.u32 $0xFFFFFFF0, v10  }
0x23e: {  	v3 =	vor.u32 v3, v4  }
0x23f: {  	v4 =	vperm.xlane v3, v0;
	_ =	sdelay $0x1  }
0x240: {  	v3 =	vperm.xlane v3, v2;
	v4 =	vadd.s32 v1, v4;
	_ =	sdelay $0x1  }
0x241: {  	v3 =	vadd.s32 v1, v3;
	_ =	sdelay $0x1  }
0x242: {  	s5 =	simm.s32 $0x8400  }
0x243: {  	[hbm4b:s3+s6] =	stream.indirect_vreg.scatter [tilespmem:s5], [sflag:$0x3], $0x80, v4, vm0, $0xb8;
	[tilespmem:$0x1A400] =	vst v63  }
0x244: {  	s14 =	simm.s32 $0x8C00  }
0x245: {  	[hbm4b:s3+s6] =	stream.indirect_vreg.scatter [tilespmem:s14], [sflag:$0x3], $0x80, v3, vm0, $0xb8;
	[tilespmem:$0x1A400] =	vst v63  }
0x246: {  	v3 =	vld [tilespmem:$0xB0];
	_ =	sdelay $0x4  }
0x247: {  	v11 =	vshll.u32 v3, $0x1  }
0x248: {  	v3 =	vand.u32 $0x7, v3;
	v4 =	vand.u32 $0xFFFFFFF0, v11  }
0x249: {  	v3 =	vor.u32 v3, v4  }
0x24a: {  	v4 =	vperm.xlane v3, v0;
	_ =	sdelay $0x1  }
0x24b: {  	v3 =	vperm.xlane v3, v2;
	v4 =	vadd.s32 v1, v4;
	_ =	sdelay $0x1  }
0x24c: {  	v3 =	vadd.s32 v1, v3;
	_ =	sdelay $0x1  }
0x24d: {  	s7 =	simm.s32 $0x9400  }
0x24e: {  	[hbm4b:s3+s6] =	stream.indirect_vreg.scatter [tilespmem:s7], [sflag:$0x3], $0x80, v4, vm0, $0xb8;
	[tilespmem:$0x1A400] =	vst v63  }
0x24f: {  	s23 =	simm.s32 $0xA;
	s15 =	simm.s32 $0x9C00  }
0x250: {  	[hbm4b:s3+s6] =	stream.indirect_vreg.scatter [tilespmem:s15], [sflag:$0x3], $0x80, v3, vm0, $0xb8;
	[tilespmem:$0x1A400] =	vst v63  }
0x251: {  	_ =	swait.ge [sflag:s23], $0x8000  }
0x252: {  	[sflag:s23] =	ssyncset.done $0x0  }
0x253: {  	[sflag:s23] =	ssyncadd.s32 $0xFFFF8000  }
0x254: {  	v3 =	vld [tilespmem:$0x80];
	_ =	sdelay $0x4  }
0x255: {  	v12 =	vshll.u32 v3, $0x2  }
0x256: {  	v3 =	vand.u32 $0x7, v3;
	v4 =	vand.u32 $0xFFFFFFE0, v12  }
0x257: {  	v3 =	vor.u32 v3, v4  }
0x258: {  	v4 =	vperm.xlane v3, v0;
	_ =	sdelay $0x1  }
0x259: {  	v4 =	vadd.s32 v1, v4;
	_ =	sdelay $0x1  }
0x25a: {  	v3 =	vperm.xlane v3, v2;
	_ =	sdelay $0x1  }
0x25b: {  	s23 =	simm.s32 $0x12400;
	v3 =	vadd.s32 v1, v3  }
0x25c: {  	[hbm4b:s4+s6] =	stream.indirect_vreg.scatter [tilespmem:s23], [sflag:$0x5], $0x80, v4, vm0, $0xb8;
	[tilespmem:$0x1A400] =	vst v63  }
0x25d: {  	s23 =	simm.s32 $0x12C00  }
0x25e: {  	[hbm4b:s12+s6] =	stream.indirect_vreg.scatter [tilespmem:s23], [sflag:$0x5], $0x80, v4, vm0, $0xb8;
	[tilespmem:$0x1A400] =	vst v63  }
0x25f: {  	s23 =	simm.s32 $0x13400  }
0x260: {  	[hbm4b:s4+s6] =	stream.indirect_vreg.scatter [tilespmem:s23], [sflag:$0x5], $0x80, v3, vm0, $0xb8;
	[tilespmem:$0x1A400] =	vst v63  }
0x261: {  	s23 =	simm.s32 $0x13C00  }
0x262: {  	[hbm4b:s12+s6] =	stream.indirect_vreg.scatter [tilespmem:s23], [sflag:$0x5], $0x80, v3, vm0, $0xb8;
	[tilespmem:$0x1A400] =	vst v63  }
0x263: {  	v3 =	vld [tilespmem:$0x90];
	_ =	sdelay $0x4  }
0x264: {  	v13 =	vshll.u32 v3, $0x2  }
0x265: {  	v3 =	vand.u32 $0x7, v3;
	v4 =	vand.u32 $0xFFFFFFE0, v13  }
0x266: {  	v3 =	vor.u32 v3, v4  }
0x267: {  	v4 =	vperm.xlane v3, v0;
	_ =	sdelay $0x1  }
0x268: {  	v4 =	vadd.s32 v1, v4;
	_ =	sdelay $0x1  }
0x269: {  	v3 =	vperm.xlane v3, v2;
	_ =	sdelay $0x1  }
0x26a: {  	s31 =	simm.s32 $0x14400;
	v3 =	vadd.s32 v1, v3  }
0x26b: {  	[hbm4b:s4+s6] =	stream.indirect_vreg.scatter [tilespmem:s31], [sflag:$0x5], $0x80, v4, vm0, $0xb8;
	[tilespmem:$0x1A400] =	vst v63  }
0x26c: {  	s31 =	simm.s32 $0x14C00  }
0x26d: {  	[hbm4b:s12+s6] =	stream.indirect_vreg.scatter [tilespmem:s31], [sflag:$0x5], $0x80, v4, vm0, $0xb8;
	[tilespmem:$0x1A400] =	vst v63  }
0x26e: {  	s23 =	simm.s32 $0x15400  }
0x26f: {  	[hbm4b:s4+s6] =	stream.indirect_vreg.scatter [tilespmem:s23], [sflag:$0x5], $0x80, v3, vm0, $0xb8;
	[tilespmem:$0x1A400] =	vst v63  }
0x270: {  	s25 =	simm.s32 $0x15C00  }
0x271: {  	[hbm4b:s12+s6] =	stream.indirect_vreg.scatter [tilespmem:s25], [sflag:$0x5], $0x80, v3, vm0, $0xb8;
	[tilespmem:$0x1A400] =	vst v63  }
0x272: {  	v3 =	vld [tilespmem:$0xA0];
	_ =	sdelay $0x4  }
0x273: {  	v14 =	vshll.u32 v3, $0x2  }
0x274: {  	v3 =	vand.u32 $0x7, v3;
	v4 =	vand.u32 $0xFFFFFFE0, v14  }
0x275: {  	v3 =	vor.u32 v3, v4  }
0x276: {  	v4 =	vperm.xlane v3, v0;
	_ =	sdelay $0x1  }
0x277: {  	v4 =	vadd.s32 v1, v4;
	_ =	sdelay $0x1  }
0x278: {  	v3 =	vperm.xlane v3, v2;
	_ =	sdelay $0x1  }
0x279: {  	s31 =	simm.s32 $0x16400;
	v3 =	vadd.s32 v1, v3  }
0x27a: {  	[hbm4b:s4+s6] =	stream.indirect_vreg.scatter [tilespmem:s31], [sflag:$0x5], $0x80, v4, vm0, $0xb8;
	[tilespmem:$0x1A400] =	vst v63  }
0x27b: {  	s23 =	simm.s32 $0x16C00  }
0x27c: {  	[hbm4b:s12+s6] =	stream.indirect_vreg.scatter [tilespmem:s23], [sflag:$0x5], $0x80, v4, vm0, $0xb8;
	[tilespmem:$0x1A400] =	vst v63  }
0x27d: {  	s25 =	simm.s32 $0x17400  }
0x27e: {  	[hbm4b:s4+s6] =	stream.indirect_vreg.scatter [tilespmem:s25], [sflag:$0x5], $0x80, v3, vm0, $0xb8;
	[tilespmem:$0x1A400] =	vst v63  }
0x27f: {  	s26 =	simm.s32 $0x17C00  }
0x280: {  	[hbm4b:s12+s6] =	stream.indirect_vreg.scatter [tilespmem:s26], [sflag:$0x5], $0x80, v3, vm0, $0xb8;
	[tilespmem:$0x1A400] =	vst v63  }
0x281: {  	v3 =	vld [tilespmem:$0xB0];
	_ =	sdelay $0x4  }
0x282: {  	v15 =	vshll.u32 v3, $0x2  }
0x283: {  	v3 =	vand.u32 $0x7, v3;
	v4 =	vand.u32 $0xFFFFFFE0, v15  }
0x284: {  	v3 =	vor.u32 v3, v4  }
0x285: {  	v4 =	vperm.xlane v3, v0;
	_ =	sdelay $0x1  }
0x286: {  	v4 =	vadd.s32 v1, v4;
	_ =	sdelay $0x1  }
0x287: {  	v3 =	vperm.xlane v3, v2;
	_ =	sdelay $0x1  }
0x288: {  	s31 =	simm.s32 $0x18400;
	v3 =	vadd.s32 v1, v3  }
0x289: {  	[hbm4b:s4+s6] =	stream.indirect_vreg.scatter [tilespmem:s31], [sflag:$0x5], $0x80, v4, vm0, $0xb8;
	[tilespmem:$0x1A400] =	vst v63  }
0x28a: {  	s23 =	simm.s32 $0x18C00  }
0x28b: {  	[hbm4b:s12+s6] =	stream.indirect_vreg.scatter [tilespmem:s23], [sflag:$0x5], $0x80, v4, vm0, $0xb8;
	[tilespmem:$0x1A400] =	vst v63  }
0x28c: {  	s25 =	simm.s32 $0x19400  }
0x28d: {  	[hbm4b:s4+s6] =	stream.indirect_vreg.scatter [tilespmem:s25], [sflag:$0x5], $0x80, v3, vm0, $0xb8;
	[tilespmem:$0x1A400] =	vst v63  }
0x28e: {  	s24 =	simm.s32 $0x19C00;
	s26 =	simm.s32 $0x1  }
0x28f: {  	[hbm4b:s12+s6] =	stream.indirect_vreg.scatter [tilespmem:s24], [sflag:$0x5], $0x80, v3, vm0, $0xb8;
	[tilespmem:$0x1A400] =	vst v63  }
0x290: {  	_ =	swait.ge [sflag:s26], $0x2000  }
0x291: {  	[sflag:s26] =	ssyncset.done $0x0  }
0x292: {  	s28 =	simm.s32 $0x2;
	s31 =	rddreg [dreg:$0xa];
	[sflag:s26] =	ssyncadd.s32 $0xFFFFE000  }
0x293: {  	[tilespmem:s0], [sflag:$0x6] =	stream.indirect.gather [hbm4b:s30+s1], $0x80, s31, s1, $0xb8;
	[tilespmem:$0x1A400] =	vst v63  }
0x294: {  	_ =	swait.ge [sflag:s28], $0x4000  }
0x295: {  	[sflag:s28] =	ssyncset.done $0x0  }
0x296: {  	[sflag:s28] =	ssyncadd.s32 $0xFFFFC000  }
0x297: {  	v3 =	vld [tilespmem:$0x300];
	_ =	sdelay $0x4  }
0x298: {  	v16 =	vshll.u32 v3, $0x1  }
0x299: {  	v3 =	vand.u32 $0x7, v3;
	v4 =	vand.u32 $0xFFFFFFF0, v16  }
0x29a: {  	v3 =	vor.u32 v3, v4  }
0x29b: {  	v4 =	vperm.xlane v3, v0;
	_ =	sdelay $0x1  }
0x29c: {  	v3 =	vperm.xlane v3, v2;
	v4 =	vadd.s32 v1, v4;
	_ =	sdelay $0x1  }
0x29d: {  	v3 =	vadd.s32 v1, v3;
	_ =	sdelay $0x1  }
0x29e: {  	s25 =	simm.s32 $0x2400  }
0x29f: {  	[tilespmem:s25], [sflag:$0x7] =	stream.indirect_vreg.gather [hbm4b:s8+s6], $0x80, v4, vm0, $0xb8;
	[tilespmem:$0x1A400] =	vst v63  }
0x2a0: {  	s26 =	simm.s32 $0x2C00  }
0x2a1: {  	[tilespmem:s26], [sflag:$0x7] =	stream.indirect_vreg.gather [hbm4b:s8+s6], $0x80, v3, vm0, $0xb8;
	[tilespmem:$0x1A400] =	vst v63  }
0x2a2: {  	v3 =	vld [tilespmem:$0x310];
	_ =	sdelay $0x4  }
0x2a3: {  	v17 =	vshll.u32 v3, $0x1  }
0x2a4: {  	v3 =	vand.u32 $0x7, v3;
	v4 =	vand.u32 $0xFFFFFFF0, v17  }
0x2a5: {  	v3 =	vor.u32 v3, v4  }
0x2a6: {  	v4 =	vperm.xlane v3, v0;
	_ =	sdelay $0x1  }
0x2a7: {  	v3 =	vperm.xlane v3, v2;
	v4 =	vadd.s32 v1, v4;
	_ =	sdelay $0x1  }
0x2a8: {  	v3 =	vadd.s32 v1, v3;
	_ =	sdelay $0x2  }
0x2a9: {  	[tilespmem:s16], [sflag:$0x7] =	stream.indirect_vreg.gather [hbm4b:s8+s6], $0x80, v4, vm0, $0xb8;
	[tilespmem:$0x1A400] =	vst v63  }
0x2aa: {  	_ = 	snop  }
0x2ab: {  	[tilespmem:s18], [sflag:$0x7] =	stream.indirect_vreg.gather [hbm4b:s8+s6], $0x80, v3, vm0, $0xb8;
	[tilespmem:$0x1A400] =	vst v63  }
0x2ac: {  	v3 =	vld [tilespmem:$0x320];
	_ =	sdelay $0x4  }
0x2ad: {  	v18 =	vshll.u32 v3, $0x1  }
0x2ae: {  	v3 =	vand.u32 $0x7, v3;
	v4 =	vand.u32 $0xFFFFFFF0, v18  }
0x2af: {  	v3 =	vor.u32 v3, v4  }
0x2b0: {  	v4 =	vperm.xlane v3, v0;
	_ =	sdelay $0x1  }
0x2b1: {  	v3 =	vperm.xlane v3, v2;
	v4 =	vadd.s32 v1, v4;
	_ =	sdelay $0x1  }
0x2b2: {  	v3 =	vadd.s32 v1, v3;
	_ =	sdelay $0x2  }
0x2b3: {  	[tilespmem:s20], [sflag:$0x7] =	stream.indirect_vreg.gather [hbm4b:s8+s6], $0x80, v4, vm0, $0xb8;
	[tilespmem:$0x1A400] =	vst v63  }
0x2b4: {  	_ = 	snop  }
0x2b5: {  	[tilespmem:s21], [sflag:$0x7] =	stream.indirect_vreg.gather [hbm4b:s8+s6], $0x80, v3, vm0, $0xb8;
	[tilespmem:$0x1A400] =	vst v63  }
0x2b6: {  	v3 =	vld [tilespmem:$0x330];
	_ =	sdelay $0x4  }
0x2b7: {  	v19 =	vshll.u32 v3, $0x1  }
0x2b8: {  	v3 =	vand.u32 $0x7, v3;
	v4 =	vand.u32 $0xFFFFFFF0, v19  }
0x2b9: {  	v3 =	vor.u32 v3, v4  }
0x2ba: {  	v4 =	vperm.xlane v3, v0;
	_ =	sdelay $0x1  }
0x2bb: {  	v3 =	vperm.xlane v3, v2;
	v4 =	vadd.s32 v1, v4;
	_ =	sdelay $0x1  }
0x2bc: {  	v3 =	vadd.s32 v1, v3;
	_ =	sdelay $0x2  }
0x2bd: {  	[tilespmem:s22], [sflag:$0x7] =	stream.indirect_vreg.gather [hbm4b:s8+s6], $0x80, v4, vm0, $0xb8;
	[tilespmem:$0x1A400] =	vst v63  }
0x2be: {  	s29 =	simm.s32 $0x3  }
0x2bf: {  	[tilespmem:s17], [sflag:$0x7] =	stream.indirect_vreg.gather [hbm4b:s8+s6], $0x80, v3, vm0, $0xb8;
	[tilespmem:$0x1A400] =	vst v63  }
0x2c0: {  	_ =	swait.ge [sflag:s29], $0x4000  }
0x2c1: {  	[sflag:s29] =	ssyncset.done $0x0  }
0x2c2: {  	[sflag:s29] =	ssyncadd.s32 $0xFFFFC000  }
0x2c3: {  	v3 =	vld [tilespmem:$0x300];
	_ =	sdelay $0x4  }
0x2c4: {  	v20 =	vshll.u32 v3, $0x1  }
0x2c5: {  	v3 =	vand.u32 $0x7, v3;
	v4 =	vand.u32 $0xFFFFFFF0, v20  }
0x2c6: {  	v3 =	vor.u32 v3, v4  }
0x2c7: {  	v4 =	vperm.xlane v3, v0;
	_ =	sdelay $0x1  }
0x2c8: {  	v3 =	vperm.xlane v3, v2;
	v4 =	vadd.s32 v1, v4;
	_ =	sdelay $0x1  }
0x2c9: {  	v3 =	vadd.s32 v1, v3;
	_ =	sdelay $0x1  }
0x2ca: {  	s22 =	simm.s32 $0x6400  }
0x2cb: {  	[tilespmem:s22], [sflag:$0x8] =	stream.indirect_vreg.gather [hbm4b:s9+s6], $0x80, v4, vm0, $0xb8;
	[tilespmem:$0x1A400] =	vst v63  }
0x2cc: {  	s24 =	simm.s32 $0x6C00  }
0x2cd: {  	[tilespmem:s24], [sflag:$0x8] =	stream.indirect_vreg.gather [hbm4b:s9+s6], $0x80, v3, vm0, $0xb8;
	[tilespmem:$0x1A400] =	vst v63  }
0x2ce: {  	v3 =	vld [tilespmem:$0x310];
	_ =	sdelay $0x4  }
0x2cf: {  	v21 =	vshll.u32 v3, $0x1  }
0x2d0: {  	v3 =	vand.u32 $0x7, v3;
	v4 =	vand.u32 $0xFFFFFFF0, v21  }
0x2d1: {  	v3 =	vor.u32 v3, v4  }
0x2d2: {  	v4 =	vperm.xlane v3, v0;
	_ =	sdelay $0x1  }
0x2d3: {  	v3 =	vperm.xlane v3, v2;
	v4 =	vadd.s32 v1, v4;
	_ =	sdelay $0x1  }
0x2d4: {  	v3 =	vadd.s32 v1, v3;
	_ =	sdelay $0x1  }
0x2d5: {  	s28 =	simm.s32 $0x7400  }
0x2d6: {  	[tilespmem:s28], [sflag:$0x8] =	stream.indirect_vreg.gather [hbm4b:s9+s6], $0x80, v4, vm0, $0xb8;
	[tilespmem:$0x1A400] =	vst v63  }
0x2d7: {  	_ = 	snop  }
0x2d8: {  	[tilespmem:s13], [sflag:$0x8] =	stream.indirect_vreg.gather [hbm4b:s9+s6], $0x80, v3, vm0, $0xb8;
	[tilespmem:$0x1A400] =	vst v63  }
0x2d9: {  	v3 =	vld [tilespmem:$0x320];
	_ =	sdelay $0x4  }
0x2da: {  	v22 =	vshll.u32 v3, $0x1  }
0x2db: {  	v3 =	vand.u32 $0x7, v3;
	v4 =	vand.u32 $0xFFFFFFF0, v22  }
0x2dc: {  	v3 =	vor.u32 v3, v4  }
0x2dd: {  	v4 =	vperm.xlane v3, v0;
	_ =	sdelay $0x1  }
0x2de: {  	v3 =	vperm.xlane v3, v2;
	v4 =	vadd.s32 v1, v4;
	_ =	sdelay $0x1  }
0x2df: {  	v3 =	vadd.s32 v1, v3;
	_ =	sdelay $0x2  }
0x2e0: {  	[tilespmem:s5], [sflag:$0x8] =	stream.indirect_vreg.gather [hbm4b:s9+s6], $0x80, v4, vm0, $0xb8;
	[tilespmem:$0x1A400] =	vst v63  }
0x2e1: {  	_ = 	snop  }
0x2e2: {  	[tilespmem:s14], [sflag:$0x8] =	stream.indirect_vreg.gather [hbm4b:s9+s6], $0x80, v3, vm0, $0xb8;
	[tilespmem:$0x1A400] =	vst v63  }
0x2e3: {  	v3 =	vld [tilespmem:$0x330];
	_ =	sdelay $0x4  }
0x2e4: {  	v23 =	vshll.u32 v3, $0x1  }
0x2e5: {  	v3 =	vand.u32 $0x7, v3;
	v4 =	vand.u32 $0xFFFFFFF0, v23  }
0x2e6: {  	v3 =	vor.u32 v3, v4  }
0x2e7: {  	v4 =	vperm.xlane v3, v0;
	_ =	sdelay $0x1  }
0x2e8: {  	v3 =	vperm.xlane v3, v2;
	v4 =	vadd.s32 v1, v4;
	_ =	sdelay $0x1  }
0x2e9: {  	v3 =	vadd.s32 v1, v3;
	_ =	sdelay $0x2  }
0x2ea: {  	[tilespmem:s7], [sflag:$0x8] =	stream.indirect_vreg.gather [hbm4b:s9+s6], $0x80, v4, vm0, $0xb8;
	[tilespmem:$0x1A400] =	vst v63  }
0x2eb: {  	s29 =	simm.s32 $0x4  }
0x2ec: {  	[tilespmem:s15], [sflag:$0x8] =	stream.indirect_vreg.gather [hbm4b:s9+s6], $0x80, v3, vm0, $0xb8;
	[tilespmem:$0x1A400] =	vst v63  }
0x2ed: {  	_ =	swait.ge [sflag:s29], $0x8000  }
0x2ee: {  	[sflag:s29] =	ssyncset.done $0x0  }
0x2ef: {  	[sflag:s29] =	ssyncadd.s32 $0xFFFF8000  }
0x2f0: {  	v3 =	vld [tilespmem:$0x300];
	_ =	sdelay $0x4  }
0x2f1: {  	v24 =	vshll.u32 v3, $0x2  }
0x2f2: {  	v3 =	vand.u32 $0x7, v3;
	v4 =	vand.u32 $0xFFFFFFE0, v24  }
0x2f3: {  	v3 =	vor.u32 v3, v4  }
0x2f4: {  	v4 =	vperm.xlane v3, v0;
	_ =	sdelay $0x1  }
0x2f5: {  	v4 =	vadd.s32 v1, v4;
	_ =	sdelay $0x1  }
0x2f6: {  	v3 =	vperm.xlane v3, v2;
	_ =	sdelay $0x1  }
0x2f7: {  	s28 =	simm.s32 $0xA400;
	v3 =	vadd.s32 v1, v3  }
0x2f8: {  	[tilespmem:s28], [sflag:$0x9] =	stream.indirect_vreg.gather [hbm4b:s10+s6], $0x80, v4, vm0, $0xb8;
	[tilespmem:$0x1A400] =	vst v63  }
0x2f9: {  	s29 =	simm.s32 $0xAC00  }
0x2fa: {  	[tilespmem:s29], [sflag:$0x9] =	stream.indirect_vreg.gather [hbm4b:s11+s6], $0x80, v4, vm0, $0xb8;
	[tilespmem:$0x1A400] =	vst v63  }
0x2fb: {  	s15 =	simm.s32 $0xB400  }
0x2fc: {  	[tilespmem:s15], [sflag:$0x9] =	stream.indirect_vreg.gather [hbm4b:s10+s6], $0x80, v3, vm0, $0xb8;
	[tilespmem:$0x1A400] =	vst v63  }
0x2fd: {  	s21 =	simm.s32 $0xBC00  }
0x2fe: {  	[tilespmem:s21], [sflag:$0x9] =	stream.indirect_vreg.gather [hbm4b:s11+s6], $0x80, v3, vm0, $0xb8;
	[tilespmem:$0x1A400] =	vst v63  }
0x2ff: {  	v3 =	vld [tilespmem:$0x310];
	_ =	sdelay $0x4  }
0x300: {  	v25 =	vshll.u32 v3, $0x2  }
0x301: {  	v3 =	vand.u32 $0x7, v3;
	v4 =	vand.u32 $0xFFFFFFE0, v25  }
0x302: {  	v3 =	vor.u32 v3, v4  }
0x303: {  	v4 =	vperm.xlane v3, v0;
	_ =	sdelay $0x1  }
0x304: {  	v4 =	vadd.s32 v1, v4;
	_ =	sdelay $0x1  }
0x305: {  	v3 =	vperm.xlane v3, v2;
	_ =	sdelay $0x1  }
0x306: {  	s22 =	simm.s32 $0xC400;
	v3 =	vadd.s32 v1, v3  }
0x307: {  	[tilespmem:s22], [sflag:$0x9] =	stream.indirect_vreg.gather [hbm4b:s10+s6], $0x80, v4, vm0, $0xb8;
	[tilespmem:$0x1A400] =	vst v63  }
0x308: {  	s23 =	smov.u32 s30;
	s30 =	simm.s32 $0xCC00  }
0x309: {  	[tilespmem:s30], [sflag:$0x9] =	stream.indirect_vreg.gather [hbm4b:s11+s6], $0x80, v4, vm0, $0xb8;
	[tilespmem:$0x1A400] =	vst v63  }
0x30a: {  	s5 =	simm.s32 $0xD400  }
0x30b: {  	[tilespmem:s5], [sflag:$0x9] =	stream.indirect_vreg.gather [hbm4b:s10+s6], $0x80, v3, vm0, $0xb8;
	[tilespmem:$0x1A400] =	vst v63  }
0x30c: {  	s24 =	simm.s32 $0xDC00  }
0x30d: {  	[tilespmem:s24], [sflag:$0x9] =	stream.indirect_vreg.gather [hbm4b:s11+s6], $0x80, v3, vm0, $0xb8;
	[tilespmem:$0x1A400] =	vst v63  }
0x30e: {  	v3 =	vld [tilespmem:$0x320];
	_ =	sdelay $0x4  }
0x30f: {  	v26 =	vshll.u32 v3, $0x2  }
0x310: {  	v3 =	vand.u32 $0x7, v3;
	v4 =	vand.u32 $0xFFFFFFE0, v26  }
0x311: {  	v3 =	vor.u32 v3, v4  }
0x312: {  	v4 =	vperm.xlane v3, v0;
	_ =	sdelay $0x1  }
0x313: {  	v4 =	vadd.s32 v1, v4;
	_ =	sdelay $0x1  }
0x314: {  	v3 =	vperm.xlane v3, v2;
	_ =	sdelay $0x1  }
0x315: {  	s7 =	simm.s32 $0xE400;
	v3 =	vadd.s32 v1, v3  }
0x316: {  	[tilespmem:s7], [sflag:$0x9] =	stream.indirect_vreg.gather [hbm4b:s10+s6], $0x80, v4, vm0, $0xb8;
	[tilespmem:$0x1A400] =	vst v63  }
0x317: {  	s13 =	simm.s32 $0xEC00  }
0x318: {  	[tilespmem:s13], [sflag:$0x9] =	stream.indirect_vreg.gather [hbm4b:s11+s6], $0x80, v4, vm0, $0xb8;
	[tilespmem:$0x1A400] =	vst v63  }
0x319: {  	s14 =	simm.s32 $0xF400  }
0x31a: {  	[tilespmem:s14], [sflag:$0x9] =	stream.indirect_vreg.gather [hbm4b:s10+s6], $0x80, v3, vm0, $0xb8;
	[tilespmem:$0x1A400] =	vst v63  }
0x31b: {  	s30 =	simm.s32 $0xFC00  }
0x31c: {  	[tilespmem:s30], [sflag:$0x9] =	stream.indirect_vreg.gather [hbm4b:s11+s6], $0x80, v3, vm0, $0xb8;
	[tilespmem:$0x1A400] =	vst v63  }
0x31d: {  	v3 =	vld [tilespmem:$0x330];
	_ =	sdelay $0x4  }
0x31e: {  	v27 =	vshll.u32 v3, $0x2  }
0x31f: {  	v3 =	vand.u32 $0x7, v3;
	v4 =	vand.u32 $0xFFFFFFE0, v27  }
0x320: {  	v3 =	vor.u32 v3, v4  }
0x321: {  	v4 =	vperm.xlane v3, v0;
	_ =	sdelay $0x1  }
0x322: {  	v4 =	vadd.s32 v1, v4;
	_ =	sdelay $0x1  }
0x323: {  	v3 =	vperm.xlane v3, v2;
	_ =	sdelay $0x1  }
0x324: {  	s16 =	simm.s32 $0x10400;
	v3 =	vadd.s32 v1, v3  }
0x325: {  	[tilespmem:s16], [sflag:$0x9] =	stream.indirect_vreg.gather [hbm4b:s10+s6], $0x80, v4, vm0, $0xb8;
	[tilespmem:$0x1A400] =	vst v63  }
0x326: {  	s17 =	simm.s32 $0x10C00  }
0x327: {  	[tilespmem:s17], [sflag:$0x9] =	stream.indirect_vreg.gather [hbm4b:s11+s6], $0x80, v4, vm0, $0xb8;
	[tilespmem:$0x1A400] =	vst v63  }
0x328: {  	s18 =	simm.s32 $0x11400  }
0x329: {  	[tilespmem:s18], [sflag:$0x9] =	stream.indirect_vreg.gather [hbm4b:s10+s6], $0x80, v3, vm0, $0xb8;
	[tilespmem:$0x1A400] =	vst v63  }
0x32a: {  	s31 =	simm.s32 $0x6;
	s20 =	simm.s32 $0x11C00  }
0x32b: {  	[tilespmem:s20], [sflag:$0x9] =	stream.indirect_vreg.gather [hbm4b:s11+s6], $0x80, v3, vm0, $0xb8;
	[tilespmem:$0x1A400] =	vst v63  }
0x32c: {  	_ =	swait.ge [sflag:s31], $0x2000  }
0x32d: {  	[sflag:s31] =	ssyncset.done $0x0  }
0x32e: {  	s19 =	rddreg [dreg:$0xb];
	[sflag:s31] =	ssyncadd.s32 $0xFFFFE000  }
0x32f: {  	s1 =	simm.s32 $0x40;
	s31 =	simm.s32 $0x400;
	s0 =	rddreg [dreg:$0x1]  }
0x330: {  	[hbm4b:s0+s1] =	stream.indirect.scatter [tilespmem:s31], [sflag:$0x1], $0x80, s19, s1, $0xb8;
	[tilespmem:$0x1A400] =	vst v63  }
0x331: {  	s1 =	simm.s32 $0x7  }
0x332: {  	_ =	swait.ge [sflag:s1], $0x4000  }
0x333: {  	[sflag:s1] =	ssyncset.done $0x0  }
0x334: {  	[sflag:s1] =	ssyncadd.s32 $0xFFFFC000  }
0x335: {  	v3 =	vld [tilespmem:$0x100];
	_ =	sdelay $0x4  }
0x336: {  	v28 =	vshll.u32 v3, $0x1  }
0x337: {  	v3 =	vand.u32 $0x7, v3;
	v4 =	vand.u32 $0xFFFFFFF0, v28  }
0x338: {  	v3 =	vor.u32 v3, v4  }
0x339: {  	v4 =	vperm.xlane v3, v0;
	_ =	sdelay $0x1  }
0x33a: {  	v3 =	vperm.xlane v3, v2;
	v4 =	vadd.s32 v1, v4;
	_ =	sdelay $0x1  }
0x33b: {  	v3 =	vadd.s32 v1, v3;
	_ =	sdelay $0x2  }
0x33c: {  	[hbm4b:s2+s6] =	stream.indirect_vreg.scatter [tilespmem:s25], [sflag:$0x2], $0x80, v4, vm0, $0xb8;
	[tilespmem:$0x1A400] =	vst v63  }
0x33d: {  	_ = 	snop  }
0x33e: {  	[hbm4b:s2+s6] =	stream.indirect_vreg.scatter [tilespmem:s26], [sflag:$0x2], $0x80, v3, vm0, $0xb8;
	[tilespmem:$0x1A400] =	vst v63  }
0x33f: {  	v3 =	vld [tilespmem:$0x110];
	_ =	sdelay $0x4  }
0x340: {  	v29 =	vshll.u32 v3, $0x1  }
0x341: {  	v3 =	vand.u32 $0x7, v3;
	v4 =	vand.u32 $0xFFFFFFF0, v29  }
0x342: {  	v3 =	vor.u32 v3, v4  }
0x343: {  	v4 =	vperm.xlane v3, v0;
	_ =	sdelay $0x1  }
0x344: {  	v3 =	vperm.xlane v3, v2;
	v4 =	vadd.s32 v1, v4;
	_ =	sdelay $0x1  }
0x345: {  	v3 =	vadd.s32 v1, v3;
	_ =	sdelay $0x1  }
0x346: {  	s19 =	simm.s32 $0x3400  }
0x347: {  	[hbm4b:s2+s6] =	stream.indirect_vreg.scatter [tilespmem:s19], [sflag:$0x2], $0x80, v4, vm0, $0xb8;
	[tilespmem:$0x1A400] =	vst v63  }
0x348: {  	s25 =	simm.s32 $0x3C00  }
0x349: {  	[hbm4b:s2+s6] =	stream.indirect_vreg.scatter [tilespmem:s25], [sflag:$0x2], $0x80, v3, vm0, $0xb8;
	[tilespmem:$0x1A400] =	vst v63  }
0x34a: {  	v3 =	vld [tilespmem:$0x120];
	_ =	sdelay $0x4  }
0x34b: {  	v30 =	vshll.u32 v3, $0x1  }
0x34c: {  	v3 =	vand.u32 $0x7, v3;
	v4 =	vand.u32 $0xFFFFFFF0, v30  }
0x34d: {  	v3 =	vor.u32 v3, v4  }
0x34e: {  	v4 =	vperm.xlane v3, v0;
	_ =	sdelay $0x1  }
0x34f: {  	v3 =	vperm.xlane v3, v2;
	v4 =	vadd.s32 v1, v4;
	_ =	sdelay $0x1  }
0x350: {  	v3 =	vadd.s32 v1, v3;
	_ =	sdelay $0x1  }
0x351: {  	s26 =	simm.s32 $0x4400  }
0x352: {  	[hbm4b:s2+s6] =	stream.indirect_vreg.scatter [tilespmem:s26], [sflag:$0x2], $0x80, v4, vm0, $0xb8;
	[tilespmem:$0x1A400] =	vst v63  }
0x353: {  	s31 =	simm.s32 $0x4C00  }
0x354: {  	[hbm4b:s2+s6] =	stream.indirect_vreg.scatter [tilespmem:s31], [sflag:$0x2], $0x80, v3, vm0, $0xb8;
	[tilespmem:$0x1A400] =	vst v63  }
0x355: {  	v3 =	vld [tilespmem:$0x130];
	_ =	sdelay $0x4  }
0x356: {  	v31 =	vshll.u32 v3, $0x1  }
0x357: {  	v3 =	vand.u32 $0x7, v3;
	v4 =	vand.u32 $0xFFFFFFF0, v31  }
0x358: {  	v3 =	vor.u32 v3, v4  }
0x359: {  	v4 =	vperm.xlane v3, v0;
	_ =	sdelay $0x1  }
0x35a: {  	v3 =	vperm.xlane v3, v2;
	v4 =	vadd.s32 v1, v4;
	_ =	sdelay $0x1  }
0x35b: {  	v3 =	vadd.s32 v1, v3;
	_ =	sdelay $0x1  }
0x35c: {  	s1 =	simm.s32 $0x5400  }
0x35d: {  	[hbm4b:s2+s6] =	stream.indirect_vreg.scatter [tilespmem:s1], [sflag:$0x2], $0x80, v4, vm0, $0xb8;
	[tilespmem:$0x1A400] =	vst v63  }
0x35e: {  	s19 =	simm.s32 $0x5C00;
	s25 =	simm.s32 $0x8  }
0x35f: {  	[hbm4b:s2+s6] =	stream.indirect_vreg.scatter [tilespmem:s19], [sflag:$0x2], $0x80, v3, vm0, $0xb8;
	[tilespmem:$0x1A400] =	vst v63  }
0x360: {  	_ =	swait.ge [sflag:s25], $0x4000  }
0x361: {  	[sflag:s25] =	ssyncset.done $0x0  }
0x362: {  	[sflag:s25] =	ssyncadd.s32 $0xFFFFC000  }
0x363: {  	v3 =	vld [tilespmem:$0x100];
	_ =	sdelay $0x4  }
0x364: {  	v32 =	vshll.u32 v3, $0x1  }
0x365: {  	v3 =	vand.u32 $0x7, v3;
	v4 =	vand.u32 $0xFFFFFFF0, v32  }
0x366: {  	v3 =	vor.u32 v3, v4  }
0x367: {  	v4 =	vperm.xlane v3, v0;
	_ =	sdelay $0x1  }
0x368: {  	v3 =	vperm.xlane v3, v2;
	v4 =	vadd.s32 v1, v4;
	_ =	sdelay $0x1  }
0x369: {  	v3 =	vadd.s32 v1, v3;
	_ =	sdelay $0x1  }
0x36a: {  	s25 =	simm.s32 $0x6400  }
0x36b: {  	[hbm4b:s3+s6] =	stream.indirect_vreg.scatter [tilespmem:s25], [sflag:$0x3], $0x80, v4, vm0, $0xb8;
	[tilespmem:$0x1A400] =	vst v63  }
0x36c: {  	s26 =	simm.s32 $0x6C00  }
0x36d: {  	[hbm4b:s3+s6] =	stream.indirect_vreg.scatter [tilespmem:s26], [sflag:$0x3], $0x80, v3, vm0, $0xb8;
	[tilespmem:$0x1A400] =	vst v63  }
0x36e: {  	v3 =	vld [tilespmem:$0x110];
	_ =	sdelay $0x4  }
0x36f: {  	v33 =	vshll.u32 v3, $0x1  }
0x370: {  	v3 =	vand.u32 $0x7, v3;
	v4 =	vand.u32 $0xFFFFFFF0, v33  }
0x371: {  	v3 =	vor.u32 v3, v4  }
0x372: {  	v4 =	vperm.xlane v3, v0;
	_ =	sdelay $0x1  }
0x373: {  	v3 =	vperm.xlane v3, v2;
	v4 =	vadd.s32 v1, v4;
	_ =	sdelay $0x1  }
0x374: {  	v3 =	vadd.s32 v1, v3;
	_ =	sdelay $0x1  }
0x375: {  	s0 =	simm.s32 $0x7400  }
0x376: {  	[hbm4b:s3+s6] =	stream.indirect_vreg.scatter [tilespmem:s0], [sflag:$0x3], $0x80, v4, vm0, $0xb8;
	[tilespmem:$0x1A400] =	vst v63  }
0x377: {  	s31 =	simm.s32 $0x7C00  }
0x378: {  	[hbm4b:s3+s6] =	stream.indirect_vreg.scatter [tilespmem:s31], [sflag:$0x3], $0x80, v3, vm0, $0xb8;
	[tilespmem:$0x1A400] =	vst v63  }
0x379: {  	v3 =	vld [tilespmem:$0x120];
	_ =	sdelay $0x4  }
0x37a: {  	v34 =	vshll.u32 v3, $0x1  }
0x37b: {  	v3 =	vand.u32 $0x7, v3;
	v4 =	vand.u32 $0xFFFFFFF0, v34  }
0x37c: {  	v3 =	vor.u32 v3, v4  }
0x37d: {  	v4 =	vperm.xlane v3, v0;
	_ =	sdelay $0x1  }
0x37e: {  	v3 =	vperm.xlane v3, v2;
	v4 =	vadd.s32 v1, v4;
	_ =	sdelay $0x1  }
0x37f: {  	v3 =	vadd.s32 v1, v3;
	_ =	sdelay $0x1  }
0x380: {  	s31 =	simm.s32 $0x8400  }
0x381: {  	[hbm4b:s3+s6] =	stream.indirect_vreg.scatter [tilespmem:s31], [sflag:$0x3], $0x80, v4, vm0, $0xb8;
	[tilespmem:$0x1A400] =	vst v63  }
0x382: {  	s1 =	simm.s32 $0x8C00  }
0x383: {  	[hbm4b:s3+s6] =	stream.indirect_vreg.scatter [tilespmem:s1], [sflag:$0x3], $0x80, v3, vm0, $0xb8;
	[tilespmem:$0x1A400] =	vst v63  }
0x384: {  	v3 =	vld [tilespmem:$0x130];
	_ =	sdelay $0x4  }
0x385: {  	v35 =	vshll.u32 v3, $0x1  }
0x386: {  	v3 =	vand.u32 $0x7, v3;
	v4 =	vand.u32 $0xFFFFFFF0, v35  }
0x387: {  	v3 =	vor.u32 v3, v4  }
0x388: {  	v4 =	vperm.xlane v3, v0;
	_ =	sdelay $0x1  }
0x389: {  	v3 =	vperm.xlane v3, v2;
	v4 =	vadd.s32 v1, v4;
	_ =	sdelay $0x1  }
0x38a: {  	v3 =	vadd.s32 v1, v3;
	_ =	sdelay $0x1  }
0x38b: {  	s26 =	simm.s32 $0x9400  }
0x38c: {  	[hbm4b:s3+s6] =	stream.indirect_vreg.scatter [tilespmem:s26], [sflag:$0x3], $0x80, v4, vm0, $0xb8;
	[tilespmem:$0x1A400] =	vst v63  }
0x38d: {  	s1 =	simm.s32 $0x9;
	s26 =	simm.s32 $0x9C00  }
0x38e: {  	[hbm4b:s3+s6] =	stream.indirect_vreg.scatter [tilespmem:s26], [sflag:$0x3], $0x80, v3, vm0, $0xb8;
	[tilespmem:$0x1A400] =	vst v63  }
0x38f: {  	_ =	swait.ge [sflag:s1], $0x8000  }
0x390: {  	[sflag:s1] =	ssyncset.done $0x0  }
0x391: {  	[sflag:s1] =	ssyncadd.s32 $0xFFFF8000  }
0x392: {  	v3 =	vld [tilespmem:$0x100];
	_ =	sdelay $0x4  }
0x393: {  	v36 =	vshll.u32 v3, $0x2  }
0x394: {  	v3 =	vand.u32 $0x7, v3;
	v4 =	vand.u32 $0xFFFFFFE0, v36  }
0x395: {  	v3 =	vor.u32 v3, v4  }
0x396: {  	v4 =	vperm.xlane v3, v0;
	_ =	sdelay $0x1  }
0x397: {  	v4 =	vadd.s32 v1, v4;
	_ =	sdelay $0x1  }
0x398: {  	v3 =	vperm.xlane v3, v2;
	_ =	sdelay $0x1  }
0x399: {  	v3 =	vadd.s32 v1, v3  }
0x39a: {  	[hbm4b:s4+s6] =	stream.indirect_vreg.scatter [tilespmem:s28], [sflag:$0x4], $0x80, v4, vm0, $0xb8;
	[tilespmem:$0x1A400] =	vst v63  }
0x39b: {  	_ = 	snop  }
0x39c: {  	[hbm4b:s12+s6] =	stream.indirect_vreg.scatter [tilespmem:s29], [sflag:$0x4], $0x80, v4, vm0, $0xb8;
	[tilespmem:$0x1A400] =	vst v63  }
0x39d: {  	_ = 	snop  }
0x39e: {  	[hbm4b:s4+s6] =	stream.indirect_vreg.scatter [tilespmem:s15], [sflag:$0x4], $0x80, v3, vm0, $0xb8;
	[tilespmem:$0x1A400] =	vst v63  }
0x39f: {  	_ = 	snop  }
0x3a0: {  	[hbm4b:s12+s6] =	stream.indirect_vreg.scatter [tilespmem:s21], [sflag:$0x4], $0x80, v3, vm0, $0xb8;
	[tilespmem:$0x1A400] =	vst v63  }
0x3a1: {  	v3 =	vld [tilespmem:$0x110];
	_ =	sdelay $0x4  }
0x3a2: {  	v37 =	vshll.u32 v3, $0x2  }
0x3a3: {  	v3 =	vand.u32 $0x7, v3;
	v4 =	vand.u32 $0xFFFFFFE0, v37  }
0x3a4: {  	v3 =	vor.u32 v3, v4  }
0x3a5: {  	v4 =	vperm.xlane v3, v0;
	_ =	sdelay $0x1  }
0x3a6: {  	v4 =	vadd.s32 v1, v4;
	_ =	sdelay $0x1  }
0x3a7: {  	v3 =	vperm.xlane v3, v2;
	_ =	sdelay $0x1  }
0x3a8: {  	v3 =	vadd.s32 v1, v3  }
0x3a9: {  	[hbm4b:s4+s6] =	stream.indirect_vreg.scatter [tilespmem:s22], [sflag:$0x4], $0x80, v4, vm0, $0xb8;
	[tilespmem:$0x1A400] =	vst v63  }
0x3aa: {  	s28 =	simm.s32 $0xCC00  }
0x3ab: {  	[hbm4b:s12+s6] =	stream.indirect_vreg.scatter [tilespmem:s28], [sflag:$0x4], $0x80, v4, vm0, $0xb8;
	[tilespmem:$0x1A400] =	vst v63  }
0x3ac: {  	_ = 	snop  }
0x3ad: {  	[hbm4b:s4+s6] =	stream.indirect_vreg.scatter [tilespmem:s5], [sflag:$0x4], $0x80, v3, vm0, $0xb8;
	[tilespmem:$0x1A400] =	vst v63  }
0x3ae: {  	_ = 	snop  }
0x3af: {  	[hbm4b:s12+s6] =	stream.indirect_vreg.scatter [tilespmem:s24], [sflag:$0x4], $0x80, v3, vm0, $0xb8;
	[tilespmem:$0x1A400] =	vst v63  }
0x3b0: {  	v3 =	vld [tilespmem:$0x120];
	_ =	sdelay $0x4  }
0x3b1: {  	v38 =	vshll.u32 v3, $0x2  }
0x3b2: {  	v3 =	vand.u32 $0x7, v3;
	v4 =	vand.u32 $0xFFFFFFE0, v38  }
0x3b3: {  	v3 =	vor.u32 v3, v4  }
0x3b4: {  	v4 =	vperm.xlane v3, v0;
	_ =	sdelay $0x1  }
0x3b5: {  	v4 =	vadd.s32 v1, v4;
	_ =	sdelay $0x1  }
0x3b6: {  	v3 =	vperm.xlane v3, v2;
	_ =	sdelay $0x1  }
0x3b7: {  	v3 =	vadd.s32 v1, v3  }
0x3b8: {  	[hbm4b:s4+s6] =	stream.indirect_vreg.scatter [tilespmem:s7], [sflag:$0x4], $0x80, v4, vm0, $0xb8;
	[tilespmem:$0x1A400] =	vst v63  }
0x3b9: {  	_ = 	snop  }
0x3ba: {  	[hbm4b:s12+s6] =	stream.indirect_vreg.scatter [tilespmem:s13], [sflag:$0x4], $0x80, v4, vm0, $0xb8;
	[tilespmem:$0x1A400] =	vst v63  }
0x3bb: {  	_ = 	snop  }
0x3bc: {  	[hbm4b:s4+s6] =	stream.indirect_vreg.scatter [tilespmem:s14], [sflag:$0x4], $0x80, v3, vm0, $0xb8;
	[tilespmem:$0x1A400] =	vst v63  }
0x3bd: {  	_ = 	snop  }
0x3be: {  	[hbm4b:s12+s6] =	stream.indirect_vreg.scatter [tilespmem:s30], [sflag:$0x4], $0x80, v3, vm0, $0xb8;
	[tilespmem:$0x1A400] =	vst v63  }
0x3bf: {  	v3 =	vld [tilespmem:$0x130];
	_ =	sdelay $0x4  }
0x3c0: {  	v39 =	vshll.u32 v3, $0x2  }
0x3c1: {  	v3 =	vand.u32 $0x7, v3;
	v4 =	vand.u32 $0xFFFFFFE0, v39  }
0x3c2: {  	v3 =	vor.u32 v3, v4  }
0x3c3: {  	v4 =	vperm.xlane v3, v0;
	_ =	sdelay $0x1  }
0x3c4: {  	v4 =	vadd.s32 v1, v4;
	_ =	sdelay $0x1  }
0x3c5: {  	v3 =	vperm.xlane v3, v2;
	_ =	sdelay $0x1  }
0x3c6: {  	v3 =	vadd.s32 v1, v3  }
0x3c7: {  	[hbm4b:s4+s6] =	stream.indirect_vreg.scatter [tilespmem:s16], [sflag:$0x4], $0x80, v4, vm0, $0xb8;
	[tilespmem:$0x1A400] =	vst v63  }
0x3c8: {  	_ = 	snop  }
0x3c9: {  	[hbm4b:s12+s6] =	stream.indirect_vreg.scatter [tilespmem:s17], [sflag:$0x4], $0x80, v4, vm0, $0xb8;
	[tilespmem:$0x1A400] =	vst v63  }
0x3ca: {  	_ = 	snop  }
0x3cb: {  	[hbm4b:s4+s6] =	stream.indirect_vreg.scatter [tilespmem:s18], [sflag:$0x4], $0x80, v3, vm0, $0xb8;
	[tilespmem:$0x1A400] =	vst v63  }
0x3cc: {  	s29 =	simm.s32 $0x1  }
0x3cd: {  	[hbm4b:s12+s6] =	stream.indirect_vreg.scatter [tilespmem:s20], [sflag:$0x4], $0x80, v3, vm0, $0xb8;
	[tilespmem:$0x1A400] =	vst v63  }
0x3ce: {  	_ =	swait.ge [sflag:s29], $0x2000  }
0x3cf: {  	s5 =	simm.s32 $0x400;
	s7 =	simm.s32 $0x40;
	[sflag:s29] =	ssyncset.done $0x0  }
0x3d0: {  	s13 =	simm.s32 $0x2;
	s30 =	rddreg [dreg:$0xc];
	[sflag:s29] =	ssyncadd.s32 $0xFFFFE000  }
0x3d1: {  	[tilespmem:s5], [sflag:$0x6] =	stream.indirect.gather [hbm4b:s23+s7], $0x80, s30, s7, $0xb8;
	[tilespmem:$0x1A400] =	vst v63  }
0x3d2: {  	_ =	swait.ge [sflag:s13], $0x4000  }
0x3d3: {  	[sflag:s13] =	ssyncset.done $0x0  }
0x3d4: {  	[sflag:s13] =	ssyncadd.s32 $0xFFFFC000  }
0x3d5: {  	v3 =	vld [tilespmem:$0x380];
	_ =	sdelay $0x4  }
0x3d6: {  	v40 =	vshll.u32 v3, $0x1  }
0x3d7: {  	v3 =	vand.u32 $0x7, v3;
	v4 =	vand.u32 $0xFFFFFFF0, v40  }
0x3d8: {  	v3 =	vor.u32 v3, v4  }
0x3d9: {  	v4 =	vperm.xlane v3, v0;
	_ =	sdelay $0x1  }
0x3da: {  	v3 =	vperm.xlane v3, v2;
	v4 =	vadd.s32 v1, v4;
	_ =	sdelay $0x1  }
0x3db: {  	v3 =	vadd.s32 v1, v3;
	_ =	sdelay $0x1  }
0x3dc: {  	s14 =	simm.s32 $0x2400  }
0x3dd: {  	[tilespmem:s14], [sflag:$0x7] =	stream.indirect_vreg.gather [hbm4b:s8+s6], $0x80, v4, vm0, $0xb8;
	[tilespmem:$0x1A400] =	vst v63  }
0x3de: {  	s15 =	simm.s32 $0x2C00  }
0x3df: {  	[tilespmem:s15], [sflag:$0x7] =	stream.indirect_vreg.gather [hbm4b:s8+s6], $0x80, v3, vm0, $0xb8;
	[tilespmem:$0x1A400] =	vst v63  }
0x3e0: {  	v3 =	vld [tilespmem:$0x390];
	_ =	sdelay $0x4  }
0x3e1: {  	v41 =	vshll.u32 v3, $0x1  }
0x3e2: {  	v3 =	vand.u32 $0x7, v3;
	v4 =	vand.u32 $0xFFFFFFF0, v41  }
0x3e3: {  	v3 =	vor.u32 v3, v4  }
0x3e4: {  	v4 =	vperm.xlane v3, v0;
	_ =	sdelay $0x1  }
0x3e5: {  	v3 =	vperm.xlane v3, v2;
	v4 =	vadd.s32 v1, v4;
	_ =	sdelay $0x1  }
0x3e6: {  	v3 =	vadd.s32 v1, v3;
	_ =	sdelay $0x1  }
0x3e7: {  	s16 =	simm.s32 $0x3400  }
0x3e8: {  	[tilespmem:s16], [sflag:$0x7] =	stream.indirect_vreg.gather [hbm4b:s8+s6], $0x80, v4, vm0, $0xb8;
	[tilespmem:$0x1A400] =	vst v63  }
0x3e9: {  	s17 =	simm.s32 $0x3C00  }
0x3ea: {  	[tilespmem:s17], [sflag:$0x7] =	stream.indirect_vreg.gather [hbm4b:s8+s6], $0x80, v3, vm0, $0xb8;
	[tilespmem:$0x1A400] =	vst v63  }
0x3eb: {  	v3 =	vld [tilespmem:$0x3A0];
	_ =	sdelay $0x4  }
0x3ec: {  	v42 =	vshll.u32 v3, $0x1  }
0x3ed: {  	v3 =	vand.u32 $0x7, v3;
	v4 =	vand.u32 $0xFFFFFFF0, v42  }
0x3ee: {  	v3 =	vor.u32 v3, v4  }
0x3ef: {  	v4 =	vperm.xlane v3, v0;
	_ =	sdelay $0x1  }
0x3f0: {  	v3 =	vperm.xlane v3, v2;
	v4 =	vadd.s32 v1, v4;
	_ =	sdelay $0x1  }
0x3f1: {  	v3 =	vadd.s32 v1, v3;
	_ =	sdelay $0x1  }
0x3f2: {  	s18 =	simm.s32 $0x4400  }
0x3f3: {  	[tilespmem:s18], [sflag:$0x7] =	stream.indirect_vreg.gather [hbm4b:s8+s6], $0x80, v4, vm0, $0xb8;
	[tilespmem:$0x1A400] =	vst v63  }
0x3f4: {  	s19 =	simm.s32 $0x4C00  }
0x3f5: {  	[tilespmem:s19], [sflag:$0x7] =	stream.indirect_vreg.gather [hbm4b:s8+s6], $0x80, v3, vm0, $0xb8;
	[tilespmem:$0x1A400] =	vst v63  }
0x3f6: {  	v3 =	vld [tilespmem:$0x3B0];
	_ =	sdelay $0x4  }
0x3f7: {  	v43 =	vshll.u32 v3, $0x1  }
0x3f8: {  	v3 =	vand.u32 $0x7, v3;
	v4 =	vand.u32 $0xFFFFFFF0, v43  }
0x3f9: {  	v3 =	vor.u32 v3, v4  }
0x3fa: {  	v4 =	vperm.xlane v3, v0;
	_ =	sdelay $0x1  }
0x3fb: {  	v3 =	vperm.xlane v3, v2;
	v4 =	vadd.s32 v1, v4;
	_ =	sdelay $0x1  }
0x3fc: {  	v3 =	vadd.s32 v1, v3;
	_ =	sdelay $0x1  }
0x3fd: {  	s20 =	simm.s32 $0x5400  }
0x3fe: {  	[tilespmem:s20], [sflag:$0x7] =	stream.indirect_vreg.gather [hbm4b:s8+s6], $0x80, v4, vm0, $0xb8;
	[tilespmem:$0x1A400] =	vst v63  }
0x3ff: {  	s21 =	simm.s32 $0x5C00;
	s22 =	simm.s32 $0x3  }
0x400: {  	[tilespmem:s21], [sflag:$0x7] =	stream.indirect_vreg.gather [hbm4b:s8+s6], $0x80, v3, vm0, $0xb8;
	[tilespmem:$0x1A400] =	vst v63  }
0x401: {  	_ =	swait.ge [sflag:s22], $0x4000  }
0x402: {  	[sflag:s22] =	ssyncset.done $0x0  }
0x403: {  	[sflag:s22] =	ssyncadd.s32 $0xFFFFC000  }
0x404: {  	v3 =	vld [tilespmem:$0x380];
	_ =	sdelay $0x4  }
0x405: {  	v44 =	vshll.u32 v3, $0x1  }
0x406: {  	v3 =	vand.u32 $0x7, v3;
	v4 =	vand.u32 $0xFFFFFFF0, v44  }
0x407: {  	v3 =	vor.u32 v3, v4  }
0x408: {  	v4 =	vperm.xlane v3, v0;
	_ =	sdelay $0x1  }
0x409: {  	v3 =	vperm.xlane v3, v2;
	v4 =	vadd.s32 v1, v4;
	_ =	sdelay $0x1  }
0x40a: {  	v3 =	vadd.s32 v1, v3;
	_ =	sdelay $0x2  }
0x40b: {  	[tilespmem:s25], [sflag:$0x8] =	stream.indirect_vreg.gather [hbm4b:s9+s6], $0x80, v4, vm0, $0xb8;
	[tilespmem:$0x1A400] =	vst v63  }
0x40c: {  	s23 =	simm.s32 $0x6C00  }
0x40d: {  	[tilespmem:s23], [sflag:$0x8] =	stream.indirect_vreg.gather [hbm4b:s9+s6], $0x80, v3, vm0, $0xb8;
	[tilespmem:$0x1A400] =	vst v63  }
0x40e: {  	v3 =	vld [tilespmem:$0x390];
	_ =	sdelay $0x4  }
0x40f: {  	v45 =	vshll.u32 v3, $0x1  }
0x410: {  	v3 =	vand.u32 $0x7, v3;
	v4 =	vand.u32 $0xFFFFFFF0, v45  }
0x411: {  	v3 =	vor.u32 v3, v4  }
0x412: {  	v4 =	vperm.xlane v3, v0;
	_ =	sdelay $0x1  }
0x413: {  	v3 =	vperm.xlane v3, v2;
	v4 =	vadd.s32 v1, v4;
	_ =	sdelay $0x1  }
0x414: {  	v3 =	vadd.s32 v1, v3;
	_ =	sdelay $0x2  }
0x415: {  	[tilespmem:s0], [sflag:$0x8] =	stream.indirect_vreg.gather [hbm4b:s9+s6], $0x80, v4, vm0, $0xb8;
	[tilespmem:$0x1A400] =	vst v63  }
0x416: {  	s24 =	simm.s32 $0x7C00  }
0x417: {  	[tilespmem:s24], [sflag:$0x8] =	stream.indirect_vreg.gather [hbm4b:s9+s6], $0x80, v3, vm0, $0xb8;
	[tilespmem:$0x1A400] =	vst v63  }
0x418: {  	v3 =	vld [tilespmem:$0x3A0];
	_ =	sdelay $0x4  }
0x419: {  	v46 =	vshll.u32 v3, $0x1  }
0x41a: {  	v3 =	vand.u32 $0x7, v3;
	v4 =	vand.u32 $0xFFFFFFF0, v46  }
0x41b: {  	v3 =	vor.u32 v3, v4  }
0x41c: {  	v4 =	vperm.xlane v3, v0;
	_ =	sdelay $0x1  }
0x41d: {  	v3 =	vperm.xlane v3, v2;
	v4 =	vadd.s32 v1, v4;
	_ =	sdelay $0x1  }
0x41e: {  	v3 =	vadd.s32 v1, v3;
	_ =	sdelay $0x2  }
0x41f: {  	[tilespmem:s31], [sflag:$0x8] =	stream.indirect_vreg.gather [hbm4b:s9+s6], $0x80, v4, vm0, $0xb8;
	[tilespmem:$0x1A400] =	vst v63  }
0x420: {  	s25 =	simm.s32 $0x8C00  }
0x421: {  	[tilespmem:s25], [sflag:$0x8] =	stream.indirect_vreg.gather [hbm4b:s9+s6], $0x80, v3, vm0, $0xb8;
	[tilespmem:$0x1A400] =	vst v63  }
0x422: {  	v3 =	vld [tilespmem:$0x3B0];
	_ =	sdelay $0x4  }
0x423: {  	v47 =	vshll.u32 v3, $0x1  }
0x424: {  	v3 =	vand.u32 $0x7, v3;
	v4 =	vand.u32 $0xFFFFFFF0, v47  }
0x425: {  	v3 =	vor.u32 v3, v4  }
0x426: {  	v4 =	vperm.xlane v3, v0;
	_ =	sdelay $0x1  }
0x427: {  	v3 =	vperm.xlane v3, v2;
	v4 =	vadd.s32 v1, v4;
	_ =	sdelay $0x1  }
0x428: {  	v3 =	vadd.s32 v1, v3;
	_ =	sdelay $0x1  }
0x429: {  	s28 =	simm.s32 $0x9400  }
0x42a: {  	[tilespmem:s28], [sflag:$0x8] =	stream.indirect_vreg.gather [hbm4b:s9+s6], $0x80, v4, vm0, $0xb8;
	[tilespmem:$0x1A400] =	vst v63  }
0x42b: {  	s0 =	simm.s32 $0x5  }
0x42c: {  	[tilespmem:s26], [sflag:$0x8] =	stream.indirect_vreg.gather [hbm4b:s9+s6], $0x80, v3, vm0, $0xb8;
	[tilespmem:$0x1A400] =	vst v63  }
0x42d: {  	_ =	swait.ge [sflag:s0], $0x8000  }
0x42e: {  	[sflag:s0] =	ssyncset.done $0x0  }
0x42f: {  	[sflag:s0] =	ssyncadd.s32 $0xFFFF8000  }
0x430: {  	v3 =	vld [tilespmem:$0x380];
	_ =	sdelay $0x4  }
0x431: {  	v48 =	vshll.u32 v3, $0x2  }
0x432: {  	v3 =	vand.u32 $0x7, v3;
	v4 =	vand.u32 $0xFFFFFFE0, v48  }
0x433: {  	v3 =	vor.u32 v3, v4  }
0x434: {  	v4 =	vperm.xlane v3, v0;
	_ =	sdelay $0x1  }
0x435: {  	v4 =	vadd.s32 v1, v4;
	_ =	sdelay $0x1  }
0x436: {  	v3 =	vperm.xlane v3, v2;
	_ =	sdelay $0x1  }
0x437: {  	s22 =	simm.s32 $0x12400;
	v3 =	vadd.s32 v1, v3  }
0x438: {  	[tilespmem:s22], [sflag:$0xA] =	stream.indirect_vreg.gather [hbm4b:s10+s6], $0x80, v4, vm0, $0xb8;
	[tilespmem:$0x1A400] =	vst v63  }
0x439: {  	s20 =	simm.s32 $0x12C00  }
0x43a: {  	[tilespmem:s20], [sflag:$0xA] =	stream.indirect_vreg.gather [hbm4b:s11+s6], $0x80, v4, vm0, $0xb8;
	[tilespmem:$0x1A400] =	vst v63  }
0x43b: {  	s21 =	simm.s32 $0x13400  }
0x43c: {  	[tilespmem:s21], [sflag:$0xA] =	stream.indirect_vreg.gather [hbm4b:s10+s6], $0x80, v3, vm0, $0xb8;
	[tilespmem:$0x1A400] =	vst v63  }
0x43d: {  	s24 =	simm.s32 $0x13C00  }
0x43e: {  	[tilespmem:s24], [sflag:$0xA] =	stream.indirect_vreg.gather [hbm4b:s11+s6], $0x80, v3, vm0, $0xb8;
	[tilespmem:$0x1A400] =	vst v63  }
0x43f: {  	v3 =	vld [tilespmem:$0x390];
	_ =	sdelay $0x4  }
0x440: {  	v49 =	vshll.u32 v3, $0x2  }
0x441: {  	v3 =	vand.u32 $0x7, v3;
	v4 =	vand.u32 $0xFFFFFFE0, v49  }
0x442: {  	v3 =	vor.u32 v3, v4  }
0x443: {  	v4 =	vperm.xlane v3, v0;
	_ =	sdelay $0x1  }
0x444: {  	v4 =	vadd.s32 v1, v4;
	_ =	sdelay $0x1  }
0x445: {  	v3 =	vperm.xlane v3, v2;
	_ =	sdelay $0x1  }
0x446: {  	s23 =	simm.s32 $0x14400;
	v3 =	vadd.s32 v1, v3  }
0x447: {  	[tilespmem:s23], [sflag:$0xA] =	stream.indirect_vreg.gather [hbm4b:s10+s6], $0x80, v4, vm0, $0xb8;
	[tilespmem:$0x1A400] =	vst v63  }
0x448: {  	s5 =	simm.s32 $0x14C00  }
0x449: {  	[tilespmem:s5], [sflag:$0xA] =	stream.indirect_vreg.gather [hbm4b:s11+s6], $0x80, v4, vm0, $0xb8;
	[tilespmem:$0x1A400] =	vst v63  }
0x44a: {  	s7 =	simm.s32 $0x15400  }
0x44b: {  	[tilespmem:s7], [sflag:$0xA] =	stream.indirect_vreg.gather [hbm4b:s10+s6], $0x80, v3, vm0, $0xb8;
	[tilespmem:$0x1A400] =	vst v63  }
0x44c: {  	s25 =	simm.s32 $0x15C00  }
0x44d: {  	[tilespmem:s25], [sflag:$0xA] =	stream.indirect_vreg.gather [hbm4b:s11+s6], $0x80, v3, vm0, $0xb8;
	[tilespmem:$0x1A400] =	vst v63  }
0x44e: {  	v3 =	vld [tilespmem:$0x3A0];
	_ =	sdelay $0x4  }
0x44f: {  	v50 =	vshll.u32 v3, $0x2  }
0x450: {  	v3 =	vand.u32 $0x7, v3;
	v4 =	vand.u32 $0xFFFFFFE0, v50  }
0x451: {  	v3 =	vor.u32 v3, v4  }
0x452: {  	v4 =	vperm.xlane v3, v0;
	_ =	sdelay $0x1  }
0x453: {  	v4 =	vadd.s32 v1, v4;
	_ =	sdelay $0x1  }
0x454: {  	v3 =	vperm.xlane v3, v2;
	_ =	sdelay $0x1  }
0x455: {  	s13 =	simm.s32 $0x16400;
	v3 =	vadd.s32 v1, v3  }
0x456: {  	[tilespmem:s13], [sflag:$0xA] =	stream.indirect_vreg.gather [hbm4b:s10+s6], $0x80, v4, vm0, $0xb8;
	[tilespmem:$0x1A400] =	vst v63  }
0x457: {  	s14 =	simm.s32 $0x16C00  }
0x458: {  	[tilespmem:s14], [sflag:$0xA] =	stream.indirect_vreg.gather [hbm4b:s11+s6], $0x80, v4, vm0, $0xb8;
	[tilespmem:$0x1A400] =	vst v63  }
0x459: {  	s15 =	simm.s32 $0x17400  }
0x45a: {  	[tilespmem:s15], [sflag:$0xA] =	stream.indirect_vreg.gather [hbm4b:s10+s6], $0x80, v3, vm0, $0xb8;
	[tilespmem:$0x1A400] =	vst v63  }
0x45b: {  	s26 =	simm.s32 $0x17C00  }
0x45c: {  	[tilespmem:s26], [sflag:$0xA] =	stream.indirect_vreg.gather [hbm4b:s11+s6], $0x80, v3, vm0, $0xb8;
	[tilespmem:$0x1A400] =	vst v63  }
0x45d: {  	v3 =	vld [tilespmem:$0x3B0];
	_ =	sdelay $0x4  }
0x45e: {  	v51 =	vshll.u32 v3, $0x2  }
0x45f: {  	v3 =	vand.u32 $0x7, v3;
	v4 =	vand.u32 $0xFFFFFFE0, v51  }
0x460: {  	v3 =	vor.u32 v3, v4  }
0x461: {  	v4 =	vperm.xlane v3, v0;
	_ =	sdelay $0x1  }
0x462: {  	v4 =	vadd.s32 v1, v4;
	_ =	sdelay $0x1  }
0x463: {  	v3 =	vperm.xlane v3, v2;
	_ =	sdelay $0x1  }
0x464: {  	s16 =	simm.s32 $0x18400;
	v3 =	vadd.s32 v1, v3  }
0x465: {  	[tilespmem:s16], [sflag:$0xA] =	stream.indirect_vreg.gather [hbm4b:s10+s6], $0x80, v4, vm0, $0xb8;
	[tilespmem:$0x1A400] =	vst v63  }
0x466: {  	s17 =	simm.s32 $0x18C00  }
0x467: {  	[tilespmem:s17], [sflag:$0xA] =	stream.indirect_vreg.gather [hbm4b:s11+s6], $0x80, v4, vm0, $0xb8;
	[tilespmem:$0x1A400] =	vst v63  }
0x468: {  	s18 =	simm.s32 $0x19400  }
0x469: {  	[tilespmem:s18], [sflag:$0xA] =	stream.indirect_vreg.gather [hbm4b:s10+s6], $0x80, v3, vm0, $0xb8;
	[tilespmem:$0x1A400] =	vst v63  }
0x46a: {  	s30 =	simm.s32 $0x6;
	s28 =	simm.s32 $0x19C00  }
0x46b: {  	[tilespmem:s28], [sflag:$0xA] =	stream.indirect_vreg.gather [hbm4b:s11+s6], $0x80, v3, vm0, $0xb8;
	[tilespmem:$0x1A400] =	vst v63  }
0x46c: {  	_ =	swait.ge [sflag:s30], $0x2000  }
0x46d: {  	[sflag:s30] =	ssyncset.done $0x0  }
0x46e: {  	s19 =	rddreg [dreg:$0xd];
	[sflag:s30] =	ssyncadd.s32 $0xFFFFE000  }
0x46f: {  	s31 =	simm.s32 $0x400;
	s30 =	simm.s32 $0x40;
	s1 =	rddreg [dreg:$0x1]  }
0x470: {  	[hbm4b:s1+s30] =	stream.indirect.scatter [tilespmem:s31], [sflag:$0x1], $0x80, s19, s30, $0xb8;
	[tilespmem:$0x1A400] =	vst v63  }
0x471: {  	s31 =	simm.s32 $0x7  }
0x472: {  	_ =	swait.ge [sflag:s31], $0x4000  }
0x473: {  	[sflag:s31] =	ssyncset.done $0x0  }
0x474: {  	[sflag:s31] =	ssyncadd.s32 $0xFFFFC000  }
0x475: {  	v3 =	vld [tilespmem:$0x180];
	_ =	sdelay $0x4  }
0x476: {  	v52 =	vshll.u32 v3, $0x1  }
0x477: {  	v3 =	vand.u32 $0x7, v3;
	v4 =	vand.u32 $0xFFFFFFF0, v52  }
0x478: {  	v3 =	vor.u32 v3, v4  }
0x479: {  	v4 =	vperm.xlane v3, v0;
	_ =	sdelay $0x1  }
0x47a: {  	v3 =	vperm.xlane v3, v2;
	v4 =	vadd.s32 v1, v4;
	_ =	sdelay $0x1  }
0x47b: {  	v3 =	vadd.s32 v1, v3;
	_ =	sdelay $0x1  }
0x47c: {  	s19 =	simm.s32 $0x2400  }
0x47d: {  	[hbm4b:s2+s6] =	stream.indirect_vreg.scatter [tilespmem:s19], [sflag:$0x2], $0x80, v4, vm0, $0xb8;
	[tilespmem:$0x1A400] =	vst v63  }
0x47e: {  	s30 =	simm.s32 $0x2C00  }
0x47f: {  	[hbm4b:s2+s6] =	stream.indirect_vreg.scatter [tilespmem:s30], [sflag:$0x2], $0x80, v3, vm0, $0xb8;
	[tilespmem:$0x1A400] =	vst v63  }
0x480: {  	v3 =	vld [tilespmem:$0x190];
	_ =	sdelay $0x4  }
0x481: {  	v53 =	vshll.u32 v3, $0x1  }
0x482: {  	v3 =	vand.u32 $0x7, v3;
	v4 =	vand.u32 $0xFFFFFFF0, v53  }
0x483: {  	v3 =	vor.u32 v3, v4  }
0x484: {  	v4 =	vperm.xlane v3, v0;
	_ =	sdelay $0x1  }
0x485: {  	v3 =	vperm.xlane v3, v2;
	v4 =	vadd.s32 v1, v4;
	_ =	sdelay $0x1  }
0x486: {  	v3 =	vadd.s32 v1, v3;
	_ =	sdelay $0x1  }
0x487: {  	s31 =	simm.s32 $0x3400  }
0x488: {  	[hbm4b:s2+s6] =	stream.indirect_vreg.scatter [tilespmem:s31], [sflag:$0x2], $0x80, v4, vm0, $0xb8;
	[tilespmem:$0x1A400] =	vst v63  }
0x489: {  	s19 =	simm.s32 $0x3C00  }
0x48a: {  	[hbm4b:s2+s6] =	stream.indirect_vreg.scatter [tilespmem:s19], [sflag:$0x2], $0x80, v3, vm0, $0xb8;
	[tilespmem:$0x1A400] =	vst v63  }
0x48b: {  	v3 =	vld [tilespmem:$0x1A0];
	_ =	sdelay $0x4  }
0x48c: {  	v54 =	vshll.u32 v3, $0x1  }
0x48d: {  	v3 =	vand.u32 $0x7, v3;
	v4 =	vand.u32 $0xFFFFFFF0, v54  }
0x48e: {  	v3 =	vor.u32 v3, v4  }
0x48f: {  	v4 =	vperm.xlane v3, v0;
	_ =	sdelay $0x1  }
0x490: {  	v3 =	vperm.xlane v3, v2;
	v4 =	vadd.s32 v1, v4;
	_ =	sdelay $0x1  }
0x491: {  	v3 =	vadd.s32 v1, v3;
	_ =	sdelay $0x1  }
0x492: {  	s30 =	simm.s32 $0x4400  }
0x493: {  	[hbm4b:s2+s6] =	stream.indirect_vreg.scatter [tilespmem:s30], [sflag:$0x2], $0x80, v4, vm0, $0xb8;
	[tilespmem:$0x1A400] =	vst v63  }
0x494: {  	s31 =	simm.s32 $0x4C00  }
0x495: {  	[hbm4b:s2+s6] =	stream.indirect_vreg.scatter [tilespmem:s31], [sflag:$0x2], $0x80, v3, vm0, $0xb8;
	[tilespmem:$0x1A400] =	vst v63  }
0x496: {  	v3 =	vld [tilespmem:$0x1B0];
	_ =	sdelay $0x4  }
0x497: {  	v55 =	vshll.u32 v3, $0x1  }
0x498: {  	v3 =	vand.u32 $0x7, v3;
	v4 =	vand.u32 $0xFFFFFFF0, v55  }
0x499: {  	v3 =	vor.u32 v3, v4  }
0x49a: {  	v4 =	vperm.xlane v3, v0;
	_ =	sdelay $0x1  }
0x49b: {  	v3 =	vperm.xlane v3, v2;
	v4 =	vadd.s32 v1, v4;
	_ =	sdelay $0x1  }
0x49c: {  	v3 =	vadd.s32 v1, v3;
	_ =	sdelay $0x1  }
0x49d: {  	s19 =	simm.s32 $0x5400  }
0x49e: {  	[hbm4b:s2+s6] =	stream.indirect_vreg.scatter [tilespmem:s19], [sflag:$0x2], $0x80, v4, vm0, $0xb8;
	[tilespmem:$0x1A400] =	vst v63  }
0x49f: {  	s30 =	simm.s32 $0x5C00;
	s31 =	simm.s32 $0x8  }
0x4a0: {  	[hbm4b:s2+s6] =	stream.indirect_vreg.scatter [tilespmem:s30], [sflag:$0x2], $0x80, v3, vm0, $0xb8;
	[tilespmem:$0x1A400] =	vst v63  }
0x4a1: {  	_ =	swait.ge [sflag:s31], $0x4000  }
0x4a2: {  	[sflag:s31] =	ssyncset.done $0x0  }
0x4a3: {  	[sflag:s31] =	ssyncadd.s32 $0xFFFFC000  }
0x4a4: {  	v3 =	vld [tilespmem:$0x180];
	_ =	sdelay $0x4  }
0x4a5: {  	v56 =	vshll.u32 v3, $0x1  }
0x4a6: {  	v3 =	vand.u32 $0x7, v3;
	v4 =	vand.u32 $0xFFFFFFF0, v56  }
0x4a7: {  	v3 =	vor.u32 v3, v4  }
0x4a8: {  	v4 =	vperm.xlane v3, v0;
	_ =	sdelay $0x1  }
0x4a9: {  	v3 =	vperm.xlane v3, v2;
	v4 =	vadd.s32 v1, v4;
	_ =	sdelay $0x1  }
0x4aa: {  	v3 =	vadd.s32 v1, v3;
	_ =	sdelay $0x1  }
0x4ab: {  	s19 =	simm.s32 $0x6400  }
0x4ac: {  	[hbm4b:s3+s6] =	stream.indirect_vreg.scatter [tilespmem:s19], [sflag:$0x3], $0x80, v4, vm0, $0xb8;
	[tilespmem:$0x1A400] =	vst v63  }
0x4ad: {  	s30 =	simm.s32 $0x6C00  }
0x4ae: {  	[hbm4b:s3+s6] =	stream.indirect_vreg.scatter [tilespmem:s30], [sflag:$0x3], $0x80, v3, vm0, $0xb8;
	[tilespmem:$0x1A400] =	vst v63  }
0x4af: {  	v3 =	vld [tilespmem:$0x190];
	_ =	sdelay $0x4  }
0x4b0: {  	v57 =	vshll.u32 v3, $0x1  }
0x4b1: {  	v3 =	vand.u32 $0x7, v3;
	v4 =	vand.u32 $0xFFFFFFF0, v57  }
0x4b2: {  	v3 =	vor.u32 v3, v4  }
0x4b3: {  	v4 =	vperm.xlane v3, v0;
	_ =	sdelay $0x1  }
0x4b4: {  	v3 =	vperm.xlane v3, v2;
	v4 =	vadd.s32 v1, v4;
	_ =	sdelay $0x1  }
0x4b5: {  	v3 =	vadd.s32 v1, v3;
	_ =	sdelay $0x1  }
0x4b6: {  	s31 =	simm.s32 $0x7400  }
0x4b7: {  	[hbm4b:s3+s6] =	stream.indirect_vreg.scatter [tilespmem:s31], [sflag:$0x3], $0x80, v4, vm0, $0xb8;
	[tilespmem:$0x1A400] =	vst v63  }
0x4b8: {  	s19 =	simm.s32 $0x7C00  }
0x4b9: {  	[hbm4b:s3+s6] =	stream.indirect_vreg.scatter [tilespmem:s19], [sflag:$0x3], $0x80, v3, vm0, $0xb8;
	[tilespmem:$0x1A400] =	vst v63  }
0x4ba: {  	v3 =	vld [tilespmem:$0x1A0];
	_ =	sdelay $0x4  }
0x4bb: {  	v58 =	vshll.u32 v3, $0x1  }
0x4bc: {  	v3 =	vand.u32 $0x7, v3;
	v4 =	vand.u32 $0xFFFFFFF0, v58  }
0x4bd: {  	v3 =	vor.u32 v3, v4  }
0x4be: {  	v4 =	vperm.xlane v3, v0;
	_ =	sdelay $0x1  }
0x4bf: {  	v3 =	vperm.xlane v3, v2;
	v4 =	vadd.s32 v1, v4;
	_ =	sdelay $0x1  }
0x4c0: {  	v3 =	vadd.s32 v1, v3;
	_ =	sdelay $0x1  }
0x4c1: {  	s30 =	simm.s32 $0x8400  }
0x4c2: {  	[hbm4b:s3+s6] =	stream.indirect_vreg.scatter [tilespmem:s30], [sflag:$0x3], $0x80, v4, vm0, $0xb8;
	[tilespmem:$0x1A400] =	vst v63  }
0x4c3: {  	s31 =	simm.s32 $0x8C00  }
0x4c4: {  	[hbm4b:s3+s6] =	stream.indirect_vreg.scatter [tilespmem:s31], [sflag:$0x3], $0x80, v3, vm0, $0xb8;
	[tilespmem:$0x1A400] =	vst v63  }
0x4c5: {  	v3 =	vld [tilespmem:$0x1B0];
	_ =	sdelay $0x4  }
0x4c6: {  	v59 =	vshll.u32 v3, $0x1  }
0x4c7: {  	v3 =	vand.u32 $0x7, v3;
	v4 =	vand.u32 $0xFFFFFFF0, v59  }
0x4c8: {  	v3 =	vor.u32 v3, v4  }
0x4c9: {  	v4 =	vperm.xlane v3, v0;
	_ =	sdelay $0x1  }
0x4ca: {  	v3 =	vperm.xlane v3, v2;
	v4 =	vadd.s32 v1, v4;
	_ =	sdelay $0x1  }
0x4cb: {  	v3 =	vadd.s32 v1, v3;
	_ =	sdelay $0x1  }
0x4cc: {  	s19 =	simm.s32 $0x9400  }
0x4cd: {  	[hbm4b:s3+s6] =	stream.indirect_vreg.scatter [tilespmem:s19], [sflag:$0x3], $0x80, v4, vm0, $0xb8;
	[tilespmem:$0x1A400] =	vst v63  }
0x4ce: {  	s30 =	simm.s32 $0x9C00;
	s31 =	simm.s32 $0xA  }
0x4cf: {  	[hbm4b:s3+s6] =	stream.indirect_vreg.scatter [tilespmem:s30], [sflag:$0x3], $0x80, v3, vm0, $0xb8;
	[tilespmem:$0x1A400] =	vst v63  }
0x4d0: {  	_ =	swait.ge [sflag:s31], $0x8000  }
0x4d1: {  	[sflag:s31] =	ssyncset.done $0x0  }
0x4d2: {  	[sflag:s31] =	ssyncadd.s32 $0xFFFF8000  }
0x4d3: {  	v3 =	vld [tilespmem:$0x180];
	_ =	sdelay $0x4  }
0x4d4: {  	v60 =	vshll.u32 v3, $0x2  }
0x4d5: {  	v3 =	vand.u32 $0x7, v3;
	v4 =	vand.u32 $0xFFFFFFE0, v60  }
0x4d6: {  	v3 =	vor.u32 v3, v4  }
0x4d7: {  	v4 =	vperm.xlane v3, v0;
	_ =	sdelay $0x1  }
0x4d8: {  	v4 =	vadd.s32 v1, v4;
	_ =	sdelay $0x1  }
0x4d9: {  	v3 =	vperm.xlane v3, v2;
	_ =	sdelay $0x1  }
0x4da: {  	v3 =	vadd.s32 v1, v3  }
0x4db: {  	[hbm4b:s4+s6] =	stream.indirect_vreg.scatter [tilespmem:s22], [sflag:$0x5], $0x80, v4, vm0, $0xb8;
	[tilespmem:$0x1A400] =	vst v63  }
0x4dc: {  	_ = 	snop  }
0x4dd: {  	[hbm4b:s12+s6] =	stream.indirect_vreg.scatter [tilespmem:s20], [sflag:$0x5], $0x80, v4, vm0, $0xb8;
	[tilespmem:$0x1A400] =	vst v63  }
0x4de: {  	_ = 	snop  }
0x4df: {  	[hbm4b:s4+s6] =	stream.indirect_vreg.scatter [tilespmem:s21], [sflag:$0x5], $0x80, v3, vm0, $0xb8;
	[tilespmem:$0x1A400] =	vst v63  }
0x4e0: {  	_ = 	snop  }
0x4e1: {  	[hbm4b:s12+s6] =	stream.indirect_vreg.scatter [tilespmem:s24], [sflag:$0x5], $0x80, v3, vm0, $0xb8;
	[tilespmem:$0x1A400] =	vst v63  }
0x4e2: {  	v3 =	vld [tilespmem:$0x190];
	_ =	sdelay $0x4  }
0x4e3: {  	v61 =	vshll.u32 v3, $0x2  }
0x4e4: {  	v3 =	vand.u32 $0x7, v3;
	v4 =	vand.u32 $0xFFFFFFE0, v61  }
0x4e5: {  	v3 =	vor.u32 v3, v4  }
0x4e6: {  	v4 =	vperm.xlane v3, v0;
	_ =	sdelay $0x1  }
0x4e7: {  	v4 =	vadd.s32 v1, v4;
	_ =	sdelay $0x1  }
0x4e8: {  	v3 =	vperm.xlane v3, v2;
	_ =	sdelay $0x1  }
0x4e9: {  	v3 =	vadd.s32 v1, v3  }
0x4ea: {  	[hbm4b:s4+s6] =	stream.indirect_vreg.scatter [tilespmem:s23], [sflag:$0x5], $0x80, v4, vm0, $0xb8;
	[tilespmem:$0x1A400] =	vst v63  }
0x4eb: {  	_ = 	snop  }
0x4ec: {  	[hbm4b:s12+s6] =	stream.indirect_vreg.scatter [tilespmem:s5], [sflag:$0x5], $0x80, v4, vm0, $0xb8;
	[tilespmem:$0x1A400] =	vst v63  }
0x4ed: {  	_ = 	snop  }
0x4ee: {  	[hbm4b:s4+s6] =	stream.indirect_vreg.scatter [tilespmem:s7], [sflag:$0x5], $0x80, v3, vm0, $0xb8;
	[tilespmem:$0x1A400] =	vst v63  }
0x4ef: {  	_ = 	snop  }
0x4f0: {  	[hbm4b:s12+s6] =	stream.indirect_vreg.scatter [tilespmem:s25], [sflag:$0x5], $0x80, v3, vm0, $0xb8;
	[tilespmem:$0x1A400] =	vst v63  }
0x4f1: {  	v3 =	vld [tilespmem:$0x1A0];
	_ =	sdelay $0x4  }
0x4f2: {  	v62 =	vshll.u32 v3, $0x2  }
0x4f3: {  	v3 =	vand.u32 $0x7, v3;
	v4 =	vand.u32 $0xFFFFFFE0, v62  }
0x4f4: {  	v3 =	vor.u32 v3, v4  }
0x4f5: {  	v4 =	vperm.xlane v3, v0;
	_ =	sdelay $0x1  }
0x4f6: {  	v4 =	vadd.s32 v1, v4;
	_ =	sdelay $0x1  }
0x4f7: {  	v3 =	vperm.xlane v3, v2;
	_ =	sdelay $0x1  }
0x4f8: {  	v3 =	vadd.s32 v1, v3  }
0x4f9: {  	[hbm4b:s4+s6] =	stream.indirect_vreg.scatter [tilespmem:s13], [sflag:$0x5], $0x80, v4, vm0, $0xb8;
	[tilespmem:$0x1A400] =	vst v63  }
0x4fa: {  	_ = 	snop  }
0x4fb: {  	[hbm4b:s12+s6] =	stream.indirect_vreg.scatter [tilespmem:s14], [sflag:$0x5], $0x80, v4, vm0, $0xb8;
	[tilespmem:$0x1A400] =	vst v63  }
0x4fc: {  	_ = 	snop  }
0x4fd: {  	[hbm4b:s4+s6] =	stream.indirect_vreg.scatter [tilespmem:s15], [sflag:$0x5], $0x80, v3, vm0, $0xb8;
	[tilespmem:$0x1A400] =	vst v63  }
0x4fe: {  	_ = 	snop  }
0x4ff: {  	[hbm4b:s12+s6] =	stream.indirect_vreg.scatter [tilespmem:s26], [sflag:$0x5], $0x80, v3, vm0, $0xb8;
	[tilespmem:$0x1A400] =	vst v63  }
0x500: {  	v3 =	vld [tilespmem:$0x1B0];
	_ =	sdelay $0x4  }
0x501: {  	v63 =	vshll.u32 v3, $0x2  }
0x502: {  	v3 =	vand.u32 $0x7, v3;
	v4 =	vand.u32 $0xFFFFFFE0, v63  }
0x503: {  	v3 =	vor.u32 v3, v4  }
0x504: {  	v4 =	vperm.xlane v3, v0;
	_ =	sdelay $0x1  }
0x505: {  	v4 =	vadd.s32 v1, v4;
	_ =	sdelay $0x1  }
0x506: {  	v3 =	vperm.xlane v3, v2;
	_ =	sdelay $0x1  }
0x507: {  	v3 =	vadd.s32 v1, v3  }
0x508: {  	[hbm4b:s4+s6] =	stream.indirect_vreg.scatter [tilespmem:s16], [sflag:$0x5], $0x80, v4, vm0, $0xb8;
	[tilespmem:$0x1A400] =	vst v63  }
0x509: {  	_ = 	snop  }
0x50a: {  	[hbm4b:s12+s6] =	stream.indirect_vreg.scatter [tilespmem:s17], [sflag:$0x5], $0x80, v4, vm0, $0xb8;
	[tilespmem:$0x1A400] =	vst v63  }
0x50b: {  	_ = 	snop  }
0x50c: {  	[hbm4b:s4+s6] =	stream.indirect_vreg.scatter [tilespmem:s18], [sflag:$0x5], $0x80, v3, vm0, $0xb8;
	[tilespmem:$0x1A400] =	vst v63  }
0x50d: {  	s26 =	simm.s32 $0x1  }
0x50e: {  	[hbm4b:s12+s6] =	stream.indirect_vreg.scatter [tilespmem:s28], [sflag:$0x5], $0x80, v3, vm0, $0xb8;
	[tilespmem:$0x1A400] =	vst v63  }
0x50f: {  	s19 =	rddreg [dreg:$0xf];
	_ =	swait.ge [sflag:s26], $0x2000  }
0x510: {  	[sflag:s26] =	ssyncset.done $0x0  }
0x511: {  	s28 =	simm.s32 $0x2;
	[sflag:s26] =	ssyncadd.s32 $0xFFFFE000  }
0x512: {  	_ =	swait.ge [sflag:s28], $0x4000  }
0x513: {  	[sflag:s28] =	ssyncset.done $0x0  }
0x514: {  	s29 =	simm.s32 $0x3;
	[sflag:s28] =	ssyncadd.s32 $0xFFFFC000  }
0x515: {  	_ =	swait.ge [sflag:s29], $0x4000  }
0x516: {  	[sflag:s29] =	ssyncset.done $0x0  }
0x517: {  	[sflag:s29] =	ssyncadd.s32 $0xFFFFC000  }
0x518: {  	p0 =	sne.s32 s19, $0x1;
	_ =	swait.ge [sflag:s0], $0x8000  }
.Ltmp0:
0x519: {  	[sflag:s0] =	ssyncset.done $0x0;
	(pc) =	sbr.rel @p0 .LBB2_1-.Ltmp0, $4  }
0x51a: {  	s30 =	simm.s32 $0x4;
	[sflag:s0] =	ssyncadd.s32 $0xFFFF8000  }
0x51b: {  	_ =	swait.ge [sflag:s30], $0x8000  }
0x51c: {  	s31 =	simm.s32 $0x4;
	[sflag:s30] =	ssyncset.done $0x0  }
0x51d: {  	s1 =	sadd.s32 $0xFFFFFFFF, s19;
	[sflag:s31] =	ssyncadd.s32 $0xFFFF8000  }
0x51e: {  	_ =	sfence.sel $0x180000  }
0x51f: {  	[bflag:$0x0] =	sbarrier.arrive $0xFFFF  }
0x520: {  	_ =	strace $0x9000004A  }
0x521: {  	s0 =	stileid.u32;
	[bflag:$0x2] =	sbarrier.arrive $0xFFFF  }
0x522: {  	p0 =	sne.s32 s0, $0x0;
	s0 =	rddreg [dreg:$0x5]  }
0x523: {  	s0 =	sadd.s32 @!p0 $0x100000, s0  }
0x524: {  	[sflag:s0] =	ssyncadd.tile.s32 @!p0 $0x1;
	_ =	shalt  }
.Lfunc_end2:
_tile_overlayer_lowered:
.L_overlay_start_2:
0x525: {  	(tag) =	ssettag $0x2  }
0x526: {  	s0 =	rddreg [dreg:$0x0];
	s2 =	stileid.u32  }
0x527: {  	s1 =	rddreg [dreg:$0x1];
	p0 =	sne.s32 s2, $0x0  }
0x528: {  	s3 =	rddreg [dreg:$0x2];
	[bflag:$0x3] =	sbarrier.arrive $0xFFFF;
	s2 =	simm.s32 @!p0 $0x1C0B  }
0x529: {  	[timem:s3], [sflag:s2] =	dma.local @!p0 [hbm:s0], s1  }
0x52a: {  	s0 =	simm.s32 @!p0 $0xB  }
0x52b: {  	_ =	swait.ge @!p0 [sflag:s0], s1  }
0x52c: {  	s1 =	ssub.s32 @!p0 $0x0, s1;
	[sflag:s0] =	ssyncset.done @!p0 $0x0  }
0x52d: {  	[sflag:s0] =	ssyncadd.s32 @!p0 s1  }
0x52e: {  	[bflag:$0x3] =	sbarrier.arrive $0xFFFF  }
0x52f: {  	_ =	shalt  }

</sc_bundles>
